<compile_context>
chip_gen: v7x
topology: tpu7x:2x2x1
jax: 0.10.2.dev20260603
libtpu: 0.0.44.dev20260713+nightly
codegen_flags: <defaults>
</compile_context>

<pallas_src>
import functools

import jax
import jax.numpy as jnp
from jax import lax
from jax.experimental import pallas as pl
from jax.experimental.pallas import tpu as pltpu
from jax.experimental.pallas import tpu_sc as plsc

N = 10000
NPAD = 10240
E = 320000
NC = 2
NS = 16
NW = NC * NS
K = 128
EPB = 2 * (-(-E // (NW * K * 2)))
NBLK = NW * EPB
BPT = NBLK // NS
EPAD = NBLK * K
RPT = NPAD // NS
ZR = 64
RB = 640
F32 = jnp.float32



def _make_sc_agg(d2):
    assert BPT >= 4 and (BPT - 4) % 3 == 0
    mesh = plsc.VectorSubcoreMesh(core_axis_name="c", subcore_axis_name="s")
    scratch = [
        pltpu.VMEM((3, K), jnp.int32),
        pltpu.VMEM((3, K), jnp.int32),
        pltpu.VMEM((3, K, d2), F32),
        pltpu.VMEM((ZR, d2), F32),
        pltpu.VMEM_SHARED((NPAD, d2), F32),
        pltpu.VMEM_SHARED((NPAD, d2), F32),
    ] + [pltpu.SemaphoreType.DMA] * 12

    @functools.partial(
        pl.kernel,
        out_type=jax.ShapeDtypeStruct((NC, NPAD, d2), F32),
        mesh=mesh,
        scratch_types=scratch,
        compiler_params=pltpu.CompilerParams(use_tc_tiling_on_sc=False),
    )
    def body(yl_hbm, yr_hbm, src_hbm, dst_hbm, out_hbm, sidx, didx, rows,
             zbuf, yloc, acc, sf0, sf1, sf2, sd0, sd1, sd2, sg0, sg1, sg2,
             ss0, ss1, ss2):
        s_src, s_dst = (sf0, sf1, sf2), (sd0, sd1, sd2)
        s_g, s_s = (sg0, sg1, sg2), (ss0, ss1, ss2)
        c = lax.axis_index("c")
        s = lax.axis_index("s")

        fill = jnp.zeros((16,), F32)

        @pl.loop(0, ZR)
        def _(i):
            @pl.loop(0, d2 // 16)
            def _(j):
                zbuf[i, pl.ds(j * 16, 16)] = fill

        @pl.loop(0, RPT // ZR)
        def _(t):
            pltpu.sync_copy(zbuf, acc.at[pl.ds(s * RPT + t * ZR, ZR)])

        @pl.when(c == 0)
        def _():
            pltpu.sync_copy(yl_hbm.at[pl.ds(s * RPT, RPT)],
                            yloc.at[pl.ds(s * RPT, RPT)])

        @pl.when(c == 1)
        def _():
            pltpu.sync_copy(yr_hbm.at[pl.ds(s * RPT, RPT)],
                            yloc.at[pl.ds(s * RPT, RPT)])

        plsc.subcore_barrier()

        base0 = s * (BPT * K)

        def fetch(t, p):
            off = base0 + t * K
            pltpu.async_copy(src_hbm.at[pl.ds(off, K)], sidx.at[p], s_src[p])
            pltpu.async_copy(dst_hbm.at[pl.ds(off, K)], didx.at[p], s_dst[p])

        def wait_fetch(p):
            pltpu.make_async_copy(src_hbm.at[pl.ds(0, K)], sidx.at[p],
                                  s_src[p]).wait()
            pltpu.make_async_copy(dst_hbm.at[pl.ds(0, K)], didx.at[p],
                                  s_dst[p]).wait()

        def do_gather(p):
            pltpu.async_copy(yloc.at[sidx.at[p]], rows.at[p], s_g[p])

        def wait_gather(p):
            pltpu.make_async_copy(yloc.at[sidx.at[p]], rows.at[p],
                                  s_g[p]).wait()

        def do_scatter(p):
            pltpu.async_copy(rows.at[p], acc.at[didx.at[p]], s_s[p], add=True)

        def wait_scatter(p):
            pltpu.make_async_copy(rows.at[p], acc.at[didx.at[p]],
                                  s_s[p]).wait()

        fetch(0, 0)
        fetch(1, 1)
        wait_fetch(0)
        do_gather(0)

        wait_gather(0)
        do_scatter(0)
        fetch(2, 2)
        wait_fetch(1)
        do_gather(1)
        wait_gather(1)
        do_scatter(1)
        wait_scatter(0)
        fetch(3, 0)
        wait_fetch(2)
        do_gather(2)

        @pl.loop(0, (BPT - 4) // 3)
        def _(it):
            t0 = 2 + it * 3
            for j in (0, 1, 2):
                p = (2 + j) % 3
                r = (p + 1) % 3
                q = (p + 2) % 3
                wait_gather(p)
                do_scatter(p)
                wait_scatter(q)
                fetch(t0 + j + 2, q)
                wait_fetch(r)
                do_gather(r)

        pe = (BPT - 2) % 3
        re = (pe + 1) % 3
        qe = (pe + 2) % 3
        wait_gather(pe)
        do_scatter(pe)
        wait_scatter(qe)
        wait_fetch(re)
        do_gather(re)
        wait_gather(re)
        do_scatter(re)
        wait_scatter(pe)
        wait_scatter(re)

        plsc.subcore_barrier()
        pltpu.sync_copy(acc.at[pl.ds(s * RPT, RPT)],
                        out_hbm.at[c, pl.ds(s * RPT, RPT)])

    return body


def _make_sc_count(d):
    mesh = plsc.VectorSubcoreMesh(core_axis_name="c", subcore_axis_name="s")
    scratch = [
        pltpu.VMEM((2, K), jnp.int32),
        pltpu.VMEM((K, d), F32),
        pltpu.VMEM((ZR, d), F32),
        pltpu.VMEM_SHARED((NPAD, d), F32),
    ] + [pltpu.SemaphoreType.DMA] * 4

    @functools.partial(
        pl.kernel,
        out_type=jax.ShapeDtypeStruct((NC, NPAD, d), F32),
        mesh=mesh,
        scratch_types=scratch,
        compiler_params=pltpu.CompilerParams(use_tc_tiling_on_sc=False),
    )
    def body(dst_hbm, out_hbm, didx, rows, zbuf, acc, sd0, sd1, ss0, ss1):
        s_dst, s_s = (sd0, sd1), (ss0, ss1)
        c = lax.axis_index("c")
        s = lax.axis_index("s")
        wid = s * NC + c
        base0 = wid * (EPB * K)

        fill = jnp.zeros((16,), F32)
        ones = jnp.ones((16,), F32)

        @pl.loop(0, ZR)
        def _(i):
            @pl.loop(0, d // 16)
            def _(j):
                zbuf[i, pl.ds(j * 16, 16)] = fill

        @pl.loop(0, K)
        def _(i):
            @pl.loop(0, d // 16)
            def _(j):
                rows[i, pl.ds(j * 16, 16)] = ones

        @pl.loop(0, RPT // ZR)
        def _(t):
            pltpu.sync_copy(zbuf, acc.at[pl.ds(s * RPT + t * ZR, ZR)])

        plsc.subcore_barrier()

        def fetch(t, p):
            off = base0 + t * K
            pltpu.async_copy(dst_hbm.at[pl.ds(off, K)], didx.at[p], s_dst[p])

        def wait_fetch(p):
            pltpu.make_async_copy(dst_hbm.at[pl.ds(0, K)], didx.at[p],
                                  s_dst[p]).wait()

        def do_scatter(p):
            pltpu.async_copy(rows, acc.at[didx.at[p]], s_s[p], add=True)

        def wait_scatter(p):
            pltpu.make_async_copy(rows, acc.at[didx.at[p]], s_s[p]).wait()

        fetch(0, 0)
        fetch(1, 1)

        @pl.loop(0, (EPB - 2) // 2)
        def _(it):
            t0 = it * 2
            for p in (0, 1):
                wait_fetch(p)
                do_scatter(p)
                wait_scatter(p)
                fetch(t0 + p + 2, p)

        for p in (0, 1):
            wait_fetch(p)
            do_scatter(p)
            wait_scatter(p)

        plsc.subcore_barrier()
        pltpu.sync_copy(acc.at[pl.ds(s * RPT, RPT)],
                        out_hbm.at[c, pl.ds(s * RPT, RPT)])

    return body


_sc_count = _make_sc_count(16)
_sc_agg = {64: _make_sc_agg(64), 32: _make_sc_agg(32)}



def _dis_y_body(d0, d1, x, w, dis_o, yl_o, yr_o):
    deg = d0[...] + d1[...] + 1.0
    dis = lax.rsqrt(deg)
    dis_o[...] = dis
    y = dis * jnp.dot(x[...], w[...], preferred_element_type=F32)
    d2 = y.shape[1] // 2
    yl_o[...] = y[:, :d2]
    yr_o[...] = y[:, d2:]


def _mid_body(p0, p1, yl, yr, dis, b, w, yl_o, yr_o):
    h = dis[...] * jnp.concatenate(
        [p0[...] + yl[...], p1[...] + yr[...]], axis=1) + b[...]
    h = jnp.maximum(h, 0.0)
    y = dis[...] * jnp.dot(h, w[...], preferred_element_type=F32)
    d2 = y.shape[1] // 2
    yl_o[...] = y[:, :d2]
    yr_o[...] = y[:, d2:]


def _fin_body(p0, p1, yl, yr, dis, b, out):
    out[...] = dis[...] * jnp.concatenate(
        [p0[...] + yl[...], p1[...] + yr[...]], axis=1) + b[...]


def _col(i):
    return (i, 0)


def _rep(i):
    return (0, 0)


def _tc_dis_y(dp0, dp1, xp, w):
    din, dout = w.shape
    d2 = dout // 2
    return pl.pallas_call(
        _dis_y_body,
        grid=(NPAD // RB,),
        in_specs=[
            pl.BlockSpec((RB, 1), _col),
            pl.BlockSpec((RB, 1), _col),
            pl.BlockSpec((RB, din), _col),
            pl.BlockSpec((din, dout), _rep),
        ],
        out_specs=[
            pl.BlockSpec((RB, 1), _col),
            pl.BlockSpec((RB, d2), _col),
            pl.BlockSpec((RB, d2), _col),
        ],
        out_shape=[
            jax.ShapeDtypeStruct((NPAD, 1), F32),
            jax.ShapeDtypeStruct((NPAD, d2), F32),
            jax.ShapeDtypeStruct((NPAD, d2), F32),
        ],
    )(dp0, dp1, xp, w)


def _tc_mid(p0, p1, yl, yr, dis, b, w):
    din, dout = w.shape
    d2i, d2o = din // 2, dout // 2
    return pl.pallas_call(
        _mid_body,
        grid=(NPAD // RB,),
        in_specs=[
            pl.BlockSpec((RB, d2i), _col),
            pl.BlockSpec((RB, d2i), _col),
            pl.BlockSpec((RB, d2i), _col),
            pl.BlockSpec((RB, d2i), _col),
            pl.BlockSpec((RB, 1), _col),
            pl.BlockSpec((1, din), _rep),
            pl.BlockSpec((din, dout), _rep),
        ],
        out_specs=[
            pl.BlockSpec((RB, d2o), _col),
            pl.BlockSpec((RB, d2o), _col),
        ],
        out_shape=[
            jax.ShapeDtypeStruct((NPAD, d2o), F32),
            jax.ShapeDtypeStruct((NPAD, d2o), F32),
        ],
    )(p0, p1, yl, yr, dis, b, w)


def _tc_fin(p0, p1, yl, yr, dis, b):
    d2 = p0.shape[1]
    return pl.pallas_call(
        _fin_body,
        grid=(NPAD // RB,),
        in_specs=[
            pl.BlockSpec((RB, d2), _col),
            pl.BlockSpec((RB, d2), _col),
            pl.BlockSpec((RB, d2), _col),
            pl.BlockSpec((RB, d2), _col),
            pl.BlockSpec((RB, 1), _col),
            pl.BlockSpec((1, 2 * d2), _rep),
        ],
        out_specs=pl.BlockSpec((RB, 2 * d2), _col),
        out_shape=jax.ShapeDtypeStruct((NPAD, 2 * d2), F32),
    )(p0, p1, yl, yr, dis, b)



def kernel(x, edge_index, W1, b1, W2, b2, W3, b3):
    src = edge_index[0].astype(jnp.int32)
    dst = edge_index[1].astype(jnp.int32)
    npad_e = EPAD - E
    srcp = jnp.concatenate([src, jnp.zeros((npad_e,), jnp.int32)])
    dstp = jnp.concatenate(
        [dst, N + (jnp.arange(npad_e, dtype=jnp.int32) % (NPAD - N))])
    xp = jnp.pad(x, ((0, NPAD - N), (0, 0)))

    dp = _sc_count(dstp)
    dis, y1l, y1r = _tc_dis_y(dp[0, :, 0:1], dp[1, :, 0:1], xp, W1)

    P1 = _sc_agg[64](y1l, y1r, srcp, dstp)
    y2l, y2r = _tc_mid(P1[0], P1[1], y1l, y1r, dis, b1.reshape(1, -1), W2)

    P2 = _sc_agg[32](y2l, y2r, srcp, dstp)
    w3p = jnp.pad(W3, ((0, 0), (0, 24)))
    y3l, y3r = _tc_mid(P2[0], P2[1], y2l, y2r, dis, b2.reshape(1, -1), w3p)

    P3 = _sc_agg[32](y3l, y3r, srcp, dstp)
    out = _tc_fin(P3[0], P3[1], y3l, y3r, dis,
                  jnp.pad(b3, (0, 24)).reshape(1, -1))
    return out[:N, :40]

# --- scband reference (transcript-rebuilt; emitter-appended) ---
"""Pipeline reference for scband-gat-20899310863186 (READ-ONLY COPY).

The authoritative reference and input builder live on the scoring server;
editing this copy changes nothing except your own understanding.
"""

import jax, jax.numpy as jnp
import numpy as np

N_NODES = 10000
N_EDGES = 320000
D_IN = 128
D_HID = 128
D_OUT = 40


def _glorot(key, shape):
    fan_in, fan_out = shape[0], shape[1]
    lim = float(np.sqrt(6.0 / (fan_in + fan_out)))
    return jax.random.uniform(key, shape, jnp.float32, -lim, lim)


def setup_inputs(seed: int = 0) -> dict:
    key = jax.random.key(seed)
    ks = [jax.random.fold_in(key, i) for i in range(8)]
    x = jax.random.normal(ks[0], (N_NODES, D_IN), dtype=jnp.float32)
    edge_index = jax.random.randint(ks[1], (2, N_EDGES), 0, N_NODES, dtype=jnp.int64)
    W1 = _glorot(ks[2], (D_IN, D_HID))
    b1 = jnp.zeros((D_HID,), jnp.float32)
    W2 = _glorot(ks[3], (D_HID, D_HID // 2))
    b2 = jnp.zeros((D_HID // 2,), jnp.float32)
    W3 = _glorot(ks[4], (D_HID // 2, D_OUT))
    b3 = jnp.zeros((D_OUT,), jnp.float32)
    return {"x": x, "edge_index": edge_index, "W1": W1, "b1": b1, "W2": W2, "b2": b2, "W3": W3, "b3": b3}


def _gcn_conv(x, src, dst, n, W, b):
    # GCNConv: symmetric normalization over A + I (self-loops already appended to src/dst)
    deg = jnp.zeros((n,), x.dtype).at[dst].add(1.0)
    dis = jnp.where(deg > 0, 1.0 / jnp.sqrt(deg), 0.0)
    norm = dis[src] * dis[dst]
    xw = x @ W
    msg = xw[src] * norm[:, None]
    out = jnp.zeros((n, W.shape[1]), x.dtype).at[dst].add(msg)
    return out + b


def reference(x, edge_index, W1, b1, W2, b2, W3, b3):
    n = x.shape[0]
    loops = jnp.arange(n, dtype=edge_index.dtype)
    src = jnp.concatenate([edge_index[0], loops])
    dst = jnp.concatenate([edge_index[1], loops])
    h = jax.nn.relu(_gcn_conv(x, src, dst, n, W1, b1))
    h = jax.nn.relu(_gcn_conv(h, src, dst, n, W2, b2))
    out = _gcn_conv(h, src, dst, n, W3, b3)
    return out

if __name__ == "__main__":
    import jax
    _d = setup_inputs()
    print(jax.jit(kernel)(*tuple(_d.values())))

</pallas_src>

<mosaic_0001>
#map = affine_map<(d0, d1) -> (0)>
#map1 = affine_map<(d0, d1) -> (0, 0, 0)>
module attributes {stable_mosaic.version = 14 : i64} {
  func.func @body(%arg0: i32, %arg1: i32, %arg2: memref<327680xi32, #tpu.memory_space<hbm>>, %arg3: memref<2x10240x16xf32, #tpu.memory_space<hbm>>, %arg4: memref<2x128xi32, #tpu.memory_space<vmem>>, %arg5: memref<128x16xf32, #tpu.memory_space<vmem>>, %arg6: memref<64x16xf32, #tpu.memory_space<vmem>>, %arg7: memref<10240x16xf32, #tpu.memory_space<vmem_shared>>, %arg8: memref<!tpu.dma_semaphore, #tpu.memory_space<semaphore_mem>>, %arg9: memref<!tpu.dma_semaphore, #tpu.memory_space<semaphore_mem>>, %arg10: memref<!tpu.dma_semaphore, #tpu.memory_space<semaphore_mem>>, %arg11: memref<!tpu.dma_semaphore, #tpu.memory_space<semaphore_mem>>) attributes {dimension_semantics = [#tpu.dimension_semantics<core_parallel>, #tpu.dimension_semantics<subcore_parallel>], iteration_bounds = array<i64: 2, 16>, scalar_prefetch = 0 : i64, scratch_operands = 8 : i64, tpu.core_type = #tpu.core_type<sc_vector_subcore>, window_params = [{transform_indices = #map}, {transform_indices = #map1}]} {
    %mul3A = arith.constant 2 : i32
    %mul3A_0 = arith.muli %arg1, %mul3A : i32
    %add3A = arith.addi %mul3A_0, %arg0 : i32
    %mul3A_1 = arith.constant 10240 : i32
    %mul3A_2 = arith.muli %add3A, %mul3A_1 : i32
    %broadcast_in_dim3A = arith.constant 0.000000e+00 : f32
    %broadcast_in_dim3A_3 = vector.broadcast %broadcast_in_dim3A : f32 to vector<16xf32>
    %broadcast_in_dim3A_4 = arith.constant 1.000000e+00 : f32
    %broadcast_in_dim3A_5 = vector.broadcast %broadcast_in_dim3A_4 : f32 to vector<16xf32>
    %scan3A = arith.constant 0 : i32
    %scan3A_6 = arith.constant 64 : i32
    %scan3A_7 = arith.addi %scan3A, %scan3A_6 : i32
    %scan3A_8 = arith.constant 1 : i32
    scf.for %scan3A_100 = %scan3A to %scan3A_7 step %scan3A_8  : i32 {
      %mul3A_101 = arith.constant 1 : i32
      %mul3A_102 = arith.muli %scan3A_100, %mul3A_101 : i32
      %add3A_103 = arith.constant 0 : i32
      %add3A_104 = arith.addi %add3A_103, %mul3A_102 : i32
      %scan3A_105 = arith.constant 0 : i32
      %mul3A_106 = arith.constant 1 : i32
      %mul3A_107 = arith.muli %scan3A_105, %mul3A_106 : i32
      %add3A_108 = arith.constant 0 : i32
      %add3A_109 = arith.addi %add3A_108, %mul3A_107 : i32
      %mul3A_110 = arith.constant 16 : i32
      %mul3A_111 = arith.muli %add3A_109, %mul3A_110 : i32
      %swap3A = arith.index_cast %add3A_104 : i32 to index
      %swap3A_112 = arith.index_cast %mul3A_111 : i32 to index
      %swap3A_113 = tpu.vector_load %arg6[%swap3A, %swap3A_112] {strides = array<i32>} : memref<64x16xf32, #tpu.memory_space<vmem>>, vector<1x16xf32>,
      %swap3A_114 = vector.shape_cast %swap3A_113 : vector<1x16xf32> to vector<16xf32>
      %swap3A_115 = vector.shape_cast %broadcast_in_dim3A_3 : vector<16xf32> to vector<1x16xf32>
      tpu.vector_store %arg6[%swap3A, %swap3A_112], %swap3A_115 {strides = array<i32>} : memref<64x16xf32, #tpu.memory_space<vmem>>, vector<1x16xf32>,
      %scan3A_116 = arith.constant 1 : i32
    }
    %scan3A_9 = arith.constant 64 : i32
    %scan3A_10 = arith.constant 0 : i32
    %scan3A_11 = arith.constant 128 : i32
    %scan3A_12 = arith.addi %scan3A_10, %scan3A_11 : i32
    %scan3A_13 = arith.constant 1 : i32
    scf.for %scan3A_100 = %scan3A_10 to %scan3A_12 step %scan3A_13  : i32 {
      %mul3A_101 = arith.constant 1 : i32
      %mul3A_102 = arith.muli %scan3A_100, %mul3A_101 : i32
      %add3A_103 = arith.constant 0 : i32
      %add3A_104 = arith.addi %add3A_103, %mul3A_102 : i32
      %scan3A_105 = arith.constant 0 : i32
      %mul3A_106 = arith.constant 1 : i32
      %mul3A_107 = arith.muli %scan3A_105, %mul3A_106 : i32
      %add3A_108 = arith.constant 0 : i32
      %add3A_109 = arith.addi %add3A_108, %mul3A_107 : i32
      %mul3A_110 = arith.constant 16 : i32
      %mul3A_111 = arith.muli %add3A_109, %mul3A_110 : i32
      %swap3A = arith.index_cast %add3A_104 : i32 to index
      %swap3A_112 = arith.index_cast %mul3A_111 : i32 to index
      %swap3A_113 = tpu.vector_load %arg5[%swap3A, %swap3A_112] {strides = array<i32>} : memref<128x16xf32, #tpu.memory_space<vmem>>, vector<1x16xf32>,
      %swap3A_114 = vector.shape_cast %swap3A_113 : vector<1x16xf32> to vector<16xf32>
      %swap3A_115 = vector.shape_cast %broadcast_in_dim3A_5 : vector<16xf32> to vector<1x16xf32>
      tpu.vector_store %arg5[%swap3A, %swap3A_112], %swap3A_115 {strides = array<i32>} : memref<128x16xf32, #tpu.memory_space<vmem>>, vector<1x16xf32>,
      %scan3A_116 = arith.constant 1 : i32
    }
    %scan3A_14 = arith.constant 128 : i32
    %scan3A_15 = arith.constant 0 : i32
    %scan3A_16 = arith.constant 10 : i32
    %scan3A_17 = arith.addi %scan3A_15, %scan3A_16 : i32
    %scan3A_18 = arith.constant 1 : i32
    scf.for %scan3A_100 = %scan3A_15 to %scan3A_17 step %scan3A_18  : i32 {
      %mul3A_101 = arith.constant 1 : i32
      %mul3A_102 = arith.muli %scan3A_100, %mul3A_101 : i32
      %add3A_103 = arith.constant 0 : i32
      %add3A_104 = arith.addi %add3A_103, %mul3A_102 : i32
      %mul3A_105 = arith.constant 640 : i32
      %mul3A_106 = arith.muli %arg1, %mul3A_105 : i32
      %mul3A_107 = arith.constant 64 : i32
      %mul3A_108 = arith.muli %add3A_104, %mul3A_107 : i32
      %add3A_109 = arith.addi %mul3A_106, %mul3A_108 : i32
      "tpu.region"() ({
        %run_scoped3A = tpu.sem_alloc : memref<!tpu.dma_semaphore, #tpu.memory_space<semaphore_mem>>
        %dma_start3A_110 = arith.constant 0 : i32
        %dma_start3A_111 = tpu.memref_slice %arg7[%add3A_109, %dma_start3A_110] : memref<10240x16xf32, #tpu.memory_space<vmem_shared>> -> memref<64x16xf32, #tpu.memory_space<vmem_shared>>
        %dma_start3A_112 = arith.constant 0 : i32
        %dma_start3A_113 = tpu.memref_slice %arg7[%add3A_109, %dma_start3A_112] : memref<10240x16xf32, #tpu.memory_space<vmem_shared>> -> memref<64x16xf32, #tpu.memory_space<vmem_shared>>
        tpu.enqueue_dma source(%arg6 : memref<64x16xf32, #tpu.memory_space<vmem>>) target(%dma_start3A_113 : memref<64x16xf32, #tpu.memory_space<vmem_shared>>) target_semaphore(%run_scoped3A : memref<!tpu.dma_semaphore, #tpu.memory_space<semaphore_mem>>)
        %dma_wait3A_114 = arith.constant 0 : i32
        %dma_wait3A_115 = tpu.memref_slice %arg7[%add3A_109, %dma_wait3A_114] : memref<10240x16xf32, #tpu.memory_space<vmem_shared>> -> memref<64x16xf32, #tpu.memory_space<vmem_shared>>
        %dma_wait3A_116 = arith.constant 0 : i32
        %dma_wait3A_117 = tpu.memref_slice %arg7[%add3A_109, %dma_wait3A_116] : memref<10240x16xf32, #tpu.memory_space<vmem_shared>> -> memref<64x16xf32, #tpu.memory_space<vmem_shared>>
        tpu.wait_dma2 semaphore(%run_scoped3A : memref<!tpu.dma_semaphore, #tpu.memory_space<semaphore_mem>>) src(%arg6 : memref<64x16xf32, #tpu.memory_space<vmem>>) dst(%dma_wait3A_117 : memref<64x16xf32, #tpu.memory_space<vmem_shared>>)
        tpu.yield
      }) : () -> ()
    }
    %scan3A_19 = arith.constant 10 : i32
    %barrier3A = arith.constant 0 : index
    tpu.barrier barrier_id(%barrier3A)
    %add3A_20 = arith.constant 0 : i32
    %add3A_21 = arith.addi %mul3A_2, %add3A_20 : i32
    %dma_start3A = arith.constant 0 : i32
    %dma_start3A_22 = arith.constant 0 : i32
    %dma_start3A_23 = tpu.memref_slice %arg4[%dma_start3A, %dma_start3A_22] : memref<2x128xi32, #tpu.memory_space<vmem>> -> memref<1x128xi32, #tpu.memory_space<vmem>>
    %dma_start3A_24 = tpu.memref_squeeze %dma_start3A_23 : memref<1x128xi32, #tpu.memory_space<vmem>> -> memref<128xi32, #tpu.memory_space<vmem>>
    %dma_start3A_25 = tpu.memref_slice %arg2[%add3A_21] : memref<327680xi32, #tpu.memory_space<hbm>> -> memref<128xi32, #tpu.memory_space<hbm>>
    %dma_start3A_26 = arith.constant 0 : i32
    %dma_start3A_27 = tpu.memref_slice %arg4[%dma_start3A, %dma_start3A_26] : memref<2x128xi32, #tpu.memory_space<vmem>> -> memref<1x128xi32, #tpu.memory_space<vmem>>
    %dma_start3A_28 = tpu.memref_squeeze %dma_start3A_27 : memref<1x128xi32, #tpu.memory_space<vmem>> -> memref<128xi32, #tpu.memory_space<vmem>>
    %dma_start3A_29 = tpu.memref_slice %arg2[%add3A_21] : memref<327680xi32, #tpu.memory_space<hbm>> -> memref<128xi32, #tpu.memory_space<hbm>>
    tpu.enqueue_dma source(%dma_start3A_29 : memref<128xi32, #tpu.memory_space<hbm>>) target(%dma_start3A_28 : memref<128xi32, #tpu.memory_space<vmem>>) target_semaphore(%arg8 : memref<!tpu.dma_semaphore, #tpu.memory_space<semaphore_mem>>)
    %add3A_30 = arith.constant 128 : i32
    %add3A_31 = arith.addi %mul3A_2, %add3A_30 : i32
    %dma_start3A_32 = arith.constant 1 : i32
    %dma_start3A_33 = arith.constant 0 : i32
    %dma_start3A_34 = tpu.memref_slice %arg4[%dma_start3A_32, %dma_start3A_33] : memref<2x128xi32, #tpu.memory_space<vmem>> -> memref<1x128xi32, #tpu.memory_space<vmem>>
    %dma_start3A_35 = tpu.memref_squeeze %dma_start3A_34 : memref<1x128xi32, #tpu.memory_space<vmem>> -> memref<128xi32, #tpu.memory_space<vmem>>
    %dma_start3A_36 = tpu.memref_slice %arg2[%add3A_31] : memref<327680xi32, #tpu.memory_space<hbm>> -> memref<128xi32, #tpu.memory_space<hbm>>
    %dma_start3A_37 = arith.constant 0 : i32
    %dma_start3A_38 = tpu.memref_slice %arg4[%dma_start3A_32, %dma_start3A_37] : memref<2x128xi32, #tpu.memory_space<vmem>> -> memref<1x128xi32, #tpu.memory_space<vmem>>
    %dma_start3A_39 = tpu.memref_squeeze %dma_start3A_38 : memref<1x128xi32, #tpu.memory_space<vmem>> -> memref<128xi32, #tpu.memory_space<vmem>>
    %dma_start3A_40 = tpu.memref_slice %arg2[%add3A_31] : memref<327680xi32, #tpu.memory_space<hbm>> -> memref<128xi32, #tpu.memory_space<hbm>>
    tpu.enqueue_dma source(%dma_start3A_40 : memref<128xi32, #tpu.memory_space<hbm>>) target(%dma_start3A_39 : memref<128xi32, #tpu.memory_space<vmem>>) target_semaphore(%arg9 : memref<!tpu.dma_semaphore, #tpu.memory_space<semaphore_mem>>)
    %scan3A_41 = arith.constant 0 : i32
    %scan3A_42 = arith.constant 39 : i32
    %scan3A_43 = arith.addi %scan3A_41, %scan3A_42 : i32
    %scan3A_44 = arith.constant 1 : i32
    scf.for %scan3A_100 = %scan3A_41 to %scan3A_43 step %scan3A_44  : i32 {
      %mul3A_101 = arith.constant 1 : i32
      %mul3A_102 = arith.muli %scan3A_100, %mul3A_101 : i32
      %add3A_103 = arith.constant 0 : i32
      %add3A_104 = arith.addi %add3A_103, %mul3A_102 : i32
      %mul3A_105 = arith.constant 2 : i32
      %mul3A_106 = arith.muli %add3A_104, %mul3A_105 : i32
      %dma_wait3A_107 = arith.constant 0 : i32
      %dma_wait3A_108 = arith.constant 0 : i32
      %dma_wait3A_109 = tpu.memref_slice %arg4[%dma_wait3A_107, %dma_wait3A_108] : memref<2x128xi32, #tpu.memory_space<vmem>> -> memref<1x128xi32, #tpu.memory_space<vmem>>
      %dma_wait3A_110 = tpu.memref_squeeze %dma_wait3A_109 : memref<1x128xi32, #tpu.memory_space<vmem>> -> memref<128xi32, #tpu.memory_space<vmem>>
      %dma_wait3A_111 = arith.constant 0 : i32
      %dma_wait3A_112 = tpu.memref_slice %arg2[%dma_wait3A_111] : memref<327680xi32, #tpu.memory_space<hbm>> -> memref<128xi32, #tpu.memory_space<hbm>>
      %dma_wait3A_113 = arith.constant 0 : i32
      %dma_wait3A_114 = tpu.memref_slice %arg4[%dma_wait3A_107, %dma_wait3A_113] : memref<2x128xi32, #tpu.memory_space<vmem>> -> memref<1x128xi32, #tpu.memory_space<vmem>>
      %dma_wait3A_115 = tpu.memref_squeeze %dma_wait3A_114 : memref<1x128xi32, #tpu.memory_space<vmem>> -> memref<128xi32, #tpu.memory_space<vmem>>
      %dma_wait3A_116 = arith.constant 0 : i32
      %dma_wait3A_117 = tpu.memref_slice %arg2[%dma_wait3A_116] : memref<327680xi32, #tpu.memory_space<hbm>> -> memref<128xi32, #tpu.memory_space<hbm>>
      tpu.wait_dma2 semaphore(%arg8 : memref<!tpu.dma_semaphore, #tpu.memory_space<semaphore_mem>>) src(%dma_wait3A_117 : memref<128xi32, #tpu.memory_space<hbm>>) dst(%dma_wait3A_115 : memref<128xi32, #tpu.memory_space<vmem>>)
      %dma_start3A_118 = arith.constant 0 : i32
      %dma_start3A_119 = arith.constant 0 : i32
      %dma_start3A_120 = tpu.memref_slice %arg4[%dma_start3A_118, %dma_start3A_119] : memref<2x128xi32, #tpu.memory_space<vmem>> -> memref<1x128xi32, #tpu.memory_space<vmem>>
      %dma_start3A_121 = tpu.memref_squeeze %dma_start3A_120 : memref<1x128xi32, #tpu.memory_space<vmem>> -> memref<128xi32, #tpu.memory_space<vmem>>
      %dma_start3A_122 = arith.constant 0 : i32
      %dma_start3A_123 = arith.constant 0 : i32
      %dma_start3A_124 = tpu.memref_slice %arg7[%dma_start3A_122, %dma_start3A_123] : memref<10240x16xf32, #tpu.memory_space<vmem_shared>> -> memref<10240x16xf32, #tpu.memory_space<vmem_shared>>
      tpu.enqueue_indirect_dma source(%arg5 : memref<128x16xf32, #tpu.memory_space<vmem>>) target(%dma_start3A_124 : memref<10240x16xf32, #tpu.memory_space<vmem_shared>>) offsets(%dma_start3A_121 : memref<128xi32, #tpu.memory_space<vmem>>) semaphore(%arg10 : memref<!tpu.dma_semaphore, #tpu.memory_space<semaphore_mem>>) {add = true}
      %dma_wait3A_125 = arith.constant 0 : i32
      %dma_wait3A_126 = arith.constant 0 : i32
      %dma_wait3A_127 = tpu.memref_slice %arg4[%dma_wait3A_125, %dma_wait3A_126] : memref<2x128xi32, #tpu.memory_space<vmem>> -> memref<1x128xi32, #tpu.memory_space<vmem>>
      %dma_wait3A_128 = tpu.memref_squeeze %dma_wait3A_127 : memref<1x128xi32, #tpu.memory_space<vmem>> -> memref<128xi32, #tpu.memory_space<vmem>>
      %dma_wait3A_129 = arith.constant 0 : i32
      %dma_wait3A_130 = arith.constant 0 : i32
      %dma_wait3A_131 = tpu.memref_slice %arg7[%dma_wait3A_129, %dma_wait3A_130] : memref<10240x16xf32, #tpu.memory_space<vmem_shared>> -> memref<10240x16xf32, #tpu.memory_space<vmem_shared>>
      tpu.wait_indirect_dma semaphore(%arg10 : memref<!tpu.dma_semaphore, #tpu.memory_space<semaphore_mem>>) src(%arg5 : memref<128x16xf32, #tpu.memory_space<vmem>>) dst(%dma_wait3A_131 : memref<10240x16xf32, #tpu.memory_space<vmem_shared>>)
      %add3A_132 = arith.constant 0 : i32
      %add3A_133 = arith.addi %mul3A_106, %add3A_132 : i32
      %add3A_134 = arith.constant 2 : i32
      %add3A_135 = arith.addi %add3A_133, %add3A_134 : i32
      %mul3A_136 = arith.constant 128 : i32
      %mul3A_137 = arith.muli %add3A_135, %mul3A_136 : i32
      %add3A_138 = arith.addi %mul3A_2, %mul3A_137 : i32
      %dma_start3A_139 = arith.constant 0 : i32
      %dma_start3A_140 = arith.constant 0 : i32
      %dma_start3A_141 = tpu.memref_slice %arg4[%dma_start3A_139, %dma_start3A_140] : memref<2x128xi32, #tpu.memory_space<vmem>> -> memref<1x128xi32, #tpu.memory_space<vmem>>
      %dma_start3A_142 = tpu.memref_squeeze %dma_start3A_141 : memref<1x128xi32, #tpu.memory_space<vmem>> -> memref<128xi32, #tpu.memory_space<vmem>>
      %dma_start3A_143 = tpu.memref_slice %arg2[%add3A_138] : memref<327680xi32, #tpu.memory_space<hbm>> -> memref<128xi32, #tpu.memory_space<hbm>>
      %dma_start3A_144 = arith.constant 0 : i32
      %dma_start3A_145 = tpu.memref_slice %arg4[%dma_start3A_139, %dma_start3A_144] : memref<2x128xi32, #tpu.memory_space<vmem>> -> memref<1x128xi32, #tpu.memory_space<vmem>>
      %dma_start3A_146 = tpu.memref_squeeze %dma_start3A_145 : memref<1x128xi32, #tpu.memory_space<vmem>> -> memref<128xi32, #tpu.memory_space<vmem>>
      %dma_start3A_147 = tpu.memref_slice %arg2[%add3A_138] : memref<327680xi32, #tpu.memory_space<hbm>> -> memref<128xi32, #tpu.memory_space<hbm>>
      tpu.enqueue_dma source(%dma_start3A_147 : memref<128xi32, #tpu.memory_space<hbm>>) target(%dma_start3A_146 : memref<128xi32, #tpu.memory_space<vmem>>) target_semaphore(%arg8 : memref<!tpu.dma_semaphore, #tpu.memory_space<semaphore_mem>>)
      %dma_wait3A_148 = arith.constant 1 : i32
      %dma_wait3A_149 = arith.constant 0 : i32
      %dma_wait3A_150 = tpu.memref_slice %arg4[%dma_wait3A_148, %dma_wait3A_149] : memref<2x128xi32, #tpu.memory_space<vmem>> -> memref<1x128xi32, #tpu.memory_space<vmem>>
      %dma_wait3A_151 = tpu.memref_squeeze %dma_wait3A_150 : memref<1x128xi32, #tpu.memory_space<vmem>> -> memref<128xi32, #tpu.memory_space<vmem>>
      %dma_wait3A_152 = arith.constant 0 : i32
      %dma_wait3A_153 = tpu.memref_slice %arg2[%dma_wait3A_152] : memref<327680xi32, #tpu.memory_space<hbm>> -> memref<128xi32, #tpu.memory_space<hbm>>
      %dma_wait3A_154 = arith.constant 0 : i32
      %dma_wait3A_155 = tpu.memref_slice %arg4[%dma_wait3A_148, %dma_wait3A_154] : memref<2x128xi32, #tpu.memory_space<vmem>> -> memref<1x128xi32, #tpu.memory_space<vmem>>
      %dma_wait3A_156 = tpu.memref_squeeze %dma_wait3A_155 : memref<1x128xi32, #tpu.memory_space<vmem>> -> memref<128xi32, #tpu.memory_space<vmem>>
      %dma_wait3A_157 = arith.constant 0 : i32
      %dma_wait3A_158 = tpu.memref_slice %arg2[%dma_wait3A_157] : memref<327680xi32, #tpu.memory_space<hbm>> -> memref<128xi32, #tpu.memory_space<hbm>>
      tpu.wait_dma2 semaphore(%arg9 : memref<!tpu.dma_semaphore, #tpu.memory_space<semaphore_mem>>) src(%dma_wait3A_158 : memref<128xi32, #tpu.memory_space<hbm>>) dst(%dma_wait3A_156 : memref<128xi32, #tpu.memory_space<vmem>>)
      %dma_start3A_159 = arith.constant 1 : i32
      %dma_start3A_160 = arith.constant 0 : i32
      %dma_start3A_161 = tpu.memref_slice %arg4[%dma_start3A_159, %dma_start3A_160] : memref<2x128xi32, #tpu.memory_space<vmem>> -> memref<1x128xi32, #tpu.memory_space<vmem>>
      %dma_start3A_162 = tpu.memref_squeeze %dma_start3A_161 : memref<1x128xi32, #tpu.memory_space<vmem>> -> memref<128xi32, #tpu.memory_space<vmem>>
      %dma_start3A_163 = arith.constant 0 : i32
      %dma_start3A_164 = arith.constant 0 : i32
      %dma_start3A_165 = tpu.memref_slice %arg7[%dma_start3A_163, %dma_start3A_164] : memref<10240x16xf32, #tpu.memory_space<vmem_shared>> -> memref<10240x16xf32, #tpu.memory_space<vmem_shared>>
      tpu.enqueue_indirect_dma source(%arg5 : memref<128x16xf32, #tpu.memory_space<vmem>>) target(%dma_start3A_165 : memref<10240x16xf32, #tpu.memory_space<vmem_shared>>) offsets(%dma_start3A_162 : memref<128xi32, #tpu.memory_space<vmem>>) semaphore(%arg11 : memref<!tpu.dma_semaphore, #tpu.memory_space<semaphore_mem>>) {add = true}
      %dma_wait3A_166 = arith.constant 1 : i32
      %dma_wait3A_167 = arith.constant 0 : i32
      %dma_wait3A_168 = tpu.memref_slice %arg4[%dma_wait3A_166, %dma_wait3A_167] : memref<2x128xi32, #tpu.memory_space<vmem>> -> memref<1x128xi32, #tpu.memory_space<vmem>>
      %dma_wait3A_169 = tpu.memref_squeeze %dma_wait3A_168 : memref<1x128xi32, #tpu.memory_space<vmem>> -> memref<128xi32, #tpu.memory_space<vmem>>
      %dma_wait3A_170 = arith.constant 0 : i32
      %dma_wait3A_171 = arith.constant 0 : i32
      %dma_wait3A_172 = tpu.memref_slice %arg7[%dma_wait3A_170, %dma_wait3A_171] : memref<10240x16xf32, #tpu.memory_space<vmem_shared>> -> memref<10240x16xf32, #tpu.memory_space<vmem_shared>>
      tpu.wait_indirect_dma semaphore(%arg11 : memref<!tpu.dma_semaphore, #tpu.memory_space<semaphore_mem>>) src(%arg5 : memref<128x16xf32, #tpu.memory_space<vmem>>) dst(%dma_wait3A_172 : memref<10240x16xf32, #tpu.memory_space<vmem_shared>>)
      %add3A_173 = arith.constant 1 : i32
      %add3A_174 = arith.addi %mul3A_106, %add3A_173 : i32
      %add3A_175 = arith.constant 2 : i32
      %add3A_176 = arith.addi %add3A_174, %add3A_175 : i32
      %mul3A_177 = arith.constant 128 : i32
      %mul3A_178 = arith.muli %add3A_176, %mul3A_177 : i32
      %add3A_179 = arith.addi %mul3A_2, %mul3A_178 : i32
      %dma_start3A_180 = arith.constant 1 : i32
      %dma_start3A_181 = arith.constant 0 : i32
      %dma_start3A_182 = tpu.memref_slice %arg4[%dma_start3A_180, %dma_start3A_181] : memref<2x128xi32, #tpu.memory_space<vmem>> -> memref<1x128xi32, #tpu.memory_space<vmem>>
      %dma_start3A_183 = tpu.memref_squeeze %dma_start3A_182 : memref<1x128xi32, #tpu.memory_space<vmem>> -> memref<128xi32, #tpu.memory_space<vmem>>
      %dma_start3A_184 = tpu.memref_slice %arg2[%add3A_179] : memref<327680xi32, #tpu.memory_space<hbm>> -> memref<128xi32, #tpu.memory_space<hbm>>
      %dma_start3A_185 = arith.constant 0 : i32
      %dma_start3A_186 = tpu.memref_slice %arg4[%dma_start3A_180, %dma_start3A_185] : memref<2x128xi32, #tpu.memory_space<vmem>> -> memref<1x128xi32, #tpu.memory_space<vmem>>
      %dma_start3A_187 = tpu.memref_squeeze %dma_start3A_186 : memref<1x128xi32, #tpu.memory_space<vmem>> -> memref<128xi32, #tpu.memory_space<vmem>>
      %dma_start3A_188 = tpu.memref_slice %arg2[%add3A_179] : memref<327680xi32, #tpu.memory_space<hbm>> -> memref<128xi32, #tpu.memory_space<hbm>>
      tpu.enqueue_dma source(%dma_start3A_188 : memref<128xi32, #tpu.memory_space<hbm>>) target(%dma_start3A_187 : memref<128xi32, #tpu.memory_space<vmem>>) target_semaphore(%arg9 : memref<!tpu.dma_semaphore, #tpu.memory_space<semaphore_mem>>)
    }
    %scan3A_45 = arith.constant 39 : i32
    %dma_wait3A = arith.constant 0 : i32
    %dma_wait3A_46 = arith.constant 0 : i32
    %dma_wait3A_47 = tpu.memref_slice %arg4[%dma_wait3A, %dma_wait3A_46] : memref<2x128xi32, #tpu.memory_space<vmem>> -> memref<1x128xi32, #tpu.memory_space<vmem>>
    %dma_wait3A_48 = tpu.memref_squeeze %dma_wait3A_47 : memref<1x128xi32, #tpu.memory_space<vmem>> -> memref<128xi32, #tpu.memory_space<vmem>>
    %dma_wait3A_49 = arith.constant 0 : i32
    %dma_wait3A_50 = tpu.memref_slice %arg2[%dma_wait3A_49] : memref<327680xi32, #tpu.memory_space<hbm>> -> memref<128xi32, #tpu.memory_space<hbm>>
    %dma_wait3A_51 = arith.constant 0 : i32
    %dma_wait3A_52 = tpu.memref_slice %arg4[%dma_wait3A, %dma_wait3A_51] : memref<2x128xi32, #tpu.memory_space<vmem>> -> memref<1x128xi32, #tpu.memory_space<vmem>>
    %dma_wait3A_53 = tpu.memref_squeeze %dma_wait3A_52 : memref<1x128xi32, #tpu.memory_space<vmem>> -> memref<128xi32, #tpu.memory_space<vmem>>
    %dma_wait3A_54 = arith.constant 0 : i32
    %dma_wait3A_55 = tpu.memref_slice %arg2[%dma_wait3A_54] : memref<327680xi32, #tpu.memory_space<hbm>> -> memref<128xi32, #tpu.memory_space<hbm>>
    tpu.wait_dma2 semaphore(%arg8 : memref<!tpu.dma_semaphore, #tpu.memory_space<semaphore_mem>>) src(%dma_wait3A_55 : memref<128xi32, #tpu.memory_space<hbm>>) dst(%dma_wait3A_53 : memref<128xi32, #tpu.memory_space<vmem>>)
    %dma_start3A_56 = arith.constant 0 : i32
    %dma_start3A_57 = arith.constant 0 : i32
    %dma_start3A_58 = tpu.memref_slice %arg4[%dma_start3A_56, %dma_start3A_57] : memref<2x128xi32, #tpu.memory_space<vmem>> -> memref<1x128xi32, #tpu.memory_space<vmem>>
    %dma_start3A_59 = tpu.memref_squeeze %dma_start3A_58 : memref<1x128xi32, #tpu.memory_space<vmem>> -> memref<128xi32, #tpu.memory_space<vmem>>
    %dma_start3A_60 = arith.constant 0 : i32
    %dma_start3A_61 = arith.constant 0 : i32
    %dma_start3A_62 = tpu.memref_slice %arg7[%dma_start3A_60, %dma_start3A_61] : memref<10240x16xf32, #tpu.memory_space<vmem_shared>> -> memref<10240x16xf32, #tpu.memory_space<vmem_shared>>
    tpu.enqueue_indirect_dma source(%arg5 : memref<128x16xf32, #tpu.memory_space<vmem>>) target(%dma_start3A_62 : memref<10240x16xf32, #tpu.memory_space<vmem_shared>>) offsets(%dma_start3A_59 : memref<128xi32, #tpu.memory_space<vmem>>) semaphore(%arg10 : memref<!tpu.dma_semaphore, #tpu.memory_space<semaphore_mem>>) {add = true}
    %dma_wait3A_63 = arith.constant 0 : i32
    %dma_wait3A_64 = arith.constant 0 : i32
    %dma_wait3A_65 = tpu.memref_slice %arg4[%dma_wait3A_63, %dma_wait3A_64] : memref<2x128xi32, #tpu.memory_space<vmem>> -> memref<1x128xi32, #tpu.memory_space<vmem>>
    %dma_wait3A_66 = tpu.memref_squeeze %dma_wait3A_65 : memref<1x128xi32, #tpu.memory_space<vmem>> -> memref<128xi32, #tpu.memory_space<vmem>>
    %dma_wait3A_67 = arith.constant 0 : i32
    %dma_wait3A_68 = arith.constant 0 : i32
    %dma_wait3A_69 = tpu.memref_slice %arg7[%dma_wait3A_67, %dma_wait3A_68] : memref<10240x16xf32, #tpu.memory_space<vmem_shared>> -> memref<10240x16xf32, #tpu.memory_space<vmem_shared>>
    tpu.wait_indirect_dma semaphore(%arg10 : memref<!tpu.dma_semaphore, #tpu.memory_space<semaphore_mem>>) src(%arg5 : memref<128x16xf32, #tpu.memory_space<vmem>>) dst(%dma_wait3A_69 : memref<10240x16xf32, #tpu.memory_space<vmem_shared>>)
    %dma_wait3A_70 = arith.constant 1 : i32
    %dma_wait3A_71 = arith.constant 0 : i32
    %dma_wait3A_72 = tpu.memref_slice %arg4[%dma_wait3A_70, %dma_wait3A_71] : memref<2x128xi32, #tpu.memory_space<vmem>> -> memref<1x128xi32, #tpu.memory_space<vmem>>
    %dma_wait3A_73 = tpu.memref_squeeze %dma_wait3A_72 : memref<1x128xi32, #tpu.memory_space<vmem>> -> memref<128xi32, #tpu.memory_space<vmem>>
    %dma_wait3A_74 = arith.constant 0 : i32
    %dma_wait3A_75 = tpu.memref_slice %arg2[%dma_wait3A_74] : memref<327680xi32, #tpu.memory_space<hbm>> -> memref<128xi32, #tpu.memory_space<hbm>>
    %dma_wait3A_76 = arith.constant 0 : i32
    %dma_wait3A_77 = tpu.memref_slice %arg4[%dma_wait3A_70, %dma_wait3A_76] : memref<2x128xi32, #tpu.memory_space<vmem>> -> memref<1x128xi32, #tpu.memory_space<vmem>>
    %dma_wait3A_78 = tpu.memref_squeeze %dma_wait3A_77 : memref<1x128xi32, #tpu.memory_space<vmem>> -> memref<128xi32, #tpu.memory_space<vmem>>
    %dma_wait3A_79 = arith.constant 0 : i32
    %dma_wait3A_80 = tpu.memref_slice %arg2[%dma_wait3A_79] : memref<327680xi32, #tpu.memory_space<hbm>> -> memref<128xi32, #tpu.memory_space<hbm>>
    tpu.wait_dma2 semaphore(%arg9 : memref<!tpu.dma_semaphore, #tpu.memory_space<semaphore_mem>>) src(%dma_wait3A_80 : memref<128xi32, #tpu.memory_space<hbm>>) dst(%dma_wait3A_78 : memref<128xi32, #tpu.memory_space<vmem>>)
    %dma_start3A_81 = arith.constant 1 : i32
    %dma_start3A_82 = arith.constant 0 : i32
    %dma_start3A_83 = tpu.memref_slice %arg4[%dma_start3A_81, %dma_start3A_82] : memref<2x128xi32, #tpu.memory_space<vmem>> -> memref<1x128xi32, #tpu.memory_space<vmem>>
    %dma_start3A_84 = tpu.memref_squeeze %dma_start3A_83 : memref<1x128xi32, #tpu.memory_space<vmem>> -> memref<128xi32, #tpu.memory_space<vmem>>
    %dma_start3A_85 = arith.constant 0 : i32
    %dma_start3A_86 = arith.constant 0 : i32
    %dma_start3A_87 = tpu.memref_slice %arg7[%dma_start3A_85, %dma_start3A_86] : memref<10240x16xf32, #tpu.memory_space<vmem_shared>> -> memref<10240x16xf32, #tpu.memory_space<vmem_shared>>
    tpu.enqueue_indirect_dma source(%arg5 : memref<128x16xf32, #tpu.memory_space<vmem>>) target(%dma_start3A_87 : memref<10240x16xf32, #tpu.memory_space<vmem_shared>>) offsets(%dma_start3A_84 : memref<128xi32, #tpu.memory_space<vmem>>) semaphore(%arg11 : memref<!tpu.dma_semaphore, #tpu.memory_space<semaphore_mem>>) {add = true}
    %dma_wait3A_88 = arith.constant 1 : i32
    %dma_wait3A_89 = arith.constant 0 : i32
    %dma_wait3A_90 = tpu.memref_slice %arg4[%dma_wait3A_88, %dma_wait3A_89] : memref<2x128xi32, #tpu.memory_space<vmem>> -> memref<1x128xi32, #tpu.memory_space<vmem>>
    %dma_wait3A_91 = tpu.memref_squeeze %dma_wait3A_90 : memref<1x128xi32, #tpu.memory_space<vmem>> -> memref<128xi32, #tpu.memory_space<vmem>>
    %dma_wait3A_92 = arith.constant 0 : i32
    %dma_wait3A_93 = arith.constant 0 : i32
    %dma_wait3A_94 = tpu.memref_slice %arg7[%dma_wait3A_92, %dma_wait3A_93] : memref<10240x16xf32, #tpu.memory_space<vmem_shared>> -> memref<10240x16xf32, #tpu.memory_space<vmem_shared>>
    tpu.wait_indirect_dma semaphore(%arg11 : memref<!tpu.dma_semaphore, #tpu.memory_space<semaphore_mem>>) src(%arg5 : memref<128x16xf32, #tpu.memory_space<vmem>>) dst(%dma_wait3A_94 : memref<10240x16xf32, #tpu.memory_space<vmem_shared>>)
    %barrier3A_95 = arith.constant 0 : index
    tpu.barrier barrier_id(%barrier3A_95)
    %mul3A_96 = arith.constant 640 : i32
    %mul3A_97 = arith.muli %arg1, %mul3A_96 : i32
    %mul3A_98 = arith.constant 640 : i32
    %mul3A_99 = arith.muli %arg1, %mul3A_98 : i32
    "tpu.region"() ({
      %run_scoped3A = tpu.sem_alloc : memref<!tpu.dma_semaphore, #tpu.memory_space<semaphore_mem>>
      %dma_start3A_100 = arith.constant 0 : i32
      %dma_start3A_101 = tpu.memref_slice %arg3[%arg0, %mul3A_99, %dma_start3A_100] : memref<2x10240x16xf32, #tpu.memory_space<hbm>> -> memref<1x640x16xf32, #tpu.memory_space<hbm>>
      %dma_start3A_102 = tpu.memref_squeeze %dma_start3A_101 : memref<1x640x16xf32, #tpu.memory_space<hbm>> -> memref<640x16xf32, #tpu.memory_space<hbm>>
      %dma_start3A_103 = arith.constant 0 : i32
      %dma_start3A_104 = tpu.memref_slice %arg7[%mul3A_97, %dma_start3A_103] : memref<10240x16xf32, #tpu.memory_space<vmem_shared>> -> memref<640x16xf32, #tpu.memory_space<vmem_shared>>
      tpu.enqueue_dma source(%dma_start3A_104 : memref<640x16xf32, #tpu.memory_space<vmem_shared>>) target(%dma_start3A_102 : memref<640x16xf32, #tpu.memory_space<hbm>>) target_semaphore(%run_scoped3A : memref<!tpu.dma_semaphore, #tpu.memory_space<semaphore_mem>>)
      %dma_wait3A_105 = arith.constant 0 : i32
      %dma_wait3A_106 = tpu.memref_slice %arg3[%arg0, %mul3A_99, %dma_wait3A_105] : memref<2x10240x16xf32, #tpu.memory_space<hbm>> -> memref<1x640x16xf32, #tpu.memory_space<hbm>>
      %dma_wait3A_107 = tpu.memref_squeeze %dma_wait3A_106 : memref<1x640x16xf32, #tpu.memory_space<hbm>> -> memref<640x16xf32, #tpu.memory_space<hbm>>
      %dma_wait3A_108 = arith.constant 0 : i32
      %dma_wait3A_109 = tpu.memref_slice %arg7[%mul3A_97, %dma_wait3A_108] : memref<10240x16xf32, #tpu.memory_space<vmem_shared>> -> memref<640x16xf32, #tpu.memory_space<vmem_shared>>
      tpu.wait_dma2 semaphore(%run_scoped3A : memref<!tpu.dma_semaphore, #tpu.memory_space<semaphore_mem>>) src(%dma_wait3A_109 : memref<640x16xf32, #tpu.memory_space<vmem_shared>>) dst(%dma_wait3A_107 : memref<640x16xf32, #tpu.memory_space<hbm>>)
      tpu.yield
    }) : () -> ()
    return
  }
}

#map = affine_map<(d0, d1) -> (0, 0)>
#map1 = affine_map<(d0, d1) -> (0)>
#map2 = affine_map<(d0, d1) -> (0, 0, 0)>
module attributes {stable_mosaic.version = 14 : i64} {
  func.func @body(%arg0: i32, %arg1: i32, %arg2: memref<10240x32xf32, #tpu.memory_space<hbm>>, %arg3: memref<10240x32xf32, #tpu.memory_space<hbm>>, %arg4: memref<327680xi32, #tpu.memory_space<hbm>>, %arg5: memref<327680xi32, #tpu.memory_space<hbm>>, %arg6: memref<2x10240x32xf32, #tpu.memory_space<hbm>>, %arg7: memref<3x128xi32, #tpu.memory_space<vmem>>, %arg8: memref<3x128xi32, #tpu.memory_space<vmem>>, %arg9: memref<3x128x32xf32, #tpu.memory_space<vmem>>, %arg10: memref<64x32xf32, #tpu.memory_space<vmem>>, %arg11: memref<10240x32xf32, #tpu.memory_space<vmem_shared>>, %arg12: memref<10240x32xf32, #tpu.memory_space<vmem_shared>>, %arg13: memref<!tpu.dma_semaphore, #tpu.memory_space<semaphore_mem>>, %arg14: memref<!tpu.dma_semaphore, #tpu.memory_space<semaphore_mem>>, %arg15: memref<!tpu.dma_semaphore, #tpu.memory_space<semaphore_mem>>, %arg16: memref<!tpu.dma_semaphore, #tpu.memory_space<semaphore_mem>>, %arg17: memref<!tpu.dma_semaphore, #tpu.memory_space<semaphore_mem>>, %arg18: memref<!tpu.dma_semaphore, #tpu.memory_space<semaphore_mem>>, %arg19: memref<!tpu.dma_semaphore, #tpu.memory_space<semaphore_mem>>, %arg20: memref<!tpu.dma_semaphore, #tpu.memory_space<semaphore_mem>>, %arg21: memref<!tpu.dma_semaphore, #tpu.memory_space<semaphore_mem>>, %arg22: memref<!tpu.dma_semaphore, #tpu.memory_space<semaphore_mem>>, %arg23: memref<!tpu.dma_semaphore, #tpu.memory_space<semaphore_mem>>, %arg24: memref<!tpu.dma_semaphore, #tpu.memory_space<semaphore_mem>>) attributes {dimension_semantics = [#tpu.dimension_semantics<core_parallel>, #tpu.dimension_semantics<subcore_parallel>], iteration_bounds = array<i64: 2, 16>, scalar_prefetch = 0 : i64, scratch_operands = 18 : i64, tpu.core_type = #tpu.core_type<sc_vector_subcore>, window_params = [{transform_indices = #map}, {transform_indices = #map}, {transform_indices = #map1}, {transform_indices = #map1}, {transform_indices = #map2}]} {
    %broadcast_in_dim3A = arith.constant 0.000000e+00 : f32
    %broadcast_in_dim3A_0 = vector.broadcast %broadcast_in_dim3A : f32 to vector<16xf32>
    %scan3A = arith.constant 0 : i32
    %scan3A_1 = arith.constant 64 : i32
    %scan3A_2 = arith.addi %scan3A, %scan3A_1 : i32
    %scan3A_3 = arith.constant 1 : i32
    scf.for %scan3A_385 = %scan3A to %scan3A_2 step %scan3A_3  : i32 {
      %mul3A_386 = arith.constant 1 : i32
      %mul3A_387 = arith.muli %scan3A_385, %mul3A_386 : i32
      %add3A_388 = arith.constant 0 : i32
      %add3A_389 = arith.addi %add3A_388, %mul3A_387 : i32
      %scan3A_390 = arith.constant 0 : i32
      %scan3A_391 = arith.constant 2 : i32
      %scan3A_392 = arith.addi %scan3A_390, %scan3A_391 : i32
      %scan3A_393 = arith.constant 1 : i32
      scf.for %scan3A_395 = %scan3A_390 to %scan3A_392 step %scan3A_393  : i32 {
        %mul3A_396 = arith.constant 1 : i32
        %mul3A_397 = arith.muli %scan3A_395, %mul3A_396 : i32
        %add3A_398 = arith.constant 0 : i32
        %add3A_399 = arith.addi %add3A_398, %mul3A_397 : i32
        %mul3A_400 = arith.constant 16 : i32
        %mul3A_401 = arith.muli %add3A_399, %mul3A_400 : i32
        %swap3A = arith.index_cast %add3A_389 : i32 to index
        %swap3A_402 = arith.index_cast %mul3A_401 : i32 to index
        %swap3A_403 = tpu.vector_load %arg10[%swap3A, %swap3A_402] {strides = array<i32>} : memref<64x32xf32, #tpu.memory_space<vmem>>, vector<1x16xf32>,
        %swap3A_404 = vector.shape_cast %swap3A_403 : vector<1x16xf32> to vector<16xf32>
        %swap3A_405 = vector.shape_cast %broadcast_in_dim3A_0 : vector<16xf32> to vector<1x16xf32>
        tpu.vector_store %arg10[%swap3A, %swap3A_402], %swap3A_405 {strides = array<i32>} : memref<64x32xf32, #tpu.memory_space<vmem>>, vector<1x16xf32>,
      }
      %scan3A_394 = arith.constant 2 : i32
    }
    %scan3A_4 = arith.constant 64 : i32
    %scan3A_5 = arith.constant 0 : i32
    %scan3A_6 = arith.constant 10 : i32
    %scan3A_7 = arith.addi %scan3A_5, %scan3A_6 : i32
    %scan3A_8 = arith.constant 1 : i32
    scf.for %scan3A_385 = %scan3A_5 to %scan3A_7 step %scan3A_8  : i32 {
      %mul3A_386 = arith.constant 1 : i32
      %mul3A_387 = arith.muli %scan3A_385, %mul3A_386 : i32
      %add3A_388 = arith.constant 0 : i32
      %add3A_389 = arith.addi %add3A_388, %mul3A_387 : i32
      %mul3A_390 = arith.constant 640 : i32
      %mul3A_391 = arith.muli %arg1, %mul3A_390 : i32
      %mul3A_392 = arith.constant 64 : i32
      %mul3A_393 = arith.muli %add3A_389, %mul3A_392 : i32
      %add3A_394 = arith.addi %mul3A_391, %mul3A_393 : i32
      "tpu.region"() ({
        %run_scoped3A = tpu.sem_alloc : memref<!tpu.dma_semaphore, #tpu.memory_space<semaphore_mem>>
        %dma_start3A_395 = arith.constant 0 : i32
        %dma_start3A_396 = tpu.memref_slice %arg12[%add3A_394, %dma_start3A_395] : memref<10240x32xf32, #tpu.memory_space<vmem_shared>> -> memref<64x32xf32, #tpu.memory_space<vmem_shared>>
        %dma_start3A_397 = arith.constant 0 : i32
        %dma_start3A_398 = tpu.memref_slice %arg12[%add3A_394, %dma_start3A_397] : memref<10240x32xf32, #tpu.memory_space<vmem_shared>> -> memref<64x32xf32, #tpu.memory_space<vmem_shared>>
        tpu.enqueue_dma source(%arg10 : memref<64x32xf32, #tpu.memory_space<vmem>>) target(%dma_start3A_398 : memref<64x32xf32, #tpu.memory_space<vmem_shared>>) target_semaphore(%run_scoped3A : memref<!tpu.dma_semaphore, #tpu.memory_space<semaphore_mem>>)
        %dma_wait3A_399 = arith.constant 0 : i32
        %dma_wait3A_400 = tpu.memref_slice %arg12[%add3A_394, %dma_wait3A_399] : memref<10240x32xf32, #tpu.memory_space<vmem_shared>> -> memref<64x32xf32, #tpu.memory_space<vmem_shared>>
        %dma_wait3A_401 = arith.constant 0 : i32
        %dma_wait3A_402 = tpu.memref_slice %arg12[%add3A_394, %dma_wait3A_401] : memref<10240x32xf32, #tpu.memory_space<vmem_shared>> -> memref<64x32xf32, #tpu.memory_space<vmem_shared>>
        tpu.wait_dma2 semaphore(%run_scoped3A : memref<!tpu.dma_semaphore, #tpu.memory_space<semaphore_mem>>) src(%arg10 : memref<64x32xf32, #tpu.memory_space<vmem>>) dst(%dma_wait3A_402 : memref<64x32xf32, #tpu.memory_space<vmem_shared>>)
        tpu.yield
      }) : () -> ()
    }
    %scan3A_9 = arith.constant 10 : i32
    %eq3A = arith.constant 0 : i32
    %eq3A_10 = arith.cmpi eq, %arg0, %eq3A : i32
    %convert_element_type3A = arith.extui %eq3A_10 : i1 to i32
    %cond3A = arith.constant 0 : i32
    %cond3A_11 = arith.cmpi ne, %convert_element_type3A, %cond3A : i32
    scf.if %cond3A_11 {
      %mul3A_385 = arith.constant 640 : i32
      %mul3A_386 = arith.muli %arg1, %mul3A_385 : i32
      %mul3A_387 = arith.constant 640 : i32
      %mul3A_388 = arith.muli %arg1, %mul3A_387 : i32
      "tpu.region"() ({
        %run_scoped3A = tpu.sem_alloc : memref<!tpu.dma_semaphore, #tpu.memory_space<semaphore_mem>>
        %dma_start3A_389 = arith.constant 0 : i32
        %dma_start3A_390 = tpu.memref_slice %arg11[%mul3A_388, %dma_start3A_389] : memref<10240x32xf32, #tpu.memory_space<vmem_shared>> -> memref<640x32xf32, #tpu.memory_space<vmem_shared>>
        %dma_start3A_391 = arith.constant 0 : i32
        %dma_start3A_392 = tpu.memref_slice %arg2[%mul3A_386, %dma_start3A_391] : memref<10240x32xf32, #tpu.memory_space<hbm>> -> memref<640x32xf32, #tpu.memory_space<hbm>>
        tpu.enqueue_dma source(%dma_start3A_392 : memref<640x32xf32, #tpu.memory_space<hbm>>) target(%dma_start3A_390 : memref<640x32xf32, #tpu.memory_space<vmem_shared>>) target_semaphore(%run_scoped3A : memref<!tpu.dma_semaphore, #tpu.memory_space<semaphore_mem>>)
        %dma_wait3A_393 = arith.constant 0 : i32
        %dma_wait3A_394 = tpu.memref_slice %arg11[%mul3A_388, %dma_wait3A_393] : memref<10240x32xf32, #tpu.memory_space<vmem_shared>> -> memref<640x32xf32, #tpu.memory_space<vmem_shared>>
        %dma_wait3A_395 = arith.constant 0 : i32
        %dma_wait3A_396 = tpu.memref_slice %arg2[%mul3A_386, %dma_wait3A_395] : memref<10240x32xf32, #tpu.memory_space<hbm>> -> memref<640x32xf32, #tpu.memory_space<hbm>>
        tpu.wait_dma2 semaphore(%run_scoped3A : memref<!tpu.dma_semaphore, #tpu.memory_space<semaphore_mem>>) src(%dma_wait3A_396 : memref<640x32xf32, #tpu.memory_space<hbm>>) dst(%dma_wait3A_394 : memref<640x32xf32, #tpu.memory_space<vmem_shared>>)
        tpu.yield
      }) : () -> ()
    } else {
    }
    %eq3A_12 = arith.constant 1 : i32
    %eq3A_13 = arith.cmpi eq, %arg0, %eq3A_12 : i32
    %convert_element_type3A_14 = arith.extui %eq3A_13 : i1 to i32
    %cond3A_15 = arith.constant 0 : i32
    %cond3A_16 = arith.cmpi ne, %convert_element_type3A_14, %cond3A_15 : i32
    scf.if %cond3A_16 {
      %mul3A_385 = arith.constant 640 : i32
      %mul3A_386 = arith.muli %arg1, %mul3A_385 : i32
      %mul3A_387 = arith.constant 640 : i32
      %mul3A_388 = arith.muli %arg1, %mul3A_387 : i32
      "tpu.region"() ({
        %run_scoped3A = tpu.sem_alloc : memref<!tpu.dma_semaphore, #tpu.memory_space<semaphore_mem>>
        %dma_start3A_389 = arith.constant 0 : i32
        %dma_start3A_390 = tpu.memref_slice %arg11[%mul3A_388, %dma_start3A_389] : memref<10240x32xf32, #tpu.memory_space<vmem_shared>> -> memref<640x32xf32, #tpu.memory_space<vmem_shared>>
        %dma_start3A_391 = arith.constant 0 : i32
        %dma_start3A_392 = tpu.memref_slice %arg3[%mul3A_386, %dma_start3A_391] : memref<10240x32xf32, #tpu.memory_space<hbm>> -> memref<640x32xf32, #tpu.memory_space<hbm>>
        tpu.enqueue_dma source(%dma_start3A_392 : memref<640x32xf32, #tpu.memory_space<hbm>>) target(%dma_start3A_390 : memref<640x32xf32, #tpu.memory_space<vmem_shared>>) target_semaphore(%run_scoped3A : memref<!tpu.dma_semaphore, #tpu.memory_space<semaphore_mem>>)
        %dma_wait3A_393 = arith.constant 0 : i32
        %dma_wait3A_394 = tpu.memref_slice %arg11[%mul3A_388, %dma_wait3A_393] : memref<10240x32xf32, #tpu.memory_space<vmem_shared>> -> memref<640x32xf32, #tpu.memory_space<vmem_shared>>
        %dma_wait3A_395 = arith.constant 0 : i32
        %dma_wait3A_396 = tpu.memref_slice %arg3[%mul3A_386, %dma_wait3A_395] : memref<10240x32xf32, #tpu.memory_space<hbm>> -> memref<640x32xf32, #tpu.memory_space<hbm>>
        tpu.wait_dma2 semaphore(%run_scoped3A : memref<!tpu.dma_semaphore, #tpu.memory_space<semaphore_mem>>) src(%dma_wait3A_396 : memref<640x32xf32, #tpu.memory_space<hbm>>) dst(%dma_wait3A_394 : memref<640x32xf32, #tpu.memory_space<vmem_shared>>)
        tpu.yield
      }) : () -> ()
    } else {
    }
    %barrier3A = arith.constant 0 : index
    tpu.barrier barrier_id(%barrier3A)
    %mul3A = arith.constant 20480 : i32
    %mul3A_17 = arith.muli %arg1, %mul3A : i32
    %add3A = arith.constant 0 : i32
    %add3A_18 = arith.addi %mul3A_17, %add3A : i32
    %dma_start3A = arith.constant 0 : i32
    %dma_start3A_19 = arith.constant 0 : i32
    %dma_start3A_20 = tpu.memref_slice %arg7[%dma_start3A, %dma_start3A_19] : memref<3x128xi32, #tpu.memory_space<vmem>> -> memref<1x128xi32, #tpu.memory_space<vmem>>
    %dma_start3A_21 = tpu.memref_squeeze %dma_start3A_20 : memref<1x128xi32, #tpu.memory_space<vmem>> -> memref<128xi32, #tpu.memory_space<vmem>>
    %dma_start3A_22 = tpu.memref_slice %arg4[%add3A_18] : memref<327680xi32, #tpu.memory_space<hbm>> -> memref<128xi32, #tpu.memory_space<hbm>>
    %dma_start3A_23 = arith.constant 0 : i32
    %dma_start3A_24 = tpu.memref_slice %arg7[%dma_start3A, %dma_start3A_23] : memref<3x128xi32, #tpu.memory_space<vmem>> -> memref<1x128xi32, #tpu.memory_space<vmem>>
    %dma_start3A_25 = tpu.memref_squeeze %dma_start3A_24 : memref<1x128xi32, #tpu.memory_space<vmem>> -> memref<128xi32, #tpu.memory_space<vmem>>
    %dma_start3A_26 = tpu.memref_slice %arg4[%add3A_18] : memref<327680xi32, #tpu.memory_space<hbm>> -> memref<128xi32, #tpu.memory_space<hbm>>
    tpu.enqueue_dma source(%dma_start3A_26 : memref<128xi32, #tpu.memory_space<hbm>>) target(%dma_start3A_25 : memref<128xi32, #tpu.memory_space<vmem>>) target_semaphore(%arg13 : memref<!tpu.dma_semaphore, #tpu.memory_space<semaphore_mem>>)
    %dma_start3A_27 = arith.constant 0 : i32
    %dma_start3A_28 = arith.constant 0 : i32
    %dma_start3A_29 = tpu.memref_slice %arg8[%dma_start3A_27, %dma_start3A_28] : memref<3x128xi32, #tpu.memory_space<vmem>> -> memref<1x128xi32, #tpu.memory_space<vmem>>
    %dma_start3A_30 = tpu.memref_squeeze %dma_start3A_29 : memref<1x128xi32, #tpu.memory_space<vmem>> -> memref<128xi32, #tpu.memory_space<vmem>>
    %dma_start3A_31 = tpu.memref_slice %arg5[%add3A_18] : memref<327680xi32, #tpu.memory_space<hbm>> -> memref<128xi32, #tpu.memory_space<hbm>>
    %dma_start3A_32 = arith.constant 0 : i32
    %dma_start3A_33 = tpu.memref_slice %arg8[%dma_start3A_27, %dma_start3A_32] : memref<3x128xi32, #tpu.memory_space<vmem>> -> memref<1x128xi32, #tpu.memory_space<vmem>>
    %dma_start3A_34 = tpu.memref_squeeze %dma_start3A_33 : memref<1x128xi32, #tpu.memory_space<vmem>> -> memref<128xi32, #tpu.memory_space<vmem>>
    %dma_start3A_35 = tpu.memref_slice %arg5[%add3A_18] : memref<327680xi32, #tpu.memory_space<hbm>> -> memref<128xi32, #tpu.memory_space<hbm>>
    tpu.enqueue_dma source(%dma_start3A_35 : memref<128xi32, #tpu.memory_space<hbm>>) target(%dma_start3A_34 : memref<128xi32, #tpu.memory_space<vmem>>) target_semaphore(%arg16 : memref<!tpu.dma_semaphore, #tpu.memory_space<semaphore_mem>>)
    %add3A_36 = arith.constant 128 : i32
    %add3A_37 = arith.addi %mul3A_17, %add3A_36 : i32
    %dma_start3A_38 = arith.constant 1 : i32
    %dma_start3A_39 = arith.constant 0 : i32
    %dma_start3A_40 = tpu.memref_slice %arg7[%dma_start3A_38, %dma_start3A_39] : memref<3x128xi32, #tpu.memory_space<vmem>> -> memref<1x128xi32, #tpu.memory_space<vmem>>
    %dma_start3A_41 = tpu.memref_squeeze %dma_start3A_40 : memref<1x128xi32, #tpu.memory_space<vmem>> -> memref<128xi32, #tpu.memory_space<vmem>>
    %dma_start3A_42 = tpu.memref_slice %arg4[%add3A_37] : memref<327680xi32, #tpu.memory_space<hbm>> -> memref<128xi32, #tpu.memory_space<hbm>>
    %dma_start3A_43 = arith.constant 0 : i32
    %dma_start3A_44 = tpu.memref_slice %arg7[%dma_start3A_38, %dma_start3A_43] : memref<3x128xi32, #tpu.memory_space<vmem>> -> memref<1x128xi32, #tpu.memory_space<vmem>>
    %dma_start3A_45 = tpu.memref_squeeze %dma_start3A_44 : memref<1x128xi32, #tpu.memory_space<vmem>> -> memref<128xi32, #tpu.memory_space<vmem>>
    %dma_start3A_46 = tpu.memref_slice %arg4[%add3A_37] : memref<327680xi32, #tpu.memory_space<hbm>> -> memref<128xi32, #tpu.memory_space<hbm>>
    tpu.enqueue_dma source(%dma_start3A_46 : memref<128xi32, #tpu.memory_space<hbm>>) target(%dma_start3A_45 : memref<128xi32, #tpu.memory_space<vmem>>) target_semaphore(%arg14 : memref<!tpu.dma_semaphore, #tpu.memory_space<semaphore_mem>>)
    %dma_start3A_47 = arith.constant 1 : i32
    %dma_start3A_48 = arith.constant 0 : i32
    %dma_start3A_49 = tpu.memref_slice %arg8[%dma_start3A_47, %dma_start3A_48] : memref<3x128xi32, #tpu.memory_space<vmem>> -> memref<1x128xi32, #tpu.memory_space<vmem>>
    %dma_start3A_50 = tpu.memref_squeeze %dma_start3A_49 : memref<1x128xi32, #tpu.memory_space<vmem>> -> memref<128xi32, #tpu.memory_space<vmem>>
    %dma_start3A_51 = tpu.memref_slice %arg5[%add3A_37] : memref<327680xi32, #tpu.memory_space<hbm>> -> memref<128xi32, #tpu.memory_space<hbm>>
    %dma_start3A_52 = arith.constant 0 : i32
    %dma_start3A_53 = tpu.memref_slice %arg8[%dma_start3A_47, %dma_start3A_52] : memref<3x128xi32, #tpu.memory_space<vmem>> -> memref<1x128xi32, #tpu.memory_space<vmem>>
    %dma_start3A_54 = tpu.memref_squeeze %dma_start3A_53 : memref<1x128xi32, #tpu.memory_space<vmem>> -> memref<128xi32, #tpu.memory_space<vmem>>
    %dma_start3A_55 = tpu.memref_slice %arg5[%add3A_37] : memref<327680xi32, #tpu.memory_space<hbm>> -> memref<128xi32, #tpu.memory_space<hbm>>
    tpu.enqueue_dma source(%dma_start3A_55 : memref<128xi32, #tpu.memory_space<hbm>>) target(%dma_start3A_54 : memref<128xi32, #tpu.memory_space<vmem>>) target_semaphore(%arg17 : memref<!tpu.dma_semaphore, #tpu.memory_space<semaphore_mem>>)
    %dma_wait3A = arith.constant 0 : i32
    %dma_wait3A_56 = arith.constant 0 : i32
    %dma_wait3A_57 = tpu.memref_slice %arg7[%dma_wait3A, %dma_wait3A_56] : memref<3x128xi32, #tpu.memory_space<vmem>> -> memref<1x128xi32, #tpu.memory_space<vmem>>
    %dma_wait3A_58 = tpu.memref_squeeze %dma_wait3A_57 : memref<1x128xi32, #tpu.memory_space<vmem>> -> memref<128xi32, #tpu.memory_space<vmem>>
    %dma_wait3A_59 = arith.constant 0 : i32
    %dma_wait3A_60 = tpu.memref_slice %arg4[%dma_wait3A_59] : memref<327680xi32, #tpu.memory_space<hbm>> -> memref<128xi32, #tpu.memory_space<hbm>>
    %dma_wait3A_61 = arith.constant 0 : i32
    %dma_wait3A_62 = tpu.memref_slice %arg7[%dma_wait3A, %dma_wait3A_61] : memref<3x128xi32, #tpu.memory_space<vmem>> -> memref<1x128xi32, #tpu.memory_space<vmem>>
    %dma_wait3A_63 = tpu.memref_squeeze %dma_wait3A_62 : memref<1x128xi32, #tpu.memory_space<vmem>> -> memref<128xi32, #tpu.memory_space<vmem>>
    %dma_wait3A_64 = arith.constant 0 : i32
    %dma_wait3A_65 = tpu.memref_slice %arg4[%dma_wait3A_64] : memref<327680xi32, #tpu.memory_space<hbm>> -> memref<128xi32, #tpu.memory_space<hbm>>
    tpu.wait_dma2 semaphore(%arg13 : memref<!tpu.dma_semaphore, #tpu.memory_space<semaphore_mem>>) src(%dma_wait3A_65 : memref<128xi32, #tpu.memory_space<hbm>>) dst(%dma_wait3A_63 : memref<128xi32, #tpu.memory_space<vmem>>)
    %dma_wait3A_66 = arith.constant 0 : i32
    %dma_wait3A_67 = arith.constant 0 : i32
    %dma_wait3A_68 = tpu.memref_slice %arg8[%dma_wait3A_66, %dma_wait3A_67] : memref<3x128xi32, #tpu.memory_space<vmem>> -> memref<1x128xi32, #tpu.memory_space<vmem>>
    %dma_wait3A_69 = tpu.memref_squeeze %dma_wait3A_68 : memref<1x128xi32, #tpu.memory_space<vmem>> -> memref<128xi32, #tpu.memory_space<vmem>>
    %dma_wait3A_70 = arith.constant 0 : i32
    %dma_wait3A_71 = tpu.memref_slice %arg5[%dma_wait3A_70] : memref<327680xi32, #tpu.memory_space<hbm>> -> memref<128xi32, #tpu.memory_space<hbm>>
    %dma_wait3A_72 = arith.constant 0 : i32
    %dma_wait3A_73 = tpu.memref_slice %arg8[%dma_wait3A_66, %dma_wait3A_72] : memref<3x128xi32, #tpu.memory_space<vmem>> -> memref<1x128xi32, #tpu.memory_space<vmem>>
    %dma_wait3A_74 = tpu.memref_squeeze %dma_wait3A_73 : memref<1x128xi32, #tpu.memory_space<vmem>> -> memref<128xi32, #tpu.memory_space<vmem>>
    %dma_wait3A_75 = arith.constant 0 : i32
    %dma_wait3A_76 = tpu.memref_slice %arg5[%dma_wait3A_75] : memref<327680xi32, #tpu.memory_space<hbm>> -> memref<128xi32, #tpu.memory_space<hbm>>
    tpu.wait_dma2 semaphore(%arg16 : memref<!tpu.dma_semaphore, #tpu.memory_space<semaphore_mem>>) src(%dma_wait3A_76 : memref<128xi32, #tpu.memory_space<hbm>>) dst(%dma_wait3A_74 : memref<128xi32, #tpu.memory_space<vmem>>)
    %dma_start3A_77 = arith.constant 0 : i32
    %dma_start3A_78 = arith.constant 0 : i32
    %dma_start3A_79 = arith.constant 0 : i32
    %dma_start3A_80 = arith.constant 0 : i32
    %dma_start3A_81 = tpu.memref_slice %arg9[%dma_start3A_78, %dma_start3A_79, %dma_start3A_80] : memref<3x128x32xf32, #tpu.memory_space<vmem>> -> memref<1x128x32xf32, #tpu.memory_space<vmem>>
    %dma_start3A_82 = tpu.memref_squeeze %dma_start3A_81 : memref<1x128x32xf32, #tpu.memory_space<vmem>> -> memref<128x32xf32, #tpu.memory_space<vmem>>
    %dma_start3A_83 = arith.constant 0 : i32
    %dma_start3A_84 = tpu.memref_slice %arg7[%dma_start3A_77, %dma_start3A_83] : memref<3x128xi32, #tpu.memory_space<vmem>> -> memref<1x128xi32, #tpu.memory_space<vmem>>
    %dma_start3A_85 = tpu.memref_squeeze %dma_start3A_84 : memref<1x128xi32, #tpu.memory_space<vmem>> -> memref<128xi32, #tpu.memory_space<vmem>>
    %dma_start3A_86 = arith.constant 0 : i32
    %dma_start3A_87 = arith.constant 0 : i32
    %dma_start3A_88 = tpu.memref_slice %arg11[%dma_start3A_86, %dma_start3A_87] : memref<10240x32xf32, #tpu.memory_space<vmem_shared>> -> memref<10240x32xf32, #tpu.memory_space<vmem_shared>>
    tpu.enqueue_indirect_dma source(%dma_start3A_88 : memref<10240x32xf32, #tpu.memory_space<vmem_shared>>) target(%dma_start3A_82 : memref<128x32xf32, #tpu.memory_space<vmem>>) offsets(%dma_start3A_85 : memref<128xi32, #tpu.memory_space<vmem>>) semaphore(%arg19 : memref<!tpu.dma_semaphore, #tpu.memory_space<semaphore_mem>>)
    %dma_wait3A_89 = arith.constant 0 : i32
    %dma_wait3A_90 = arith.constant 0 : i32
    %dma_wait3A_91 = arith.constant 0 : i32
    %dma_wait3A_92 = arith.constant 0 : i32
    %dma_wait3A_93 = tpu.memref_slice %arg9[%dma_wait3A_90, %dma_wait3A_91, %dma_wait3A_92] : memref<3x128x32xf32, #tpu.memory_space<vmem>> -> memref<1x128x32xf32, #tpu.memory_space<vmem>>
    %dma_wait3A_94 = tpu.memref_squeeze %dma_wait3A_93 : memref<1x128x32xf32, #tpu.memory_space<vmem>> -> memref<128x32xf32, #tpu.memory_space<vmem>>
    %dma_wait3A_95 = arith.constant 0 : i32
    %dma_wait3A_96 = tpu.memref_slice %arg7[%dma_wait3A_89, %dma_wait3A_95] : memref<3x128xi32, #tpu.memory_space<vmem>> -> memref<1x128xi32, #tpu.memory_space<vmem>>
    %dma_wait3A_97 = tpu.memref_squeeze %dma_wait3A_96 : memref<1x128xi32, #tpu.memory_space<vmem>> -> memref<128xi32, #tpu.memory_space<vmem>>
    %dma_wait3A_98 = arith.constant 0 : i32
    %dma_wait3A_99 = arith.constant 0 : i32
    %dma_wait3A_100 = tpu.memref_slice %arg11[%dma_wait3A_98, %dma_wait3A_99] : memref<10240x32xf32, #tpu.memory_space<vmem_shared>> -> memref<10240x32xf32, #tpu.memory_space<vmem_shared>>
    tpu.wait_indirect_dma semaphore(%arg19 : memref<!tpu.dma_semaphore, #tpu.memory_space<semaphore_mem>>) src(%dma_wait3A_100 : memref<10240x32xf32, #tpu.memory_space<vmem_shared>>) dst(%dma_wait3A_94 : memref<128x32xf32, #tpu.memory_space<vmem>>)
    %dma_start3A_101 = arith.constant 0 : i32
    %dma_start3A_102 = arith.constant 0 : i32
    %dma_start3A_103 = arith.constant 0 : i32
    %dma_start3A_104 = arith.constant 0 : i32
    %dma_start3A_105 = tpu.memref_slice %arg9[%dma_start3A_101, %dma_start3A_103, %dma_start3A_104] : memref<3x128x32xf32, #tpu.memory_space<vmem>> -> memref<1x128x32xf32, #tpu.memory_space<vmem>>
    %dma_start3A_106 = tpu.memref_squeeze %dma_start3A_105 : memref<1x128x32xf32, #tpu.memory_space<vmem>> -> memref<128x32xf32, #tpu.memory_space<vmem>>
    %dma_start3A_107 = arith.constant 0 : i32
    %dma_start3A_108 = tpu.memref_slice %arg8[%dma_start3A_102, %dma_start3A_107] : memref<3x128xi32, #tpu.memory_space<vmem>> -> memref<1x128xi32, #tpu.memory_space<vmem>>
    %dma_start3A_109 = tpu.memref_squeeze %dma_start3A_108 : memref<1x128xi32, #tpu.memory_space<vmem>> -> memref<128xi32, #tpu.memory_space<vmem>>
    %dma_start3A_110 = arith.constant 0 : i32
    %dma_start3A_111 = arith.constant 0 : i32
    %dma_start3A_112 = tpu.memref_slice %arg12[%dma_start3A_110, %dma_start3A_111] : memref<10240x32xf32, #tpu.memory_space<vmem_shared>> -> memref<10240x32xf32, #tpu.memory_space<vmem_shared>>
    tpu.enqueue_indirect_dma source(%dma_start3A_106 : memref<128x32xf32, #tpu.memory_space<vmem>>) target(%dma_start3A_112 : memref<10240x32xf32, #tpu.memory_space<vmem_shared>>) offsets(%dma_start3A_109 : memref<128xi32, #tpu.memory_space<vmem>>) semaphore(%arg22 : memref<!tpu.dma_semaphore, #tpu.memory_space<semaphore_mem>>) {add = true}
    %add3A_113 = arith.constant 256 : i32
    %add3A_114 = arith.addi %mul3A_17, %add3A_113 : i32
    %dma_start3A_115 = arith.constant 2 : i32
    %dma_start3A_116 = arith.constant 0 : i32
    %dma_start3A_117 = tpu.memref_slice %arg7[%dma_start3A_115, %dma_start3A_116] : memref<3x128xi32, #tpu.memory_space<vmem>> -> memref<1x128xi32, #tpu.memory_space<vmem>>
    %dma_start3A_118 = tpu.memref_squeeze %dma_start3A_117 : memref<1x128xi32, #tpu.memory_space<vmem>> -> memref<128xi32, #tpu.memory_space<vmem>>
    %dma_start3A_119 = tpu.memref_slice %arg4[%add3A_114] : memref<327680xi32, #tpu.memory_space<hbm>> -> memref<128xi32, #tpu.memory_space<hbm>>
    %dma_start3A_120 = arith.constant 0 : i32
    %dma_start3A_121 = tpu.memref_slice %arg7[%dma_start3A_115, %dma_start3A_120] : memref<3x128xi32, #tpu.memory_space<vmem>> -> memref<1x128xi32, #tpu.memory_space<vmem>>
    %dma_start3A_122 = tpu.memref_squeeze %dma_start3A_121 : memref<1x128xi32, #tpu.memory_space<vmem>> -> memref<128xi32, #tpu.memory_space<vmem>>
    %dma_start3A_123 = tpu.memref_slice %arg4[%add3A_114] : memref<327680xi32, #tpu.memory_space<hbm>> -> memref<128xi32, #tpu.memory_space<hbm>>
    tpu.enqueue_dma source(%dma_start3A_123 : memref<128xi32, #tpu.memory_space<hbm>>) target(%dma_start3A_122 : memref<128xi32, #tpu.memory_space<vmem>>) target_semaphore(%arg15 : memref<!tpu.dma_semaphore, #tpu.memory_space<semaphore_mem>>)
    %dma_start3A_124 = arith.constant 2 : i32
    %dma_start3A_125 = arith.constant 0 : i32
    %dma_start3A_126 = tpu.memref_slice %arg8[%dma_start3A_124, %dma_start3A_125] : memref<3x128xi32, #tpu.memory_space<vmem>> -> memref<1x128xi32, #tpu.memory_space<vmem>>
    %dma_start3A_127 = tpu.memref_squeeze %dma_start3A_126 : memref<1x128xi32, #tpu.memory_space<vmem>> -> memref<128xi32, #tpu.memory_space<vmem>>
    %dma_start3A_128 = tpu.memref_slice %arg5[%add3A_114] : memref<327680xi32, #tpu.memory_space<hbm>> -> memref<128xi32, #tpu.memory_space<hbm>>
    %dma_start3A_129 = arith.constant 0 : i32
    %dma_start3A_130 = tpu.memref_slice %arg8[%dma_start3A_124, %dma_start3A_129] : memref<3x128xi32, #tpu.memory_space<vmem>> -> memref<1x128xi32, #tpu.memory_space<vmem>>
    %dma_start3A_131 = tpu.memref_squeeze %dma_start3A_130 : memref<1x128xi32, #tpu.memory_space<vmem>> -> memref<128xi32, #tpu.memory_space<vmem>>
    %dma_start3A_132 = tpu.memref_slice %arg5[%add3A_114] : memref<327680xi32, #tpu.memory_space<hbm>> -> memref<128xi32, #tpu.memory_space<hbm>>
    tpu.enqueue_dma source(%dma_start3A_132 : memref<128xi32, #tpu.memory_space<hbm>>) target(%dma_start3A_131 : memref<128xi32, #tpu.memory_space<vmem>>) target_semaphore(%arg18 : memref<!tpu.dma_semaphore, #tpu.memory_space<semaphore_mem>>)
    %dma_wait3A_133 = arith.constant 1 : i32
    %dma_wait3A_134 = arith.constant 0 : i32
    %dma_wait3A_135 = tpu.memref_slice %arg7[%dma_wait3A_133, %dma_wait3A_134] : memref<3x128xi32, #tpu.memory_space<vmem>> -> memref<1x128xi32, #tpu.memory_space<vmem>>
    %dma_wait3A_136 = tpu.memref_squeeze %dma_wait3A_135 : memref<1x128xi32, #tpu.memory_space<vmem>> -> memref<128xi32, #tpu.memory_space<vmem>>
    %dma_wait3A_137 = arith.constant 0 : i32
    %dma_wait3A_138 = tpu.memref_slice %arg4[%dma_wait3A_137] : memref<327680xi32, #tpu.memory_space<hbm>> -> memref<128xi32, #tpu.memory_space<hbm>>
    %dma_wait3A_139 = arith.constant 0 : i32
    %dma_wait3A_140 = tpu.memref_slice %arg7[%dma_wait3A_133, %dma_wait3A_139] : memref<3x128xi32, #tpu.memory_space<vmem>> -> memref<1x128xi32, #tpu.memory_space<vmem>>
    %dma_wait3A_141 = tpu.memref_squeeze %dma_wait3A_140 : memref<1x128xi32, #tpu.memory_space<vmem>> -> memref<128xi32, #tpu.memory_space<vmem>>
    %dma_wait3A_142 = arith.constant 0 : i32
    %dma_wait3A_143 = tpu.memref_slice %arg4[%dma_wait3A_142] : memref<327680xi32, #tpu.memory_space<hbm>> -> memref<128xi32, #tpu.memory_space<hbm>>
    tpu.wait_dma2 semaphore(%arg14 : memref<!tpu.dma_semaphore, #tpu.memory_space<semaphore_mem>>) src(%dma_wait3A_143 : memref<128xi32, #tpu.memory_space<hbm>>) dst(%dma_wait3A_141 : memref<128xi32, #tpu.memory_space<vmem>>)
    %dma_wait3A_144 = arith.constant 1 : i32
    %dma_wait3A_145 = arith.constant 0 : i32
    %dma_wait3A_146 = tpu.memref_slice %arg8[%dma_wait3A_144, %dma_wait3A_145] : memref<3x128xi32, #tpu.memory_space<vmem>> -> memref<1x128xi32, #tpu.memory_space<vmem>>
    %dma_wait3A_147 = tpu.memref_squeeze %dma_wait3A_146 : memref<1x128xi32, #tpu.memory_space<vmem>> -> memref<128xi32, #tpu.memory_space<vmem>>
    %dma_wait3A_148 = arith.constant 0 : i32
    %dma_wait3A_149 = tpu.memref_slice %arg5[%dma_wait3A_148] : memref<327680xi32, #tpu.memory_space<hbm>> -> memref<128xi32, #tpu.memory_space<hbm>>
    %dma_wait3A_150 = arith.constant 0 : i32
    %dma_wait3A_151 = tpu.memref_slice %arg8[%dma_wait3A_144, %dma_wait3A_150] : memref<3x128xi32, #tpu.memory_space<vmem>> -> memref<1x128xi32, #tpu.memory_space<vmem>>
    %dma_wait3A_152 = tpu.memref_squeeze %dma_wait3A_151 : memref<1x128xi32, #tpu.memory_space<vmem>> -> memref<128xi32, #tpu.memory_space<vmem>>
    %dma_wait3A_153 = arith.constant 0 : i32
    %dma_wait3A_154 = tpu.memref_slice %arg5[%dma_wait3A_153] : memref<327680xi32, #tpu.memory_space<hbm>> -> memref<128xi32, #tpu.memory_space<hbm>>
    tpu.wait_dma2 semaphore(%arg17 : memref<!tpu.dma_semaphore, #tpu.memory_space<semaphore_mem>>) src(%dma_wait3A_154 : memref<128xi32, #tpu.memory_space<hbm>>) dst(%dma_wait3A_152 : memref<128xi32, #tpu.memory_space<vmem>>)
    %dma_start3A_155 = arith.constant 1 : i32
    %dma_start3A_156 = arith.constant 1 : i32
    %dma_start3A_157 = arith.constant 0 : i32
    %dma_start3A_158 = arith.constant 0 : i32
    %dma_start3A_159 = tpu.memref_slice %arg9[%dma_start3A_156, %dma_start3A_157, %dma_start3A_158] : memref<3x128x32xf32, #tpu.memory_space<vmem>> -> memref<1x128x32xf32, #tpu.memory_space<vmem>>
    %dma_start3A_160 = tpu.memref_squeeze %dma_start3A_159 : memref<1x128x32xf32, #tpu.memory_space<vmem>> -> memref<128x32xf32, #tpu.memory_space<vmem>>
    %dma_start3A_161 = arith.constant 0 : i32
    %dma_start3A_162 = tpu.memref_slice %arg7[%dma_start3A_155, %dma_start3A_161] : memref<3x128xi32, #tpu.memory_space<vmem>> -> memref<1x128xi32, #tpu.memory_space<vmem>>
    %dma_start3A_163 = tpu.memref_squeeze %dma_start3A_162 : memref<1x128xi32, #tpu.memory_space<vmem>> -> memref<128xi32, #tpu.memory_space<vmem>>
    %dma_start3A_164 = arith.constant 0 : i32
    %dma_start3A_165 = arith.constant 0 : i32
    %dma_start3A_166 = tpu.memref_slice %arg11[%dma_start3A_164, %dma_start3A_165] : memref<10240x32xf32, #tpu.memory_space<vmem_shared>> -> memref<10240x32xf32, #tpu.memory_space<vmem_shared>>
    tpu.enqueue_indirect_dma source(%dma_start3A_166 : memref<10240x32xf32, #tpu.memory_space<vmem_shared>>) target(%dma_start3A_160 : memref<128x32xf32, #tpu.memory_space<vmem>>) offsets(%dma_start3A_163 : memref<128xi32, #tpu.memory_space<vmem>>) semaphore(%arg20 : memref<!tpu.dma_semaphore, #tpu.memory_space<semaphore_mem>>)
    %dma_wait3A_167 = arith.constant 1 : i32
    %dma_wait3A_168 = arith.constant 1 : i32
    %dma_wait3A_169 = arith.constant 0 : i32
    %dma_wait3A_170 = arith.constant 0 : i32
    %dma_wait3A_171 = tpu.memref_slice %arg9[%dma_wait3A_168, %dma_wait3A_169, %dma_wait3A_170] : memref<3x128x32xf32, #tpu.memory_space<vmem>> -> memref<1x128x32xf32, #tpu.memory_space<vmem>>
    %dma_wait3A_172 = tpu.memref_squeeze %dma_wait3A_171 : memref<1x128x32xf32, #tpu.memory_space<vmem>> -> memref<128x32xf32, #tpu.memory_space<vmem>>
    %dma_wait3A_173 = arith.constant 0 : i32
    %dma_wait3A_174 = tpu.memref_slice %arg7[%dma_wait3A_167, %dma_wait3A_173] : memref<3x128xi32, #tpu.memory_space<vmem>> -> memref<1x128xi32, #tpu.memory_space<vmem>>
    %dma_wait3A_175 = tpu.memref_squeeze %dma_wait3A_174 : memref<1x128xi32, #tpu.memory_space<vmem>> -> memref<128xi32, #tpu.memory_space<vmem>>
    %dma_wait3A_176 = arith.constant 0 : i32
    %dma_wait3A_177 = arith.constant 0 : i32
    %dma_wait3A_178 = tpu.memref_slice %arg11[%dma_wait3A_176, %dma_wait3A_177] : memref<10240x32xf32, #tpu.memory_space<vmem_shared>> -> memref<10240x32xf32, #tpu.memory_space<vmem_shared>>
    tpu.wait_indirect_dma semaphore(%arg20 : memref<!tpu.dma_semaphore, #tpu.memory_space<semaphore_mem>>) src(%dma_wait3A_178 : memref<10240x32xf32, #tpu.memory_space<vmem_shared>>) dst(%dma_wait3A_172 : memref<128x32xf32, #tpu.memory_space<vmem>>)
    %dma_start3A_179 = arith.constant 1 : i32
    %dma_start3A_180 = arith.constant 1 : i32
    %dma_start3A_181 = arith.constant 0 : i32
    %dma_start3A_182 = arith.constant 0 : i32
    %dma_start3A_183 = tpu.memref_slice %arg9[%dma_start3A_179, %dma_start3A_181, %dma_start3A_182] : memref<3x128x32xf32, #tpu.memory_space<vmem>> -> memref<1x128x32xf32, #tpu.memory_space<vmem>>
    %dma_start3A_184 = tpu.memref_squeeze %dma_start3A_183 : memref<1x128x32xf32, #tpu.memory_space<vmem>> -> memref<128x32xf32, #tpu.memory_space<vmem>>
    %dma_start3A_185 = arith.constant 0 : i32
    %dma_start3A_186 = tpu.memref_slice %arg8[%dma_start3A_180, %dma_start3A_185] : memref<3x128xi32, #tpu.memory_space<vmem>> -> memref<1x128xi32, #tpu.memory_space<vmem>>
    %dma_start3A_187 = tpu.memref_squeeze %dma_start3A_186 : memref<1x128xi32, #tpu.memory_space<vmem>> -> memref<128xi32, #tpu.memory_space<vmem>>
    %dma_start3A_188 = arith.constant 0 : i32
    %dma_start3A_189 = arith.constant 0 : i32
    %dma_start3A_190 = tpu.memref_slice %arg12[%dma_start3A_188, %dma_start3A_189] : memref<10240x32xf32, #tpu.memory_space<vmem_shared>> -> memref<10240x32xf32, #tpu.memory_space<vmem_shared>>
    tpu.enqueue_indirect_dma source(%dma_start3A_184 : memref<128x32xf32, #tpu.memory_space<vmem>>) target(%dma_start3A_190 : memref<10240x32xf32, #tpu.memory_space<vmem_shared>>) offsets(%dma_start3A_187 : memref<128xi32, #tpu.memory_space<vmem>>) semaphore(%arg23 : memref<!tpu.dma_semaphore, #tpu.memory_space<semaphore_mem>>) {add = true}
    %dma_wait3A_191 = arith.constant 0 : i32
    %dma_wait3A_192 = arith.constant 0 : i32
    %dma_wait3A_193 = arith.constant 0 : i32
    %dma_wait3A_194 = arith.constant 0 : i32
    %dma_wait3A_195 = tpu.memref_slice %arg9[%dma_wait3A_191, %dma_wait3A_193, %dma_wait3A_194] : memref<3x128x32xf32, #tpu.memory_space<vmem>> -> memref<1x128x32xf32, #tpu.memory_space<vmem>>
    %dma_wait3A_196 = tpu.memref_squeeze %dma_wait3A_195 : memref<1x128x32xf32, #tpu.memory_space<vmem>> -> memref<128x32xf32, #tpu.memory_space<vmem>>
    %dma_wait3A_197 = arith.constant 0 : i32
    %dma_wait3A_198 = tpu.memref_slice %arg8[%dma_wait3A_192, %dma_wait3A_197] : memref<3x128xi32, #tpu.memory_space<vmem>> -> memref<1x128xi32, #tpu.memory_space<vmem>>
    %dma_wait3A_199 = tpu.memref_squeeze %dma_wait3A_198 : memref<1x128xi32, #tpu.memory_space<vmem>> -> memref<128xi32, #tpu.memory_space<vmem>>
    %dma_wait3A_200 = arith.constant 0 : i32
    %dma_wait3A_201 = arith.constant 0 : i32
    %dma_wait3A_202 = tpu.memref_slice %arg12[%dma_wait3A_200, %dma_wait3A_201] : memref<10240x32xf32, #tpu.memory_space<vmem_shared>> -> memref<10240x32xf32, #tpu.memory_space<vmem_shared>>
    tpu.wait_indirect_dma semaphore(%arg22 : memref<!tpu.dma_semaphore, #tpu.memory_space<semaphore_mem>>) src(%dma_wait3A_196 : memref<128x32xf32, #tpu.memory_space<vmem>>) dst(%dma_wait3A_202 : memref<10240x32xf32, #tpu.memory_space<vmem_shared>>)
    %add3A_203 = arith.constant 384 : i32
    %add3A_204 = arith.addi %mul3A_17, %add3A_203 : i32
    %dma_start3A_205 = arith.constant 0 : i32
    %dma_start3A_206 = arith.constant 0 : i32
    %dma_start3A_207 = tpu.memref_slice %arg7[%dma_start3A_205, %dma_start3A_206] : memref<3x128xi32, #tpu.memory_space<vmem>> -> memref<1x128xi32, #tpu.memory_space<vmem>>
    %dma_start3A_208 = tpu.memref_squeeze %dma_start3A_207 : memref<1x128xi32, #tpu.memory_space<vmem>> -> memref<128xi32, #tpu.memory_space<vmem>>
    %dma_start3A_209 = tpu.memref_slice %arg4[%add3A_204] : memref<327680xi32, #tpu.memory_space<hbm>> -> memref<128xi32, #tpu.memory_space<hbm>>
    %dma_start3A_210 = arith.constant 0 : i32
    %dma_start3A_211 = tpu.memref_slice %arg7[%dma_start3A_205, %dma_start3A_210] : memref<3x128xi32, #tpu.memory_space<vmem>> -> memref<1x128xi32, #tpu.memory_space<vmem>>
    %dma_start3A_212 = tpu.memref_squeeze %dma_start3A_211 : memref<1x128xi32, #tpu.memory_space<vmem>> -> memref<128xi32, #tpu.memory_space<vmem>>
    %dma_start3A_213 = tpu.memref_slice %arg4[%add3A_204] : memref<327680xi32, #tpu.memory_space<hbm>> -> memref<128xi32, #tpu.memory_space<hbm>>
    tpu.enqueue_dma source(%dma_start3A_213 : memref<128xi32, #tpu.memory_space<hbm>>) target(%dma_start3A_212 : memref<128xi32, #tpu.memory_space<vmem>>) target_semaphore(%arg13 : memref<!tpu.dma_semaphore, #tpu.memory_space<semaphore_mem>>)
    %dma_start3A_214 = arith.constant 0 : i32
    %dma_start3A_215 = arith.constant 0 : i32
    %dma_start3A_216 = tpu.memref_slice %arg8[%dma_start3A_214, %dma_start3A_215] : memref<3x128xi32, #tpu.memory_space<vmem>> -> memref<1x128xi32, #tpu.memory_space<vmem>>
    %dma_start3A_217 = tpu.memref_squeeze %dma_start3A_216 : memref<1x128xi32, #tpu.memory_space<vmem>> -> memref<128xi32, #tpu.memory_space<vmem>>
    %dma_start3A_218 = tpu.memref_slice %arg5[%add3A_204] : memref<327680xi32, #tpu.memory_space<hbm>> -> memref<128xi32, #tpu.memory_space<hbm>>
    %dma_start3A_219 = arith.constant 0 : i32
    %dma_start3A_220 = tpu.memref_slice %arg8[%dma_start3A_214, %dma_start3A_219] : memref<3x128xi32, #tpu.memory_space<vmem>> -> memref<1x128xi32, #tpu.memory_space<vmem>>
    %dma_start3A_221 = tpu.memref_squeeze %dma_start3A_220 : memref<1x128xi32, #tpu.memory_space<vmem>> -> memref<128xi32, #tpu.memory_space<vmem>>
    %dma_start3A_222 = tpu.memref_slice %arg5[%add3A_204] : memref<327680xi32, #tpu.memory_space<hbm>> -> memref<128xi32, #tpu.memory_space<hbm>>
    tpu.enqueue_dma source(%dma_start3A_222 : memref<128xi32, #tpu.memory_space<hbm>>) target(%dma_start3A_221 : memref<128xi32, #tpu.memory_space<vmem>>) target_semaphore(%arg16 : memref<!tpu.dma_semaphore, #tpu.memory_space<semaphore_mem>>)
    %dma_wait3A_223 = arith.constant 2 : i32
    %dma_wait3A_224 = arith.constant 0 : i32
    %dma_wait3A_225 = tpu.memref_slice %arg7[%dma_wait3A_223, %dma_wait3A_224] : memref<3x128xi32, #tpu.memory_space<vmem>> -> memref<1x128xi32, #tpu.memory_space<vmem>>
    %dma_wait3A_226 = tpu.memref_squeeze %dma_wait3A_225 : memref<1x128xi32, #tpu.memory_space<vmem>> -> memref<128xi32, #tpu.memory_space<vmem>>
    %dma_wait3A_227 = arith.constant 0 : i32
    %dma_wait3A_228 = tpu.memref_slice %arg4[%dma_wait3A_227] : memref<327680xi32, #tpu.memory_space<hbm>> -> memref<128xi32, #tpu.memory_space<hbm>>
    %dma_wait3A_229 = arith.constant 0 : i32
    %dma_wait3A_230 = tpu.memref_slice %arg7[%dma_wait3A_223, %dma_wait3A_229] : memref<3x128xi32, #tpu.memory_space<vmem>> -> memref<1x128xi32, #tpu.memory_space<vmem>>
    %dma_wait3A_231 = tpu.memref_squeeze %dma_wait3A_230 : memref<1x128xi32, #tpu.memory_space<vmem>> -> memref<128xi32, #tpu.memory_space<vmem>>
    %dma_wait3A_232 = arith.constant 0 : i32
    %dma_wait3A_233 = tpu.memref_slice %arg4[%dma_wait3A_232] : memref<327680xi32, #tpu.memory_space<hbm>> -> memref<128xi32, #tpu.memory_space<hbm>>
    tpu.wait_dma2 semaphore(%arg15 : memref<!tpu.dma_semaphore, #tpu.memory_space<semaphore_mem>>) src(%dma_wait3A_233 : memref<128xi32, #tpu.memory_space<hbm>>) dst(%dma_wait3A_231 : memref<128xi32, #tpu.memory_space<vmem>>)
    %dma_wait3A_234 = arith.constant 2 : i32
    %dma_wait3A_235 = arith.constant 0 : i32
    %dma_wait3A_236 = tpu.memref_slice %arg8[%dma_wait3A_234, %dma_wait3A_235] : memref<3x128xi32, #tpu.memory_space<vmem>> -> memref<1x128xi32, #tpu.memory_space<vmem>>
    %dma_wait3A_237 = tpu.memref_squeeze %dma_wait3A_236 : memref<1x128xi32, #tpu.memory_space<vmem>> -> memref<128xi32, #tpu.memory_space<vmem>>
    %dma_wait3A_238 = arith.constant 0 : i32
    %dma_wait3A_239 = tpu.memref_slice %arg5[%dma_wait3A_238] : memref<327680xi32, #tpu.memory_space<hbm>> -> memref<128xi32, #tpu.memory_space<hbm>>
    %dma_wait3A_240 = arith.constant 0 : i32
    %dma_wait3A_241 = tpu.memref_slice %arg8[%dma_wait3A_234, %dma_wait3A_240] : memref<3x128xi32, #tpu.memory_space<vmem>> -> memref<1x128xi32, #tpu.memory_space<vmem>>
    %dma_wait3A_242 = tpu.memref_squeeze %dma_wait3A_241 : memref<1x128xi32, #tpu.memory_space<vmem>> -> memref<128xi32, #tpu.memory_space<vmem>>
    %dma_wait3A_243 = arith.constant 0 : i32
    %dma_wait3A_244 = tpu.memref_slice %arg5[%dma_wait3A_243] : memref<327680xi32, #tpu.memory_space<hbm>> -> memref<128xi32, #tpu.memory_space<hbm>>
    tpu.wait_dma2 semaphore(%arg18 : memref<!tpu.dma_semaphore, #tpu.memory_space<semaphore_mem>>) src(%dma_wait3A_244 : memref<128xi32, #tpu.memory_space<hbm>>) dst(%dma_wait3A_242 : memref<128xi32, #tpu.memory_space<vmem>>)
    %dma_start3A_245 = arith.constant 2 : i32
    %dma_start3A_246 = arith.constant 2 : i32
    %dma_start3A_247 = arith.constant 0 : i32
    %dma_start3A_248 = arith.constant 0 : i32
    %dma_start3A_249 = tpu.memref_slice %arg9[%dma_start3A_246, %dma_start3A_247, %dma_start3A_248] : memref<3x128x32xf32, #tpu.memory_space<vmem>> -> memref<1x128x32xf32, #tpu.memory_space<vmem>>
    %dma_start3A_250 = tpu.memref_squeeze %dma_start3A_249 : memref<1x128x32xf32, #tpu.memory_space<vmem>> -> memref<128x32xf32, #tpu.memory_space<vmem>>
    %dma_start3A_251 = arith.constant 0 : i32
    %dma_start3A_252 = tpu.memref_slice %arg7[%dma_start3A_245, %dma_start3A_251] : memref<3x128xi32, #tpu.memory_space<vmem>> -> memref<1x128xi32, #tpu.memory_space<vmem>>
    %dma_start3A_253 = tpu.memref_squeeze %dma_start3A_252 : memref<1x128xi32, #tpu.memory_space<vmem>> -> memref<128xi32, #tpu.memory_space<vmem>>
    %dma_start3A_254 = arith.constant 0 : i32
    %dma_start3A_255 = arith.constant 0 : i32
    %dma_start3A_256 = tpu.memref_slice %arg11[%dma_start3A_254, %dma_start3A_255] : memref<10240x32xf32, #tpu.memory_space<vmem_shared>> -> memref<10240x32xf32, #tpu.memory_space<vmem_shared>>
    tpu.enqueue_indirect_dma source(%dma_start3A_256 : memref<10240x32xf32, #tpu.memory_space<vmem_shared>>) target(%dma_start3A_250 : memref<128x32xf32, #tpu.memory_space<vmem>>) offsets(%dma_start3A_253 : memref<128xi32, #tpu.memory_space<vmem>>) semaphore(%arg21 : memref<!tpu.dma_semaphore, #tpu.memory_space<semaphore_mem>>)
    %scan3A_257 = arith.constant 0 : i32
    %scan3A_258 = arith.constant 52 : i32
    %scan3A_259 = arith.addi %scan3A_257, %scan3A_258 : i32
    %scan3A_260 = arith.constant 1 : i32
    scf.for %scan3A_385 = %scan3A_257 to %scan3A_259 step %scan3A_260  : i32 {
      %mul3A_386 = arith.constant 1 : i32
      %mul3A_387 = arith.muli %scan3A_385, %mul3A_386 : i32
      %add3A_388 = arith.constant 0 : i32
      %add3A_389 = arith.addi %add3A_388, %mul3A_387 : i32
      %mul3A_390 = arith.constant 3 : i32
      %mul3A_391 = arith.muli %add3A_389, %mul3A_390 : i32
      %add3A_392 = arith.constant 2 : i32
      %add3A_393 = arith.addi %add3A_392, %mul3A_391 : i32
      %dma_wait3A_394 = arith.constant 2 : i32
      %dma_wait3A_395 = arith.constant 2 : i32
      %dma_wait3A_396 = arith.constant 0 : i32
      %dma_wait3A_397 = arith.constant 0 : i32
      %dma_wait3A_398 = tpu.memref_slice %arg9[%dma_wait3A_395, %dma_wait3A_396, %dma_wait3A_397] : memref<3x128x32xf32, #tpu.memory_space<vmem>> -> memref<1x128x32xf32, #tpu.memory_space<vmem>>
      %dma_wait3A_399 = tpu.memref_squeeze %dma_wait3A_398 : memref<1x128x32xf32, #tpu.memory_space<vmem>> -> memref<128x32xf32, #tpu.memory_space<vmem>>
      %dma_wait3A_400 = arith.constant 0 : i32
      %dma_wait3A_401 = tpu.memref_slice %arg7[%dma_wait3A_394, %dma_wait3A_400] : memref<3x128xi32, #tpu.memory_space<vmem>> -> memref<1x128xi32, #tpu.memory_space<vmem>>
      %dma_wait3A_402 = tpu.memref_squeeze %dma_wait3A_401 : memref<1x128xi32, #tpu.memory_space<vmem>> -> memref<128xi32, #tpu.memory_space<vmem>>
      %dma_wait3A_403 = arith.constant 0 : i32
      %dma_wait3A_404 = arith.constant 0 : i32
      %dma_wait3A_405 = tpu.memref_slice %arg11[%dma_wait3A_403, %dma_wait3A_404] : memref<10240x32xf32, #tpu.memory_space<vmem_shared>> -> memref<10240x32xf32, #tpu.memory_space<vmem_shared>>
      tpu.wait_indirect_dma semaphore(%arg21 : memref<!tpu.dma_semaphore, #tpu.memory_space<semaphore_mem>>) src(%dma_wait3A_405 : memref<10240x32xf32, #tpu.memory_space<vmem_shared>>) dst(%dma_wait3A_399 : memref<128x32xf32, #tpu.memory_space<vmem>>)
      %dma_start3A_406 = arith.constant 2 : i32
      %dma_start3A_407 = arith.constant 2 : i32
      %dma_start3A_408 = arith.constant 0 : i32
      %dma_start3A_409 = arith.constant 0 : i32
      %dma_start3A_410 = tpu.memref_slice %arg9[%dma_start3A_406, %dma_start3A_408, %dma_start3A_409] : memref<3x128x32xf32, #tpu.memory_space<vmem>> -> memref<1x128x32xf32, #tpu.memory_space<vmem>>
      %dma_start3A_411 = tpu.memref_squeeze %dma_start3A_410 : memref<1x128x32xf32, #tpu.memory_space<vmem>> -> memref<128x32xf32, #tpu.memory_space<vmem>>
      %dma_start3A_412 = arith.constant 0 : i32
      %dma_start3A_413 = tpu.memref_slice %arg8[%dma_start3A_407, %dma_start3A_412] : memref<3x128xi32, #tpu.memory_space<vmem>> -> memref<1x128xi32, #tpu.memory_space<vmem>>
      %dma_start3A_414 = tpu.memref_squeeze %dma_start3A_413 : memref<1x128xi32, #tpu.memory_space<vmem>> -> memref<128xi32, #tpu.memory_space<vmem>>
      %dma_start3A_415 = arith.constant 0 : i32
      %dma_start3A_416 = arith.constant 0 : i32
      %dma_start3A_417 = tpu.memref_slice %arg12[%dma_start3A_415, %dma_start3A_416] : memref<10240x32xf32, #tpu.memory_space<vmem_shared>> -> memref<10240x32xf32, #tpu.memory_space<vmem_shared>>
      tpu.enqueue_indirect_dma source(%dma_start3A_411 : memref<128x32xf32, #tpu.memory_space<vmem>>) target(%dma_start3A_417 : memref<10240x32xf32, #tpu.memory_space<vmem_shared>>) offsets(%dma_start3A_414 : memref<128xi32, #tpu.memory_space<vmem>>) semaphore(%arg24 : memref<!tpu.dma_semaphore, #tpu.memory_space<semaphore_mem>>) {add = true}
      %dma_wait3A_418 = arith.constant 1 : i32
      %dma_wait3A_419 = arith.constant 1 : i32
      %dma_wait3A_420 = arith.constant 0 : i32
      %dma_wait3A_421 = arith.constant 0 : i32
      %dma_wait3A_422 = tpu.memref_slice %arg9[%dma_wait3A_418, %dma_wait3A_420, %dma_wait3A_421] : memref<3x128x32xf32, #tpu.memory_space<vmem>> -> memref<1x128x32xf32, #tpu.memory_space<vmem>>
      %dma_wait3A_423 = tpu.memref_squeeze %dma_wait3A_422 : memref<1x128x32xf32, #tpu.memory_space<vmem>> -> memref<128x32xf32, #tpu.memory_space<vmem>>
      %dma_wait3A_424 = arith.constant 0 : i32
      %dma_wait3A_425 = tpu.memref_slice %arg8[%dma_wait3A_419, %dma_wait3A_424] : memref<3x128xi32, #tpu.memory_space<vmem>> -> memref<1x128xi32, #tpu.memory_space<vmem>>
      %dma_wait3A_426 = tpu.memref_squeeze %dma_wait3A_425 : memref<1x128xi32, #tpu.memory_space<vmem>> -> memref<128xi32, #tpu.memory_space<vmem>>
      %dma_wait3A_427 = arith.constant 0 : i32
      %dma_wait3A_428 = arith.constant 0 : i32
      %dma_wait3A_429 = tpu.memref_slice %arg12[%dma_wait3A_427, %dma_wait3A_428] : memref<10240x32xf32, #tpu.memory_space<vmem_shared>> -> memref<10240x32xf32, #tpu.memory_space<vmem_shared>>
      tpu.wait_indirect_dma semaphore(%arg23 : memref<!tpu.dma_semaphore, #tpu.memory_space<semaphore_mem>>) src(%dma_wait3A_423 : memref<128x32xf32, #tpu.memory_space<vmem>>) dst(%dma_wait3A_429 : memref<10240x32xf32, #tpu.memory_space<vmem_shared>>)
      %add3A_430 = arith.constant 0 : i32
      %add3A_431 = arith.addi %add3A_393, %add3A_430 : i32
      %add3A_432 = arith.constant 2 : i32
      %add3A_433 = arith.addi %add3A_431, %add3A_432 : i32
      %mul3A_434 = arith.constant 128 : i32
      %mul3A_435 = arith.muli %add3A_433, %mul3A_434 : i32
      %add3A_436 = arith.addi %mul3A_17, %mul3A_435 : i32
      %dma_start3A_437 = arith.constant 1 : i32
      %dma_start3A_438 = arith.constant 0 : i32
      %dma_start3A_439 = tpu.memref_slice %arg7[%dma_start3A_437, %dma_start3A_438] : memref<3x128xi32, #tpu.memory_space<vmem>> -> memref<1x128xi32, #tpu.memory_space<vmem>>
      %dma_start3A_440 = tpu.memref_squeeze %dma_start3A_439 : memref<1x128xi32, #tpu.memory_space<vmem>> -> memref<128xi32, #tpu.memory_space<vmem>>
      %dma_start3A_441 = tpu.memref_slice %arg4[%add3A_436] : memref<327680xi32, #tpu.memory_space<hbm>> -> memref<128xi32, #tpu.memory_space<hbm>>
      %dma_start3A_442 = arith.constant 0 : i32
      %dma_start3A_443 = tpu.memref_slice %arg7[%dma_start3A_437, %dma_start3A_442] : memref<3x128xi32, #tpu.memory_space<vmem>> -> memref<1x128xi32, #tpu.memory_space<vmem>>
      %dma_start3A_444 = tpu.memref_squeeze %dma_start3A_443 : memref<1x128xi32, #tpu.memory_space<vmem>> -> memref<128xi32, #tpu.memory_space<vmem>>
      %dma_start3A_445 = tpu.memref_slice %arg4[%add3A_436] : memref<327680xi32, #tpu.memory_space<hbm>> -> memref<128xi32, #tpu.memory_space<hbm>>
      tpu.enqueue_dma source(%dma_start3A_445 : memref<128xi32, #tpu.memory_space<hbm>>) target(%dma_start3A_444 : memref<128xi32, #tpu.memory_space<vmem>>) target_semaphore(%arg14 : memref<!tpu.dma_semaphore, #tpu.memory_space<semaphore_mem>>)
      %dma_start3A_446 = arith.constant 1 : i32
      %dma_start3A_447 = arith.constant 0 : i32
      %dma_start3A_448 = tpu.memref_slice %arg8[%dma_start3A_446, %dma_start3A_447] : memref<3x128xi32, #tpu.memory_space<vmem>> -> memref<1x128xi32, #tpu.memory_space<vmem>>
      %dma_start3A_449 = tpu.memref_squeeze %dma_start3A_448 : memref<1x128xi32, #tpu.memory_space<vmem>> -> memref<128xi32, #tpu.memory_space<vmem>>
      %dma_start3A_450 = tpu.memref_slice %arg5[%add3A_436] : memref<327680xi32, #tpu.memory_space<hbm>> -> memref<128xi32, #tpu.memory_space<hbm>>
      %dma_start3A_451 = arith.constant 0 : i32
      %dma_start3A_452 = tpu.memref_slice %arg8[%dma_start3A_446, %dma_start3A_451] : memref<3x128xi32, #tpu.memory_space<vmem>> -> memref<1x128xi32, #tpu.memory_space<vmem>>
      %dma_start3A_453 = tpu.memref_squeeze %dma_start3A_452 : memref<1x128xi32, #tpu.memory_space<vmem>> -> memref<128xi32, #tpu.memory_space<vmem>>
      %dma_start3A_454 = tpu.memref_slice %arg5[%add3A_436] : memref<327680xi32, #tpu.memory_space<hbm>> -> memref<128xi32, #tpu.memory_space<hbm>>
      tpu.enqueue_dma source(%dma_start3A_454 : memref<128xi32, #tpu.memory_space<hbm>>) target(%dma_start3A_453 : memref<128xi32, #tpu.memory_space<vmem>>) target_semaphore(%arg17 : memref<!tpu.dma_semaphore, #tpu.memory_space<semaphore_mem>>)
      %dma_wait3A_455 = arith.constant 0 : i32
      %dma_wait3A_456 = arith.constant 0 : i32
      %dma_wait3A_457 = tpu.memref_slice %arg7[%dma_wait3A_455, %dma_wait3A_456] : memref<3x128xi32, #tpu.memory_space<vmem>> -> memref<1x128xi32, #tpu.memory_space<vmem>>
      %dma_wait3A_458 = tpu.memref_squeeze %dma_wait3A_457 : memref<1x128xi32, #tpu.memory_space<vmem>> -> memref<128xi32, #tpu.memory_space<vmem>>
      %dma_wait3A_459 = arith.constant 0 : i32
      %dma_wait3A_460 = tpu.memref_slice %arg4[%dma_wait3A_459] : memref<327680xi32, #tpu.memory_space<hbm>> -> memref<128xi32, #tpu.memory_space<hbm>>
      %dma_wait3A_461 = arith.constant 0 : i32
      %dma_wait3A_462 = tpu.memref_slice %arg7[%dma_wait3A_455, %dma_wait3A_461] : memref<3x128xi32, #tpu.memory_space<vmem>> -> memref<1x128xi32, #tpu.memory_space<vmem>>
      %dma_wait3A_463 = tpu.memref_squeeze %dma_wait3A_462 : memref<1x128xi32, #tpu.memory_space<vmem>> -> memref<128xi32, #tpu.memory_space<vmem>>
      %dma_wait3A_464 = arith.constant 0 : i32
      %dma_wait3A_465 = tpu.memref_slice %arg4[%dma_wait3A_464] : memref<327680xi32, #tpu.memory_space<hbm>> -> memref<128xi32, #tpu.memory_space<hbm>>
      tpu.wait_dma2 semaphore(%arg13 : memref<!tpu.dma_semaphore, #tpu.memory_space<semaphore_mem>>) src(%dma_wait3A_465 : memref<128xi32, #tpu.memory_space<hbm>>) dst(%dma_wait3A_463 : memref<128xi32, #tpu.memory_space<vmem>>)
      %dma_wait3A_466 = arith.constant 0 : i32
      %dma_wait3A_467 = arith.constant 0 : i32
      %dma_wait3A_468 = tpu.memref_slice %arg8[%dma_wait3A_466, %dma_wait3A_467] : memref<3x128xi32, #tpu.memory_space<vmem>> -> memref<1x128xi32, #tpu.memory_space<vmem>>
      %dma_wait3A_469 = tpu.memref_squeeze %dma_wait3A_468 : memref<1x128xi32, #tpu.memory_space<vmem>> -> memref<128xi32, #tpu.memory_space<vmem>>
      %dma_wait3A_470 = arith.constant 0 : i32
      %dma_wait3A_471 = tpu.memref_slice %arg5[%dma_wait3A_470] : memref<327680xi32, #tpu.memory_space<hbm>> -> memref<128xi32, #tpu.memory_space<hbm>>
      %dma_wait3A_472 = arith.constant 0 : i32
      %dma_wait3A_473 = tpu.memref_slice %arg8[%dma_wait3A_466, %dma_wait3A_472] : memref<3x128xi32, #tpu.memory_space<vmem>> -> memref<1x128xi32, #tpu.memory_space<vmem>>
      %dma_wait3A_474 = tpu.memref_squeeze %dma_wait3A_473 : memref<1x128xi32, #tpu.memory_space<vmem>> -> memref<128xi32, #tpu.memory_space<vmem>>
      %dma_wait3A_475 = arith.constant 0 : i32
      %dma_wait3A_476 = tpu.memref_slice %arg5[%dma_wait3A_475] : memref<327680xi32, #tpu.memory_space<hbm>> -> memref<128xi32, #tpu.memory_space<hbm>>
      tpu.wait_dma2 semaphore(%arg16 : memref<!tpu.dma_semaphore, #tpu.memory_space<semaphore_mem>>) src(%dma_wait3A_476 : memref<128xi32, #tpu.memory_space<hbm>>) dst(%dma_wait3A_474 : memref<128xi32, #tpu.memory_space<vmem>>)
      %dma_start3A_477 = arith.constant 0 : i32
      %dma_start3A_478 = arith.constant 0 : i32
      %dma_start3A_479 = arith.constant 0 : i32
      %dma_start3A_480 = arith.constant 0 : i32
      %dma_start3A_481 = tpu.memref_slice %arg9[%dma_start3A_478, %dma_start3A_479, %dma_start3A_480] : memref<3x128x32xf32, #tpu.memory_space<vmem>> -> memref<1x128x32xf32, #tpu.memory_space<vmem>>
      %dma_start3A_482 = tpu.memref_squeeze %dma_start3A_481 : memref<1x128x32xf32, #tpu.memory_space<vmem>> -> memref<128x32xf32, #tpu.memory_space<vmem>>
      %dma_start3A_483 = arith.constant 0 : i32
      %dma_start3A_484 = tpu.memref_slice %arg7[%dma_start3A_477, %dma_start3A_483] : memref<3x128xi32, #tpu.memory_space<vmem>> -> memref<1x128xi32, #tpu.memory_space<vmem>>
      %dma_start3A_485 = tpu.memref_squeeze %dma_start3A_484 : memref<1x128xi32, #tpu.memory_space<vmem>> -> memref<128xi32, #tpu.memory_space<vmem>>
      %dma_start3A_486 = arith.constant 0 : i32
      %dma_start3A_487 = arith.constant 0 : i32
      %dma_start3A_488 = tpu.memref_slice %arg11[%dma_start3A_486, %dma_start3A_487] : memref<10240x32xf32, #tpu.memory_space<vmem_shared>> -> memref<10240x32xf32, #tpu.memory_space<vmem_shared>>
      tpu.enqueue_indirect_dma source(%dma_start3A_488 : memref<10240x32xf32, #tpu.memory_space<vmem_shared>>) target(%dma_start3A_482 : memref<128x32xf32, #tpu.memory_space<vmem>>) offsets(%dma_start3A_485 : memref<128xi32, #tpu.memory_space<vmem>>) semaphore(%arg19 : memref<!tpu.dma_semaphore, #tpu.memory_space<semaphore_mem>>)
      %dma_wait3A_489 = arith.constant 0 : i32
      %dma_wait3A_490 = arith.constant 0 : i32
      %dma_wait3A_491 = arith.constant 0 : i32
      %dma_wait3A_492 = arith.constant 0 : i32
      %dma_wait3A_493 = tpu.memref_slice %arg9[%dma_wait3A_490, %dma_wait3A_491, %dma_wait3A_492] : memref<3x128x32xf32, #tpu.memory_space<vmem>> -> memref<1x128x32xf32, #tpu.memory_space<vmem>>
      %dma_wait3A_494 = tpu.memref_squeeze %dma_wait3A_493 : memref<1x128x32xf32, #tpu.memory_space<vmem>> -> memref<128x32xf32, #tpu.memory_space<vmem>>
      %dma_wait3A_495 = arith.constant 0 : i32
      %dma_wait3A_496 = tpu.memref_slice %arg7[%dma_wait3A_489, %dma_wait3A_495] : memref<3x128xi32, #tpu.memory_space<vmem>> -> memref<1x128xi32, #tpu.memory_space<vmem>>
      %dma_wait3A_497 = tpu.memref_squeeze %dma_wait3A_496 : memref<1x128xi32, #tpu.memory_space<vmem>> -> memref<128xi32, #tpu.memory_space<vmem>>
      %dma_wait3A_498 = arith.constant 0 : i32
      %dma_wait3A_499 = arith.constant 0 : i32
      %dma_wait3A_500 = tpu.memref_slice %arg11[%dma_wait3A_498, %dma_wait3A_499] : memref<10240x32xf32, #tpu.memory_space<vmem_shared>> -> memref<10240x32xf32, #tpu.memory_space<vmem_shared>>
      tpu.wait_indirect_dma semaphore(%arg19 : memref<!tpu.dma_semaphore, #tpu.memory_space<semaphore_mem>>) src(%dma_wait3A_500 : memref<10240x32xf32, #tpu.memory_space<vmem_shared>>) dst(%dma_wait3A_494 : memref<128x32xf32, #tpu.memory_space<vmem>>)
      %dma_start3A_501 = arith.constant 0 : i32
      %dma_start3A_502 = arith.constant 0 : i32
      %dma_start3A_503 = arith.constant 0 : i32
      %dma_start3A_504 = arith.constant 0 : i32
      %dma_start3A_505 = tpu.memref_slice %arg9[%dma_start3A_501, %dma_start3A_503, %dma_start3A_504] : memref<3x128x32xf32, #tpu.memory_space<vmem>> -> memref<1x128x32xf32, #tpu.memory_space<vmem>>
      %dma_start3A_506 = tpu.memref_squeeze %dma_start3A_505 : memref<1x128x32xf32, #tpu.memory_space<vmem>> -> memref<128x32xf32, #tpu.memory_space<vmem>>
      %dma_start3A_507 = arith.constant 0 : i32
      %dma_start3A_508 = tpu.memref_slice %arg8[%dma_start3A_502, %dma_start3A_507] : memref<3x128xi32, #tpu.memory_space<vmem>> -> memref<1x128xi32, #tpu.memory_space<vmem>>
      %dma_start3A_509 = tpu.memref_squeeze %dma_start3A_508 : memref<1x128xi32, #tpu.memory_space<vmem>> -> memref<128xi32, #tpu.memory_space<vmem>>
      %dma_start3A_510 = arith.constant 0 : i32
      %dma_start3A_511 = arith.constant 0 : i32
      %dma_start3A_512 = tpu.memref_slice %arg12[%dma_start3A_510, %dma_start3A_511] : memref<10240x32xf32, #tpu.memory_space<vmem_shared>> -> memref<10240x32xf32, #tpu.memory_space<vmem_shared>>
      tpu.enqueue_indirect_dma source(%dma_start3A_506 : memref<128x32xf32, #tpu.memory_space<vmem>>) target(%dma_start3A_512 : memref<10240x32xf32, #tpu.memory_space<vmem_shared>>) offsets(%dma_start3A_509 : memref<128xi32, #tpu.memory_space<vmem>>) semaphore(%arg22 : memref<!tpu.dma_semaphore, #tpu.memory_space<semaphore_mem>>) {add = true}
      %dma_wait3A_513 = arith.constant 2 : i32
      %dma_wait3A_514 = arith.constant 2 : i32
      %dma_wait3A_515 = arith.constant 0 : i32
      %dma_wait3A_516 = arith.constant 0 : i32
      %dma_wait3A_517 = tpu.memref_slice %arg9[%dma_wait3A_513, %dma_wait3A_515, %dma_wait3A_516] : memref<3x128x32xf32, #tpu.memory_space<vmem>> -> memref<1x128x32xf32, #tpu.memory_space<vmem>>
      %dma_wait3A_518 = tpu.memref_squeeze %dma_wait3A_517 : memref<1x128x32xf32, #tpu.memory_space<vmem>> -> memref<128x32xf32, #tpu.memory_space<vmem>>
      %dma_wait3A_519 = arith.constant 0 : i32
      %dma_wait3A_520 = tpu.memref_slice %arg8[%dma_wait3A_514, %dma_wait3A_519] : memref<3x128xi32, #tpu.memory_space<vmem>> -> memref<1x128xi32, #tpu.memory_space<vmem>>
      %dma_wait3A_521 = tpu.memref_squeeze %dma_wait3A_520 : memref<1x128xi32, #tpu.memory_space<vmem>> -> memref<128xi32, #tpu.memory_space<vmem>>
      %dma_wait3A_522 = arith.constant 0 : i32
      %dma_wait3A_523 = arith.constant 0 : i32
      %dma_wait3A_524 = tpu.memref_slice %arg12[%dma_wait3A_522, %dma_wait3A_523] : memref<10240x32xf32, #tpu.memory_space<vmem_shared>> -> memref<10240x32xf32, #tpu.memory_space<vmem_shared>>
      tpu.wait_indirect_dma semaphore(%arg24 : memref<!tpu.dma_semaphore, #tpu.memory_space<semaphore_mem>>) src(%dma_wait3A_518 : memref<128x32xf32, #tpu.memory_space<vmem>>) dst(%dma_wait3A_524 : memref<10240x32xf32, #tpu.memory_space<vmem_shared>>)
      %add3A_525 = arith.constant 1 : i32
      %add3A_526 = arith.addi %add3A_393, %add3A_525 : i32
      %add3A_527 = arith.constant 2 : i32
      %add3A_528 = arith.addi %add3A_526, %add3A_527 : i32
      %mul3A_529 = arith.constant 128 : i32
      %mul3A_530 = arith.muli %add3A_528, %mul3A_529 : i32
      %add3A_531 = arith.addi %mul3A_17, %mul3A_530 : i32
      %dma_start3A_532 = arith.constant 2 : i32
      %dma_start3A_533 = arith.constant 0 : i32
      %dma_start3A_534 = tpu.memref_slice %arg7[%dma_start3A_532, %dma_start3A_533] : memref<3x128xi32, #tpu.memory_space<vmem>> -> memref<1x128xi32, #tpu.memory_space<vmem>>
      %dma_start3A_535 = tpu.memref_squeeze %dma_start3A_534 : memref<1x128xi32, #tpu.memory_space<vmem>> -> memref<128xi32, #tpu.memory_space<vmem>>
      %dma_start3A_536 = tpu.memref_slice %arg4[%add3A_531] : memref<327680xi32, #tpu.memory_space<hbm>> -> memref<128xi32, #tpu.memory_space<hbm>>
      %dma_start3A_537 = arith.constant 0 : i32
      %dma_start3A_538 = tpu.memref_slice %arg7[%dma_start3A_532, %dma_start3A_537] : memref<3x128xi32, #tpu.memory_space<vmem>> -> memref<1x128xi32, #tpu.memory_space<vmem>>
      %dma_start3A_539 = tpu.memref_squeeze %dma_start3A_538 : memref<1x128xi32, #tpu.memory_space<vmem>> -> memref<128xi32, #tpu.memory_space<vmem>>
      %dma_start3A_540 = tpu.memref_slice %arg4[%add3A_531] : memref<327680xi32, #tpu.memory_space<hbm>> -> memref<128xi32, #tpu.memory_space<hbm>>
      tpu.enqueue_dma source(%dma_start3A_540 : memref<128xi32, #tpu.memory_space<hbm>>) target(%dma_start3A_539 : memref<128xi32, #tpu.memory_space<vmem>>) target_semaphore(%arg15 : memref<!tpu.dma_semaphore, #tpu.memory_space<semaphore_mem>>)
      %dma_start3A_541 = arith.constant 2 : i32
      %dma_start3A_542 = arith.constant 0 : i32
      %dma_start3A_543 = tpu.memref_slice %arg8[%dma_start3A_541, %dma_start3A_542] : memref<3x128xi32, #tpu.memory_space<vmem>> -> memref<1x128xi32, #tpu.memory_space<vmem>>
      %dma_start3A_544 = tpu.memref_squeeze %dma_start3A_543 : memref<1x128xi32, #tpu.memory_space<vmem>> -> memref<128xi32, #tpu.memory_space<vmem>>
      %dma_start3A_545 = tpu.memref_slice %arg5[%add3A_531] : memref<327680xi32, #tpu.memory_space<hbm>> -> memref<128xi32, #tpu.memory_space<hbm>>
      %dma_start3A_546 = arith.constant 0 : i32
      %dma_start3A_547 = tpu.memref_slice %arg8[%dma_start3A_541, %dma_start3A_546] : memref<3x128xi32, #tpu.memory_space<vmem>> -> memref<1x128xi32, #tpu.memory_space<vmem>>
      %dma_start3A_548 = tpu.memref_squeeze %dma_start3A_547 : memref<1x128xi32, #tpu.memory_space<vmem>> -> memref<128xi32, #tpu.memory_space<vmem>>
      %dma_start3A_549 = tpu.memref_slice %arg5[%add3A_531] : memref<327680xi32, #tpu.memory_space<hbm>> -> memref<128xi32, #tpu.memory_space<hbm>>
      tpu.enqueue_dma source(%dma_start3A_549 : memref<128xi32, #tpu.memory_space<hbm>>) target(%dma_start3A_548 : memref<128xi32, #tpu.memory_space<vmem>>) target_semaphore(%arg18 : memref<!tpu.dma_semaphore, #tpu.memory_space<semaphore_mem>>)
      %dma_wait3A_550 = arith.constant 1 : i32
      %dma_wait3A_551 = arith.constant 0 : i32
      %dma_wait3A_552 = tpu.memref_slice %arg7[%dma_wait3A_550, %dma_wait3A_551] : memref<3x128xi32, #tpu.memory_space<vmem>> -> memref<1x128xi32, #tpu.memory_space<vmem>>
      %dma_wait3A_553 = tpu.memref_squeeze %dma_wait3A_552 : memref<1x128xi32, #tpu.memory_space<vmem>> -> memref<128xi32, #tpu.memory_space<vmem>>
      %dma_wait3A_554 = arith.constant 0 : i32
      %dma_wait3A_555 = tpu.memref_slice %arg4[%dma_wait3A_554] : memref<327680xi32, #tpu.memory_space<hbm>> -> memref<128xi32, #tpu.memory_space<hbm>>
      %dma_wait3A_556 = arith.constant 0 : i32
      %dma_wait3A_557 = tpu.memref_slice %arg7[%dma_wait3A_550, %dma_wait3A_556] : memref<3x128xi32, #tpu.memory_space<vmem>> -> memref<1x128xi32, #tpu.memory_space<vmem>>
      %dma_wait3A_558 = tpu.memref_squeeze %dma_wait3A_557 : memref<1x128xi32, #tpu.memory_space<vmem>> -> memref<128xi32, #tpu.memory_space<vmem>>
      %dma_wait3A_559 = arith.constant 0 : i32
      %dma_wait3A_560 = tpu.memref_slice %arg4[%dma_wait3A_559] : memref<327680xi32, #tpu.memory_space<hbm>> -> memref<128xi32, #tpu.memory_space<hbm>>
      tpu.wait_dma2 semaphore(%arg14 : memref<!tpu.dma_semaphore, #tpu.memory_space<semaphore_mem>>) src(%dma_wait3A_560 : memref<128xi32, #tpu.memory_space<hbm>>) dst(%dma_wait3A_558 : memref<128xi32, #tpu.memory_space<vmem>>)
      %dma_wait3A_561 = arith.constant 1 : i32
      %dma_wait3A_562 = arith.constant 0 : i32
      %dma_wait3A_563 = tpu.memref_slice %arg8[%dma_wait3A_561, %dma_wait3A_562] : memref<3x128xi32, #tpu.memory_space<vmem>> -> memref<1x128xi32, #tpu.memory_space<vmem>>
      %dma_wait3A_564 = tpu.memref_squeeze %dma_wait3A_563 : memref<1x128xi32, #tpu.memory_space<vmem>> -> memref<128xi32, #tpu.memory_space<vmem>>
      %dma_wait3A_565 = arith.constant 0 : i32
      %dma_wait3A_566 = tpu.memref_slice %arg5[%dma_wait3A_565] : memref<327680xi32, #tpu.memory_space<hbm>> -> memref<128xi32, #tpu.memory_space<hbm>>
      %dma_wait3A_567 = arith.constant 0 : i32
      %dma_wait3A_568 = tpu.memref_slice %arg8[%dma_wait3A_561, %dma_wait3A_567] : memref<3x128xi32, #tpu.memory_space<vmem>> -> memref<1x128xi32, #tpu.memory_space<vmem>>
      %dma_wait3A_569 = tpu.memref_squeeze %dma_wait3A_568 : memref<1x128xi32, #tpu.memory_space<vmem>> -> memref<128xi32, #tpu.memory_space<vmem>>
      %dma_wait3A_570 = arith.constant 0 : i32
      %dma_wait3A_571 = tpu.memref_slice %arg5[%dma_wait3A_570] : memref<327680xi32, #tpu.memory_space<hbm>> -> memref<128xi32, #tpu.memory_space<hbm>>
      tpu.wait_dma2 semaphore(%arg17 : memref<!tpu.dma_semaphore, #tpu.memory_space<semaphore_mem>>) src(%dma_wait3A_571 : memref<128xi32, #tpu.memory_space<hbm>>) dst(%dma_wait3A_569 : memref<128xi32, #tpu.memory_space<vmem>>)
      %dma_start3A_572 = arith.constant 1 : i32
      %dma_start3A_573 = arith.constant 1 : i32
      %dma_start3A_574 = arith.constant 0 : i32
      %dma_start3A_575 = arith.constant 0 : i32
      %dma_start3A_576 = tpu.memref_slice %arg9[%dma_start3A_573, %dma_start3A_574, %dma_start3A_575] : memref<3x128x32xf32, #tpu.memory_space<vmem>> -> memref<1x128x32xf32, #tpu.memory_space<vmem>>
      %dma_start3A_577 = tpu.memref_squeeze %dma_start3A_576 : memref<1x128x32xf32, #tpu.memory_space<vmem>> -> memref<128x32xf32, #tpu.memory_space<vmem>>
      %dma_start3A_578 = arith.constant 0 : i32
      %dma_start3A_579 = tpu.memref_slice %arg7[%dma_start3A_572, %dma_start3A_578] : memref<3x128xi32, #tpu.memory_space<vmem>> -> memref<1x128xi32, #tpu.memory_space<vmem>>
      %dma_start3A_580 = tpu.memref_squeeze %dma_start3A_579 : memref<1x128xi32, #tpu.memory_space<vmem>> -> memref<128xi32, #tpu.memory_space<vmem>>
      %dma_start3A_581 = arith.constant 0 : i32
      %dma_start3A_582 = arith.constant 0 : i32
      %dma_start3A_583 = tpu.memref_slice %arg11[%dma_start3A_581, %dma_start3A_582] : memref<10240x32xf32, #tpu.memory_space<vmem_shared>> -> memref<10240x32xf32, #tpu.memory_space<vmem_shared>>
      tpu.enqueue_indirect_dma source(%dma_start3A_583 : memref<10240x32xf32, #tpu.memory_space<vmem_shared>>) target(%dma_start3A_577 : memref<128x32xf32, #tpu.memory_space<vmem>>) offsets(%dma_start3A_580 : memref<128xi32, #tpu.memory_space<vmem>>) semaphore(%arg20 : memref<!tpu.dma_semaphore, #tpu.memory_space<semaphore_mem>>)
      %dma_wait3A_584 = arith.constant 1 : i32
      %dma_wait3A_585 = arith.constant 1 : i32
      %dma_wait3A_586 = arith.constant 0 : i32
      %dma_wait3A_587 = arith.constant 0 : i32
      %dma_wait3A_588 = tpu.memref_slice %arg9[%dma_wait3A_585, %dma_wait3A_586, %dma_wait3A_587] : memref<3x128x32xf32, #tpu.memory_space<vmem>> -> memref<1x128x32xf32, #tpu.memory_space<vmem>>
      %dma_wait3A_589 = tpu.memref_squeeze %dma_wait3A_588 : memref<1x128x32xf32, #tpu.memory_space<vmem>> -> memref<128x32xf32, #tpu.memory_space<vmem>>
      %dma_wait3A_590 = arith.constant 0 : i32
      %dma_wait3A_591 = tpu.memref_slice %arg7[%dma_wait3A_584, %dma_wait3A_590] : memref<3x128xi32, #tpu.memory_space<vmem>> -> memref<1x128xi32, #tpu.memory_space<vmem>>
      %dma_wait3A_592 = tpu.memref_squeeze %dma_wait3A_591 : memref<1x128xi32, #tpu.memory_space<vmem>> -> memref<128xi32, #tpu.memory_space<vmem>>
      %dma_wait3A_593 = arith.constant 0 : i32
      %dma_wait3A_594 = arith.constant 0 : i32
      %dma_wait3A_595 = tpu.memref_slice %arg11[%dma_wait3A_593, %dma_wait3A_594] : memref<10240x32xf32, #tpu.memory_space<vmem_shared>> -> memref<10240x32xf32, #tpu.memory_space<vmem_shared>>
      tpu.wait_indirect_dma semaphore(%arg20 : memref<!tpu.dma_semaphore, #tpu.memory_space<semaphore_mem>>) src(%dma_wait3A_595 : memref<10240x32xf32, #tpu.memory_space<vmem_shared>>) dst(%dma_wait3A_589 : memref<128x32xf32, #tpu.memory_space<vmem>>)
      %dma_start3A_596 = arith.constant 1 : i32
      %dma_start3A_597 = arith.constant 1 : i32
      %dma_start3A_598 = arith.constant 0 : i32
      %dma_start3A_599 = arith.constant 0 : i32
      %dma_start3A_600 = tpu.memref_slice %arg9[%dma_start3A_596, %dma_start3A_598, %dma_start3A_599] : memref<3x128x32xf32, #tpu.memory_space<vmem>> -> memref<1x128x32xf32, #tpu.memory_space<vmem>>
      %dma_start3A_601 = tpu.memref_squeeze %dma_start3A_600 : memref<1x128x32xf32, #tpu.memory_space<vmem>> -> memref<128x32xf32, #tpu.memory_space<vmem>>
      %dma_start3A_602 = arith.constant 0 : i32
      %dma_start3A_603 = tpu.memref_slice %arg8[%dma_start3A_597, %dma_start3A_602] : memref<3x128xi32, #tpu.memory_space<vmem>> -> memref<1x128xi32, #tpu.memory_space<vmem>>
      %dma_start3A_604 = tpu.memref_squeeze %dma_start3A_603 : memref<1x128xi32, #tpu.memory_space<vmem>> -> memref<128xi32, #tpu.memory_space<vmem>>
      %dma_start3A_605 = arith.constant 0 : i32
      %dma_start3A_606 = arith.constant 0 : i32
      %dma_start3A_607 = tpu.memref_slice %arg12[%dma_start3A_605, %dma_start3A_606] : memref<10240x32xf32, #tpu.memory_space<vmem_shared>> -> memref<10240x32xf32, #tpu.memory_space<vmem_shared>>
      tpu.enqueue_indirect_dma source(%dma_start3A_601 : memref<128x32xf32, #tpu.memory_space<vmem>>) target(%dma_start3A_607 : memref<10240x32xf32, #tpu.memory_space<vmem_shared>>) offsets(%dma_start3A_604 : memref<128xi32, #tpu.memory_space<vmem>>) semaphore(%arg23 : memref<!tpu.dma_semaphore, #tpu.memory_space<semaphore_mem>>) {add = true}
      %dma_wait3A_608 = arith.constant 0 : i32
      %dma_wait3A_609 = arith.constant 0 : i32
      %dma_wait3A_610 = arith.constant 0 : i32
      %dma_wait3A_611 = arith.constant 0 : i32
      %dma_wait3A_612 = tpu.memref_slice %arg9[%dma_wait3A_608, %dma_wait3A_610, %dma_wait3A_611] : memref<3x128x32xf32, #tpu.memory_space<vmem>> -> memref<1x128x32xf32, #tpu.memory_space<vmem>>
      %dma_wait3A_613 = tpu.memref_squeeze %dma_wait3A_612 : memref<1x128x32xf32, #tpu.memory_space<vmem>> -> memref<128x32xf32, #tpu.memory_space<vmem>>
      %dma_wait3A_614 = arith.constant 0 : i32
      %dma_wait3A_615 = tpu.memref_slice %arg8[%dma_wait3A_609, %dma_wait3A_614] : memref<3x128xi32, #tpu.memory_space<vmem>> -> memref<1x128xi32, #tpu.memory_space<vmem>>
      %dma_wait3A_616 = tpu.memref_squeeze %dma_wait3A_615 : memref<1x128xi32, #tpu.memory_space<vmem>> -> memref<128xi32, #tpu.memory_space<vmem>>
      %dma_wait3A_617 = arith.constant 0 : i32
      %dma_wait3A_618 = arith.constant 0 : i32
      %dma_wait3A_619 = tpu.memref_slice %arg12[%dma_wait3A_617, %dma_wait3A_618] : memref<10240x32xf32, #tpu.memory_space<vmem_shared>> -> memref<10240x32xf32, #tpu.memory_space<vmem_shared>>
      tpu.wait_indirect_dma semaphore(%arg22 : memref<!tpu.dma_semaphore, #tpu.memory_space<semaphore_mem>>) src(%dma_wait3A_613 : memref<128x32xf32, #tpu.memory_space<vmem>>) dst(%dma_wait3A_619 : memref<10240x32xf32, #tpu.memory_space<vmem_shared>>)
      %add3A_620 = arith.constant 2 : i32
      %add3A_621 = arith.addi %add3A_393, %add3A_620 : i32
      %add3A_622 = arith.constant 2 : i32
      %add3A_623 = arith.addi %add3A_621, %add3A_622 : i32
      %mul3A_624 = arith.constant 128 : i32
      %mul3A_625 = arith.muli %add3A_623, %mul3A_624 : i32
      %add3A_626 = arith.addi %mul3A_17, %mul3A_625 : i32
      %dma_start3A_627 = arith.constant 0 : i32
      %dma_start3A_628 = arith.constant 0 : i32
      %dma_start3A_629 = tpu.memref_slice %arg7[%dma_start3A_627, %dma_start3A_628] : memref<3x128xi32, #tpu.memory_space<vmem>> -> memref<1x128xi32, #tpu.memory_space<vmem>>
      %dma_start3A_630 = tpu.memref_squeeze %dma_start3A_629 : memref<1x128xi32, #tpu.memory_space<vmem>> -> memref<128xi32, #tpu.memory_space<vmem>>
      %dma_start3A_631 = tpu.memref_slice %arg4[%add3A_626] : memref<327680xi32, #tpu.memory_space<hbm>> -> memref<128xi32, #tpu.memory_space<hbm>>
      %dma_start3A_632 = arith.constant 0 : i32
      %dma_start3A_633 = tpu.memref_slice %arg7[%dma_start3A_627, %dma_start3A_632] : memref<3x128xi32, #tpu.memory_space<vmem>> -> memref<1x128xi32, #tpu.memory_space<vmem>>
      %dma_start3A_634 = tpu.memref_squeeze %dma_start3A_633 : memref<1x128xi32, #tpu.memory_space<vmem>> -> memref<128xi32, #tpu.memory_space<vmem>>
      %dma_start3A_635 = tpu.memref_slice %arg4[%add3A_626] : memref<327680xi32, #tpu.memory_space<hbm>> -> memref<128xi32, #tpu.memory_space<hbm>>
      tpu.enqueue_dma source(%dma_start3A_635 : memref<128xi32, #tpu.memory_space<hbm>>) target(%dma_start3A_634 : memref<128xi32, #tpu.memory_space<vmem>>) target_semaphore(%arg13 : memref<!tpu.dma_semaphore, #tpu.memory_space<semaphore_mem>>)
      %dma_start3A_636 = arith.constant 0 : i32
      %dma_start3A_637 = arith.constant 0 : i32
      %dma_start3A_638 = tpu.memref_slice %arg8[%dma_start3A_636, %dma_start3A_637] : memref<3x128xi32, #tpu.memory_space<vmem>> -> memref<1x128xi32, #tpu.memory_space<vmem>>
      %dma_start3A_639 = tpu.memref_squeeze %dma_start3A_638 : memref<1x128xi32, #tpu.memory_space<vmem>> -> memref<128xi32, #tpu.memory_space<vmem>>
      %dma_start3A_640 = tpu.memref_slice %arg5[%add3A_626] : memref<327680xi32, #tpu.memory_space<hbm>> -> memref<128xi32, #tpu.memory_space<hbm>>
      %dma_start3A_641 = arith.constant 0 : i32
      %dma_start3A_642 = tpu.memref_slice %arg8[%dma_start3A_636, %dma_start3A_641] : memref<3x128xi32, #tpu.memory_space<vmem>> -> memref<1x128xi32, #tpu.memory_space<vmem>>
      %dma_start3A_643 = tpu.memref_squeeze %dma_start3A_642 : memref<1x128xi32, #tpu.memory_space<vmem>> -> memref<128xi32, #tpu.memory_space<vmem>>
      %dma_start3A_644 = tpu.memref_slice %arg5[%add3A_626] : memref<327680xi32, #tpu.memory_space<hbm>> -> memref<128xi32, #tpu.memory_space<hbm>>
      tpu.enqueue_dma source(%dma_start3A_644 : memref<128xi32, #tpu.memory_space<hbm>>) target(%dma_start3A_643 : memref<128xi32, #tpu.memory_space<vmem>>) target_semaphore(%arg16 : memref<!tpu.dma_semaphore, #tpu.memory_space<semaphore_mem>>)
      %dma_wait3A_645 = arith.constant 2 : i32
      %dma_wait3A_646 = arith.constant 0 : i32
      %dma_wait3A_647 = tpu.memref_slice %arg7[%dma_wait3A_645, %dma_wait3A_646] : memref<3x128xi32, #tpu.memory_space<vmem>> -> memref<1x128xi32, #tpu.memory_space<vmem>>
      %dma_wait3A_648 = tpu.memref_squeeze %dma_wait3A_647 : memref<1x128xi32, #tpu.memory_space<vmem>> -> memref<128xi32, #tpu.memory_space<vmem>>
      %dma_wait3A_649 = arith.constant 0 : i32
      %dma_wait3A_650 = tpu.memref_slice %arg4[%dma_wait3A_649] : memref<327680xi32, #tpu.memory_space<hbm>> -> memref<128xi32, #tpu.memory_space<hbm>>
      %dma_wait3A_651 = arith.constant 0 : i32
      %dma_wait3A_652 = tpu.memref_slice %arg7[%dma_wait3A_645, %dma_wait3A_651] : memref<3x128xi32, #tpu.memory_space<vmem>> -> memref<1x128xi32, #tpu.memory_space<vmem>>
      %dma_wait3A_653 = tpu.memref_squeeze %dma_wait3A_652 : memref<1x128xi32, #tpu.memory_space<vmem>> -> memref<128xi32, #tpu.memory_space<vmem>>
      %dma_wait3A_654 = arith.constant 0 : i32
      %dma_wait3A_655 = tpu.memref_slice %arg4[%dma_wait3A_654] : memref<327680xi32, #tpu.memory_space<hbm>> -> memref<128xi32, #tpu.memory_space<hbm>>
      tpu.wait_dma2 semaphore(%arg15 : memref<!tpu.dma_semaphore, #tpu.memory_space<semaphore_mem>>) src(%dma_wait3A_655 : memref<128xi32, #tpu.memory_space<hbm>>) dst(%dma_wait3A_653 : memref<128xi32, #tpu.memory_space<vmem>>)
      %dma_wait3A_656 = arith.constant 2 : i32
      %dma_wait3A_657 = arith.constant 0 : i32
      %dma_wait3A_658 = tpu.memref_slice %arg8[%dma_wait3A_656, %dma_wait3A_657] : memref<3x128xi32, #tpu.memory_space<vmem>> -> memref<1x128xi32, #tpu.memory_space<vmem>>
      %dma_wait3A_659 = tpu.memref_squeeze %dma_wait3A_658 : memref<1x128xi32, #tpu.memory_space<vmem>> -> memref<128xi32, #tpu.memory_space<vmem>>
      %dma_wait3A_660 = arith.constant 0 : i32
      %dma_wait3A_661 = tpu.memref_slice %arg5[%dma_wait3A_660] : memref<327680xi32, #tpu.memory_space<hbm>> -> memref<128xi32, #tpu.memory_space<hbm>>
      %dma_wait3A_662 = arith.constant 0 : i32
      %dma_wait3A_663 = tpu.memref_slice %arg8[%dma_wait3A_656, %dma_wait3A_662] : memref<3x128xi32, #tpu.memory_space<vmem>> -> memref<1x128xi32, #tpu.memory_space<vmem>>
      %dma_wait3A_664 = tpu.memref_squeeze %dma_wait3A_663 : memref<1x128xi32, #tpu.memory_space<vmem>> -> memref<128xi32, #tpu.memory_space<vmem>>
      %dma_wait3A_665 = arith.constant 0 : i32
      %dma_wait3A_666 = tpu.memref_slice %arg5[%dma_wait3A_665] : memref<327680xi32, #tpu.memory_space<hbm>> -> memref<128xi32, #tpu.memory_space<hbm>>
      tpu.wait_dma2 semaphore(%arg18 : memref<!tpu.dma_semaphore, #tpu.memory_space<semaphore_mem>>) src(%dma_wait3A_666 : memref<128xi32, #tpu.memory_space<hbm>>) dst(%dma_wait3A_664 : memref<128xi32, #tpu.memory_space<vmem>>)
      %dma_start3A_667 = arith.constant 2 : i32
      %dma_start3A_668 = arith.constant 2 : i32
      %dma_start3A_669 = arith.constant 0 : i32
      %dma_start3A_670 = arith.constant 0 : i32
      %dma_start3A_671 = tpu.memref_slice %arg9[%dma_start3A_668, %dma_start3A_669, %dma_start3A_670] : memref<3x128x32xf32, #tpu.memory_space<vmem>> -> memref<1x128x32xf32, #tpu.memory_space<vmem>>
      %dma_start3A_672 = tpu.memref_squeeze %dma_start3A_671 : memref<1x128x32xf32, #tpu.memory_space<vmem>> -> memref<128x32xf32, #tpu.memory_space<vmem>>
      %dma_start3A_673 = arith.constant 0 : i32
      %dma_start3A_674 = tpu.memref_slice %arg7[%dma_start3A_667, %dma_start3A_673] : memref<3x128xi32, #tpu.memory_space<vmem>> -> memref<1x128xi32, #tpu.memory_space<vmem>>
      %dma_start3A_675 = tpu.memref_squeeze %dma_start3A_674 : memref<1x128xi32, #tpu.memory_space<vmem>> -> memref<128xi32, #tpu.memory_space<vmem>>
      %dma_start3A_676 = arith.constant 0 : i32
      %dma_start3A_677 = arith.constant 0 : i32
      %dma_start3A_678 = tpu.memref_slice %arg11[%dma_start3A_676, %dma_start3A_677] : memref<10240x32xf32, #tpu.memory_space<vmem_shared>> -> memref<10240x32xf32, #tpu.memory_space<vmem_shared>>
      tpu.enqueue_indirect_dma source(%dma_start3A_678 : memref<10240x32xf32, #tpu.memory_space<vmem_shared>>) target(%dma_start3A_672 : memref<128x32xf32, #tpu.memory_space<vmem>>) offsets(%dma_start3A_675 : memref<128xi32, #tpu.memory_space<vmem>>) semaphore(%arg21 : memref<!tpu.dma_semaphore, #tpu.memory_space<semaphore_mem>>)
    }
    %scan3A_261 = arith.constant 52 : i32
    %dma_wait3A_262 = arith.constant 2 : i32
    %dma_wait3A_263 = arith.constant 2 : i32
    %dma_wait3A_264 = arith.constant 0 : i32
    %dma_wait3A_265 = arith.constant 0 : i32
    %dma_wait3A_266 = tpu.memref_slice %arg9[%dma_wait3A_263, %dma_wait3A_264, %dma_wait3A_265] : memref<3x128x32xf32, #tpu.memory_space<vmem>> -> memref<1x128x32xf32, #tpu.memory_space<vmem>>
    %dma_wait3A_267 = tpu.memref_squeeze %dma_wait3A_266 : memref<1x128x32xf32, #tpu.memory_space<vmem>> -> memref<128x32xf32, #tpu.memory_space<vmem>>
    %dma_wait3A_268 = arith.constant 0 : i32
    %dma_wait3A_269 = tpu.memref_slice %arg7[%dma_wait3A_262, %dma_wait3A_268] : memref<3x128xi32, #tpu.memory_space<vmem>> -> memref<1x128xi32, #tpu.memory_space<vmem>>
    %dma_wait3A_270 = tpu.memref_squeeze %dma_wait3A_269 : memref<1x128xi32, #tpu.memory_space<vmem>> -> memref<128xi32, #tpu.memory_space<vmem>>
    %dma_wait3A_271 = arith.constant 0 : i32
    %dma_wait3A_272 = arith.constant 0 : i32
    %dma_wait3A_273 = tpu.memref_slice %arg11[%dma_wait3A_271, %dma_wait3A_272] : memref<10240x32xf32, #tpu.memory_space<vmem_shared>> -> memref<10240x32xf32, #tpu.memory_space<vmem_shared>>
    tpu.wait_indirect_dma semaphore(%arg21 : memref<!tpu.dma_semaphore, #tpu.memory_space<semaphore_mem>>) src(%dma_wait3A_273 : memref<10240x32xf32, #tpu.memory_space<vmem_shared>>) dst(%dma_wait3A_267 : memref<128x32xf32, #tpu.memory_space<vmem>>)
    %dma_start3A_274 = arith.constant 2 : i32
    %dma_start3A_275 = arith.constant 2 : i32
    %dma_start3A_276 = arith.constant 0 : i32
    %dma_start3A_277 = arith.constant 0 : i32
    %dma_start3A_278 = tpu.memref_slice %arg9[%dma_start3A_274, %dma_start3A_276, %dma_start3A_277] : memref<3x128x32xf32, #tpu.memory_space<vmem>> -> memref<1x128x32xf32, #tpu.memory_space<vmem>>
    %dma_start3A_279 = tpu.memref_squeeze %dma_start3A_278 : memref<1x128x32xf32, #tpu.memory_space<vmem>> -> memref<128x32xf32, #tpu.memory_space<vmem>>
    %dma_start3A_280 = arith.constant 0 : i32
    %dma_start3A_281 = tpu.memref_slice %arg8[%dma_start3A_275, %dma_start3A_280] : memref<3x128xi32, #tpu.memory_space<vmem>> -> memref<1x128xi32, #tpu.memory_space<vmem>>
    %dma_start3A_282 = tpu.memref_squeeze %dma_start3A_281 : memref<1x128xi32, #tpu.memory_space<vmem>> -> memref<128xi32, #tpu.memory_space<vmem>>
    %dma_start3A_283 = arith.constant 0 : i32
    %dma_start3A_284 = arith.constant 0 : i32
    %dma_start3A_285 = tpu.memref_slice %arg12[%dma_start3A_283, %dma_start3A_284] : memref<10240x32xf32, #tpu.memory_space<vmem_shared>> -> memref<10240x32xf32, #tpu.memory_space<vmem_shared>>
    tpu.enqueue_indirect_dma source(%dma_start3A_279 : memref<128x32xf32, #tpu.memory_space<vmem>>) target(%dma_start3A_285 : memref<10240x32xf32, #tpu.memory_space<vmem_shared>>) offsets(%dma_start3A_282 : memref<128xi32, #tpu.memory_space<vmem>>) semaphore(%arg24 : memref<!tpu.dma_semaphore, #tpu.memory_space<semaphore_mem>>) {add = true}
    %dma_wait3A_286 = arith.constant 1 : i32
    %dma_wait3A_287 = arith.constant 1 : i32
    %dma_wait3A_288 = arith.constant 0 : i32
    %dma_wait3A_289 = arith.constant 0 : i32
    %dma_wait3A_290 = tpu.memref_slice %arg9[%dma_wait3A_286, %dma_wait3A_288, %dma_wait3A_289] : memref<3x128x32xf32, #tpu.memory_space<vmem>> -> memref<1x128x32xf32, #tpu.memory_space<vmem>>
    %dma_wait3A_291 = tpu.memref_squeeze %dma_wait3A_290 : memref<1x128x32xf32, #tpu.memory_space<vmem>> -> memref<128x32xf32, #tpu.memory_space<vmem>>
    %dma_wait3A_292 = arith.constant 0 : i32
    %dma_wait3A_293 = tpu.memref_slice %arg8[%dma_wait3A_287, %dma_wait3A_292] : memref<3x128xi32, #tpu.memory_space<vmem>> -> memref<1x128xi32, #tpu.memory_space<vmem>>
    %dma_wait3A_294 = tpu.memref_squeeze %dma_wait3A_293 : memref<1x128xi32, #tpu.memory_space<vmem>> -> memref<128xi32, #tpu.memory_space<vmem>>
    %dma_wait3A_295 = arith.constant 0 : i32
    %dma_wait3A_296 = arith.constant 0 : i32
    %dma_wait3A_297 = tpu.memref_slice %arg12[%dma_wait3A_295, %dma_wait3A_296] : memref<10240x32xf32, #tpu.memory_space<vmem_shared>> -> memref<10240x32xf32, #tpu.memory_space<vmem_shared>>
    tpu.wait_indirect_dma semaphore(%arg23 : memref<!tpu.dma_semaphore, #tpu.memory_space<semaphore_mem>>) src(%dma_wait3A_291 : memref<128x32xf32, #tpu.memory_space<vmem>>) dst(%dma_wait3A_297 : memref<10240x32xf32, #tpu.memory_space<vmem_shared>>)
    %dma_wait3A_298 = arith.constant 0 : i32
    %dma_wait3A_299 = arith.constant 0 : i32
    %dma_wait3A_300 = tpu.memref_slice %arg7[%dma_wait3A_298, %dma_wait3A_299] : memref<3x128xi32, #tpu.memory_space<vmem>> -> memref<1x128xi32, #tpu.memory_space<vmem>>
    %dma_wait3A_301 = tpu.memref_squeeze %dma_wait3A_300 : memref<1x128xi32, #tpu.memory_space<vmem>> -> memref<128xi32, #tpu.memory_space<vmem>>
    %dma_wait3A_302 = arith.constant 0 : i32
    %dma_wait3A_303 = tpu.memref_slice %arg4[%dma_wait3A_302] : memref<327680xi32, #tpu.memory_space<hbm>> -> memref<128xi32, #tpu.memory_space<hbm>>
    %dma_wait3A_304 = arith.constant 0 : i32
    %dma_wait3A_305 = tpu.memref_slice %arg7[%dma_wait3A_298, %dma_wait3A_304] : memref<3x128xi32, #tpu.memory_space<vmem>> -> memref<1x128xi32, #tpu.memory_space<vmem>>
    %dma_wait3A_306 = tpu.memref_squeeze %dma_wait3A_305 : memref<1x128xi32, #tpu.memory_space<vmem>> -> memref<128xi32, #tpu.memory_space<vmem>>
    %dma_wait3A_307 = arith.constant 0 : i32
    %dma_wait3A_308 = tpu.memref_slice %arg4[%dma_wait3A_307] : memref<327680xi32, #tpu.memory_space<hbm>> -> memref<128xi32, #tpu.memory_space<hbm>>
    tpu.wait_dma2 semaphore(%arg13 : memref<!tpu.dma_semaphore, #tpu.memory_space<semaphore_mem>>) src(%dma_wait3A_308 : memref<128xi32, #tpu.memory_space<hbm>>) dst(%dma_wait3A_306 : memref<128xi32, #tpu.memory_space<vmem>>)
    %dma_wait3A_309 = arith.constant 0 : i32
    %dma_wait3A_310 = arith.constant 0 : i32
    %dma_wait3A_311 = tpu.memref_slice %arg8[%dma_wait3A_309, %dma_wait3A_310] : memref<3x128xi32, #tpu.memory_space<vmem>> -> memref<1x128xi32, #tpu.memory_space<vmem>>
    %dma_wait3A_312 = tpu.memref_squeeze %dma_wait3A_311 : memref<1x128xi32, #tpu.memory_space<vmem>> -> memref<128xi32, #tpu.memory_space<vmem>>
    %dma_wait3A_313 = arith.constant 0 : i32
    %dma_wait3A_314 = tpu.memref_slice %arg5[%dma_wait3A_313] : memref<327680xi32, #tpu.memory_space<hbm>> -> memref<128xi32, #tpu.memory_space<hbm>>
    %dma_wait3A_315 = arith.constant 0 : i32
    %dma_wait3A_316 = tpu.memref_slice %arg8[%dma_wait3A_309, %dma_wait3A_315] : memref<3x128xi32, #tpu.memory_space<vmem>> -> memref<1x128xi32, #tpu.memory_space<vmem>>
    %dma_wait3A_317 = tpu.memref_squeeze %dma_wait3A_316 : memref<1x128xi32, #tpu.memory_space<vmem>> -> memref<128xi32, #tpu.memory_space<vmem>>
    %dma_wait3A_318 = arith.constant 0 : i32
    %dma_wait3A_319 = tpu.memref_slice %arg5[%dma_wait3A_318] : memref<327680xi32, #tpu.memory_space<hbm>> -> memref<128xi32, #tpu.memory_space<hbm>>
    tpu.wait_dma2 semaphore(%arg16 : memref<!tpu.dma_semaphore, #tpu.memory_space<semaphore_mem>>) src(%dma_wait3A_319 : memref<128xi32, #tpu.memory_space<hbm>>) dst(%dma_wait3A_317 : memref<128xi32, #tpu.memory_space<vmem>>)
    %dma_start3A_320 = arith.constant 0 : i32
    %dma_start3A_321 = arith.constant 0 : i32
    %dma_start3A_322 = arith.constant 0 : i32
    %dma_start3A_323 = arith.constant 0 : i32
    %dma_start3A_324 = tpu.memref_slice %arg9[%dma_start3A_321, %dma_start3A_322, %dma_start3A_323] : memref<3x128x32xf32, #tpu.memory_space<vmem>> -> memref<1x128x32xf32, #tpu.memory_space<vmem>>
    %dma_start3A_325 = tpu.memref_squeeze %dma_start3A_324 : memref<1x128x32xf32, #tpu.memory_space<vmem>> -> memref<128x32xf32, #tpu.memory_space<vmem>>
    %dma_start3A_326 = arith.constant 0 : i32
    %dma_start3A_327 = tpu.memref_slice %arg7[%dma_start3A_320, %dma_start3A_326] : memref<3x128xi32, #tpu.memory_space<vmem>> -> memref<1x128xi32, #tpu.memory_space<vmem>>
    %dma_start3A_328 = tpu.memref_squeeze %dma_start3A_327 : memref<1x128xi32, #tpu.memory_space<vmem>> -> memref<128xi32, #tpu.memory_space<vmem>>
    %dma_start3A_329 = arith.constant 0 : i32
    %dma_start3A_330 = arith.constant 0 : i32
    %dma_start3A_331 = tpu.memref_slice %arg11[%dma_start3A_329, %dma_start3A_330] : memref<10240x32xf32, #tpu.memory_space<vmem_shared>> -> memref<10240x32xf32, #tpu.memory_space<vmem_shared>>
    tpu.enqueue_indirect_dma source(%dma_start3A_331 : memref<10240x32xf32, #tpu.memory_space<vmem_shared>>) target(%dma_start3A_325 : memref<128x32xf32, #tpu.memory_space<vmem>>) offsets(%dma_start3A_328 : memref<128xi32, #tpu.memory_space<vmem>>) semaphore(%arg19 : memref<!tpu.dma_semaphore, #tpu.memory_space<semaphore_mem>>)
    %dma_wait3A_332 = arith.constant 0 : i32
    %dma_wait3A_333 = arith.constant 0 : i32
    %dma_wait3A_334 = arith.constant 0 : i32
    %dma_wait3A_335 = arith.constant 0 : i32
    %dma_wait3A_336 = tpu.memref_slice %arg9[%dma_wait3A_333, %dma_wait3A_334, %dma_wait3A_335] : memref<3x128x32xf32, #tpu.memory_space<vmem>> -> memref<1x128x32xf32, #tpu.memory_space<vmem>>
    %dma_wait3A_337 = tpu.memref_squeeze %dma_wait3A_336 : memref<1x128x32xf32, #tpu.memory_space<vmem>> -> memref<128x32xf32, #tpu.memory_space<vmem>>
    %dma_wait3A_338 = arith.constant 0 : i32
    %dma_wait3A_339 = tpu.memref_slice %arg7[%dma_wait3A_332, %dma_wait3A_338] : memref<3x128xi32, #tpu.memory_space<vmem>> -> memref<1x128xi32, #tpu.memory_space<vmem>>
    %dma_wait3A_340 = tpu.memref_squeeze %dma_wait3A_339 : memref<1x128xi32, #tpu.memory_space<vmem>> -> memref<128xi32, #tpu.memory_space<vmem>>
    %dma_wait3A_341 = arith.constant 0 : i32
    %dma_wait3A_342 = arith.constant 0 : i32
    %dma_wait3A_343 = tpu.memref_slice %arg11[%dma_wait3A_341, %dma_wait3A_342] : memref<10240x32xf32, #tpu.memory_space<vmem_shared>> -> memref<10240x32xf32, #tpu.memory_space<vmem_shared>>
    tpu.wait_indirect_dma semaphore(%arg19 : memref<!tpu.dma_semaphore, #tpu.memory_space<semaphore_mem>>) src(%dma_wait3A_343 : memref<10240x32xf32, #tpu.memory_space<vmem_shared>>) dst(%dma_wait3A_337 : memref<128x32xf32, #tpu.memory_space<vmem>>)
    %dma_start3A_344 = arith.constant 0 : i32
    %dma_start3A_345 = arith.constant 0 : i32
    %dma_start3A_346 = arith.constant 0 : i32
    %dma_start3A_347 = arith.constant 0 : i32
    %dma_start3A_348 = tpu.memref_slice %arg9[%dma_start3A_344, %dma_start3A_346, %dma_start3A_347] : memref<3x128x32xf32, #tpu.memory_space<vmem>> -> memref<1x128x32xf32, #tpu.memory_space<vmem>>
    %dma_start3A_349 = tpu.memref_squeeze %dma_start3A_348 : memref<1x128x32xf32, #tpu.memory_space<vmem>> -> memref<128x32xf32, #tpu.memory_space<vmem>>
    %dma_start3A_350 = arith.constant 0 : i32
    %dma_start3A_351 = tpu.memref_slice %arg8[%dma_start3A_345, %dma_start3A_350] : memref<3x128xi32, #tpu.memory_space<vmem>> -> memref<1x128xi32, #tpu.memory_space<vmem>>
    %dma_start3A_352 = tpu.memref_squeeze %dma_start3A_351 : memref<1x128xi32, #tpu.memory_space<vmem>> -> memref<128xi32, #tpu.memory_space<vmem>>
    %dma_start3A_353 = arith.constant 0 : i32
    %dma_start3A_354 = arith.constant 0 : i32
    %dma_start3A_355 = tpu.memref_slice %arg12[%dma_start3A_353, %dma_start3A_354] : memref<10240x32xf32, #tpu.memory_space<vmem_shared>> -> memref<10240x32xf32, #tpu.memory_space<vmem_shared>>
    tpu.enqueue_indirect_dma source(%dma_start3A_349 : memref<128x32xf32, #tpu.memory_space<vmem>>) target(%dma_start3A_355 : memref<10240x32xf32, #tpu.memory_space<vmem_shared>>) offsets(%dma_start3A_352 : memref<128xi32, #tpu.memory_space<vmem>>) semaphore(%arg22 : memref<!tpu.dma_semaphore, #tpu.memory_space<semaphore_mem>>) {add = true}
    %dma_wait3A_356 = arith.constant 2 : i32
    %dma_wait3A_357 = arith.constant 2 : i32
    %dma_wait3A_358 = arith.constant 0 : i32
    %dma_wait3A_359 = arith.constant 0 : i32
    %dma_wait3A_360 = tpu.memref_slice %arg9[%dma_wait3A_356, %dma_wait3A_358, %dma_wait3A_359] : memref<3x128x32xf32, #tpu.memory_space<vmem>> -> memref<1x128x32xf32, #tpu.memory_space<vmem>>
    %dma_wait3A_361 = tpu.memref_squeeze %dma_wait3A_360 : memref<1x128x32xf32, #tpu.memory_space<vmem>> -> memref<128x32xf32, #tpu.memory_space<vmem>>
    %dma_wait3A_362 = arith.constant 0 : i32
    %dma_wait3A_363 = tpu.memref_slice %arg8[%dma_wait3A_357, %dma_wait3A_362] : memref<3x128xi32, #tpu.memory_space<vmem>> -> memref<1x128xi32, #tpu.memory_space<vmem>>
    %dma_wait3A_364 = tpu.memref_squeeze %dma_wait3A_363 : memref<1x128xi32, #tpu.memory_space<vmem>> -> memref<128xi32, #tpu.memory_space<vmem>>
    %dma_wait3A_365 = arith.constant 0 : i32
    %dma_wait3A_366 = arith.constant 0 : i32
    %dma_wait3A_367 = tpu.memref_slice %arg12[%dma_wait3A_365, %dma_wait3A_366] : memref<10240x32xf32, #tpu.memory_space<vmem_shared>> -> memref<10240x32xf32, #tpu.memory_space<vmem_shared>>
    tpu.wait_indirect_dma semaphore(%arg24 : memref<!tpu.dma_semaphore, #tpu.memory_space<semaphore_mem>>) src(%dma_wait3A_361 : memref<128x32xf32, #tpu.memory_space<vmem>>) dst(%dma_wait3A_367 : memref<10240x32xf32, #tpu.memory_space<vmem_shared>>)
    %dma_wait3A_368 = arith.constant 0 : i32
    %dma_wait3A_369 = arith.constant 0 : i32
    %dma_wait3A_370 = arith.constant 0 : i32
    %dma_wait3A_371 = arith.constant 0 : i32
    %dma_wait3A_372 = tpu.memref_slice %arg9[%dma_wait3A_368, %dma_wait3A_370, %dma_wait3A_371] : memref<3x128x32xf32, #tpu.memory_space<vmem>> -> memref<1x128x32xf32, #tpu.memory_space<vmem>>
    %dma_wait3A_373 = tpu.memref_squeeze %dma_wait3A_372 : memref<1x128x32xf32, #tpu.memory_space<vmem>> -> memref<128x32xf32, #tpu.memory_space<vmem>>
    %dma_wait3A_374 = arith.constant 0 : i32
    %dma_wait3A_375 = tpu.memref_slice %arg8[%dma_wait3A_369, %dma_wait3A_374] : memref<3x128xi32, #tpu.memory_space<vmem>> -> memref<1x128xi32, #tpu.memory_space<vmem>>
    %dma_wait3A_376 = tpu.memref_squeeze %dma_wait3A_375 : memref<1x128xi32, #tpu.memory_space<vmem>> -> memref<128xi32, #tpu.memory_space<vmem>>
    %dma_wait3A_377 = arith.constant 0 : i32
    %dma_wait3A_378 = arith.constant 0 : i32
    %dma_wait3A_379 = tpu.memref_slice %arg12[%dma_wait3A_377, %dma_wait3A_378] : memref<10240x32xf32, #tpu.memory_space<vmem_shared>> -> memref<10240x32xf32, #tpu.memory_space<vmem_shared>>
    tpu.wait_indirect_dma semaphore(%arg22 : memref<!tpu.dma_semaphore, #tpu.memory_space<semaphore_mem>>) src(%dma_wait3A_373 : memref<128x32xf32, #tpu.memory_space<vmem>>) dst(%dma_wait3A_379 : memref<10240x32xf32, #tpu.memory_space<vmem_shared>>)
    %barrier3A_380 = arith.constant 0 : index
    tpu.barrier barrier_id(%barrier3A_380)
    %mul3A_381 = arith.constant 640 : i32
    %mul3A_382 = arith.muli %arg1, %mul3A_381 : i32
    %mul3A_383 = arith.constant 640 : i32
    %mul3A_384 = arith.muli %arg1, %mul3A_383 : i32
    "tpu.region"() ({
      %run_scoped3A = tpu.sem_alloc : memref<!tpu.dma_semaphore, #tpu.memory_space<semaphore_mem>>
      %dma_start3A_385 = arith.constant 0 : i32
      %dma_start3A_386 = tpu.memref_slice %arg6[%arg0, %mul3A_384, %dma_start3A_385] : memref<2x10240x32xf32, #tpu.memory_space<hbm>> -> memref<1x640x32xf32, #tpu.memory_space<hbm>>
      %dma_start3A_387 = tpu.memref_squeeze %dma_start3A_386 : memref<1x640x32xf32, #tpu.memory_space<hbm>> -> memref<640x32xf32, #tpu.memory_space<hbm>>
      %dma_start3A_388 = arith.constant 0 : i32
      %dma_start3A_389 = tpu.memref_slice %arg12[%mul3A_382, %dma_start3A_388] : memref<10240x32xf32, #tpu.memory_space<vmem_shared>> -> memref<640x32xf32, #tpu.memory_space<vmem_shared>>
      tpu.enqueue_dma source(%dma_start3A_389 : memref<640x32xf32, #tpu.memory_space<vmem_shared>>) target(%dma_start3A_387 : memref<640x32xf32, #tpu.memory_space<hbm>>) target_semaphore(%run_scoped3A : memref<!tpu.dma_semaphore, #tpu.memory_space<semaphore_mem>>)
      %dma_wait3A_390 = arith.constant 0 : i32
      %dma_wait3A_391 = tpu.memref_slice %arg6[%arg0, %mul3A_384, %dma_wait3A_390] : memref<2x10240x32xf32, #tpu.memory_space<hbm>> -> memref<1x640x32xf32, #tpu.memory_space<hbm>>
      %dma_wait3A_392 = tpu.memref_squeeze %dma_wait3A_391 : memref<1x640x32xf32, #tpu.memory_space<hbm>> -> memref<640x32xf32, #tpu.memory_space<hbm>>
      %dma_wait3A_393 = arith.constant 0 : i32
      %dma_wait3A_394 = tpu.memref_slice %arg12[%mul3A_382, %dma_wait3A_393] : memref<10240x32xf32, #tpu.memory_space<vmem_shared>> -> memref<640x32xf32, #tpu.memory_space<vmem_shared>>
      tpu.wait_dma2 semaphore(%run_scoped3A : memref<!tpu.dma_semaphore, #tpu.memory_space<semaphore_mem>>) src(%dma_wait3A_394 : memref<640x32xf32, #tpu.memory_space<vmem_shared>>) dst(%dma_wait3A_392 : memref<640x32xf32, #tpu.memory_space<hbm>>)
      tpu.yield
    }) : () -> ()
    return
  }
}

#map = affine_map<(d0, d1) -> (0, 0)>
#map1 = affine_map<(d0, d1) -> (0)>
#map2 = affine_map<(d0, d1) -> (0, 0, 0)>
module attributes {stable_mosaic.version = 14 : i64} {
  func.func @body(%arg0: i32, %arg1: i32, %arg2: memref<10240x64xf32, #tpu.memory_space<hbm>>, %arg3: memref<10240x64xf32, #tpu.memory_space<hbm>>, %arg4: memref<327680xi32, #tpu.memory_space<hbm>>, %arg5: memref<327680xi32, #tpu.memory_space<hbm>>, %arg6: memref<2x10240x64xf32, #tpu.memory_space<hbm>>, %arg7: memref<3x128xi32, #tpu.memory_space<vmem>>, %arg8: memref<3x128xi32, #tpu.memory_space<vmem>>, %arg9: memref<3x128x64xf32, #tpu.memory_space<vmem>>, %arg10: memref<64x64xf32, #tpu.memory_space<vmem>>, %arg11: memref<10240x64xf32, #tpu.memory_space<vmem_shared>>, %arg12: memref<10240x64xf32, #tpu.memory_space<vmem_shared>>, %arg13: memref<!tpu.dma_semaphore, #tpu.memory_space<semaphore_mem>>, %arg14: memref<!tpu.dma_semaphore, #tpu.memory_space<semaphore_mem>>, %arg15: memref<!tpu.dma_semaphore, #tpu.memory_space<semaphore_mem>>, %arg16: memref<!tpu.dma_semaphore, #tpu.memory_space<semaphore_mem>>, %arg17: memref<!tpu.dma_semaphore, #tpu.memory_space<semaphore_mem>>, %arg18: memref<!tpu.dma_semaphore, #tpu.memory_space<semaphore_mem>>, %arg19: memref<!tpu.dma_semaphore, #tpu.memory_space<semaphore_mem>>, %arg20: memref<!tpu.dma_semaphore, #tpu.memory_space<semaphore_mem>>, %arg21: memref<!tpu.dma_semaphore, #tpu.memory_space<semaphore_mem>>, %arg22: memref<!tpu.dma_semaphore, #tpu.memory_space<semaphore_mem>>, %arg23: memref<!tpu.dma_semaphore, #tpu.memory_space<semaphore_mem>>, %arg24: memref<!tpu.dma_semaphore, #tpu.memory_space<semaphore_mem>>) attributes {dimension_semantics = [#tpu.dimension_semantics<core_parallel>, #tpu.dimension_semantics<subcore_parallel>], iteration_bounds = array<i64: 2, 16>, scalar_prefetch = 0 : i64, scratch_operands = 18 : i64, tpu.core_type = #tpu.core_type<sc_vector_subcore>, window_params = [{transform_indices = #map}, {transform_indices = #map}, {transform_indices = #map1}, {transform_indices = #map1}, {transform_indices = #map2}]} {
    %broadcast_in_dim3A = arith.constant 0.000000e+00 : f32
    %broadcast_in_dim3A_0 = vector.broadcast %broadcast_in_dim3A : f32 to vector<16xf32>
    %scan3A = arith.constant 0 : i32
    %scan3A_1 = arith.constant 64 : i32
    %scan3A_2 = arith.addi %scan3A, %scan3A_1 : i32
    %scan3A_3 = arith.constant 1 : i32
    scf.for %scan3A_385 = %scan3A to %scan3A_2 step %scan3A_3  : i32 {
      %mul3A_386 = arith.constant 1 : i32
      %mul3A_387 = arith.muli %scan3A_385, %mul3A_386 : i32
      %add3A_388 = arith.constant 0 : i32
      %add3A_389 = arith.addi %add3A_388, %mul3A_387 : i32
      %scan3A_390 = arith.constant 0 : i32
      %scan3A_391 = arith.constant 4 : i32
      %scan3A_392 = arith.addi %scan3A_390, %scan3A_391 : i32
      %scan3A_393 = arith.constant 1 : i32
      scf.for %scan3A_395 = %scan3A_390 to %scan3A_392 step %scan3A_393  : i32 {
        %mul3A_396 = arith.constant 1 : i32
        %mul3A_397 = arith.muli %scan3A_395, %mul3A_396 : i32
        %add3A_398 = arith.constant 0 : i32
        %add3A_399 = arith.addi %add3A_398, %mul3A_397 : i32
        %mul3A_400 = arith.constant 16 : i32
        %mul3A_401 = arith.muli %add3A_399, %mul3A_400 : i32
        %swap3A = arith.index_cast %add3A_389 : i32 to index
        %swap3A_402 = arith.index_cast %mul3A_401 : i32 to index
        %swap3A_403 = tpu.vector_load %arg10[%swap3A, %swap3A_402] {strides = array<i32>} : memref<64x64xf32, #tpu.memory_space<vmem>>, vector<1x16xf32>,
        %swap3A_404 = vector.shape_cast %swap3A_403 : vector<1x16xf32> to vector<16xf32>
        %swap3A_405 = vector.shape_cast %broadcast_in_dim3A_0 : vector<16xf32> to vector<1x16xf32>
        tpu.vector_store %arg10[%swap3A, %swap3A_402], %swap3A_405 {strides = array<i32>} : memref<64x64xf32, #tpu.memory_space<vmem>>, vector<1x16xf32>,
      }
      %scan3A_394 = arith.constant 4 : i32
    }
    %scan3A_4 = arith.constant 64 : i32
    %scan3A_5 = arith.constant 0 : i32
    %scan3A_6 = arith.constant 10 : i32
    %scan3A_7 = arith.addi %scan3A_5, %scan3A_6 : i32
    %scan3A_8 = arith.constant 1 : i32
    scf.for %scan3A_385 = %scan3A_5 to %scan3A_7 step %scan3A_8  : i32 {
      %mul3A_386 = arith.constant 1 : i32
      %mul3A_387 = arith.muli %scan3A_385, %mul3A_386 : i32
      %add3A_388 = arith.constant 0 : i32
      %add3A_389 = arith.addi %add3A_388, %mul3A_387 : i32
      %mul3A_390 = arith.constant 640 : i32
      %mul3A_391 = arith.muli %arg1, %mul3A_390 : i32
      %mul3A_392 = arith.constant 64 : i32
      %mul3A_393 = arith.muli %add3A_389, %mul3A_392 : i32
      %add3A_394 = arith.addi %mul3A_391, %mul3A_393 : i32
      "tpu.region"() ({
        %run_scoped3A = tpu.sem_alloc : memref<!tpu.dma_semaphore, #tpu.memory_space<semaphore_mem>>
        %dma_start3A_395 = arith.constant 0 : i32
        %dma_start3A_396 = tpu.memref_slice %arg12[%add3A_394, %dma_start3A_395] : memref<10240x64xf32, #tpu.memory_space<vmem_shared>> -> memref<64x64xf32, #tpu.memory_space<vmem_shared>>
        %dma_start3A_397 = arith.constant 0 : i32
        %dma_start3A_398 = tpu.memref_slice %arg12[%add3A_394, %dma_start3A_397] : memref<10240x64xf32, #tpu.memory_space<vmem_shared>> -> memref<64x64xf32, #tpu.memory_space<vmem_shared>>
        tpu.enqueue_dma source(%arg10 : memref<64x64xf32, #tpu.memory_space<vmem>>) target(%dma_start3A_398 : memref<64x64xf32, #tpu.memory_space<vmem_shared>>) target_semaphore(%run_scoped3A : memref<!tpu.dma_semaphore, #tpu.memory_space<semaphore_mem>>)
        %dma_wait3A_399 = arith.constant 0 : i32
        %dma_wait3A_400 = tpu.memref_slice %arg12[%add3A_394, %dma_wait3A_399] : memref<10240x64xf32, #tpu.memory_space<vmem_shared>> -> memref<64x64xf32, #tpu.memory_space<vmem_shared>>
        %dma_wait3A_401 = arith.constant 0 : i32
        %dma_wait3A_402 = tpu.memref_slice %arg12[%add3A_394, %dma_wait3A_401] : memref<10240x64xf32, #tpu.memory_space<vmem_shared>> -> memref<64x64xf32, #tpu.memory_space<vmem_shared>>
        tpu.wait_dma2 semaphore(%run_scoped3A : memref<!tpu.dma_semaphore, #tpu.memory_space<semaphore_mem>>) src(%arg10 : memref<64x64xf32, #tpu.memory_space<vmem>>) dst(%dma_wait3A_402 : memref<64x64xf32, #tpu.memory_space<vmem_shared>>)
        tpu.yield
      }) : () -> ()
    }
    %scan3A_9 = arith.constant 10 : i32
    %eq3A = arith.constant 0 : i32
    %eq3A_10 = arith.cmpi eq, %arg0, %eq3A : i32
    %convert_element_type3A = arith.extui %eq3A_10 : i1 to i32
    %cond3A = arith.constant 0 : i32
    %cond3A_11 = arith.cmpi ne, %convert_element_type3A, %cond3A : i32
    scf.if %cond3A_11 {
      %mul3A_385 = arith.constant 640 : i32
      %mul3A_386 = arith.muli %arg1, %mul3A_385 : i32
      %mul3A_387 = arith.constant 640 : i32
      %mul3A_388 = arith.muli %arg1, %mul3A_387 : i32
      "tpu.region"() ({
        %run_scoped3A = tpu.sem_alloc : memref<!tpu.dma_semaphore, #tpu.memory_space<semaphore_mem>>
        %dma_start3A_389 = arith.constant 0 : i32
        %dma_start3A_390 = tpu.memref_slice %arg11[%mul3A_388, %dma_start3A_389] : memref<10240x64xf32, #tpu.memory_space<vmem_shared>> -> memref<640x64xf32, #tpu.memory_space<vmem_shared>>
        %dma_start3A_391 = arith.constant 0 : i32
        %dma_start3A_392 = tpu.memref_slice %arg2[%mul3A_386, %dma_start3A_391] : memref<10240x64xf32, #tpu.memory_space<hbm>> -> memref<640x64xf32, #tpu.memory_space<hbm>>
        tpu.enqueue_dma source(%dma_start3A_392 : memref<640x64xf32, #tpu.memory_space<hbm>>) target(%dma_start3A_390 : memref<640x64xf32, #tpu.memory_space<vmem_shared>>) target_semaphore(%run_scoped3A : memref<!tpu.dma_semaphore, #tpu.memory_space<semaphore_mem>>)
        %dma_wait3A_393 = arith.constant 0 : i32
        %dma_wait3A_394 = tpu.memref_slice %arg11[%mul3A_388, %dma_wait3A_393] : memref<10240x64xf32, #tpu.memory_space<vmem_shared>> -> memref<640x64xf32, #tpu.memory_space<vmem_shared>>
        %dma_wait3A_395 = arith.constant 0 : i32
        %dma_wait3A_396 = tpu.memref_slice %arg2[%mul3A_386, %dma_wait3A_395] : memref<10240x64xf32, #tpu.memory_space<hbm>> -> memref<640x64xf32, #tpu.memory_space<hbm>>
        tpu.wait_dma2 semaphore(%run_scoped3A : memref<!tpu.dma_semaphore, #tpu.memory_space<semaphore_mem>>) src(%dma_wait3A_396 : memref<640x64xf32, #tpu.memory_space<hbm>>) dst(%dma_wait3A_394 : memref<640x64xf32, #tpu.memory_space<vmem_shared>>)
        tpu.yield
      }) : () -> ()
    } else {
    }
    %eq3A_12 = arith.constant 1 : i32
    %eq3A_13 = arith.cmpi eq, %arg0, %eq3A_12 : i32
    %convert_element_type3A_14 = arith.extui %eq3A_13 : i1 to i32
    %cond3A_15 = arith.constant 0 : i32
    %cond3A_16 = arith.cmpi ne, %convert_element_type3A_14, %cond3A_15 : i32
    scf.if %cond3A_16 {
      %mul3A_385 = arith.constant 640 : i32
      %mul3A_386 = arith.muli %arg1, %mul3A_385 : i32
      %mul3A_387 = arith.constant 640 : i32
      %mul3A_388 = arith.muli %arg1, %mul3A_387 : i32
      "tpu.region"() ({
        %run_scoped3A = tpu.sem_alloc : memref<!tpu.dma_semaphore, #tpu.memory_space<semaphore_mem>>
        %dma_start3A_389 = arith.constant 0 : i32
        %dma_start3A_390 = tpu.memref_slice %arg11[%mul3A_388, %dma_start3A_389] : memref<10240x64xf32, #tpu.memory_space<vmem_shared>> -> memref<640x64xf32, #tpu.memory_space<vmem_shared>>
        %dma_start3A_391 = arith.constant 0 : i32
        %dma_start3A_392 = tpu.memref_slice %arg3[%mul3A_386, %dma_start3A_391] : memref<10240x64xf32, #tpu.memory_space<hbm>> -> memref<640x64xf32, #tpu.memory_space<hbm>>
        tpu.enqueue_dma source(%dma_start3A_392 : memref<640x64xf32, #tpu.memory_space<hbm>>) target(%dma_start3A_390 : memref<640x64xf32, #tpu.memory_space<vmem_shared>>) target_semaphore(%run_scoped3A : memref<!tpu.dma_semaphore, #tpu.memory_space<semaphore_mem>>)
        %dma_wait3A_393 = arith.constant 0 : i32
        %dma_wait3A_394 = tpu.memref_slice %arg11[%mul3A_388, %dma_wait3A_393] : memref<10240x64xf32, #tpu.memory_space<vmem_shared>> -> memref<640x64xf32, #tpu.memory_space<vmem_shared>>
        %dma_wait3A_395 = arith.constant 0 : i32
        %dma_wait3A_396 = tpu.memref_slice %arg3[%mul3A_386, %dma_wait3A_395] : memref<10240x64xf32, #tpu.memory_space<hbm>> -> memref<640x64xf32, #tpu.memory_space<hbm>>
        tpu.wait_dma2 semaphore(%run_scoped3A : memref<!tpu.dma_semaphore, #tpu.memory_space<semaphore_mem>>) src(%dma_wait3A_396 : memref<640x64xf32, #tpu.memory_space<hbm>>) dst(%dma_wait3A_394 : memref<640x64xf32, #tpu.memory_space<vmem_shared>>)
        tpu.yield
      }) : () -> ()
    } else {
    }
    %barrier3A = arith.constant 0 : index
    tpu.barrier barrier_id(%barrier3A)
    %mul3A = arith.constant 20480 : i32
    %mul3A_17 = arith.muli %arg1, %mul3A : i32
    %add3A = arith.constant 0 : i32
    %add3A_18 = arith.addi %mul3A_17, %add3A : i32
    %dma_start3A = arith.constant 0 : i32
    %dma_start3A_19 = arith.constant 0 : i32
    %dma_start3A_20 = tpu.memref_slice %arg7[%dma_start3A, %dma_start3A_19] : memref<3x128xi32, #tpu.memory_space<vmem>> -> memref<1x128xi32, #tpu.memory_space<vmem>>
    %dma_start3A_21 = tpu.memref_squeeze %dma_start3A_20 : memref<1x128xi32, #tpu.memory_space<vmem>> -> memref<128xi32, #tpu.memory_space<vmem>>
    %dma_start3A_22 = tpu.memref_slice %arg4[%add3A_18] : memref<327680xi32, #tpu.memory_space<hbm>> -> memref<128xi32, #tpu.memory_space<hbm>>
    %dma_start3A_23 = arith.constant 0 : i32
    %dma_start3A_24 = tpu.memref_slice %arg7[%dma_start3A, %dma_start3A_23] : memref<3x128xi32, #tpu.memory_space<vmem>> -> memref<1x128xi32, #tpu.memory_space<vmem>>
    %dma_start3A_25 = tpu.memref_squeeze %dma_start3A_24 : memref<1x128xi32, #tpu.memory_space<vmem>> -> memref<128xi32, #tpu.memory_space<vmem>>
    %dma_start3A_26 = tpu.memref_slice %arg4[%add3A_18] : memref<327680xi32, #tpu.memory_space<hbm>> -> memref<128xi32, #tpu.memory_space<hbm>>
    tpu.enqueue_dma source(%dma_start3A_26 : memref<128xi32, #tpu.memory_space<hbm>>) target(%dma_start3A_25 : memref<128xi32, #tpu.memory_space<vmem>>) target_semaphore(%arg13 : memref<!tpu.dma_semaphore, #tpu.memory_space<semaphore_mem>>)
    %dma_start3A_27 = arith.constant 0 : i32
    %dma_start3A_28 = arith.constant 0 : i32
    %dma_start3A_29 = tpu.memref_slice %arg8[%dma_start3A_27, %dma_start3A_28] : memref<3x128xi32, #tpu.memory_space<vmem>> -> memref<1x128xi32, #tpu.memory_space<vmem>>
    %dma_start3A_30 = tpu.memref_squeeze %dma_start3A_29 : memref<1x128xi32, #tpu.memory_space<vmem>> -> memref<128xi32, #tpu.memory_space<vmem>>
    %dma_start3A_31 = tpu.memref_slice %arg5[%add3A_18] : memref<327680xi32, #tpu.memory_space<hbm>> -> memref<128xi32, #tpu.memory_space<hbm>>
    %dma_start3A_32 = arith.constant 0 : i32
    %dma_start3A_33 = tpu.memref_slice %arg8[%dma_start3A_27, %dma_start3A_32] : memref<3x128xi32, #tpu.memory_space<vmem>> -> memref<1x128xi32, #tpu.memory_space<vmem>>
    %dma_start3A_34 = tpu.memref_squeeze %dma_start3A_33 : memref<1x128xi32, #tpu.memory_space<vmem>> -> memref<128xi32, #tpu.memory_space<vmem>>
    %dma_start3A_35 = tpu.memref_slice %arg5[%add3A_18] : memref<327680xi32, #tpu.memory_space<hbm>> -> memref<128xi32, #tpu.memory_space<hbm>>
    tpu.enqueue_dma source(%dma_start3A_35 : memref<128xi32, #tpu.memory_space<hbm>>) target(%dma_start3A_34 : memref<128xi32, #tpu.memory_space<vmem>>) target_semaphore(%arg16 : memref<!tpu.dma_semaphore, #tpu.memory_space<semaphore_mem>>)
    %add3A_36 = arith.constant 128 : i32
    %add3A_37 = arith.addi %mul3A_17, %add3A_36 : i32
    %dma_start3A_38 = arith.constant 1 : i32
    %dma_start3A_39 = arith.constant 0 : i32
    %dma_start3A_40 = tpu.memref_slice %arg7[%dma_start3A_38, %dma_start3A_39] : memref<3x128xi32, #tpu.memory_space<vmem>> -> memref<1x128xi32, #tpu.memory_space<vmem>>
    %dma_start3A_41 = tpu.memref_squeeze %dma_start3A_40 : memref<1x128xi32, #tpu.memory_space<vmem>> -> memref<128xi32, #tpu.memory_space<vmem>>
    %dma_start3A_42 = tpu.memref_slice %arg4[%add3A_37] : memref<327680xi32, #tpu.memory_space<hbm>> -> memref<128xi32, #tpu.memory_space<hbm>>
    %dma_start3A_43 = arith.constant 0 : i32
    %dma_start3A_44 = tpu.memref_slice %arg7[%dma_start3A_38, %dma_start3A_43] : memref<3x128xi32, #tpu.memory_space<vmem>> -> memref<1x128xi32, #tpu.memory_space<vmem>>
    %dma_start3A_45 = tpu.memref_squeeze %dma_start3A_44 : memref<1x128xi32, #tpu.memory_space<vmem>> -> memref<128xi32, #tpu.memory_space<vmem>>
    %dma_start3A_46 = tpu.memref_slice %arg4[%add3A_37] : memref<327680xi32, #tpu.memory_space<hbm>> -> memref<128xi32, #tpu.memory_space<hbm>>
    tpu.enqueue_dma source(%dma_start3A_46 : memref<128xi32, #tpu.memory_space<hbm>>) target(%dma_start3A_45 : memref<128xi32, #tpu.memory_space<vmem>>) target_semaphore(%arg14 : memref<!tpu.dma_semaphore, #tpu.memory_space<semaphore_mem>>)
    %dma_start3A_47 = arith.constant 1 : i32
    %dma_start3A_48 = arith.constant 0 : i32
    %dma_start3A_49 = tpu.memref_slice %arg8[%dma_start3A_47, %dma_start3A_48] : memref<3x128xi32, #tpu.memory_space<vmem>> -> memref<1x128xi32, #tpu.memory_space<vmem>>
    %dma_start3A_50 = tpu.memref_squeeze %dma_start3A_49 : memref<1x128xi32, #tpu.memory_space<vmem>> -> memref<128xi32, #tpu.memory_space<vmem>>
    %dma_start3A_51 = tpu.memref_slice %arg5[%add3A_37] : memref<327680xi32, #tpu.memory_space<hbm>> -> memref<128xi32, #tpu.memory_space<hbm>>
    %dma_start3A_52 = arith.constant 0 : i32
    %dma_start3A_53 = tpu.memref_slice %arg8[%dma_start3A_47, %dma_start3A_52] : memref<3x128xi32, #tpu.memory_space<vmem>> -> memref<1x128xi32, #tpu.memory_space<vmem>>
    %dma_start3A_54 = tpu.memref_squeeze %dma_start3A_53 : memref<1x128xi32, #tpu.memory_space<vmem>> -> memref<128xi32, #tpu.memory_space<vmem>>
    %dma_start3A_55 = tpu.memref_slice %arg5[%add3A_37] : memref<327680xi32, #tpu.memory_space<hbm>> -> memref<128xi32, #tpu.memory_space<hbm>>
    tpu.enqueue_dma source(%dma_start3A_55 : memref<128xi32, #tpu.memory_space<hbm>>) target(%dma_start3A_54 : memref<128xi32, #tpu.memory_space<vmem>>) target_semaphore(%arg17 : memref<!tpu.dma_semaphore, #tpu.memory_space<semaphore_mem>>)
    %dma_wait3A = arith.constant 0 : i32
    %dma_wait3A_56 = arith.constant 0 : i32
    %dma_wait3A_57 = tpu.memref_slice %arg7[%dma_wait3A, %dma_wait3A_56] : memref<3x128xi32, #tpu.memory_space<vmem>> -> memref<1x128xi32, #tpu.memory_space<vmem>>
    %dma_wait3A_58 = tpu.memref_squeeze %dma_wait3A_57 : memref<1x128xi32, #tpu.memory_space<vmem>> -> memref<128xi32, #tpu.memory_space<vmem>>
    %dma_wait3A_59 = arith.constant 0 : i32
    %dma_wait3A_60 = tpu.memref_slice %arg4[%dma_wait3A_59] : memref<327680xi32, #tpu.memory_space<hbm>> -> memref<128xi32, #tpu.memory_space<hbm>>
    %dma_wait3A_61 = arith.constant 0 : i32
    %dma_wait3A_62 = tpu.memref_slice %arg7[%dma_wait3A, %dma_wait3A_61] : memref<3x128xi32, #tpu.memory_space<vmem>> -> memref<1x128xi32, #tpu.memory_space<vmem>>
    %dma_wait3A_63 = tpu.memref_squeeze %dma_wait3A_62 : memref<1x128xi32, #tpu.memory_space<vmem>> -> memref<128xi32, #tpu.memory_space<vmem>>
    %dma_wait3A_64 = arith.constant 0 : i32
    %dma_wait3A_65 = tpu.memref_slice %arg4[%dma_wait3A_64] : memref<327680xi32, #tpu.memory_space<hbm>> -> memref<128xi32, #tpu.memory_space<hbm>>
    tpu.wait_dma2 semaphore(%arg13 : memref<!tpu.dma_semaphore, #tpu.memory_space<semaphore_mem>>) src(%dma_wait3A_65 : memref<128xi32, #tpu.memory_space<hbm>>) dst(%dma_wait3A_63 : memref<128xi32, #tpu.memory_space<vmem>>)
    %dma_wait3A_66 = arith.constant 0 : i32
    %dma_wait3A_67 = arith.constant 0 : i32
    %dma_wait3A_68 = tpu.memref_slice %arg8[%dma_wait3A_66, %dma_wait3A_67] : memref<3x128xi32, #tpu.memory_space<vmem>> -> memref<1x128xi32, #tpu.memory_space<vmem>>
    %dma_wait3A_69 = tpu.memref_squeeze %dma_wait3A_68 : memref<1x128xi32, #tpu.memory_space<vmem>> -> memref<128xi32, #tpu.memory_space<vmem>>
    %dma_wait3A_70 = arith.constant 0 : i32
    %dma_wait3A_71 = tpu.memref_slice %arg5[%dma_wait3A_70] : memref<327680xi32, #tpu.memory_space<hbm>> -> memref<128xi32, #tpu.memory_space<hbm>>
    %dma_wait3A_72 = arith.constant 0 : i32
    %dma_wait3A_73 = tpu.memref_slice %arg8[%dma_wait3A_66, %dma_wait3A_72] : memref<3x128xi32, #tpu.memory_space<vmem>> -> memref<1x128xi32, #tpu.memory_space<vmem>>
    %dma_wait3A_74 = tpu.memref_squeeze %dma_wait3A_73 : memref<1x128xi32, #tpu.memory_space<vmem>> -> memref<128xi32, #tpu.memory_space<vmem>>
    %dma_wait3A_75 = arith.constant 0 : i32
    %dma_wait3A_76 = tpu.memref_slice %arg5[%dma_wait3A_75] : memref<327680xi32, #tpu.memory_space<hbm>> -> memref<128xi32, #tpu.memory_space<hbm>>
    tpu.wait_dma2 semaphore(%arg16 : memref<!tpu.dma_semaphore, #tpu.memory_space<semaphore_mem>>) src(%dma_wait3A_76 : memref<128xi32, #tpu.memory_space<hbm>>) dst(%dma_wait3A_74 : memref<128xi32, #tpu.memory_space<vmem>>)
    %dma_start3A_77 = arith.constant 0 : i32
    %dma_start3A_78 = arith.constant 0 : i32
    %dma_start3A_79 = arith.constant 0 : i32
    %dma_start3A_80 = arith.constant 0 : i32
    %dma_start3A_81 = tpu.memref_slice %arg9[%dma_start3A_78, %dma_start3A_79, %dma_start3A_80] : memref<3x128x64xf32, #tpu.memory_space<vmem>> -> memref<1x128x64xf32, #tpu.memory_space<vmem>>
    %dma_start3A_82 = tpu.memref_squeeze %dma_start3A_81 : memref<1x128x64xf32, #tpu.memory_space<vmem>> -> memref<128x64xf32, #tpu.memory_space<vmem>>
    %dma_start3A_83 = arith.constant 0 : i32
    %dma_start3A_84 = tpu.memref_slice %arg7[%dma_start3A_77, %dma_start3A_83] : memref<3x128xi32, #tpu.memory_space<vmem>> -> memref<1x128xi32, #tpu.memory_space<vmem>>
    %dma_start3A_85 = tpu.memref_squeeze %dma_start3A_84 : memref<1x128xi32, #tpu.memory_space<vmem>> -> memref<128xi32, #tpu.memory_space<vmem>>
    %dma_start3A_86 = arith.constant 0 : i32
    %dma_start3A_87 = arith.constant 0 : i32
    %dma_start3A_88 = tpu.memref_slice %arg11[%dma_start3A_86, %dma_start3A_87] : memref<10240x64xf32, #tpu.memory_space<vmem_shared>> -> memref<10240x64xf32, #tpu.memory_space<vmem_shared>>
    tpu.enqueue_indirect_dma source(%dma_start3A_88 : memref<10240x64xf32, #tpu.memory_space<vmem_shared>>) target(%dma_start3A_82 : memref<128x64xf32, #tpu.memory_space<vmem>>) offsets(%dma_start3A_85 : memref<128xi32, #tpu.memory_space<vmem>>) semaphore(%arg19 : memref<!tpu.dma_semaphore, #tpu.memory_space<semaphore_mem>>)
    %dma_wait3A_89 = arith.constant 0 : i32
    %dma_wait3A_90 = arith.constant 0 : i32
    %dma_wait3A_91 = arith.constant 0 : i32
    %dma_wait3A_92 = arith.constant 0 : i32
    %dma_wait3A_93 = tpu.memref_slice %arg9[%dma_wait3A_90, %dma_wait3A_91, %dma_wait3A_92] : memref<3x128x64xf32, #tpu.memory_space<vmem>> -> memref<1x128x64xf32, #tpu.memory_space<vmem>>
    %dma_wait3A_94 = tpu.memref_squeeze %dma_wait3A_93 : memref<1x128x64xf32, #tpu.memory_space<vmem>> -> memref<128x64xf32, #tpu.memory_space<vmem>>
    %dma_wait3A_95 = arith.constant 0 : i32
    %dma_wait3A_96 = tpu.memref_slice %arg7[%dma_wait3A_89, %dma_wait3A_95] : memref<3x128xi32, #tpu.memory_space<vmem>> -> memref<1x128xi32, #tpu.memory_space<vmem>>
    %dma_wait3A_97 = tpu.memref_squeeze %dma_wait3A_96 : memref<1x128xi32, #tpu.memory_space<vmem>> -> memref<128xi32, #tpu.memory_space<vmem>>
    %dma_wait3A_98 = arith.constant 0 : i32
    %dma_wait3A_99 = arith.constant 0 : i32
    %dma_wait3A_100 = tpu.memref_slice %arg11[%dma_wait3A_98, %dma_wait3A_99] : memref<10240x64xf32, #tpu.memory_space<vmem_shared>> -> memref<10240x64xf32, #tpu.memory_space<vmem_shared>>
    tpu.wait_indirect_dma semaphore(%arg19 : memref<!tpu.dma_semaphore, #tpu.memory_space<semaphore_mem>>) src(%dma_wait3A_100 : memref<10240x64xf32, #tpu.memory_space<vmem_shared>>) dst(%dma_wait3A_94 : memref<128x64xf32, #tpu.memory_space<vmem>>)
    %dma_start3A_101 = arith.constant 0 : i32
    %dma_start3A_102 = arith.constant 0 : i32
    %dma_start3A_103 = arith.constant 0 : i32
    %dma_start3A_104 = arith.constant 0 : i32
    %dma_start3A_105 = tpu.memref_slice %arg9[%dma_start3A_101, %dma_start3A_103, %dma_start3A_104] : memref<3x128x64xf32, #tpu.memory_space<vmem>> -> memref<1x128x64xf32, #tpu.memory_space<vmem>>
    %dma_start3A_106 = tpu.memref_squeeze %dma_start3A_105 : memref<1x128x64xf32, #tpu.memory_space<vmem>> -> memref<128x64xf32, #tpu.memory_space<vmem>>
    %dma_start3A_107 = arith.constant 0 : i32
    %dma_start3A_108 = tpu.memref_slice %arg8[%dma_start3A_102, %dma_start3A_107] : memref<3x128xi32, #tpu.memory_space<vmem>> -> memref<1x128xi32, #tpu.memory_space<vmem>>
    %dma_start3A_109 = tpu.memref_squeeze %dma_start3A_108 : memref<1x128xi32, #tpu.memory_space<vmem>> -> memref<128xi32, #tpu.memory_space<vmem>>
    %dma_start3A_110 = arith.constant 0 : i32
    %dma_start3A_111 = arith.constant 0 : i32
    %dma_start3A_112 = tpu.memref_slice %arg12[%dma_start3A_110, %dma_start3A_111] : memref<10240x64xf32, #tpu.memory_space<vmem_shared>> -> memref<10240x64xf32, #tpu.memory_space<vmem_shared>>
    tpu.enqueue_indirect_dma source(%dma_start3A_106 : memref<128x64xf32, #tpu.memory_space<vmem>>) target(%dma_start3A_112 : memref<10240x64xf32, #tpu.memory_space<vmem_shared>>) offsets(%dma_start3A_109 : memref<128xi32, #tpu.memory_space<vmem>>) semaphore(%arg22 : memref<!tpu.dma_semaphore, #tpu.memory_space<semaphore_mem>>) {add = true}
    %add3A_113 = arith.constant 256 : i32
    %add3A_114 = arith.addi %mul3A_17, %add3A_113 : i32
    %dma_start3A_115 = arith.constant 2 : i32
    %dma_start3A_116 = arith.constant 0 : i32
    %dma_start3A_117 = tpu.memref_slice %arg7[%dma_start3A_115, %dma_start3A_116] : memref<3x128xi32, #tpu.memory_space<vmem>> -> memref<1x128xi32, #tpu.memory_space<vmem>>
    %dma_start3A_118 = tpu.memref_squeeze %dma_start3A_117 : memref<1x128xi32, #tpu.memory_space<vmem>> -> memref<128xi32, #tpu.memory_space<vmem>>
    %dma_start3A_119 = tpu.memref_slice %arg4[%add3A_114] : memref<327680xi32, #tpu.memory_space<hbm>> -> memref<128xi32, #tpu.memory_space<hbm>>
    %dma_start3A_120 = arith.constant 0 : i32
    %dma_start3A_121 = tpu.memref_slice %arg7[%dma_start3A_115, %dma_start3A_120] : memref<3x128xi32, #tpu.memory_space<vmem>> -> memref<1x128xi32, #tpu.memory_space<vmem>>
    %dma_start3A_122 = tpu.memref_squeeze %dma_start3A_121 : memref<1x128xi32, #tpu.memory_space<vmem>> -> memref<128xi32, #tpu.memory_space<vmem>>
    %dma_start3A_123 = tpu.memref_slice %arg4[%add3A_114] : memref<327680xi32, #tpu.memory_space<hbm>> -> memref<128xi32, #tpu.memory_space<hbm>>
    tpu.enqueue_dma source(%dma_start3A_123 : memref<128xi32, #tpu.memory_space<hbm>>) target(%dma_start3A_122 : memref<128xi32, #tpu.memory_space<vmem>>) target_semaphore(%arg15 : memref<!tpu.dma_semaphore, #tpu.memory_space<semaphore_mem>>)
    %dma_start3A_124 = arith.constant 2 : i32
    %dma_start3A_125 = arith.constant 0 : i32
    %dma_start3A_126 = tpu.memref_slice %arg8[%dma_start3A_124, %dma_start3A_125] : memref<3x128xi32, #tpu.memory_space<vmem>> -> memref<1x128xi32, #tpu.memory_space<vmem>>
    %dma_start3A_127 = tpu.memref_squeeze %dma_start3A_126 : memref<1x128xi32, #tpu.memory_space<vmem>> -> memref<128xi32, #tpu.memory_space<vmem>>
    %dma_start3A_128 = tpu.memref_slice %arg5[%add3A_114] : memref<327680xi32, #tpu.memory_space<hbm>> -> memref<128xi32, #tpu.memory_space<hbm>>
    %dma_start3A_129 = arith.constant 0 : i32
    %dma_start3A_130 = tpu.memref_slice %arg8[%dma_start3A_124, %dma_start3A_129] : memref<3x128xi32, #tpu.memory_space<vmem>> -> memref<1x128xi32, #tpu.memory_space<vmem>>
    %dma_start3A_131 = tpu.memref_squeeze %dma_start3A_130 : memref<1x128xi32, #tpu.memory_space<vmem>> -> memref<128xi32, #tpu.memory_space<vmem>>
    %dma_start3A_132 = tpu.memref_slice %arg5[%add3A_114] : memref<327680xi32, #tpu.memory_space<hbm>> -> memref<128xi32, #tpu.memory_space<hbm>>
    tpu.enqueue_dma source(%dma_start3A_132 : memref<128xi32, #tpu.memory_space<hbm>>) target(%dma_start3A_131 : memref<128xi32, #tpu.memory_space<vmem>>) target_semaphore(%arg18 : memref<!tpu.dma_semaphore, #tpu.memory_space<semaphore_mem>>)
    %dma_wait3A_133 = arith.constant 1 : i32
    %dma_wait3A_134 = arith.constant 0 : i32
    %dma_wait3A_135 = tpu.memref_slice %arg7[%dma_wait3A_133, %dma_wait3A_134] : memref<3x128xi32, #tpu.memory_space<vmem>> -> memref<1x128xi32, #tpu.memory_space<vmem>>
    %dma_wait3A_136 = tpu.memref_squeeze %dma_wait3A_135 : memref<1x128xi32, #tpu.memory_space<vmem>> -> memref<128xi32, #tpu.memory_space<vmem>>
    %dma_wait3A_137 = arith.constant 0 : i32
    %dma_wait3A_138 = tpu.memref_slice %arg4[%dma_wait3A_137] : memref<327680xi32, #tpu.memory_space<hbm>> -> memref<128xi32, #tpu.memory_space<hbm>>
    %dma_wait3A_139 = arith.constant 0 : i32
    %dma_wait3A_140 = tpu.memref_slice %arg7[%dma_wait3A_133, %dma_wait3A_139] : memref<3x128xi32, #tpu.memory_space<vmem>> -> memref<1x128xi32, #tpu.memory_space<vmem>>
    %dma_wait3A_141 = tpu.memref_squeeze %dma_wait3A_140 : memref<1x128xi32, #tpu.memory_space<vmem>> -> memref<128xi32, #tpu.memory_space<vmem>>
    %dma_wait3A_142 = arith.constant 0 : i32
    %dma_wait3A_143 = tpu.memref_slice %arg4[%dma_wait3A_142] : memref<327680xi32, #tpu.memory_space<hbm>> -> memref<128xi32, #tpu.memory_space<hbm>>
    tpu.wait_dma2 semaphore(%arg14 : memref<!tpu.dma_semaphore, #tpu.memory_space<semaphore_mem>>) src(%dma_wait3A_143 : memref<128xi32, #tpu.memory_space<hbm>>) dst(%dma_wait3A_141 : memref<128xi32, #tpu.memory_space<vmem>>)
    %dma_wait3A_144 = arith.constant 1 : i32
    %dma_wait3A_145 = arith.constant 0 : i32
    %dma_wait3A_146 = tpu.memref_slice %arg8[%dma_wait3A_144, %dma_wait3A_145] : memref<3x128xi32, #tpu.memory_space<vmem>> -> memref<1x128xi32, #tpu.memory_space<vmem>>
    %dma_wait3A_147 = tpu.memref_squeeze %dma_wait3A_146 : memref<1x128xi32, #tpu.memory_space<vmem>> -> memref<128xi32, #tpu.memory_space<vmem>>
    %dma_wait3A_148 = arith.constant 0 : i32
    %dma_wait3A_149 = tpu.memref_slice %arg5[%dma_wait3A_148] : memref<327680xi32, #tpu.memory_space<hbm>> -> memref<128xi32, #tpu.memory_space<hbm>>
    %dma_wait3A_150 = arith.constant 0 : i32
    %dma_wait3A_151 = tpu.memref_slice %arg8[%dma_wait3A_144, %dma_wait3A_150] : memref<3x128xi32, #tpu.memory_space<vmem>> -> memref<1x128xi32, #tpu.memory_space<vmem>>
    %dma_wait3A_152 = tpu.memref_squeeze %dma_wait3A_151 : memref<1x128xi32, #tpu.memory_space<vmem>> -> memref<128xi32, #tpu.memory_space<vmem>>
    %dma_wait3A_153 = arith.constant 0 : i32
    %dma_wait3A_154 = tpu.memref_slice %arg5[%dma_wait3A_153] : memref<327680xi32, #tpu.memory_space<hbm>> -> memref<128xi32, #tpu.memory_space<hbm>>
    tpu.wait_dma2 semaphore(%arg17 : memref<!tpu.dma_semaphore, #tpu.memory_space<semaphore_mem>>) src(%dma_wait3A_154 : memref<128xi32, #tpu.memory_space<hbm>>) dst(%dma_wait3A_152 : memref<128xi32, #tpu.memory_space<vmem>>)
    %dma_start3A_155 = arith.constant 1 : i32
    %dma_start3A_156 = arith.constant 1 : i32
    %dma_start3A_157 = arith.constant 0 : i32
    %dma_start3A_158 = arith.constant 0 : i32
    %dma_start3A_159 = tpu.memref_slice %arg9[%dma_start3A_156, %dma_start3A_157, %dma_start3A_158] : memref<3x128x64xf32, #tpu.memory_space<vmem>> -> memref<1x128x64xf32, #tpu.memory_space<vmem>>
    %dma_start3A_160 = tpu.memref_squeeze %dma_start3A_159 : memref<1x128x64xf32, #tpu.memory_space<vmem>> -> memref<128x64xf32, #tpu.memory_space<vmem>>
    %dma_start3A_161 = arith.constant 0 : i32
    %dma_start3A_162 = tpu.memref_slice %arg7[%dma_start3A_155, %dma_start3A_161] : memref<3x128xi32, #tpu.memory_space<vmem>> -> memref<1x128xi32, #tpu.memory_space<vmem>>
    %dma_start3A_163 = tpu.memref_squeeze %dma_start3A_162 : memref<1x128xi32, #tpu.memory_space<vmem>> -> memref<128xi32, #tpu.memory_space<vmem>>
    %dma_start3A_164 = arith.constant 0 : i32
    %dma_start3A_165 = arith.constant 0 : i32
    %dma_start3A_166 = tpu.memref_slice %arg11[%dma_start3A_164, %dma_start3A_165] : memref<10240x64xf32, #tpu.memory_space<vmem_shared>> -> memref<10240x64xf32, #tpu.memory_space<vmem_shared>>
    tpu.enqueue_indirect_dma source(%dma_start3A_166 : memref<10240x64xf32, #tpu.memory_space<vmem_shared>>) target(%dma_start3A_160 : memref<128x64xf32, #tpu.memory_space<vmem>>) offsets(%dma_start3A_163 : memref<128xi32, #tpu.memory_space<vmem>>) semaphore(%arg20 : memref<!tpu.dma_semaphore, #tpu.memory_space<semaphore_mem>>)
    %dma_wait3A_167 = arith.constant 1 : i32
    %dma_wait3A_168 = arith.constant 1 : i32
    %dma_wait3A_169 = arith.constant 0 : i32
    %dma_wait3A_170 = arith.constant 0 : i32
    %dma_wait3A_171 = tpu.memref_slice %arg9[%dma_wait3A_168, %dma_wait3A_169, %dma_wait3A_170] : memref<3x128x64xf32, #tpu.memory_space<vmem>> -> memref<1x128x64xf32, #tpu.memory_space<vmem>>
    %dma_wait3A_172 = tpu.memref_squeeze %dma_wait3A_171 : memref<1x128x64xf32, #tpu.memory_space<vmem>> -> memref<128x64xf32, #tpu.memory_space<vmem>>
    %dma_wait3A_173 = arith.constant 0 : i32
    %dma_wait3A_174 = tpu.memref_slice %arg7[%dma_wait3A_167, %dma_wait3A_173] : memref<3x128xi32, #tpu.memory_space<vmem>> -> memref<1x128xi32, #tpu.memory_space<vmem>>
    %dma_wait3A_175 = tpu.memref_squeeze %dma_wait3A_174 : memref<1x128xi32, #tpu.memory_space<vmem>> -> memref<128xi32, #tpu.memory_space<vmem>>
    %dma_wait3A_176 = arith.constant 0 : i32
    %dma_wait3A_177 = arith.constant 0 : i32
    %dma_wait3A_178 = tpu.memref_slice %arg11[%dma_wait3A_176, %dma_wait3A_177] : memref<10240x64xf32, #tpu.memory_space<vmem_shared>> -> memref<10240x64xf32, #tpu.memory_space<vmem_shared>>
    tpu.wait_indirect_dma semaphore(%arg20 : memref<!tpu.dma_semaphore, #tpu.memory_space<semaphore_mem>>) src(%dma_wait3A_178 : memref<10240x64xf32, #tpu.memory_space<vmem_shared>>) dst(%dma_wait3A_172 : memref<128x64xf32, #tpu.memory_space<vmem>>)
    %dma_start3A_179 = arith.constant 1 : i32
    %dma_start3A_180 = arith.constant 1 : i32
    %dma_start3A_181 = arith.constant 0 : i32
    %dma_start3A_182 = arith.constant 0 : i32
    %dma_start3A_183 = tpu.memref_slice %arg9[%dma_start3A_179, %dma_start3A_181, %dma_start3A_182] : memref<3x128x64xf32, #tpu.memory_space<vmem>> -> memref<1x128x64xf32, #tpu.memory_space<vmem>>
    %dma_start3A_184 = tpu.memref_squeeze %dma_start3A_183 : memref<1x128x64xf32, #tpu.memory_space<vmem>> -> memref<128x64xf32, #tpu.memory_space<vmem>>
    %dma_start3A_185 = arith.constant 0 : i32
    %dma_start3A_186 = tpu.memref_slice %arg8[%dma_start3A_180, %dma_start3A_185] : memref<3x128xi32, #tpu.memory_space<vmem>> -> memref<1x128xi32, #tpu.memory_space<vmem>>
    %dma_start3A_187 = tpu.memref_squeeze %dma_start3A_186 : memref<1x128xi32, #tpu.memory_space<vmem>> -> memref<128xi32, #tpu.memory_space<vmem>>
    %dma_start3A_188 = arith.constant 0 : i32
    %dma_start3A_189 = arith.constant 0 : i32
    %dma_start3A_190 = tpu.memref_slice %arg12[%dma_start3A_188, %dma_start3A_189] : memref<10240x64xf32, #tpu.memory_space<vmem_shared>> -> memref<10240x64xf32, #tpu.memory_space<vmem_shared>>
    tpu.enqueue_indirect_dma source(%dma_start3A_184 : memref<128x64xf32, #tpu.memory_space<vmem>>) target(%dma_start3A_190 : memref<10240x64xf32, #tpu.memory_space<vmem_shared>>) offsets(%dma_start3A_187 : memref<128xi32, #tpu.memory_space<vmem>>) semaphore(%arg23 : memref<!tpu.dma_semaphore, #tpu.memory_space<semaphore_mem>>) {add = true}
    %dma_wait3A_191 = arith.constant 0 : i32
    %dma_wait3A_192 = arith.constant 0 : i32
    %dma_wait3A_193 = arith.constant 0 : i32
    %dma_wait3A_194 = arith.constant 0 : i32
    %dma_wait3A_195 = tpu.memref_slice %arg9[%dma_wait3A_191, %dma_wait3A_193, %dma_wait3A_194] : memref<3x128x64xf32, #tpu.memory_space<vmem>> -> memref<1x128x64xf32, #tpu.memory_space<vmem>>
    %dma_wait3A_196 = tpu.memref_squeeze %dma_wait3A_195 : memref<1x128x64xf32, #tpu.memory_space<vmem>> -> memref<128x64xf32, #tpu.memory_space<vmem>>
    %dma_wait3A_197 = arith.constant 0 : i32
    %dma_wait3A_198 = tpu.memref_slice %arg8[%dma_wait3A_192, %dma_wait3A_197] : memref<3x128xi32, #tpu.memory_space<vmem>> -> memref<1x128xi32, #tpu.memory_space<vmem>>
    %dma_wait3A_199 = tpu.memref_squeeze %dma_wait3A_198 : memref<1x128xi32, #tpu.memory_space<vmem>> -> memref<128xi32, #tpu.memory_space<vmem>>
    %dma_wait3A_200 = arith.constant 0 : i32
    %dma_wait3A_201 = arith.constant 0 : i32
    %dma_wait3A_202 = tpu.memref_slice %arg12[%dma_wait3A_200, %dma_wait3A_201] : memref<10240x64xf32, #tpu.memory_space<vmem_shared>> -> memref<10240x64xf32, #tpu.memory_space<vmem_shared>>
    tpu.wait_indirect_dma semaphore(%arg22 : memref<!tpu.dma_semaphore, #tpu.memory_space<semaphore_mem>>) src(%dma_wait3A_196 : memref<128x64xf32, #tpu.memory_space<vmem>>) dst(%dma_wait3A_202 : memref<10240x64xf32, #tpu.memory_space<vmem_shared>>)
    %add3A_203 = arith.constant 384 : i32
    %add3A_204 = arith.addi %mul3A_17, %add3A_203 : i32
    %dma_start3A_205 = arith.constant 0 : i32
    %dma_start3A_206 = arith.constant 0 : i32
    %dma_start3A_207 = tpu.memref_slice %arg7[%dma_start3A_205, %dma_start3A_206] : memref<3x128xi32, #tpu.memory_space<vmem>> -> memref<1x128xi32, #tpu.memory_space<vmem>>
    %dma_start3A_208 = tpu.memref_squeeze %dma_start3A_207 : memref<1x128xi32, #tpu.memory_space<vmem>> -> memref<128xi32, #tpu.memory_space<vmem>>
    %dma_start3A_209 = tpu.memref_slice %arg4[%add3A_204] : memref<327680xi32, #tpu.memory_space<hbm>> -> memref<128xi32, #tpu.memory_space<hbm>>
    %dma_start3A_210 = arith.constant 0 : i32
    %dma_start3A_211 = tpu.memref_slice %arg7[%dma_start3A_205, %dma_start3A_210] : memref<3x128xi32, #tpu.memory_space<vmem>> -> memref<1x128xi32, #tpu.memory_space<vmem>>
    %dma_start3A_212 = tpu.memref_squeeze %dma_start3A_211 : memref<1x128xi32, #tpu.memory_space<vmem>> -> memref<128xi32, #tpu.memory_space<vmem>>
    %dma_start3A_213 = tpu.memref_slice %arg4[%add3A_204] : memref<327680xi32, #tpu.memory_space<hbm>> -> memref<128xi32, #tpu.memory_space<hbm>>
    tpu.enqueue_dma source(%dma_start3A_213 : memref<128xi32, #tpu.memory_space<hbm>>) target(%dma_start3A_212 : memref<128xi32, #tpu.memory_space<vmem>>) target_semaphore(%arg13 : memref<!tpu.dma_semaphore, #tpu.memory_space<semaphore_mem>>)
    %dma_start3A_214 = arith.constant 0 : i32
    %dma_start3A_215 = arith.constant 0 : i32
    %dma_start3A_216 = tpu.memref_slice %arg8[%dma_start3A_214, %dma_start3A_215] : memref<3x128xi32, #tpu.memory_space<vmem>> -> memref<1x128xi32, #tpu.memory_space<vmem>>
    %dma_start3A_217 = tpu.memref_squeeze %dma_start3A_216 : memref<1x128xi32, #tpu.memory_space<vmem>> -> memref<128xi32, #tpu.memory_space<vmem>>
    %dma_start3A_218 = tpu.memref_slice %arg5[%add3A_204] : memref<327680xi32, #tpu.memory_space<hbm>> -> memref<128xi32, #tpu.memory_space<hbm>>
    %dma_start3A_219 = arith.constant 0 : i32
    %dma_start3A_220 = tpu.memref_slice %arg8[%dma_start3A_214, %dma_start3A_219] : memref<3x128xi32, #tpu.memory_space<vmem>> -> memref<1x128xi32, #tpu.memory_space<vmem>>
    %dma_start3A_221 = tpu.memref_squeeze %dma_start3A_220 : memref<1x128xi32, #tpu.memory_space<vmem>> -> memref<128xi32, #tpu.memory_space<vmem>>
    %dma_start3A_222 = tpu.memref_slice %arg5[%add3A_204] : memref<327680xi32, #tpu.memory_space<hbm>> -> memref<128xi32, #tpu.memory_space<hbm>>
    tpu.enqueue_dma source(%dma_start3A_222 : memref<128xi32, #tpu.memory_space<hbm>>) target(%dma_start3A_221 : memref<128xi32, #tpu.memory_space<vmem>>) target_semaphore(%arg16 : memref<!tpu.dma_semaphore, #tpu.memory_space<semaphore_mem>>)
    %dma_wait3A_223 = arith.constant 2 : i32
    %dma_wait3A_224 = arith.constant 0 : i32
    %dma_wait3A_225 = tpu.memref_slice %arg7[%dma_wait3A_223, %dma_wait3A_224] : memref<3x128xi32, #tpu.memory_space<vmem>> -> memref<1x128xi32, #tpu.memory_space<vmem>>
    %dma_wait3A_226 = tpu.memref_squeeze %dma_wait3A_225 : memref<1x128xi32, #tpu.memory_space<vmem>> -> memref<128xi32, #tpu.memory_space<vmem>>
    %dma_wait3A_227 = arith.constant 0 : i32
    %dma_wait3A_228 = tpu.memref_slice %arg4[%dma_wait3A_227] : memref<327680xi32, #tpu.memory_space<hbm>> -> memref<128xi32, #tpu.memory_space<hbm>>
    %dma_wait3A_229 = arith.constant 0 : i32
    %dma_wait3A_230 = tpu.memref_slice %arg7[%dma_wait3A_223, %dma_wait3A_229] : memref<3x128xi32, #tpu.memory_space<vmem>> -> memref<1x128xi32, #tpu.memory_space<vmem>>
    %dma_wait3A_231 = tpu.memref_squeeze %dma_wait3A_230 : memref<1x128xi32, #tpu.memory_space<vmem>> -> memref<128xi32, #tpu.memory_space<vmem>>
    %dma_wait3A_232 = arith.constant 0 : i32
    %dma_wait3A_233 = tpu.memref_slice %arg4[%dma_wait3A_232] : memref<327680xi32, #tpu.memory_space<hbm>> -> memref<128xi32, #tpu.memory_space<hbm>>
    tpu.wait_dma2 semaphore(%arg15 : memref<!tpu.dma_semaphore, #tpu.memory_space<semaphore_mem>>) src(%dma_wait3A_233 : memref<128xi32, #tpu.memory_space<hbm>>) dst(%dma_wait3A_231 : memref<128xi32, #tpu.memory_space<vmem>>)
    %dma_wait3A_234 = arith.constant 2 : i32
    %dma_wait3A_235 = arith.constant 0 : i32
    %dma_wait3A_236 = tpu.memref_slice %arg8[%dma_wait3A_234, %dma_wait3A_235] : memref<3x128xi32, #tpu.memory_space<vmem>> -> memref<1x128xi32, #tpu.memory_space<vmem>>
    %dma_wait3A_237 = tpu.memref_squeeze %dma_wait3A_236 : memref<1x128xi32, #tpu.memory_space<vmem>> -> memref<128xi32, #tpu.memory_space<vmem>>
    %dma_wait3A_238 = arith.constant 0 : i32
    %dma_wait3A_239 = tpu.memref_slice %arg5[%dma_wait3A_238] : memref<327680xi32, #tpu.memory_space<hbm>> -> memref<128xi32, #tpu.memory_space<hbm>>
    %dma_wait3A_240 = arith.constant 0 : i32
    %dma_wait3A_241 = tpu.memref_slice %arg8[%dma_wait3A_234, %dma_wait3A_240] : memref<3x128xi32, #tpu.memory_space<vmem>> -> memref<1x128xi32, #tpu.memory_space<vmem>>
    %dma_wait3A_242 = tpu.memref_squeeze %dma_wait3A_241 : memref<1x128xi32, #tpu.memory_space<vmem>> -> memref<128xi32, #tpu.memory_space<vmem>>
    %dma_wait3A_243 = arith.constant 0 : i32
    %dma_wait3A_244 = tpu.memref_slice %arg5[%dma_wait3A_243] : memref<327680xi32, #tpu.memory_space<hbm>> -> memref<128xi32, #tpu.memory_space<hbm>>
    tpu.wait_dma2 semaphore(%arg18 : memref<!tpu.dma_semaphore, #tpu.memory_space<semaphore_mem>>) src(%dma_wait3A_244 : memref<128xi32, #tpu.memory_space<hbm>>) dst(%dma_wait3A_242 : memref<128xi32, #tpu.memory_space<vmem>>)
    %dma_start3A_245 = arith.constant 2 : i32
    %dma_start3A_246 = arith.constant 2 : i32
    %dma_start3A_247 = arith.constant 0 : i32
    %dma_start3A_248 = arith.constant 0 : i32
    %dma_start3A_249 = tpu.memref_slice %arg9[%dma_start3A_246, %dma_start3A_247, %dma_start3A_248] : memref<3x128x64xf32, #tpu.memory_space<vmem>> -> memref<1x128x64xf32, #tpu.memory_space<vmem>>
    %dma_start3A_250 = tpu.memref_squeeze %dma_start3A_249 : memref<1x128x64xf32, #tpu.memory_space<vmem>> -> memref<128x64xf32, #tpu.memory_space<vmem>>
    %dma_start3A_251 = arith.constant 0 : i32
    %dma_start3A_252 = tpu.memref_slice %arg7[%dma_start3A_245, %dma_start3A_251] : memref<3x128xi32, #tpu.memory_space<vmem>> -> memref<1x128xi32, #tpu.memory_space<vmem>>
    %dma_start3A_253 = tpu.memref_squeeze %dma_start3A_252 : memref<1x128xi32, #tpu.memory_space<vmem>> -> memref<128xi32, #tpu.memory_space<vmem>>
    %dma_start3A_254 = arith.constant 0 : i32
    %dma_start3A_255 = arith.constant 0 : i32
    %dma_start3A_256 = tpu.memref_slice %arg11[%dma_start3A_254, %dma_start3A_255] : memref<10240x64xf32, #tpu.memory_space<vmem_shared>> -> memref<10240x64xf32, #tpu.memory_space<vmem_shared>>
    tpu.enqueue_indirect_dma source(%dma_start3A_256 : memref<10240x64xf32, #tpu.memory_space<vmem_shared>>) target(%dma_start3A_250 : memref<128x64xf32, #tpu.memory_space<vmem>>) offsets(%dma_start3A_253 : memref<128xi32, #tpu.memory_space<vmem>>) semaphore(%arg21 : memref<!tpu.dma_semaphore, #tpu.memory_space<semaphore_mem>>)
    %scan3A_257 = arith.constant 0 : i32
    %scan3A_258 = arith.constant 52 : i32
    %scan3A_259 = arith.addi %scan3A_257, %scan3A_258 : i32
    %scan3A_260 = arith.constant 1 : i32
    scf.for %scan3A_385 = %scan3A_257 to %scan3A_259 step %scan3A_260  : i32 {
      %mul3A_386 = arith.constant 1 : i32
      %mul3A_387 = arith.muli %scan3A_385, %mul3A_386 : i32
      %add3A_388 = arith.constant 0 : i32
      %add3A_389 = arith.addi %add3A_388, %mul3A_387 : i32
      %mul3A_390 = arith.constant 3 : i32
      %mul3A_391 = arith.muli %add3A_389, %mul3A_390 : i32
      %add3A_392 = arith.constant 2 : i32
      %add3A_393 = arith.addi %add3A_392, %mul3A_391 : i32
      %dma_wait3A_394 = arith.constant 2 : i32
      %dma_wait3A_395 = arith.constant 2 : i32
      %dma_wait3A_396 = arith.constant 0 : i32
      %dma_wait3A_397 = arith.constant 0 : i32
      %dma_wait3A_398 = tpu.memref_slice %arg9[%dma_wait3A_395, %dma_wait3A_396, %dma_wait3A_397] : memref<3x128x64xf32, #tpu.memory_space<vmem>> -> memref<1x128x64xf32, #tpu.memory_space<vmem>>
      %dma_wait3A_399 = tpu.memref_squeeze %dma_wait3A_398 : memref<1x128x64xf32, #tpu.memory_space<vmem>> -> memref<128x64xf32, #tpu.memory_space<vmem>>
      %dma_wait3A_400 = arith.constant 0 : i32
      %dma_wait3A_401 = tpu.memref_slice %arg7[%dma_wait3A_394, %dma_wait3A_400] : memref<3x128xi32, #tpu.memory_space<vmem>> -> memref<1x128xi32, #tpu.memory_space<vmem>>
      %dma_wait3A_402 = tpu.memref_squeeze %dma_wait3A_401 : memref<1x128xi32, #tpu.memory_space<vmem>> -> memref<128xi32, #tpu.memory_space<vmem>>
      %dma_wait3A_403 = arith.constant 0 : i32
      %dma_wait3A_404 = arith.constant 0 : i32
      %dma_wait3A_405 = tpu.memref_slice %arg11[%dma_wait3A_403, %dma_wait3A_404] : memref<10240x64xf32, #tpu.memory_space<vmem_shared>> -> memref<10240x64xf32, #tpu.memory_space<vmem_shared>>
      tpu.wait_indirect_dma semaphore(%arg21 : memref<!tpu.dma_semaphore, #tpu.memory_space<semaphore_mem>>) src(%dma_wait3A_405 : memref<10240x64xf32, #tpu.memory_space<vmem_shared>>) dst(%dma_wait3A_399 : memref<128x64xf32, #tpu.memory_space<vmem>>)
      %dma_start3A_406 = arith.constant 2 : i32
      %dma_start3A_407 = arith.constant 2 : i32
      %dma_start3A_408 = arith.constant 0 : i32
      %dma_start3A_409 = arith.constant 0 : i32
      %dma_start3A_410 = tpu.memref_slice %arg9[%dma_start3A_406, %dma_start3A_408, %dma_start3A_409] : memref<3x128x64xf32, #tpu.memory_space<vmem>> -> memref<1x128x64xf32, #tpu.memory_space<vmem>>
      %dma_start3A_411 = tpu.memref_squeeze %dma_start3A_410 : memref<1x128x64xf32, #tpu.memory_space<vmem>> -> memref<128x64xf32, #tpu.memory_space<vmem>>
      %dma_start3A_412 = arith.constant 0 : i32
      %dma_start3A_413 = tpu.memref_slice %arg8[%dma_start3A_407, %dma_start3A_412] : memref<3x128xi32, #tpu.memory_space<vmem>> -> memref<1x128xi32, #tpu.memory_space<vmem>>
      %dma_start3A_414 = tpu.memref_squeeze %dma_start3A_413 : memref<1x128xi32, #tpu.memory_space<vmem>> -> memref<128xi32, #tpu.memory_space<vmem>>
      %dma_start3A_415 = arith.constant 0 : i32
      %dma_start3A_416 = arith.constant 0 : i32
      %dma_start3A_417 = tpu.memref_slice %arg12[%dma_start3A_415, %dma_start3A_416] : memref<10240x64xf32, #tpu.memory_space<vmem_shared>> -> memref<10240x64xf32, #tpu.memory_space<vmem_shared>>
      tpu.enqueue_indirect_dma source(%dma_start3A_411 : memref<128x64xf32, #tpu.memory_space<vmem>>) target(%dma_start3A_417 : memref<10240x64xf32, #tpu.memory_space<vmem_shared>>) offsets(%dma_start3A_414 : memref<128xi32, #tpu.memory_space<vmem>>) semaphore(%arg24 : memref<!tpu.dma_semaphore, #tpu.memory_space<semaphore_mem>>) {add = true}
      %dma_wait3A_418 = arith.constant 1 : i32
      %dma_wait3A_419 = arith.constant 1 : i32
      %dma_wait3A_420 = arith.constant 0 : i32
      %dma_wait3A_421 = arith.constant 0 : i32
      %dma_wait3A_422 = tpu.memref_slice %arg9[%dma_wait3A_418, %dma_wait3A_420, %dma_wait3A_421] : memref<3x128x64xf32, #tpu.memory_space<vmem>> -> memref<1x128x64xf32, #tpu.memory_space<vmem>>
      %dma_wait3A_423 = tpu.memref_squeeze %dma_wait3A_422 : memref<1x128x64xf32, #tpu.memory_space<vmem>> -> memref<128x64xf32, #tpu.memory_space<vmem>>
      %dma_wait3A_424 = arith.constant 0 : i32
      %dma_wait3A_425 = tpu.memref_slice %arg8[%dma_wait3A_419, %dma_wait3A_424] : memref<3x128xi32, #tpu.memory_space<vmem>> -> memref<1x128xi32, #tpu.memory_space<vmem>>
      %dma_wait3A_426 = tpu.memref_squeeze %dma_wait3A_425 : memref<1x128xi32, #tpu.memory_space<vmem>> -> memref<128xi32, #tpu.memory_space<vmem>>
      %dma_wait3A_427 = arith.constant 0 : i32
      %dma_wait3A_428 = arith.constant 0 : i32
      %dma_wait3A_429 = tpu.memref_slice %arg12[%dma_wait3A_427, %dma_wait3A_428] : memref<10240x64xf32, #tpu.memory_space<vmem_shared>> -> memref<10240x64xf32, #tpu.memory_space<vmem_shared>>
      tpu.wait_indirect_dma semaphore(%arg23 : memref<!tpu.dma_semaphore, #tpu.memory_space<semaphore_mem>>) src(%dma_wait3A_423 : memref<128x64xf32, #tpu.memory_space<vmem>>) dst(%dma_wait3A_429 : memref<10240x64xf32, #tpu.memory_space<vmem_shared>>)
      %add3A_430 = arith.constant 0 : i32
      %add3A_431 = arith.addi %add3A_393, %add3A_430 : i32
      %add3A_432 = arith.constant 2 : i32
      %add3A_433 = arith.addi %add3A_431, %add3A_432 : i32
      %mul3A_434 = arith.constant 128 : i32
      %mul3A_435 = arith.muli %add3A_433, %mul3A_434 : i32
      %add3A_436 = arith.addi %mul3A_17, %mul3A_435 : i32
      %dma_start3A_437 = arith.constant 1 : i32
      %dma_start3A_438 = arith.constant 0 : i32
      %dma_start3A_439 = tpu.memref_slice %arg7[%dma_start3A_437, %dma_start3A_438] : memref<3x128xi32, #tpu.memory_space<vmem>> -> memref<1x128xi32, #tpu.memory_space<vmem>>
      %dma_start3A_440 = tpu.memref_squeeze %dma_start3A_439 : memref<1x128xi32, #tpu.memory_space<vmem>> -> memref<128xi32, #tpu.memory_space<vmem>>
      %dma_start3A_441 = tpu.memref_slice %arg4[%add3A_436] : memref<327680xi32, #tpu.memory_space<hbm>> -> memref<128xi32, #tpu.memory_space<hbm>>
      %dma_start3A_442 = arith.constant 0 : i32
      %dma_start3A_443 = tpu.memref_slice %arg7[%dma_start3A_437, %dma_start3A_442] : memref<3x128xi32, #tpu.memory_space<vmem>> -> memref<1x128xi32, #tpu.memory_space<vmem>>
      %dma_start3A_444 = tpu.memref_squeeze %dma_start3A_443 : memref<1x128xi32, #tpu.memory_space<vmem>> -> memref<128xi32, #tpu.memory_space<vmem>>
      %dma_start3A_445 = tpu.memref_slice %arg4[%add3A_436] : memref<327680xi32, #tpu.memory_space<hbm>> -> memref<128xi32, #tpu.memory_space<hbm>>
      tpu.enqueue_dma source(%dma_start3A_445 : memref<128xi32, #tpu.memory_space<hbm>>) target(%dma_start3A_444 : memref<128xi32, #tpu.memory_space<vmem>>) target_semaphore(%arg14 : memref<!tpu.dma_semaphore, #tpu.memory_space<semaphore_mem>>)
      %dma_start3A_446 = arith.constant 1 : i32
      %dma_start3A_447 = arith.constant 0 : i32
      %dma_start3A_448 = tpu.memref_slice %arg8[%dma_start3A_446, %dma_start3A_447] : memref<3x128xi32, #tpu.memory_space<vmem>> -> memref<1x128xi32, #tpu.memory_space<vmem>>
      %dma_start3A_449 = tpu.memref_squeeze %dma_start3A_448 : memref<1x128xi32, #tpu.memory_space<vmem>> -> memref<128xi32, #tpu.memory_space<vmem>>
      %dma_start3A_450 = tpu.memref_slice %arg5[%add3A_436] : memref<327680xi32, #tpu.memory_space<hbm>> -> memref<128xi32, #tpu.memory_space<hbm>>
      %dma_start3A_451 = arith.constant 0 : i32
      %dma_start3A_452 = tpu.memref_slice %arg8[%dma_start3A_446, %dma_start3A_451] : memref<3x128xi32, #tpu.memory_space<vmem>> -> memref<1x128xi32, #tpu.memory_space<vmem>>
      %dma_start3A_453 = tpu.memref_squeeze %dma_start3A_452 : memref<1x128xi32, #tpu.memory_space<vmem>> -> memref<128xi32, #tpu.memory_space<vmem>>
      %dma_start3A_454 = tpu.memref_slice %arg5[%add3A_436] : memref<327680xi32, #tpu.memory_space<hbm>> -> memref<128xi32, #tpu.memory_space<hbm>>
      tpu.enqueue_dma source(%dma_start3A_454 : memref<128xi32, #tpu.memory_space<hbm>>) target(%dma_start3A_453 : memref<128xi32, #tpu.memory_space<vmem>>) target_semaphore(%arg17 : memref<!tpu.dma_semaphore, #tpu.memory_space<semaphore_mem>>)
      %dma_wait3A_455 = arith.constant 0 : i32
      %dma_wait3A_456 = arith.constant 0 : i32
      %dma_wait3A_457 = tpu.memref_slice %arg7[%dma_wait3A_455, %dma_wait3A_456] : memref<3x128xi32, #tpu.memory_space<vmem>> -> memref<1x128xi32, #tpu.memory_space<vmem>>
      %dma_wait3A_458 = tpu.memref_squeeze %dma_wait3A_457 : memref<1x128xi32, #tpu.memory_space<vmem>> -> memref<128xi32, #tpu.memory_space<vmem>>
      %dma_wait3A_459 = arith.constant 0 : i32
      %dma_wait3A_460 = tpu.memref_slice %arg4[%dma_wait3A_459] : memref<327680xi32, #tpu.memory_space<hbm>> -> memref<128xi32, #tpu.memory_space<hbm>>
      %dma_wait3A_461 = arith.constant 0 : i32
      %dma_wait3A_462 = tpu.memref_slice %arg7[%dma_wait3A_455, %dma_wait3A_461] : memref<3x128xi32, #tpu.memory_space<vmem>> -> memref<1x128xi32, #tpu.memory_space<vmem>>
      %dma_wait3A_463 = tpu.memref_squeeze %dma_wait3A_462 : memref<1x128xi32, #tpu.memory_space<vmem>> -> memref<128xi32, #tpu.memory_space<vmem>>
      %dma_wait3A_464 = arith.constant 0 : i32
      %dma_wait3A_465 = tpu.memref_slice %arg4[%dma_wait3A_464] : memref<327680xi32, #tpu.memory_space<hbm>> -> memref<128xi32, #tpu.memory_space<hbm>>
      tpu.wait_dma2 semaphore(%arg13 : memref<!tpu.dma_semaphore, #tpu.memory_space<semaphore_mem>>) src(%dma_wait3A_465 : memref<128xi32, #tpu.memory_space<hbm>>) dst(%dma_wait3A_463 : memref<128xi32, #tpu.memory_space<vmem>>)
      %dma_wait3A_466 = arith.constant 0 : i32
      %dma_wait3A_467 = arith.constant 0 : i32
      %dma_wait3A_468 = tpu.memref_slice %arg8[%dma_wait3A_466, %dma_wait3A_467] : memref<3x128xi32, #tpu.memory_space<vmem>> -> memref<1x128xi32, #tpu.memory_space<vmem>>
      %dma_wait3A_469 = tpu.memref_squeeze %dma_wait3A_468 : memref<1x128xi32, #tpu.memory_space<vmem>> -> memref<128xi32, #tpu.memory_space<vmem>>
      %dma_wait3A_470 = arith.constant 0 : i32
      %dma_wait3A_471 = tpu.memref_slice %arg5[%dma_wait3A_470] : memref<327680xi32, #tpu.memory_space<hbm>> -> memref<128xi32, #tpu.memory_space<hbm>>
      %dma_wait3A_472 = arith.constant 0 : i32
      %dma_wait3A_473 = tpu.memref_slice %arg8[%dma_wait3A_466, %dma_wait3A_472] : memref<3x128xi32, #tpu.memory_space<vmem>> -> memref<1x128xi32, #tpu.memory_space<vmem>>
      %dma_wait3A_474 = tpu.memref_squeeze %dma_wait3A_473 : memref<1x128xi32, #tpu.memory_space<vmem>> -> memref<128xi32, #tpu.memory_space<vmem>>
      %dma_wait3A_475 = arith.constant 0 : i32
      %dma_wait3A_476 = tpu.memref_slice %arg5[%dma_wait3A_475] : memref<327680xi32, #tpu.memory_space<hbm>> -> memref<128xi32, #tpu.memory_space<hbm>>
      tpu.wait_dma2 semaphore(%arg16 : memref<!tpu.dma_semaphore, #tpu.memory_space<semaphore_mem>>) src(%dma_wait3A_476 : memref<128xi32, #tpu.memory_space<hbm>>) dst(%dma_wait3A_474 : memref<128xi32, #tpu.memory_space<vmem>>)
      %dma_start3A_477 = arith.constant 0 : i32
      %dma_start3A_478 = arith.constant 0 : i32
      %dma_start3A_479 = arith.constant 0 : i32
      %dma_start3A_480 = arith.constant 0 : i32
      %dma_start3A_481 = tpu.memref_slice %arg9[%dma_start3A_478, %dma_start3A_479, %dma_start3A_480] : memref<3x128x64xf32, #tpu.memory_space<vmem>> -> memref<1x128x64xf32, #tpu.memory_space<vmem>>
      %dma_start3A_482 = tpu.memref_squeeze %dma_start3A_481 : memref<1x128x64xf32, #tpu.memory_space<vmem>> -> memref<128x64xf32, #tpu.memory_space<vmem>>
      %dma_start3A_483 = arith.constant 0 : i32
      %dma_start3A_484 = tpu.memref_slice %arg7[%dma_start3A_477, %dma_start3A_483] : memref<3x128xi32, #tpu.memory_space<vmem>> -> memref<1x128xi32, #tpu.memory_space<vmem>>
      %dma_start3A_485 = tpu.memref_squeeze %dma_start3A_484 : memref<1x128xi32, #tpu.memory_space<vmem>> -> memref<128xi32, #tpu.memory_space<vmem>>
      %dma_start3A_486 = arith.constant 0 : i32
      %dma_start3A_487 = arith.constant 0 : i32
      %dma_start3A_488 = tpu.memref_slice %arg11[%dma_start3A_486, %dma_start3A_487] : memref<10240x64xf32, #tpu.memory_space<vmem_shared>> -> memref<10240x64xf32, #tpu.memory_space<vmem_shared>>
      tpu.enqueue_indirect_dma source(%dma_start3A_488 : memref<10240x64xf32, #tpu.memory_space<vmem_shared>>) target(%dma_start3A_482 : memref<128x64xf32, #tpu.memory_space<vmem>>) offsets(%dma_start3A_485 : memref<128xi32, #tpu.memory_space<vmem>>) semaphore(%arg19 : memref<!tpu.dma_semaphore, #tpu.memory_space<semaphore_mem>>)
      %dma_wait3A_489 = arith.constant 0 : i32
      %dma_wait3A_490 = arith.constant 0 : i32
      %dma_wait3A_491 = arith.constant 0 : i32
      %dma_wait3A_492 = arith.constant 0 : i32
      %dma_wait3A_493 = tpu.memref_slice %arg9[%dma_wait3A_490, %dma_wait3A_491, %dma_wait3A_492] : memref<3x128x64xf32, #tpu.memory_space<vmem>> -> memref<1x128x64xf32, #tpu.memory_space<vmem>>
      %dma_wait3A_494 = tpu.memref_squeeze %dma_wait3A_493 : memref<1x128x64xf32, #tpu.memory_space<vmem>> -> memref<128x64xf32, #tpu.memory_space<vmem>>
      %dma_wait3A_495 = arith.constant 0 : i32
      %dma_wait3A_496 = tpu.memref_slice %arg7[%dma_wait3A_489, %dma_wait3A_495] : memref<3x128xi32, #tpu.memory_space<vmem>> -> memref<1x128xi32, #tpu.memory_space<vmem>>
      %dma_wait3A_497 = tpu.memref_squeeze %dma_wait3A_496 : memref<1x128xi32, #tpu.memory_space<vmem>> -> memref<128xi32, #tpu.memory_space<vmem>>
      %dma_wait3A_498 = arith.constant 0 : i32
      %dma_wait3A_499 = arith.constant 0 : i32
      %dma_wait3A_500 = tpu.memref_slice %arg11[%dma_wait3A_498, %dma_wait3A_499] : memref<10240x64xf32, #tpu.memory_space<vmem_shared>> -> memref<10240x64xf32, #tpu.memory_space<vmem_shared>>
      tpu.wait_indirect_dma semaphore(%arg19 : memref<!tpu.dma_semaphore, #tpu.memory_space<semaphore_mem>>) src(%dma_wait3A_500 : memref<10240x64xf32, #tpu.memory_space<vmem_shared>>) dst(%dma_wait3A_494 : memref<128x64xf32, #tpu.memory_space<vmem>>)
      %dma_start3A_501 = arith.constant 0 : i32
      %dma_start3A_502 = arith.constant 0 : i32
      %dma_start3A_503 = arith.constant 0 : i32
      %dma_start3A_504 = arith.constant 0 : i32
      %dma_start3A_505 = tpu.memref_slice %arg9[%dma_start3A_501, %dma_start3A_503, %dma_start3A_504] : memref<3x128x64xf32, #tpu.memory_space<vmem>> -> memref<1x128x64xf32, #tpu.memory_space<vmem>>
      %dma_start3A_506 = tpu.memref_squeeze %dma_start3A_505 : memref<1x128x64xf32, #tpu.memory_space<vmem>> -> memref<128x64xf32, #tpu.memory_space<vmem>>
      %dma_start3A_507 = arith.constant 0 : i32
      %dma_start3A_508 = tpu.memref_slice %arg8[%dma_start3A_502, %dma_start3A_507] : memref<3x128xi32, #tpu.memory_space<vmem>> -> memref<1x128xi32, #tpu.memory_space<vmem>>
      %dma_start3A_509 = tpu.memref_squeeze %dma_start3A_508 : memref<1x128xi32, #tpu.memory_space<vmem>> -> memref<128xi32, #tpu.memory_space<vmem>>
      %dma_start3A_510 = arith.constant 0 : i32
      %dma_start3A_511 = arith.constant 0 : i32
      %dma_start3A_512 = tpu.memref_slice %arg12[%dma_start3A_510, %dma_start3A_511] : memref<10240x64xf32, #tpu.memory_space<vmem_shared>> -> memref<10240x64xf32, #tpu.memory_space<vmem_shared>>
      tpu.enqueue_indirect_dma source(%dma_start3A_506 : memref<128x64xf32, #tpu.memory_space<vmem>>) target(%dma_start3A_512 : memref<10240x64xf32, #tpu.memory_space<vmem_shared>>) offsets(%dma_start3A_509 : memref<128xi32, #tpu.memory_space<vmem>>) semaphore(%arg22 : memref<!tpu.dma_semaphore, #tpu.memory_space<semaphore_mem>>) {add = true}
      %dma_wait3A_513 = arith.constant 2 : i32
      %dma_wait3A_514 = arith.constant 2 : i32
      %dma_wait3A_515 = arith.constant 0 : i32
      %dma_wait3A_516 = arith.constant 0 : i32
      %dma_wait3A_517 = tpu.memref_slice %arg9[%dma_wait3A_513, %dma_wait3A_515, %dma_wait3A_516] : memref<3x128x64xf32, #tpu.memory_space<vmem>> -> memref<1x128x64xf32, #tpu.memory_space<vmem>>
      %dma_wait3A_518 = tpu.memref_squeeze %dma_wait3A_517 : memref<1x128x64xf32, #tpu.memory_space<vmem>> -> memref<128x64xf32, #tpu.memory_space<vmem>>
      %dma_wait3A_519 = arith.constant 0 : i32
      %dma_wait3A_520 = tpu.memref_slice %arg8[%dma_wait3A_514, %dma_wait3A_519] : memref<3x128xi32, #tpu.memory_space<vmem>> -> memref<1x128xi32, #tpu.memory_space<vmem>>
      %dma_wait3A_521 = tpu.memref_squeeze %dma_wait3A_520 : memref<1x128xi32, #tpu.memory_space<vmem>> -> memref<128xi32, #tpu.memory_space<vmem>>
      %dma_wait3A_522 = arith.constant 0 : i32
      %dma_wait3A_523 = arith.constant 0 : i32
      %dma_wait3A_524 = tpu.memref_slice %arg12[%dma_wait3A_522, %dma_wait3A_523] : memref<10240x64xf32, #tpu.memory_space<vmem_shared>> -> memref<10240x64xf32, #tpu.memory_space<vmem_shared>>
      tpu.wait_indirect_dma semaphore(%arg24 : memref<!tpu.dma_semaphore, #tpu.memory_space<semaphore_mem>>) src(%dma_wait3A_518 : memref<128x64xf32, #tpu.memory_space<vmem>>) dst(%dma_wait3A_524 : memref<10240x64xf32, #tpu.memory_space<vmem_shared>>)
      %add3A_525 = arith.constant 1 : i32
      %add3A_526 = arith.addi %add3A_393, %add3A_525 : i32
      %add3A_527 = arith.constant 2 : i32
      %add3A_528 = arith.addi %add3A_526, %add3A_527 : i32
      %mul3A_529 = arith.constant 128 : i32
      %mul3A_530 = arith.muli %add3A_528, %mul3A_529 : i32
      %add3A_531 = arith.addi %mul3A_17, %mul3A_530 : i32
      %dma_start3A_532 = arith.constant 2 : i32
      %dma_start3A_533 = arith.constant 0 : i32
      %dma_start3A_534 = tpu.memref_slice %arg7[%dma_start3A_532, %dma_start3A_533] : memref<3x128xi32, #tpu.memory_space<vmem>> -> memref<1x128xi32, #tpu.memory_space<vmem>>
      %dma_start3A_535 = tpu.memref_squeeze %dma_start3A_534 : memref<1x128xi32, #tpu.memory_space<vmem>> -> memref<128xi32, #tpu.memory_space<vmem>>
      %dma_start3A_536 = tpu.memref_slice %arg4[%add3A_531] : memref<327680xi32, #tpu.memory_space<hbm>> -> memref<128xi32, #tpu.memory_space<hbm>>
      %dma_start3A_537 = arith.constant 0 : i32
      %dma_start3A_538 = tpu.memref_slice %arg7[%dma_start3A_532, %dma_start3A_537] : memref<3x128xi32, #tpu.memory_space<vmem>> -> memref<1x128xi32, #tpu.memory_space<vmem>>
      %dma_start3A_539 = tpu.memref_squeeze %dma_start3A_538 : memref<1x128xi32, #tpu.memory_space<vmem>> -> memref<128xi32, #tpu.memory_space<vmem>>
      %dma_start3A_540 = tpu.memref_slice %arg4[%add3A_531] : memref<327680xi32, #tpu.memory_space<hbm>> -> memref<128xi32, #tpu.memory_space<hbm>>
      tpu.enqueue_dma source(%dma_start3A_540 : memref<128xi32, #tpu.memory_space<hbm>>) target(%dma_start3A_539 : memref<128xi32, #tpu.memory_space<vmem>>) target_semaphore(%arg15 : memref<!tpu.dma_semaphore, #tpu.memory_space<semaphore_mem>>)
      %dma_start3A_541 = arith.constant 2 : i32
      %dma_start3A_542 = arith.constant 0 : i32
      %dma_start3A_543 = tpu.memref_slice %arg8[%dma_start3A_541, %dma_start3A_542] : memref<3x128xi32, #tpu.memory_space<vmem>> -> memref<1x128xi32, #tpu.memory_space<vmem>>
      %dma_start3A_544 = tpu.memref_squeeze %dma_start3A_543 : memref<1x128xi32, #tpu.memory_space<vmem>> -> memref<128xi32, #tpu.memory_space<vmem>>
      %dma_start3A_545 = tpu.memref_slice %arg5[%add3A_531] : memref<327680xi32, #tpu.memory_space<hbm>> -> memref<128xi32, #tpu.memory_space<hbm>>
      %dma_start3A_546 = arith.constant 0 : i32
      %dma_start3A_547 = tpu.memref_slice %arg8[%dma_start3A_541, %dma_start3A_546] : memref<3x128xi32, #tpu.memory_space<vmem>> -> memref<1x128xi32, #tpu.memory_space<vmem>>
      %dma_start3A_548 = tpu.memref_squeeze %dma_start3A_547 : memref<1x128xi32, #tpu.memory_space<vmem>> -> memref<128xi32, #tpu.memory_space<vmem>>
      %dma_start3A_549 = tpu.memref_slice %arg5[%add3A_531] : memref<327680xi32, #tpu.memory_space<hbm>> -> memref<128xi32, #tpu.memory_space<hbm>>
      tpu.enqueue_dma source(%dma_start3A_549 : memref<128xi32, #tpu.memory_space<hbm>>) target(%dma_start3A_548 : memref<128xi32, #tpu.memory_space<vmem>>) target_semaphore(%arg18 : memref<!tpu.dma_semaphore, #tpu.memory_space<semaphore_mem>>)
      %dma_wait3A_550 = arith.constant 1 : i32
      %dma_wait3A_551 = arith.constant 0 : i32
      %dma_wait3A_552 = tpu.memref_slice %arg7[%dma_wait3A_550, %dma_wait3A_551] : memref<3x128xi32, #tpu.memory_space<vmem>> -> memref<1x128xi32, #tpu.memory_space<vmem>>
      %dma_wait3A_553 = tpu.memref_squeeze %dma_wait3A_552 : memref<1x128xi32, #tpu.memory_space<vmem>> -> memref<128xi32, #tpu.memory_space<vmem>>
      %dma_wait3A_554 = arith.constant 0 : i32
      %dma_wait3A_555 = tpu.memref_slice %arg4[%dma_wait3A_554] : memref<327680xi32, #tpu.memory_space<hbm>> -> memref<128xi32, #tpu.memory_space<hbm>>
      %dma_wait3A_556 = arith.constant 0 : i32
      %dma_wait3A_557 = tpu.memref_slice %arg7[%dma_wait3A_550, %dma_wait3A_556] : memref<3x128xi32, #tpu.memory_space<vmem>> -> memref<1x128xi32, #tpu.memory_space<vmem>>
      %dma_wait3A_558 = tpu.memref_squeeze %dma_wait3A_557 : memref<1x128xi32, #tpu.memory_space<vmem>> -> memref<128xi32, #tpu.memory_space<vmem>>
      %dma_wait3A_559 = arith.constant 0 : i32
      %dma_wait3A_560 = tpu.memref_slice %arg4[%dma_wait3A_559] : memref<327680xi32, #tpu.memory_space<hbm>> -> memref<128xi32, #tpu.memory_space<hbm>>
      tpu.wait_dma2 semaphore(%arg14 : memref<!tpu.dma_semaphore, #tpu.memory_space<semaphore_mem>>) src(%dma_wait3A_560 : memref<128xi32, #tpu.memory_space<hbm>>) dst(%dma_wait3A_558 : memref<128xi32, #tpu.memory_space<vmem>>)
      %dma_wait3A_561 = arith.constant 1 : i32
      %dma_wait3A_562 = arith.constant 0 : i32
      %dma_wait3A_563 = tpu.memref_slice %arg8[%dma_wait3A_561, %dma_wait3A_562] : memref<3x128xi32, #tpu.memory_space<vmem>> -> memref<1x128xi32, #tpu.memory_space<vmem>>
      %dma_wait3A_564 = tpu.memref_squeeze %dma_wait3A_563 : memref<1x128xi32, #tpu.memory_space<vmem>> -> memref<128xi32, #tpu.memory_space<vmem>>
      %dma_wait3A_565 = arith.constant 0 : i32
      %dma_wait3A_566 = tpu.memref_slice %arg5[%dma_wait3A_565] : memref<327680xi32, #tpu.memory_space<hbm>> -> memref<128xi32, #tpu.memory_space<hbm>>
      %dma_wait3A_567 = arith.constant 0 : i32
      %dma_wait3A_568 = tpu.memref_slice %arg8[%dma_wait3A_561, %dma_wait3A_567] : memref<3x128xi32, #tpu.memory_space<vmem>> -> memref<1x128xi32, #tpu.memory_space<vmem>>
      %dma_wait3A_569 = tpu.memref_squeeze %dma_wait3A_568 : memref<1x128xi32, #tpu.memory_space<vmem>> -> memref<128xi32, #tpu.memory_space<vmem>>
      %dma_wait3A_570 = arith.constant 0 : i32
      %dma_wait3A_571 = tpu.memref_slice %arg5[%dma_wait3A_570] : memref<327680xi32, #tpu.memory_space<hbm>> -> memref<128xi32, #tpu.memory_space<hbm>>
      tpu.wait_dma2 semaphore(%arg17 : memref<!tpu.dma_semaphore, #tpu.memory_space<semaphore_mem>>) src(%dma_wait3A_571 : memref<128xi32, #tpu.memory_space<hbm>>) dst(%dma_wait3A_569 : memref<128xi32, #tpu.memory_space<vmem>>)
      %dma_start3A_572 = arith.constant 1 : i32
      %dma_start3A_573 = arith.constant 1 : i32
      %dma_start3A_574 = arith.constant 0 : i32
      %dma_start3A_575 = arith.constant 0 : i32
      %dma_start3A_576 = tpu.memref_slice %arg9[%dma_start3A_573, %dma_start3A_574, %dma_start3A_575] : memref<3x128x64xf32, #tpu.memory_space<vmem>> -> memref<1x128x64xf32, #tpu.memory_space<vmem>>
      %dma_start3A_577 = tpu.memref_squeeze %dma_start3A_576 : memref<1x128x64xf32, #tpu.memory_space<vmem>> -> memref<128x64xf32, #tpu.memory_space<vmem>>
      %dma_start3A_578 = arith.constant 0 : i32
      %dma_start3A_579 = tpu.memref_slice %arg7[%dma_start3A_572, %dma_start3A_578] : memref<3x128xi32, #tpu.memory_space<vmem>> -> memref<1x128xi32, #tpu.memory_space<vmem>>
      %dma_start3A_580 = tpu.memref_squeeze %dma_start3A_579 : memref<1x128xi32, #tpu.memory_space<vmem>> -> memref<128xi32, #tpu.memory_space<vmem>>
      %dma_start3A_581 = arith.constant 0 : i32
      %dma_start3A_582 = arith.constant 0 : i32
      %dma_start3A_583 = tpu.memref_slice %arg11[%dma_start3A_581, %dma_start3A_582] : memref<10240x64xf32, #tpu.memory_space<vmem_shared>> -> memref<10240x64xf32, #tpu.memory_space<vmem_shared>>
      tpu.enqueue_indirect_dma source(%dma_start3A_583 : memref<10240x64xf32, #tpu.memory_space<vmem_shared>>) target(%dma_start3A_577 : memref<128x64xf32, #tpu.memory_space<vmem>>) offsets(%dma_start3A_580 : memref<128xi32, #tpu.memory_space<vmem>>) semaphore(%arg20 : memref<!tpu.dma_semaphore, #tpu.memory_space<semaphore_mem>>)
      %dma_wait3A_584 = arith.constant 1 : i32
      %dma_wait3A_585 = arith.constant 1 : i32
      %dma_wait3A_586 = arith.constant 0 : i32
      %dma_wait3A_587 = arith.constant 0 : i32
      %dma_wait3A_588 = tpu.memref_slice %arg9[%dma_wait3A_585, %dma_wait3A_586, %dma_wait3A_587] : memref<3x128x64xf32, #tpu.memory_space<vmem>> -> memref<1x128x64xf32, #tpu.memory_space<vmem>>
      %dma_wait3A_589 = tpu.memref_squeeze %dma_wait3A_588 : memref<1x128x64xf32, #tpu.memory_space<vmem>> -> memref<128x64xf32, #tpu.memory_space<vmem>>
      %dma_wait3A_590 = arith.constant 0 : i32
      %dma_wait3A_591 = tpu.memref_slice %arg7[%dma_wait3A_584, %dma_wait3A_590] : memref<3x128xi32, #tpu.memory_space<vmem>> -> memref<1x128xi32, #tpu.memory_space<vmem>>
      %dma_wait3A_592 = tpu.memref_squeeze %dma_wait3A_591 : memref<1x128xi32, #tpu.memory_space<vmem>> -> memref<128xi32, #tpu.memory_space<vmem>>
      %dma_wait3A_593 = arith.constant 0 : i32
      %dma_wait3A_594 = arith.constant 0 : i32
      %dma_wait3A_595 = tpu.memref_slice %arg11[%dma_wait3A_593, %dma_wait3A_594] : memref<10240x64xf32, #tpu.memory_space<vmem_shared>> -> memref<10240x64xf32, #tpu.memory_space<vmem_shared>>
      tpu.wait_indirect_dma semaphore(%arg20 : memref<!tpu.dma_semaphore, #tpu.memory_space<semaphore_mem>>) src(%dma_wait3A_595 : memref<10240x64xf32, #tpu.memory_space<vmem_shared>>) dst(%dma_wait3A_589 : memref<128x64xf32, #tpu.memory_space<vmem>>)
      %dma_start3A_596 = arith.constant 1 : i32
      %dma_start3A_597 = arith.constant 1 : i32
      %dma_start3A_598 = arith.constant 0 : i32
      %dma_start3A_599 = arith.constant 0 : i32
      %dma_start3A_600 = tpu.memref_slice %arg9[%dma_start3A_596, %dma_start3A_598, %dma_start3A_599] : memref<3x128x64xf32, #tpu.memory_space<vmem>> -> memref<1x128x64xf32, #tpu.memory_space<vmem>>
      %dma_start3A_601 = tpu.memref_squeeze %dma_start3A_600 : memref<1x128x64xf32, #tpu.memory_space<vmem>> -> memref<128x64xf32, #tpu.memory_space<vmem>>
      %dma_start3A_602 = arith.constant 0 : i32
      %dma_start3A_603 = tpu.memref_slice %arg8[%dma_start3A_597, %dma_start3A_602] : memref<3x128xi32, #tpu.memory_space<vmem>> -> memref<1x128xi32, #tpu.memory_space<vmem>>
      %dma_start3A_604 = tpu.memref_squeeze %dma_start3A_603 : memref<1x128xi32, #tpu.memory_space<vmem>> -> memref<128xi32, #tpu.memory_space<vmem>>
      %dma_start3A_605 = arith.constant 0 : i32
      %dma_start3A_606 = arith.constant 0 : i32
      %dma_start3A_607 = tpu.memref_slice %arg12[%dma_start3A_605, %dma_start3A_606] : memref<10240x64xf32, #tpu.memory_space<vmem_shared>> -> memref<10240x64xf32, #tpu.memory_space<vmem_shared>>
      tpu.enqueue_indirect_dma source(%dma_start3A_601 : memref<128x64xf32, #tpu.memory_space<vmem>>) target(%dma_start3A_607 : memref<10240x64xf32, #tpu.memory_space<vmem_shared>>) offsets(%dma_start3A_604 : memref<128xi32, #tpu.memory_space<vmem>>) semaphore(%arg23 : memref<!tpu.dma_semaphore, #tpu.memory_space<semaphore_mem>>) {add = true}
      %dma_wait3A_608 = arith.constant 0 : i32
      %dma_wait3A_609 = arith.constant 0 : i32
      %dma_wait3A_610 = arith.constant 0 : i32
      %dma_wait3A_611 = arith.constant 0 : i32
      %dma_wait3A_612 = tpu.memref_slice %arg9[%dma_wait3A_608, %dma_wait3A_610, %dma_wait3A_611] : memref<3x128x64xf32, #tpu.memory_space<vmem>> -> memref<1x128x64xf32, #tpu.memory_space<vmem>>
      %dma_wait3A_613 = tpu.memref_squeeze %dma_wait3A_612 : memref<1x128x64xf32, #tpu.memory_space<vmem>> -> memref<128x64xf32, #tpu.memory_space<vmem>>
      %dma_wait3A_614 = arith.constant 0 : i32
      %dma_wait3A_615 = tpu.memref_slice %arg8[%dma_wait3A_609, %dma_wait3A_614] : memref<3x128xi32, #tpu.memory_space<vmem>> -> memref<1x128xi32, #tpu.memory_space<vmem>>
      %dma_wait3A_616 = tpu.memref_squeeze %dma_wait3A_615 : memref<1x128xi32, #tpu.memory_space<vmem>> -> memref<128xi32, #tpu.memory_space<vmem>>
      %dma_wait3A_617 = arith.constant 0 : i32
      %dma_wait3A_618 = arith.constant 0 : i32
      %dma_wait3A_619 = tpu.memref_slice %arg12[%dma_wait3A_617, %dma_wait3A_618] : memref<10240x64xf32, #tpu.memory_space<vmem_shared>> -> memref<10240x64xf32, #tpu.memory_space<vmem_shared>>
      tpu.wait_indirect_dma semaphore(%arg22 : memref<!tpu.dma_semaphore, #tpu.memory_space<semaphore_mem>>) src(%dma_wait3A_613 : memref<128x64xf32, #tpu.memory_space<vmem>>) dst(%dma_wait3A_619 : memref<10240x64xf32, #tpu.memory_space<vmem_shared>>)
      %add3A_620 = arith.constant 2 : i32
      %add3A_621 = arith.addi %add3A_393, %add3A_620 : i32
      %add3A_622 = arith.constant 2 : i32
      %add3A_623 = arith.addi %add3A_621, %add3A_622 : i32
      %mul3A_624 = arith.constant 128 : i32
      %mul3A_625 = arith.muli %add3A_623, %mul3A_624 : i32
      %add3A_626 = arith.addi %mul3A_17, %mul3A_625 : i32
      %dma_start3A_627 = arith.constant 0 : i32
      %dma_start3A_628 = arith.constant 0 : i32
      %dma_start3A_629 = tpu.memref_slice %arg7[%dma_start3A_627, %dma_start3A_628] : memref<3x128xi32, #tpu.memory_space<vmem>> -> memref<1x128xi32, #tpu.memory_space<vmem>>
      %dma_start3A_630 = tpu.memref_squeeze %dma_start3A_629 : memref<1x128xi32, #tpu.memory_space<vmem>> -> memref<128xi32, #tpu.memory_space<vmem>>
      %dma_start3A_631 = tpu.memref_slice %arg4[%add3A_626] : memref<327680xi32, #tpu.memory_space<hbm>> -> memref<128xi32, #tpu.memory_space<hbm>>
      %dma_start3A_632 = arith.constant 0 : i32
      %dma_start3A_633 = tpu.memref_slice %arg7[%dma_start3A_627, %dma_start3A_632] : memref<3x128xi32, #tpu.memory_space<vmem>> -> memref<1x128xi32, #tpu.memory_space<vmem>>
      %dma_start3A_634 = tpu.memref_squeeze %dma_start3A_633 : memref<1x128xi32, #tpu.memory_space<vmem>> -> memref<128xi32, #tpu.memory_space<vmem>>
      %dma_start3A_635 = tpu.memref_slice %arg4[%add3A_626] : memref<327680xi32, #tpu.memory_space<hbm>> -> memref<128xi32, #tpu.memory_space<hbm>>
      tpu.enqueue_dma source(%dma_start3A_635 : memref<128xi32, #tpu.memory_space<hbm>>) target(%dma_start3A_634 : memref<128xi32, #tpu.memory_space<vmem>>) target_semaphore(%arg13 : memref<!tpu.dma_semaphore, #tpu.memory_space<semaphore_mem>>)
      %dma_start3A_636 = arith.constant 0 : i32
      %dma_start3A_637 = arith.constant 0 : i32
      %dma_start3A_638 = tpu.memref_slice %arg8[%dma_start3A_636, %dma_start3A_637] : memref<3x128xi32, #tpu.memory_space<vmem>> -> memref<1x128xi32, #tpu.memory_space<vmem>>
      %dma_start3A_639 = tpu.memref_squeeze %dma_start3A_638 : memref<1x128xi32, #tpu.memory_space<vmem>> -> memref<128xi32, #tpu.memory_space<vmem>>
      %dma_start3A_640 = tpu.memref_slice %arg5[%add3A_626] : memref<327680xi32, #tpu.memory_space<hbm>> -> memref<128xi32, #tpu.memory_space<hbm>>
      %dma_start3A_641 = arith.constant 0 : i32
      %dma_start3A_642 = tpu.memref_slice %arg8[%dma_start3A_636, %dma_start3A_641] : memref<3x128xi32, #tpu.memory_space<vmem>> -> memref<1x128xi32, #tpu.memory_space<vmem>>
      %dma_start3A_643 = tpu.memref_squeeze %dma_start3A_642 : memref<1x128xi32, #tpu.memory_space<vmem>> -> memref<128xi32, #tpu.memory_space<vmem>>
      %dma_start3A_644 = tpu.memref_slice %arg5[%add3A_626] : memref<327680xi32, #tpu.memory_space<hbm>> -> memref<128xi32, #tpu.memory_space<hbm>>
      tpu.enqueue_dma source(%dma_start3A_644 : memref<128xi32, #tpu.memory_space<hbm>>) target(%dma_start3A_643 : memref<128xi32, #tpu.memory_space<vmem>>) target_semaphore(%arg16 : memref<!tpu.dma_semaphore, #tpu.memory_space<semaphore_mem>>)
      %dma_wait3A_645 = arith.constant 2 : i32
      %dma_wait3A_646 = arith.constant 0 : i32
      %dma_wait3A_647 = tpu.memref_slice %arg7[%dma_wait3A_645, %dma_wait3A_646] : memref<3x128xi32, #tpu.memory_space<vmem>> -> memref<1x128xi32, #tpu.memory_space<vmem>>
      %dma_wait3A_648 = tpu.memref_squeeze %dma_wait3A_647 : memref<1x128xi32, #tpu.memory_space<vmem>> -> memref<128xi32, #tpu.memory_space<vmem>>
      %dma_wait3A_649 = arith.constant 0 : i32
      %dma_wait3A_650 = tpu.memref_slice %arg4[%dma_wait3A_649] : memref<327680xi32, #tpu.memory_space<hbm>> -> memref<128xi32, #tpu.memory_space<hbm>>
      %dma_wait3A_651 = arith.constant 0 : i32
      %dma_wait3A_652 = tpu.memref_slice %arg7[%dma_wait3A_645, %dma_wait3A_651] : memref<3x128xi32, #tpu.memory_space<vmem>> -> memref<1x128xi32, #tpu.memory_space<vmem>>
      %dma_wait3A_653 = tpu.memref_squeeze %dma_wait3A_652 : memref<1x128xi32, #tpu.memory_space<vmem>> -> memref<128xi32, #tpu.memory_space<vmem>>
      %dma_wait3A_654 = arith.constant 0 : i32
      %dma_wait3A_655 = tpu.memref_slice %arg4[%dma_wait3A_654] : memref<327680xi32, #tpu.memory_space<hbm>> -> memref<128xi32, #tpu.memory_space<hbm>>
      tpu.wait_dma2 semaphore(%arg15 : memref<!tpu.dma_semaphore, #tpu.memory_space<semaphore_mem>>) src(%dma_wait3A_655 : memref<128xi32, #tpu.memory_space<hbm>>) dst(%dma_wait3A_653 : memref<128xi32, #tpu.memory_space<vmem>>)
      %dma_wait3A_656 = arith.constant 2 : i32
      %dma_wait3A_657 = arith.constant 0 : i32
      %dma_wait3A_658 = tpu.memref_slice %arg8[%dma_wait3A_656, %dma_wait3A_657] : memref<3x128xi32, #tpu.memory_space<vmem>> -> memref<1x128xi32, #tpu.memory_space<vmem>>
      %dma_wait3A_659 = tpu.memref_squeeze %dma_wait3A_658 : memref<1x128xi32, #tpu.memory_space<vmem>> -> memref<128xi32, #tpu.memory_space<vmem>>
      %dma_wait3A_660 = arith.constant 0 : i32
      %dma_wait3A_661 = tpu.memref_slice %arg5[%dma_wait3A_660] : memref<327680xi32, #tpu.memory_space<hbm>> -> memref<128xi32, #tpu.memory_space<hbm>>
      %dma_wait3A_662 = arith.constant 0 : i32
      %dma_wait3A_663 = tpu.memref_slice %arg8[%dma_wait3A_656, %dma_wait3A_662] : memref<3x128xi32, #tpu.memory_space<vmem>> -> memref<1x128xi32, #tpu.memory_space<vmem>>
      %dma_wait3A_664 = tpu.memref_squeeze %dma_wait3A_663 : memref<1x128xi32, #tpu.memory_space<vmem>> -> memref<128xi32, #tpu.memory_space<vmem>>
      %dma_wait3A_665 = arith.constant 0 : i32
      %dma_wait3A_666 = tpu.memref_slice %arg5[%dma_wait3A_665] : memref<327680xi32, #tpu.memory_space<hbm>> -> memref<128xi32, #tpu.memory_space<hbm>>
      tpu.wait_dma2 semaphore(%arg18 : memref<!tpu.dma_semaphore, #tpu.memory_space<semaphore_mem>>) src(%dma_wait3A_666 : memref<128xi32, #tpu.memory_space<hbm>>) dst(%dma_wait3A_664 : memref<128xi32, #tpu.memory_space<vmem>>)
      %dma_start3A_667 = arith.constant 2 : i32
      %dma_start3A_668 = arith.constant 2 : i32
      %dma_start3A_669 = arith.constant 0 : i32
      %dma_start3A_670 = arith.constant 0 : i32
      %dma_start3A_671 = tpu.memref_slice %arg9[%dma_start3A_668, %dma_start3A_669, %dma_start3A_670] : memref<3x128x64xf32, #tpu.memory_space<vmem>> -> memref<1x128x64xf32, #tpu.memory_space<vmem>>
      %dma_start3A_672 = tpu.memref_squeeze %dma_start3A_671 : memref<1x128x64xf32, #tpu.memory_space<vmem>> -> memref<128x64xf32, #tpu.memory_space<vmem>>
      %dma_start3A_673 = arith.constant 0 : i32
      %dma_start3A_674 = tpu.memref_slice %arg7[%dma_start3A_667, %dma_start3A_673] : memref<3x128xi32, #tpu.memory_space<vmem>> -> memref<1x128xi32, #tpu.memory_space<vmem>>
      %dma_start3A_675 = tpu.memref_squeeze %dma_start3A_674 : memref<1x128xi32, #tpu.memory_space<vmem>> -> memref<128xi32, #tpu.memory_space<vmem>>
      %dma_start3A_676 = arith.constant 0 : i32
      %dma_start3A_677 = arith.constant 0 : i32
      %dma_start3A_678 = tpu.memref_slice %arg11[%dma_start3A_676, %dma_start3A_677] : memref<10240x64xf32, #tpu.memory_space<vmem_shared>> -> memref<10240x64xf32, #tpu.memory_space<vmem_shared>>
      tpu.enqueue_indirect_dma source(%dma_start3A_678 : memref<10240x64xf32, #tpu.memory_space<vmem_shared>>) target(%dma_start3A_672 : memref<128x64xf32, #tpu.memory_space<vmem>>) offsets(%dma_start3A_675 : memref<128xi32, #tpu.memory_space<vmem>>) semaphore(%arg21 : memref<!tpu.dma_semaphore, #tpu.memory_space<semaphore_mem>>)
    }
    %scan3A_261 = arith.constant 52 : i32
    %dma_wait3A_262 = arith.constant 2 : i32
    %dma_wait3A_263 = arith.constant 2 : i32
    %dma_wait3A_264 = arith.constant 0 : i32
    %dma_wait3A_265 = arith.constant 0 : i32
    %dma_wait3A_266 = tpu.memref_slice %arg9[%dma_wait3A_263, %dma_wait3A_264, %dma_wait3A_265] : memref<3x128x64xf32, #tpu.memory_space<vmem>> -> memref<1x128x64xf32, #tpu.memory_space<vmem>>
    %dma_wait3A_267 = tpu.memref_squeeze %dma_wait3A_266 : memref<1x128x64xf32, #tpu.memory_space<vmem>> -> memref<128x64xf32, #tpu.memory_space<vmem>>
    %dma_wait3A_268 = arith.constant 0 : i32
    %dma_wait3A_269 = tpu.memref_slice %arg7[%dma_wait3A_262, %dma_wait3A_268] : memref<3x128xi32, #tpu.memory_space<vmem>> -> memref<1x128xi32, #tpu.memory_space<vmem>>
    %dma_wait3A_270 = tpu.memref_squeeze %dma_wait3A_269 : memref<1x128xi32, #tpu.memory_space<vmem>> -> memref<128xi32, #tpu.memory_space<vmem>>
    %dma_wait3A_271 = arith.constant 0 : i32
    %dma_wait3A_272 = arith.constant 0 : i32
    %dma_wait3A_273 = tpu.memref_slice %arg11[%dma_wait3A_271, %dma_wait3A_272] : memref<10240x64xf32, #tpu.memory_space<vmem_shared>> -> memref<10240x64xf32, #tpu.memory_space<vmem_shared>>
    tpu.wait_indirect_dma semaphore(%arg21 : memref<!tpu.dma_semaphore, #tpu.memory_space<semaphore_mem>>) src(%dma_wait3A_273 : memref<10240x64xf32, #tpu.memory_space<vmem_shared>>) dst(%dma_wait3A_267 : memref<128x64xf32, #tpu.memory_space<vmem>>)
    %dma_start3A_274 = arith.constant 2 : i32
    %dma_start3A_275 = arith.constant 2 : i32
    %dma_start3A_276 = arith.constant 0 : i32
    %dma_start3A_277 = arith.constant 0 : i32
    %dma_start3A_278 = tpu.memref_slice %arg9[%dma_start3A_274, %dma_start3A_276, %dma_start3A_277] : memref<3x128x64xf32, #tpu.memory_space<vmem>> -> memref<1x128x64xf32, #tpu.memory_space<vmem>>
    %dma_start3A_279 = tpu.memref_squeeze %dma_start3A_278 : memref<1x128x64xf32, #tpu.memory_space<vmem>> -> memref<128x64xf32, #tpu.memory_space<vmem>>
    %dma_start3A_280 = arith.constant 0 : i32
    %dma_start3A_281 = tpu.memref_slice %arg8[%dma_start3A_275, %dma_start3A_280] : memref<3x128xi32, #tpu.memory_space<vmem>> -> memref<1x128xi32, #tpu.memory_space<vmem>>
    %dma_start3A_282 = tpu.memref_squeeze %dma_start3A_281 : memref<1x128xi32, #tpu.memory_space<vmem>> -> memref<128xi32, #tpu.memory_space<vmem>>
    %dma_start3A_283 = arith.constant 0 : i32
    %dma_start3A_284 = arith.constant 0 : i32
    %dma_start3A_285 = tpu.memref_slice %arg12[%dma_start3A_283, %dma_start3A_284] : memref<10240x64xf32, #tpu.memory_space<vmem_shared>> -> memref<10240x64xf32, #tpu.memory_space<vmem_shared>>
    tpu.enqueue_indirect_dma source(%dma_start3A_279 : memref<128x64xf32, #tpu.memory_space<vmem>>) target(%dma_start3A_285 : memref<10240x64xf32, #tpu.memory_space<vmem_shared>>) offsets(%dma_start3A_282 : memref<128xi32, #tpu.memory_space<vmem>>) semaphore(%arg24 : memref<!tpu.dma_semaphore, #tpu.memory_space<semaphore_mem>>) {add = true}
    %dma_wait3A_286 = arith.constant 1 : i32
    %dma_wait3A_287 = arith.constant 1 : i32
    %dma_wait3A_288 = arith.constant 0 : i32
    %dma_wait3A_289 = arith.constant 0 : i32
    %dma_wait3A_290 = tpu.memref_slice %arg9[%dma_wait3A_286, %dma_wait3A_288, %dma_wait3A_289] : memref<3x128x64xf32, #tpu.memory_space<vmem>> -> memref<1x128x64xf32, #tpu.memory_space<vmem>>
    %dma_wait3A_291 = tpu.memref_squeeze %dma_wait3A_290 : memref<1x128x64xf32, #tpu.memory_space<vmem>> -> memref<128x64xf32, #tpu.memory_space<vmem>>
    %dma_wait3A_292 = arith.constant 0 : i32
    %dma_wait3A_293 = tpu.memref_slice %arg8[%dma_wait3A_287, %dma_wait3A_292] : memref<3x128xi32, #tpu.memory_space<vmem>> -> memref<1x128xi32, #tpu.memory_space<vmem>>
    %dma_wait3A_294 = tpu.memref_squeeze %dma_wait3A_293 : memref<1x128xi32, #tpu.memory_space<vmem>> -> memref<128xi32, #tpu.memory_space<vmem>>
    %dma_wait3A_295 = arith.constant 0 : i32
    %dma_wait3A_296 = arith.constant 0 : i32
    %dma_wait3A_297 = tpu.memref_slice %arg12[%dma_wait3A_295, %dma_wait3A_296] : memref<10240x64xf32, #tpu.memory_space<vmem_shared>> -> memref<10240x64xf32, #tpu.memory_space<vmem_shared>>
    tpu.wait_indirect_dma semaphore(%arg23 : memref<!tpu.dma_semaphore, #tpu.memory_space<semaphore_mem>>) src(%dma_wait3A_291 : memref<128x64xf32, #tpu.memory_space<vmem>>) dst(%dma_wait3A_297 : memref<10240x64xf32, #tpu.memory_space<vmem_shared>>)
    %dma_wait3A_298 = arith.constant 0 : i32
    %dma_wait3A_299 = arith.constant 0 : i32
    %dma_wait3A_300 = tpu.memref_slice %arg7[%dma_wait3A_298, %dma_wait3A_299] : memref<3x128xi32, #tpu.memory_space<vmem>> -> memref<1x128xi32, #tpu.memory_space<vmem>>
    %dma_wait3A_301 = tpu.memref_squeeze %dma_wait3A_300 : memref<1x128xi32, #tpu.memory_space<vmem>> -> memref<128xi32, #tpu.memory_space<vmem>>
    %dma_wait3A_302 = arith.constant 0 : i32
    %dma_wait3A_303 = tpu.memref_slice %arg4[%dma_wait3A_302] : memref<327680xi32, #tpu.memory_space<hbm>> -> memref<128xi32, #tpu.memory_space<hbm>>
    %dma_wait3A_304 = arith.constant 0 : i32
    %dma_wait3A_305 = tpu.memref_slice %arg7[%dma_wait3A_298, %dma_wait3A_304] : memref<3x128xi32, #tpu.memory_space<vmem>> -> memref<1x128xi32, #tpu.memory_space<vmem>>
    %dma_wait3A_306 = tpu.memref_squeeze %dma_wait3A_305 : memref<1x128xi32, #tpu.memory_space<vmem>> -> memref<128xi32, #tpu.memory_space<vmem>>
    %dma_wait3A_307 = arith.constant 0 : i32
    %dma_wait3A_308 = tpu.memref_slice %arg4[%dma_wait3A_307] : memref<327680xi32, #tpu.memory_space<hbm>> -> memref<128xi32, #tpu.memory_space<hbm>>
    tpu.wait_dma2 semaphore(%arg13 : memref<!tpu.dma_semaphore, #tpu.memory_space<semaphore_mem>>) src(%dma_wait3A_308 : memref<128xi32, #tpu.memory_space<hbm>>) dst(%dma_wait3A_306 : memref<128xi32, #tpu.memory_space<vmem>>)
    %dma_wait3A_309 = arith.constant 0 : i32
    %dma_wait3A_310 = arith.constant 0 : i32
    %dma_wait3A_311 = tpu.memref_slice %arg8[%dma_wait3A_309, %dma_wait3A_310] : memref<3x128xi32, #tpu.memory_space<vmem>> -> memref<1x128xi32, #tpu.memory_space<vmem>>
    %dma_wait3A_312 = tpu.memref_squeeze %dma_wait3A_311 : memref<1x128xi32, #tpu.memory_space<vmem>> -> memref<128xi32, #tpu.memory_space<vmem>>
    %dma_wait3A_313 = arith.constant 0 : i32
    %dma_wait3A_314 = tpu.memref_slice %arg5[%dma_wait3A_313] : memref<327680xi32, #tpu.memory_space<hbm>> -> memref<128xi32, #tpu.memory_space<hbm>>
    %dma_wait3A_315 = arith.constant 0 : i32
    %dma_wait3A_316 = tpu.memref_slice %arg8[%dma_wait3A_309, %dma_wait3A_315] : memref<3x128xi32, #tpu.memory_space<vmem>> -> memref<1x128xi32, #tpu.memory_space<vmem>>
    %dma_wait3A_317 = tpu.memref_squeeze %dma_wait3A_316 : memref<1x128xi32, #tpu.memory_space<vmem>> -> memref<128xi32, #tpu.memory_space<vmem>>
    %dma_wait3A_318 = arith.constant 0 : i32
    %dma_wait3A_319 = tpu.memref_slice %arg5[%dma_wait3A_318] : memref<327680xi32, #tpu.memory_space<hbm>> -> memref<128xi32, #tpu.memory_space<hbm>>
    tpu.wait_dma2 semaphore(%arg16 : memref<!tpu.dma_semaphore, #tpu.memory_space<semaphore_mem>>) src(%dma_wait3A_319 : memref<128xi32, #tpu.memory_space<hbm>>) dst(%dma_wait3A_317 : memref<128xi32, #tpu.memory_space<vmem>>)
    %dma_start3A_320 = arith.constant 0 : i32
    %dma_start3A_321 = arith.constant 0 : i32
    %dma_start3A_322 = arith.constant 0 : i32
    %dma_start3A_323 = arith.constant 0 : i32
    %dma_start3A_324 = tpu.memref_slice %arg9[%dma_start3A_321, %dma_start3A_322, %dma_start3A_323] : memref<3x128x64xf32, #tpu.memory_space<vmem>> -> memref<1x128x64xf32, #tpu.memory_space<vmem>>
    %dma_start3A_325 = tpu.memref_squeeze %dma_start3A_324 : memref<1x128x64xf32, #tpu.memory_space<vmem>> -> memref<128x64xf32, #tpu.memory_space<vmem>>
    %dma_start3A_326 = arith.constant 0 : i32
    %dma_start3A_327 = tpu.memref_slice %arg7[%dma_start3A_320, %dma_start3A_326] : memref<3x128xi32, #tpu.memory_space<vmem>> -> memref<1x128xi32, #tpu.memory_space<vmem>>
    %dma_start3A_328 = tpu.memref_squeeze %dma_start3A_327 : memref<1x128xi32, #tpu.memory_space<vmem>> -> memref<128xi32, #tpu.memory_space<vmem>>
    %dma_start3A_329 = arith.constant 0 : i32
    %dma_start3A_330 = arith.constant 0 : i32
    %dma_start3A_331 = tpu.memref_slice %arg11[%dma_start3A_329, %dma_start3A_330] : memref<10240x64xf32, #tpu.memory_space<vmem_shared>> -> memref<10240x64xf32, #tpu.memory_space<vmem_shared>>
    tpu.enqueue_indirect_dma source(%dma_start3A_331 : memref<10240x64xf32, #tpu.memory_space<vmem_shared>>) target(%dma_start3A_325 : memref<128x64xf32, #tpu.memory_space<vmem>>) offsets(%dma_start3A_328 : memref<128xi32, #tpu.memory_space<vmem>>) semaphore(%arg19 : memref<!tpu.dma_semaphore, #tpu.memory_space<semaphore_mem>>)
    %dma_wait3A_332 = arith.constant 0 : i32
    %dma_wait3A_333 = arith.constant 0 : i32
    %dma_wait3A_334 = arith.constant 0 : i32
    %dma_wait3A_335 = arith.constant 0 : i32
    %dma_wait3A_336 = tpu.memref_slice %arg9[%dma_wait3A_333, %dma_wait3A_334, %dma_wait3A_335] : memref<3x128x64xf32, #tpu.memory_space<vmem>> -> memref<1x128x64xf32, #tpu.memory_space<vmem>>
    %dma_wait3A_337 = tpu.memref_squeeze %dma_wait3A_336 : memref<1x128x64xf32, #tpu.memory_space<vmem>> -> memref<128x64xf32, #tpu.memory_space<vmem>>
    %dma_wait3A_338 = arith.constant 0 : i32
    %dma_wait3A_339 = tpu.memref_slice %arg7[%dma_wait3A_332, %dma_wait3A_338] : memref<3x128xi32, #tpu.memory_space<vmem>> -> memref<1x128xi32, #tpu.memory_space<vmem>>
    %dma_wait3A_340 = tpu.memref_squeeze %dma_wait3A_339 : memref<1x128xi32, #tpu.memory_space<vmem>> -> memref<128xi32, #tpu.memory_space<vmem>>
    %dma_wait3A_341 = arith.constant 0 : i32
    %dma_wait3A_342 = arith.constant 0 : i32
    %dma_wait3A_343 = tpu.memref_slice %arg11[%dma_wait3A_341, %dma_wait3A_342] : memref<10240x64xf32, #tpu.memory_space<vmem_shared>> -> memref<10240x64xf32, #tpu.memory_space<vmem_shared>>
    tpu.wait_indirect_dma semaphore(%arg19 : memref<!tpu.dma_semaphore, #tpu.memory_space<semaphore_mem>>) src(%dma_wait3A_343 : memref<10240x64xf32, #tpu.memory_space<vmem_shared>>) dst(%dma_wait3A_337 : memref<128x64xf32, #tpu.memory_space<vmem>>)
    %dma_start3A_344 = arith.constant 0 : i32
    %dma_start3A_345 = arith.constant 0 : i32
    %dma_start3A_346 = arith.constant 0 : i32
    %dma_start3A_347 = arith.constant 0 : i32
    %dma_start3A_348 = tpu.memref_slice %arg9[%dma_start3A_344, %dma_start3A_346, %dma_start3A_347] : memref<3x128x64xf32, #tpu.memory_space<vmem>> -> memref<1x128x64xf32, #tpu.memory_space<vmem>>
    %dma_start3A_349 = tpu.memref_squeeze %dma_start3A_348 : memref<1x128x64xf32, #tpu.memory_space<vmem>> -> memref<128x64xf32, #tpu.memory_space<vmem>>
    %dma_start3A_350 = arith.constant 0 : i32
    %dma_start3A_351 = tpu.memref_slice %arg8[%dma_start3A_345, %dma_start3A_350] : memref<3x128xi32, #tpu.memory_space<vmem>> -> memref<1x128xi32, #tpu.memory_space<vmem>>
    %dma_start3A_352 = tpu.memref_squeeze %dma_start3A_351 : memref<1x128xi32, #tpu.memory_space<vmem>> -> memref<128xi32, #tpu.memory_space<vmem>>
    %dma_start3A_353 = arith.constant 0 : i32
    %dma_start3A_354 = arith.constant 0 : i32
    %dma_start3A_355 = tpu.memref_slice %arg12[%dma_start3A_353, %dma_start3A_354] : memref<10240x64xf32, #tpu.memory_space<vmem_shared>> -> memref<10240x64xf32, #tpu.memory_space<vmem_shared>>
    tpu.enqueue_indirect_dma source(%dma_start3A_349 : memref<128x64xf32, #tpu.memory_space<vmem>>) target(%dma_start3A_355 : memref<10240x64xf32, #tpu.memory_space<vmem_shared>>) offsets(%dma_start3A_352 : memref<128xi32, #tpu.memory_space<vmem>>) semaphore(%arg22 : memref<!tpu.dma_semaphore, #tpu.memory_space<semaphore_mem>>) {add = true}
    %dma_wait3A_356 = arith.constant 2 : i32
    %dma_wait3A_357 = arith.constant 2 : i32
    %dma_wait3A_358 = arith.constant 0 : i32
    %dma_wait3A_359 = arith.constant 0 : i32
    %dma_wait3A_360 = tpu.memref_slice %arg9[%dma_wait3A_356, %dma_wait3A_358, %dma_wait3A_359] : memref<3x128x64xf32, #tpu.memory_space<vmem>> -> memref<1x128x64xf32, #tpu.memory_space<vmem>>
    %dma_wait3A_361 = tpu.memref_squeeze %dma_wait3A_360 : memref<1x128x64xf32, #tpu.memory_space<vmem>> -> memref<128x64xf32, #tpu.memory_space<vmem>>
    %dma_wait3A_362 = arith.constant 0 : i32
    %dma_wait3A_363 = tpu.memref_slice %arg8[%dma_wait3A_357, %dma_wait3A_362] : memref<3x128xi32, #tpu.memory_space<vmem>> -> memref<1x128xi32, #tpu.memory_space<vmem>>
    %dma_wait3A_364 = tpu.memref_squeeze %dma_wait3A_363 : memref<1x128xi32, #tpu.memory_space<vmem>> -> memref<128xi32, #tpu.memory_space<vmem>>
    %dma_wait3A_365 = arith.constant 0 : i32
    %dma_wait3A_366 = arith.constant 0 : i32
    %dma_wait3A_367 = tpu.memref_slice %arg12[%dma_wait3A_365, %dma_wait3A_366] : memref<10240x64xf32, #tpu.memory_space<vmem_shared>> -> memref<10240x64xf32, #tpu.memory_space<vmem_shared>>
    tpu.wait_indirect_dma semaphore(%arg24 : memref<!tpu.dma_semaphore, #tpu.memory_space<semaphore_mem>>) src(%dma_wait3A_361 : memref<128x64xf32, #tpu.memory_space<vmem>>) dst(%dma_wait3A_367 : memref<10240x64xf32, #tpu.memory_space<vmem_shared>>)
    %dma_wait3A_368 = arith.constant 0 : i32
    %dma_wait3A_369 = arith.constant 0 : i32
    %dma_wait3A_370 = arith.constant 0 : i32
    %dma_wait3A_371 = arith.constant 0 : i32
    %dma_wait3A_372 = tpu.memref_slice %arg9[%dma_wait3A_368, %dma_wait3A_370, %dma_wait3A_371] : memref<3x128x64xf32, #tpu.memory_space<vmem>> -> memref<1x128x64xf32, #tpu.memory_space<vmem>>
    %dma_wait3A_373 = tpu.memref_squeeze %dma_wait3A_372 : memref<1x128x64xf32, #tpu.memory_space<vmem>> -> memref<128x64xf32, #tpu.memory_space<vmem>>
    %dma_wait3A_374 = arith.constant 0 : i32
    %dma_wait3A_375 = tpu.memref_slice %arg8[%dma_wait3A_369, %dma_wait3A_374] : memref<3x128xi32, #tpu.memory_space<vmem>> -> memref<1x128xi32, #tpu.memory_space<vmem>>
    %dma_wait3A_376 = tpu.memref_squeeze %dma_wait3A_375 : memref<1x128xi32, #tpu.memory_space<vmem>> -> memref<128xi32, #tpu.memory_space<vmem>>
    %dma_wait3A_377 = arith.constant 0 : i32
    %dma_wait3A_378 = arith.constant 0 : i32
    %dma_wait3A_379 = tpu.memref_slice %arg12[%dma_wait3A_377, %dma_wait3A_378] : memref<10240x64xf32, #tpu.memory_space<vmem_shared>> -> memref<10240x64xf32, #tpu.memory_space<vmem_shared>>
    tpu.wait_indirect_dma semaphore(%arg22 : memref<!tpu.dma_semaphore, #tpu.memory_space<semaphore_mem>>) src(%dma_wait3A_373 : memref<128x64xf32, #tpu.memory_space<vmem>>) dst(%dma_wait3A_379 : memref<10240x64xf32, #tpu.memory_space<vmem_shared>>)
    %barrier3A_380 = arith.constant 0 : index
    tpu.barrier barrier_id(%barrier3A_380)
    %mul3A_381 = arith.constant 640 : i32
    %mul3A_382 = arith.muli %arg1, %mul3A_381 : i32
    %mul3A_383 = arith.constant 640 : i32
    %mul3A_384 = arith.muli %arg1, %mul3A_383 : i32
    "tpu.region"() ({
      %run_scoped3A = tpu.sem_alloc : memref<!tpu.dma_semaphore, #tpu.memory_space<semaphore_mem>>
      %dma_start3A_385 = arith.constant 0 : i32
      %dma_start3A_386 = tpu.memref_slice %arg6[%arg0, %mul3A_384, %dma_start3A_385] : memref<2x10240x64xf32, #tpu.memory_space<hbm>> -> memref<1x640x64xf32, #tpu.memory_space<hbm>>
      %dma_start3A_387 = tpu.memref_squeeze %dma_start3A_386 : memref<1x640x64xf32, #tpu.memory_space<hbm>> -> memref<640x64xf32, #tpu.memory_space<hbm>>
      %dma_start3A_388 = arith.constant 0 : i32
      %dma_start3A_389 = tpu.memref_slice %arg12[%mul3A_382, %dma_start3A_388] : memref<10240x64xf32, #tpu.memory_space<vmem_shared>> -> memref<640x64xf32, #tpu.memory_space<vmem_shared>>
      tpu.enqueue_dma source(%dma_start3A_389 : memref<640x64xf32, #tpu.memory_space<vmem_shared>>) target(%dma_start3A_387 : memref<640x64xf32, #tpu.memory_space<hbm>>) target_semaphore(%run_scoped3A : memref<!tpu.dma_semaphore, #tpu.memory_space<semaphore_mem>>)
      %dma_wait3A_390 = arith.constant 0 : i32
      %dma_wait3A_391 = tpu.memref_slice %arg6[%arg0, %mul3A_384, %dma_wait3A_390] : memref<2x10240x64xf32, #tpu.memory_space<hbm>> -> memref<1x640x64xf32, #tpu.memory_space<hbm>>
      %dma_wait3A_392 = tpu.memref_squeeze %dma_wait3A_391 : memref<1x640x64xf32, #tpu.memory_space<hbm>> -> memref<640x64xf32, #tpu.memory_space<hbm>>
      %dma_wait3A_393 = arith.constant 0 : i32
      %dma_wait3A_394 = tpu.memref_slice %arg12[%mul3A_382, %dma_wait3A_393] : memref<10240x64xf32, #tpu.memory_space<vmem_shared>> -> memref<640x64xf32, #tpu.memory_space<vmem_shared>>
      tpu.wait_dma2 semaphore(%run_scoped3A : memref<!tpu.dma_semaphore, #tpu.memory_space<semaphore_mem>>) src(%dma_wait3A_394 : memref<640x64xf32, #tpu.memory_space<vmem_shared>>) dst(%dma_wait3A_392 : memref<640x64xf32, #tpu.memory_space<hbm>>)
      tpu.yield
    }) : () -> ()
    return
  }
}

#map = affine_map<(d0, d1) -> (0, 0)>
#map1 = affine_map<(d0, d1) -> (0)>
#map2 = affine_map<(d0, d1) -> (0, 0, 0)>
module attributes {stable_mosaic.version = 14 : i64} {
  func.func @body(%arg0: i32, %arg1: i32, %arg2: memref<10240x32xf32, #tpu.memory_space<hbm>>, %arg3: memref<10240x32xf32, #tpu.memory_space<hbm>>, %arg4: memref<327680xi32, #tpu.memory_space<hbm>>, %arg5: memref<327680xi32, #tpu.memory_space<hbm>>, %arg6: memref<2x10240x32xf32, #tpu.memory_space<hbm>>, %arg7: memref<3x128xi32, #tpu.memory_space<vmem>>, %arg8: memref<3x128xi32, #tpu.memory_space<vmem>>, %arg9: memref<3x128x32xf32, #tpu.memory_space<vmem>>, %arg10: memref<64x32xf32, #tpu.memory_space<vmem>>, %arg11: memref<10240x32xf32, #tpu.memory_space<vmem_shared>>, %arg12: memref<10240x32xf32, #tpu.memory_space<vmem_shared>>, %arg13: memref<!tpu.dma_semaphore, #tpu.memory_space<semaphore_mem>>, %arg14: memref<!tpu.dma_semaphore, #tpu.memory_space<semaphore_mem>>, %arg15: memref<!tpu.dma_semaphore, #tpu.memory_space<semaphore_mem>>, %arg16: memref<!tpu.dma_semaphore, #tpu.memory_space<semaphore_mem>>, %arg17: memref<!tpu.dma_semaphore, #tpu.memory_space<semaphore_mem>>, %arg18: memref<!tpu.dma_semaphore, #tpu.memory_space<semaphore_mem>>, %arg19: memref<!tpu.dma_semaphore, #tpu.memory_space<semaphore_mem>>, %arg20: memref<!tpu.dma_semaphore, #tpu.memory_space<semaphore_mem>>, %arg21: memref<!tpu.dma_semaphore, #tpu.memory_space<semaphore_mem>>, %arg22: memref<!tpu.dma_semaphore, #tpu.memory_space<semaphore_mem>>, %arg23: memref<!tpu.dma_semaphore, #tpu.memory_space<semaphore_mem>>, %arg24: memref<!tpu.dma_semaphore, #tpu.memory_space<semaphore_mem>>) attributes {dimension_semantics = [#tpu.dimension_semantics<core_parallel>, #tpu.dimension_semantics<subcore_parallel>], iteration_bounds = array<i64: 2, 16>, scalar_prefetch = 0 : i64, scratch_operands = 18 : i64, tpu.core_type = #tpu.core_type<sc_vector_subcore>, window_params = [{transform_indices = #map}, {transform_indices = #map}, {transform_indices = #map1}, {transform_indices = #map1}, {transform_indices = #map2}]} {
    %broadcast_in_dim3A = arith.constant 0.000000e+00 : f32
    %broadcast_in_dim3A_0 = vector.broadcast %broadcast_in_dim3A : f32 to vector<16xf32>
    %scan3A = arith.constant 0 : i32
    %scan3A_1 = arith.constant 64 : i32
    %scan3A_2 = arith.addi %scan3A, %scan3A_1 : i32
    %scan3A_3 = arith.constant 1 : i32
    scf.for %scan3A_385 = %scan3A to %scan3A_2 step %scan3A_3  : i32 {
      %mul3A_386 = arith.constant 1 : i32
      %mul3A_387 = arith.muli %scan3A_385, %mul3A_386 : i32
      %add3A_388 = arith.constant 0 : i32
      %add3A_389 = arith.addi %add3A_388, %mul3A_387 : i32
      %scan3A_390 = arith.constant 0 : i32
      %scan3A_391 = arith.constant 2 : i32
      %scan3A_392 = arith.addi %scan3A_390, %scan3A_391 : i32
      %scan3A_393 = arith.constant 1 : i32
      scf.for %scan3A_395 = %scan3A_390 to %scan3A_392 step %scan3A_393  : i32 {
        %mul3A_396 = arith.constant 1 : i32
        %mul3A_397 = arith.muli %scan3A_395, %mul3A_396 : i32
        %add3A_398 = arith.constant 0 : i32
        %add3A_399 = arith.addi %add3A_398, %mul3A_397 : i32
        %mul3A_400 = arith.constant 16 : i32
        %mul3A_401 = arith.muli %add3A_399, %mul3A_400 : i32
        %swap3A = arith.index_cast %add3A_389 : i32 to index
        %swap3A_402 = arith.index_cast %mul3A_401 : i32 to index
        %swap3A_403 = tpu.vector_load %arg10[%swap3A, %swap3A_402] {strides = array<i32>} : memref<64x32xf32, #tpu.memory_space<vmem>>, vector<1x16xf32>,
        %swap3A_404 = vector.shape_cast %swap3A_403 : vector<1x16xf32> to vector<16xf32>
        %swap3A_405 = vector.shape_cast %broadcast_in_dim3A_0 : vector<16xf32> to vector<1x16xf32>
        tpu.vector_store %arg10[%swap3A, %swap3A_402], %swap3A_405 {strides = array<i32>} : memref<64x32xf32, #tpu.memory_space<vmem>>, vector<1x16xf32>,
      }
      %scan3A_394 = arith.constant 2 : i32
    }
    %scan3A_4 = arith.constant 64 : i32
    %scan3A_5 = arith.constant 0 : i32
    %scan3A_6 = arith.constant 10 : i32
    %scan3A_7 = arith.addi %scan3A_5, %scan3A_6 : i32
    %scan3A_8 = arith.constant 1 : i32
    scf.for %scan3A_385 = %scan3A_5 to %scan3A_7 step %scan3A_8  : i32 {
      %mul3A_386 = arith.constant 1 : i32
      %mul3A_387 = arith.muli %scan3A_385, %mul3A_386 : i32
      %add3A_388 = arith.constant 0 : i32
      %add3A_389 = arith.addi %add3A_388, %mul3A_387 : i32
      %mul3A_390 = arith.constant 640 : i32
      %mul3A_391 = arith.muli %arg1, %mul3A_390 : i32
      %mul3A_392 = arith.constant 64 : i32
      %mul3A_393 = arith.muli %add3A_389, %mul3A_392 : i32
      %add3A_394 = arith.addi %mul3A_391, %mul3A_393 : i32
      "tpu.region"() ({
        %run_scoped3A = tpu.sem_alloc : memref<!tpu.dma_semaphore, #tpu.memory_space<semaphore_mem>>
        %dma_start3A_395 = arith.constant 0 : i32
        %dma_start3A_396 = tpu.memref_slice %arg12[%add3A_394, %dma_start3A_395] : memref<10240x32xf32, #tpu.memory_space<vmem_shared>> -> memref<64x32xf32, #tpu.memory_space<vmem_shared>>
        %dma_start3A_397 = arith.constant 0 : i32
        %dma_start3A_398 = tpu.memref_slice %arg12[%add3A_394, %dma_start3A_397] : memref<10240x32xf32, #tpu.memory_space<vmem_shared>> -> memref<64x32xf32, #tpu.memory_space<vmem_shared>>
        tpu.enqueue_dma source(%arg10 : memref<64x32xf32, #tpu.memory_space<vmem>>) target(%dma_start3A_398 : memref<64x32xf32, #tpu.memory_space<vmem_shared>>) target_semaphore(%run_scoped3A : memref<!tpu.dma_semaphore, #tpu.memory_space<semaphore_mem>>)
        %dma_wait3A_399 = arith.constant 0 : i32
        %dma_wait3A_400 = tpu.memref_slice %arg12[%add3A_394, %dma_wait3A_399] : memref<10240x32xf32, #tpu.memory_space<vmem_shared>> -> memref<64x32xf32, #tpu.memory_space<vmem_shared>>
        %dma_wait3A_401 = arith.constant 0 : i32
        %dma_wait3A_402 = tpu.memref_slice %arg12[%add3A_394, %dma_wait3A_401] : memref<10240x32xf32, #tpu.memory_space<vmem_shared>> -> memref<64x32xf32, #tpu.memory_space<vmem_shared>>
        tpu.wait_dma2 semaphore(%run_scoped3A : memref<!tpu.dma_semaphore, #tpu.memory_space<semaphore_mem>>) src(%arg10 : memref<64x32xf32, #tpu.memory_space<vmem>>) dst(%dma_wait3A_402 : memref<64x32xf32, #tpu.memory_space<vmem_shared>>)
        tpu.yield
      }) : () -> ()
    }
    %scan3A_9 = arith.constant 10 : i32
    %eq3A = arith.constant 0 : i32
    %eq3A_10 = arith.cmpi eq, %arg0, %eq3A : i32
    %convert_element_type3A = arith.extui %eq3A_10 : i1 to i32
    %cond3A = arith.constant 0 : i32
    %cond3A_11 = arith.cmpi ne, %convert_element_type3A, %cond3A : i32
    scf.if %cond3A_11 {
      %mul3A_385 = arith.constant 640 : i32
      %mul3A_386 = arith.muli %arg1, %mul3A_385 : i32
      %mul3A_387 = arith.constant 640 : i32
      %mul3A_388 = arith.muli %arg1, %mul3A_387 : i32
      "tpu.region"() ({
        %run_scoped3A = tpu.sem_alloc : memref<!tpu.dma_semaphore, #tpu.memory_space<semaphore_mem>>
        %dma_start3A_389 = arith.constant 0 : i32
        %dma_start3A_390 = tpu.memref_slice %arg11[%mul3A_388, %dma_start3A_389] : memref<10240x32xf32, #tpu.memory_space<vmem_shared>> -> memref<640x32xf32, #tpu.memory_space<vmem_shared>>
        %dma_start3A_391 = arith.constant 0 : i32
        %dma_start3A_392 = tpu.memref_slice %arg2[%mul3A_386, %dma_start3A_391] : memref<10240x32xf32, #tpu.memory_space<hbm>> -> memref<640x32xf32, #tpu.memory_space<hbm>>
        tpu.enqueue_dma source(%dma_start3A_392 : memref<640x32xf32, #tpu.memory_space<hbm>>) target(%dma_start3A_390 : memref<640x32xf32, #tpu.memory_space<vmem_shared>>) target_semaphore(%run_scoped3A : memref<!tpu.dma_semaphore, #tpu.memory_space<semaphore_mem>>)
        %dma_wait3A_393 = arith.constant 0 : i32
        %dma_wait3A_394 = tpu.memref_slice %arg11[%mul3A_388, %dma_wait3A_393] : memref<10240x32xf32, #tpu.memory_space<vmem_shared>> -> memref<640x32xf32, #tpu.memory_space<vmem_shared>>
        %dma_wait3A_395 = arith.constant 0 : i32
        %dma_wait3A_396 = tpu.memref_slice %arg2[%mul3A_386, %dma_wait3A_395] : memref<10240x32xf32, #tpu.memory_space<hbm>> -> memref<640x32xf32, #tpu.memory_space<hbm>>
        tpu.wait_dma2 semaphore(%run_scoped3A : memref<!tpu.dma_semaphore, #tpu.memory_space<semaphore_mem>>) src(%dma_wait3A_396 : memref<640x32xf32, #tpu.memory_space<hbm>>) dst(%dma_wait3A_394 : memref<640x32xf32, #tpu.memory_space<vmem_shared>>)
        tpu.yield
      }) : () -> ()
    } else {
    }
    %eq3A_12 = arith.constant 1 : i32
    %eq3A_13 = arith.cmpi eq, %arg0, %eq3A_12 : i32
    %convert_element_type3A_14 = arith.extui %eq3A_13 : i1 to i32
    %cond3A_15 = arith.constant 0 : i32
    %cond3A_16 = arith.cmpi ne, %convert_element_type3A_14, %cond3A_15 : i32
    scf.if %cond3A_16 {
      %mul3A_385 = arith.constant 640 : i32
      %mul3A_386 = arith.muli %arg1, %mul3A_385 : i32
      %mul3A_387 = arith.constant 640 : i32
      %mul3A_388 = arith.muli %arg1, %mul3A_387 : i32
      "tpu.region"() ({
        %run_scoped3A = tpu.sem_alloc : memref<!tpu.dma_semaphore, #tpu.memory_space<semaphore_mem>>
        %dma_start3A_389 = arith.constant 0 : i32
        %dma_start3A_390 = tpu.memref_slice %arg11[%mul3A_388, %dma_start3A_389] : memref<10240x32xf32, #tpu.memory_space<vmem_shared>> -> memref<640x32xf32, #tpu.memory_space<vmem_shared>>
        %dma_start3A_391 = arith.constant 0 : i32
        %dma_start3A_392 = tpu.memref_slice %arg3[%mul3A_386, %dma_start3A_391] : memref<10240x32xf32, #tpu.memory_space<hbm>> -> memref<640x32xf32, #tpu.memory_space<hbm>>
        tpu.enqueue_dma source(%dma_start3A_392 : memref<640x32xf32, #tpu.memory_space<hbm>>) target(%dma_start3A_390 : memref<640x32xf32, #tpu.memory_space<vmem_shared>>) target_semaphore(%run_scoped3A : memref<!tpu.dma_semaphore, #tpu.memory_space<semaphore_mem>>)
        %dma_wait3A_393 = arith.constant 0 : i32
        %dma_wait3A_394 = tpu.memref_slice %arg11[%mul3A_388, %dma_wait3A_393] : memref<10240x32xf32, #tpu.memory_space<vmem_shared>> -> memref<640x32xf32, #tpu.memory_space<vmem_shared>>
        %dma_wait3A_395 = arith.constant 0 : i32
        %dma_wait3A_396 = tpu.memref_slice %arg3[%mul3A_386, %dma_wait3A_395] : memref<10240x32xf32, #tpu.memory_space<hbm>> -> memref<640x32xf32, #tpu.memory_space<hbm>>
        tpu.wait_dma2 semaphore(%run_scoped3A : memref<!tpu.dma_semaphore, #tpu.memory_space<semaphore_mem>>) src(%dma_wait3A_396 : memref<640x32xf32, #tpu.memory_space<hbm>>) dst(%dma_wait3A_394 : memref<640x32xf32, #tpu.memory_space<vmem_shared>>)
        tpu.yield
      }) : () -> ()
    } else {
    }
    %barrier3A = arith.constant 0 : index
    tpu.barrier barrier_id(%barrier3A)
    %mul3A = arith.constant 20480 : i32
    %mul3A_17 = arith.muli %arg1, %mul3A : i32
    %add3A = arith.constant 0 : i32
    %add3A_18 = arith.addi %mul3A_17, %add3A : i32
    %dma_start3A = arith.constant 0 : i32
    %dma_start3A_19 = arith.constant 0 : i32
    %dma_start3A_20 = tpu.memref_slice %arg7[%dma_start3A, %dma_start3A_19] : memref<3x128xi32, #tpu.memory_space<vmem>> -> memref<1x128xi32, #tpu.memory_space<vmem>>
    %dma_start3A_21 = tpu.memref_squeeze %dma_start3A_20 : memref<1x128xi32, #tpu.memory_space<vmem>> -> memref<128xi32, #tpu.memory_space<vmem>>
    %dma_start3A_22 = tpu.memref_slice %arg4[%add3A_18] : memref<327680xi32, #tpu.memory_space<hbm>> -> memref<128xi32, #tpu.memory_space<hbm>>
    %dma_start3A_23 = arith.constant 0 : i32
    %dma_start3A_24 = tpu.memref_slice %arg7[%dma_start3A, %dma_start3A_23] : memref<3x128xi32, #tpu.memory_space<vmem>> -> memref<1x128xi32, #tpu.memory_space<vmem>>
    %dma_start3A_25 = tpu.memref_squeeze %dma_start3A_24 : memref<1x128xi32, #tpu.memory_space<vmem>> -> memref<128xi32, #tpu.memory_space<vmem>>
    %dma_start3A_26 = tpu.memref_slice %arg4[%add3A_18] : memref<327680xi32, #tpu.memory_space<hbm>> -> memref<128xi32, #tpu.memory_space<hbm>>
    tpu.enqueue_dma source(%dma_start3A_26 : memref<128xi32, #tpu.memory_space<hbm>>) target(%dma_start3A_25 : memref<128xi32, #tpu.memory_space<vmem>>) target_semaphore(%arg13 : memref<!tpu.dma_semaphore, #tpu.memory_space<semaphore_mem>>)
    %dma_start3A_27 = arith.constant 0 : i32
    %dma_start3A_28 = arith.constant 0 : i32
    %dma_start3A_29 = tpu.memref_slice %arg8[%dma_start3A_27, %dma_start3A_28] : memref<3x128xi32, #tpu.memory_space<vmem>> -> memref<1x128xi32, #tpu.memory_space<vmem>>
    %dma_start3A_30 = tpu.memref_squeeze %dma_start3A_29 : memref<1x128xi32, #tpu.memory_space<vmem>> -> memref<128xi32, #tpu.memory_space<vmem>>
    %dma_start3A_31 = tpu.memref_slice %arg5[%add3A_18] : memref<327680xi32, #tpu.memory_space<hbm>> -> memref<128xi32, #tpu.memory_space<hbm>>
    %dma_start3A_32 = arith.constant 0 : i32
    %dma_start3A_33 = tpu.memref_slice %arg8[%dma_start3A_27, %dma_start3A_32] : memref<3x128xi32, #tpu.memory_space<vmem>> -> memref<1x128xi32, #tpu.memory_space<vmem>>
    %dma_start3A_34 = tpu.memref_squeeze %dma_start3A_33 : memref<1x128xi32, #tpu.memory_space<vmem>> -> memref<128xi32, #tpu.memory_space<vmem>>
    %dma_start3A_35 = tpu.memref_slice %arg5[%add3A_18] : memref<327680xi32, #tpu.memory_space<hbm>> -> memref<128xi32, #tpu.memory_space<hbm>>
    tpu.enqueue_dma source(%dma_start3A_35 : memref<128xi32, #tpu.memory_space<hbm>>) target(%dma_start3A_34 : memref<128xi32, #tpu.memory_space<vmem>>) target_semaphore(%arg16 : memref<!tpu.dma_semaphore, #tpu.memory_space<semaphore_mem>>)
    %add3A_36 = arith.constant 128 : i32
    %add3A_37 = arith.addi %mul3A_17, %add3A_36 : i32
    %dma_start3A_38 = arith.constant 1 : i32
    %dma_start3A_39 = arith.constant 0 : i32
    %dma_start3A_40 = tpu.memref_slice %arg7[%dma_start3A_38, %dma_start3A_39] : memref<3x128xi32, #tpu.memory_space<vmem>> -> memref<1x128xi32, #tpu.memory_space<vmem>>
    %dma_start3A_41 = tpu.memref_squeeze %dma_start3A_40 : memref<1x128xi32, #tpu.memory_space<vmem>> -> memref<128xi32, #tpu.memory_space<vmem>>
    %dma_start3A_42 = tpu.memref_slice %arg4[%add3A_37] : memref<327680xi32, #tpu.memory_space<hbm>> -> memref<128xi32, #tpu.memory_space<hbm>>
    %dma_start3A_43 = arith.constant 0 : i32
    %dma_start3A_44 = tpu.memref_slice %arg7[%dma_start3A_38, %dma_start3A_43] : memref<3x128xi32, #tpu.memory_space<vmem>> -> memref<1x128xi32, #tpu.memory_space<vmem>>
    %dma_start3A_45 = tpu.memref_squeeze %dma_start3A_44 : memref<1x128xi32, #tpu.memory_space<vmem>> -> memref<128xi32, #tpu.memory_space<vmem>>
    %dma_start3A_46 = tpu.memref_slice %arg4[%add3A_37] : memref<327680xi32, #tpu.memory_space<hbm>> -> memref<128xi32, #tpu.memory_space<hbm>>
    tpu.enqueue_dma source(%dma_start3A_46 : memref<128xi32, #tpu.memory_space<hbm>>) target(%dma_start3A_45 : memref<128xi32, #tpu.memory_space<vmem>>) target_semaphore(%arg14 : memref<!tpu.dma_semaphore, #tpu.memory_space<semaphore_mem>>)
    %dma_start3A_47 = arith.constant 1 : i32
    %dma_start3A_48 = arith.constant 0 : i32
    %dma_start3A_49 = tpu.memref_slice %arg8[%dma_start3A_47, %dma_start3A_48] : memref<3x128xi32, #tpu.memory_space<vmem>> -> memref<1x128xi32, #tpu.memory_space<vmem>>
    %dma_start3A_50 = tpu.memref_squeeze %dma_start3A_49 : memref<1x128xi32, #tpu.memory_space<vmem>> -> memref<128xi32, #tpu.memory_space<vmem>>
    %dma_start3A_51 = tpu.memref_slice %arg5[%add3A_37] : memref<327680xi32, #tpu.memory_space<hbm>> -> memref<128xi32, #tpu.memory_space<hbm>>
    %dma_start3A_52 = arith.constant 0 : i32
    %dma_start3A_53 = tpu.memref_slice %arg8[%dma_start3A_47, %dma_start3A_52] : memref<3x128xi32, #tpu.memory_space<vmem>> -> memref<1x128xi32, #tpu.memory_space<vmem>>
    %dma_start3A_54 = tpu.memref_squeeze %dma_start3A_53 : memref<1x128xi32, #tpu.memory_space<vmem>> -> memref<128xi32, #tpu.memory_space<vmem>>
    %dma_start3A_55 = tpu.memref_slice %arg5[%add3A_37] : memref<327680xi32, #tpu.memory_space<hbm>> -> memref<128xi32, #tpu.memory_space<hbm>>
    tpu.enqueue_dma source(%dma_start3A_55 : memref<128xi32, #tpu.memory_space<hbm>>) target(%dma_start3A_54 : memref<128xi32, #tpu.memory_space<vmem>>) target_semaphore(%arg17 : memref<!tpu.dma_semaphore, #tpu.memory_space<semaphore_mem>>)
    %dma_wait3A = arith.constant 0 : i32
    %dma_wait3A_56 = arith.constant 0 : i32
    %dma_wait3A_57 = tpu.memref_slice %arg7[%dma_wait3A, %dma_wait3A_56] : memref<3x128xi32, #tpu.memory_space<vmem>> -> memref<1x128xi32, #tpu.memory_space<vmem>>
    %dma_wait3A_58 = tpu.memref_squeeze %dma_wait3A_57 : memref<1x128xi32, #tpu.memory_space<vmem>> -> memref<128xi32, #tpu.memory_space<vmem>>
    %dma_wait3A_59 = arith.constant 0 : i32
    %dma_wait3A_60 = tpu.memref_slice %arg4[%dma_wait3A_59] : memref<327680xi32, #tpu.memory_space<hbm>> -> memref<128xi32, #tpu.memory_space<hbm>>
    %dma_wait3A_61 = arith.constant 0 : i32
    %dma_wait3A_62 = tpu.memref_slice %arg7[%dma_wait3A, %dma_wait3A_61] : memref<3x128xi32, #tpu.memory_space<vmem>> -> memref<1x128xi32, #tpu.memory_space<vmem>>
    %dma_wait3A_63 = tpu.memref_squeeze %dma_wait3A_62 : memref<1x128xi32, #tpu.memory_space<vmem>> -> memref<128xi32, #tpu.memory_space<vmem>>
    %dma_wait3A_64 = arith.constant 0 : i32
    %dma_wait3A_65 = tpu.memref_slice %arg4[%dma_wait3A_64] : memref<327680xi32, #tpu.memory_space<hbm>> -> memref<128xi32, #tpu.memory_space<hbm>>
    tpu.wait_dma2 semaphore(%arg13 : memref<!tpu.dma_semaphore, #tpu.memory_space<semaphore_mem>>) src(%dma_wait3A_65 : memref<128xi32, #tpu.memory_space<hbm>>) dst(%dma_wait3A_63 : memref<128xi32, #tpu.memory_space<vmem>>)
    %dma_wait3A_66 = arith.constant 0 : i32
    %dma_wait3A_67 = arith.constant 0 : i32
    %dma_wait3A_68 = tpu.memref_slice %arg8[%dma_wait3A_66, %dma_wait3A_67] : memref<3x128xi32, #tpu.memory_space<vmem>> -> memref<1x128xi32, #tpu.memory_space<vmem>>
    %dma_wait3A_69 = tpu.memref_squeeze %dma_wait3A_68 : memref<1x128xi32, #tpu.memory_space<vmem>> -> memref<128xi32, #tpu.memory_space<vmem>>
    %dma_wait3A_70 = arith.constant 0 : i32
    %dma_wait3A_71 = tpu.memref_slice %arg5[%dma_wait3A_70] : memref<327680xi32, #tpu.memory_space<hbm>> -> memref<128xi32, #tpu.memory_space<hbm>>
    %dma_wait3A_72 = arith.constant 0 : i32
    %dma_wait3A_73 = tpu.memref_slice %arg8[%dma_wait3A_66, %dma_wait3A_72] : memref<3x128xi32, #tpu.memory_space<vmem>> -> memref<1x128xi32, #tpu.memory_space<vmem>>
    %dma_wait3A_74 = tpu.memref_squeeze %dma_wait3A_73 : memref<1x128xi32, #tpu.memory_space<vmem>> -> memref<128xi32, #tpu.memory_space<vmem>>
    %dma_wait3A_75 = arith.constant 0 : i32
    %dma_wait3A_76 = tpu.memref_slice %arg5[%dma_wait3A_75] : memref<327680xi32, #tpu.memory_space<hbm>> -> memref<128xi32, #tpu.memory_space<hbm>>
    tpu.wait_dma2 semaphore(%arg16 : memref<!tpu.dma_semaphore, #tpu.memory_space<semaphore_mem>>) src(%dma_wait3A_76 : memref<128xi32, #tpu.memory_space<hbm>>) dst(%dma_wait3A_74 : memref<128xi32, #tpu.memory_space<vmem>>)
    %dma_start3A_77 = arith.constant 0 : i32
    %dma_start3A_78 = arith.constant 0 : i32
    %dma_start3A_79 = arith.constant 0 : i32
    %dma_start3A_80 = arith.constant 0 : i32
    %dma_start3A_81 = tpu.memref_slice %arg9[%dma_start3A_78, %dma_start3A_79, %dma_start3A_80] : memref<3x128x32xf32, #tpu.memory_space<vmem>> -> memref<1x128x32xf32, #tpu.memory_space<vmem>>
    %dma_start3A_82 = tpu.memref_squeeze %dma_start3A_81 : memref<1x128x32xf32, #tpu.memory_space<vmem>> -> memref<128x32xf32, #tpu.memory_space<vmem>>
    %dma_start3A_83 = arith.constant 0 : i32
    %dma_start3A_84 = tpu.memref_slice %arg7[%dma_start3A_77, %dma_start3A_83] : memref<3x128xi32, #tpu.memory_space<vmem>> -> memref<1x128xi32, #tpu.memory_space<vmem>>
    %dma_start3A_85 = tpu.memref_squeeze %dma_start3A_84 : memref<1x128xi32, #tpu.memory_space<vmem>> -> memref<128xi32, #tpu.memory_space<vmem>>
    %dma_start3A_86 = arith.constant 0 : i32
    %dma_start3A_87 = arith.constant 0 : i32
    %dma_start3A_88 = tpu.memref_slice %arg11[%dma_start3A_86, %dma_start3A_87] : memref<10240x32xf32, #tpu.memory_space<vmem_shared>> -> memref<10240x32xf32, #tpu.memory_space<vmem_shared>>
    tpu.enqueue_indirect_dma source(%dma_start3A_88 : memref<10240x32xf32, #tpu.memory_space<vmem_shared>>) target(%dma_start3A_82 : memref<128x32xf32, #tpu.memory_space<vmem>>) offsets(%dma_start3A_85 : memref<128xi32, #tpu.memory_space<vmem>>) semaphore(%arg19 : memref<!tpu.dma_semaphore, #tpu.memory_space<semaphore_mem>>)
    %dma_wait3A_89 = arith.constant 0 : i32
    %dma_wait3A_90 = arith.constant 0 : i32
    %dma_wait3A_91 = arith.constant 0 : i32
    %dma_wait3A_92 = arith.constant 0 : i32
    %dma_wait3A_93 = tpu.memref_slice %arg9[%dma_wait3A_90, %dma_wait3A_91, %dma_wait3A_92] : memref<3x128x32xf32, #tpu.memory_space<vmem>> -> memref<1x128x32xf32, #tpu.memory_space<vmem>>
    %dma_wait3A_94 = tpu.memref_squeeze %dma_wait3A_93 : memref<1x128x32xf32, #tpu.memory_space<vmem>> -> memref<128x32xf32, #tpu.memory_space<vmem>>
    %dma_wait3A_95 = arith.constant 0 : i32
    %dma_wait3A_96 = tpu.memref_slice %arg7[%dma_wait3A_89, %dma_wait3A_95] : memref<3x128xi32, #tpu.memory_space<vmem>> -> memref<1x128xi32, #tpu.memory_space<vmem>>
    %dma_wait3A_97 = tpu.memref_squeeze %dma_wait3A_96 : memref<1x128xi32, #tpu.memory_space<vmem>> -> memref<128xi32, #tpu.memory_space<vmem>>
    %dma_wait3A_98 = arith.constant 0 : i32
    %dma_wait3A_99 = arith.constant 0 : i32
    %dma_wait3A_100 = tpu.memref_slice %arg11[%dma_wait3A_98, %dma_wait3A_99] : memref<10240x32xf32, #tpu.memory_space<vmem_shared>> -> memref<10240x32xf32, #tpu.memory_space<vmem_shared>>
    tpu.wait_indirect_dma semaphore(%arg19 : memref<!tpu.dma_semaphore, #tpu.memory_space<semaphore_mem>>) src(%dma_wait3A_100 : memref<10240x32xf32, #tpu.memory_space<vmem_shared>>) dst(%dma_wait3A_94 : memref<128x32xf32, #tpu.memory_space<vmem>>)
    %dma_start3A_101 = arith.constant 0 : i32
    %dma_start3A_102 = arith.constant 0 : i32
    %dma_start3A_103 = arith.constant 0 : i32
    %dma_start3A_104 = arith.constant 0 : i32
    %dma_start3A_105 = tpu.memref_slice %arg9[%dma_start3A_101, %dma_start3A_103, %dma_start3A_104] : memref<3x128x32xf32, #tpu.memory_space<vmem>> -> memref<1x128x32xf32, #tpu.memory_space<vmem>>
    %dma_start3A_106 = tpu.memref_squeeze %dma_start3A_105 : memref<1x128x32xf32, #tpu.memory_space<vmem>> -> memref<128x32xf32, #tpu.memory_space<vmem>>
    %dma_start3A_107 = arith.constant 0 : i32
    %dma_start3A_108 = tpu.memref_slice %arg8[%dma_start3A_102, %dma_start3A_107] : memref<3x128xi32, #tpu.memory_space<vmem>> -> memref<1x128xi32, #tpu.memory_space<vmem>>
    %dma_start3A_109 = tpu.memref_squeeze %dma_start3A_108 : memref<1x128xi32, #tpu.memory_space<vmem>> -> memref<128xi32, #tpu.memory_space<vmem>>
    %dma_start3A_110 = arith.constant 0 : i32
    %dma_start3A_111 = arith.constant 0 : i32
    %dma_start3A_112 = tpu.memref_slice %arg12[%dma_start3A_110, %dma_start3A_111] : memref<10240x32xf32, #tpu.memory_space<vmem_shared>> -> memref<10240x32xf32, #tpu.memory_space<vmem_shared>>
    tpu.enqueue_indirect_dma source(%dma_start3A_106 : memref<128x32xf32, #tpu.memory_space<vmem>>) target(%dma_start3A_112 : memref<10240x32xf32, #tpu.memory_space<vmem_shared>>) offsets(%dma_start3A_109 : memref<128xi32, #tpu.memory_space<vmem>>) semaphore(%arg22 : memref<!tpu.dma_semaphore, #tpu.memory_space<semaphore_mem>>) {add = true}
    %add3A_113 = arith.constant 256 : i32
    %add3A_114 = arith.addi %mul3A_17, %add3A_113 : i32
    %dma_start3A_115 = arith.constant 2 : i32
    %dma_start3A_116 = arith.constant 0 : i32
    %dma_start3A_117 = tpu.memref_slice %arg7[%dma_start3A_115, %dma_start3A_116] : memref<3x128xi32, #tpu.memory_space<vmem>> -> memref<1x128xi32, #tpu.memory_space<vmem>>
    %dma_start3A_118 = tpu.memref_squeeze %dma_start3A_117 : memref<1x128xi32, #tpu.memory_space<vmem>> -> memref<128xi32, #tpu.memory_space<vmem>>
    %dma_start3A_119 = tpu.memref_slice %arg4[%add3A_114] : memref<327680xi32, #tpu.memory_space<hbm>> -> memref<128xi32, #tpu.memory_space<hbm>>
    %dma_start3A_120 = arith.constant 0 : i32
    %dma_start3A_121 = tpu.memref_slice %arg7[%dma_start3A_115, %dma_start3A_120] : memref<3x128xi32, #tpu.memory_space<vmem>> -> memref<1x128xi32, #tpu.memory_space<vmem>>
    %dma_start3A_122 = tpu.memref_squeeze %dma_start3A_121 : memref<1x128xi32, #tpu.memory_space<vmem>> -> memref<128xi32, #tpu.memory_space<vmem>>
    %dma_start3A_123 = tpu.memref_slice %arg4[%add3A_114] : memref<327680xi32, #tpu.memory_space<hbm>> -> memref<128xi32, #tpu.memory_space<hbm>>
    tpu.enqueue_dma source(%dma_start3A_123 : memref<128xi32, #tpu.memory_space<hbm>>) target(%dma_start3A_122 : memref<128xi32, #tpu.memory_space<vmem>>) target_semaphore(%arg15 : memref<!tpu.dma_semaphore, #tpu.memory_space<semaphore_mem>>)
    %dma_start3A_124 = arith.constant 2 : i32
    %dma_start3A_125 = arith.constant 0 : i32
    %dma_start3A_126 = tpu.memref_slice %arg8[%dma_start3A_124, %dma_start3A_125] : memref<3x128xi32, #tpu.memory_space<vmem>> -> memref<1x128xi32, #tpu.memory_space<vmem>>
    %dma_start3A_127 = tpu.memref_squeeze %dma_start3A_126 : memref<1x128xi32, #tpu.memory_space<vmem>> -> memref<128xi32, #tpu.memory_space<vmem>>
    %dma_start3A_128 = tpu.memref_slice %arg5[%add3A_114] : memref<327680xi32, #tpu.memory_space<hbm>> -> memref<128xi32, #tpu.memory_space<hbm>>
    %dma_start3A_129 = arith.constant 0 : i32
    %dma_start3A_130 = tpu.memref_slice %arg8[%dma_start3A_124, %dma_start3A_129] : memref<3x128xi32, #tpu.memory_space<vmem>> -> memref<1x128xi32, #tpu.memory_space<vmem>>
    %dma_start3A_131 = tpu.memref_squeeze %dma_start3A_130 : memref<1x128xi32, #tpu.memory_space<vmem>> -> memref<128xi32, #tpu.memory_space<vmem>>
    %dma_start3A_132 = tpu.memref_slice %arg5[%add3A_114] : memref<327680xi32, #tpu.memory_space<hbm>> -> memref<128xi32, #tpu.memory_space<hbm>>
    tpu.enqueue_dma source(%dma_start3A_132 : memref<128xi32, #tpu.memory_space<hbm>>) target(%dma_start3A_131 : memref<128xi32, #tpu.memory_space<vmem>>) target_semaphore(%arg18 : memref<!tpu.dma_semaphore, #tpu.memory_space<semaphore_mem>>)
    %dma_wait3A_133 = arith.constant 1 : i32
    %dma_wait3A_134 = arith.constant 0 : i32
    %dma_wait3A_135 = tpu.memref_slice %arg7[%dma_wait3A_133, %dma_wait3A_134] : memref<3x128xi32, #tpu.memory_space<vmem>> -> memref<1x128xi32, #tpu.memory_space<vmem>>
    %dma_wait3A_136 = tpu.memref_squeeze %dma_wait3A_135 : memref<1x128xi32, #tpu.memory_space<vmem>> -> memref<128xi32, #tpu.memory_space<vmem>>
    %dma_wait3A_137 = arith.constant 0 : i32
    %dma_wait3A_138 = tpu.memref_slice %arg4[%dma_wait3A_137] : memref<327680xi32, #tpu.memory_space<hbm>> -> memref<128xi32, #tpu.memory_space<hbm>>
    %dma_wait3A_139 = arith.constant 0 : i32
    %dma_wait3A_140 = tpu.memref_slice %arg7[%dma_wait3A_133, %dma_wait3A_139] : memref<3x128xi32, #tpu.memory_space<vmem>> -> memref<1x128xi32, #tpu.memory_space<vmem>>
    %dma_wait3A_141 = tpu.memref_squeeze %dma_wait3A_140 : memref<1x128xi32, #tpu.memory_space<vmem>> -> memref<128xi32, #tpu.memory_space<vmem>>
    %dma_wait3A_142 = arith.constant 0 : i32
    %dma_wait3A_143 = tpu.memref_slice %arg4[%dma_wait3A_142] : memref<327680xi32, #tpu.memory_space<hbm>> -> memref<128xi32, #tpu.memory_space<hbm>>
    tpu.wait_dma2 semaphore(%arg14 : memref<!tpu.dma_semaphore, #tpu.memory_space<semaphore_mem>>) src(%dma_wait3A_143 : memref<128xi32, #tpu.memory_space<hbm>>) dst(%dma_wait3A_141 : memref<128xi32, #tpu.memory_space<vmem>>)
    %dma_wait3A_144 = arith.constant 1 : i32
    %dma_wait3A_145 = arith.constant 0 : i32
    %dma_wait3A_146 = tpu.memref_slice %arg8[%dma_wait3A_144, %dma_wait3A_145] : memref<3x128xi32, #tpu.memory_space<vmem>> -> memref<1x128xi32, #tpu.memory_space<vmem>>
    %dma_wait3A_147 = tpu.memref_squeeze %dma_wait3A_146 : memref<1x128xi32, #tpu.memory_space<vmem>> -> memref<128xi32, #tpu.memory_space<vmem>>
    %dma_wait3A_148 = arith.constant 0 : i32
    %dma_wait3A_149 = tpu.memref_slice %arg5[%dma_wait3A_148] : memref<327680xi32, #tpu.memory_space<hbm>> -> memref<128xi32, #tpu.memory_space<hbm>>
    %dma_wait3A_150 = arith.constant 0 : i32
    %dma_wait3A_151 = tpu.memref_slice %arg8[%dma_wait3A_144, %dma_wait3A_150] : memref<3x128xi32, #tpu.memory_space<vmem>> -> memref<1x128xi32, #tpu.memory_space<vmem>>
    %dma_wait3A_152 = tpu.memref_squeeze %dma_wait3A_151 : memref<1x128xi32, #tpu.memory_space<vmem>> -> memref<128xi32, #tpu.memory_space<vmem>>
    %dma_wait3A_153 = arith.constant 0 : i32
    %dma_wait3A_154 = tpu.memref_slice %arg5[%dma_wait3A_153] : memref<327680xi32, #tpu.memory_space<hbm>> -> memref<128xi32, #tpu.memory_space<hbm>>
    tpu.wait_dma2 semaphore(%arg17 : memref<!tpu.dma_semaphore, #tpu.memory_space<semaphore_mem>>) src(%dma_wait3A_154 : memref<128xi32, #tpu.memory_space<hbm>>) dst(%dma_wait3A_152 : memref<128xi32, #tpu.memory_space<vmem>>)
    %dma_start3A_155 = arith.constant 1 : i32
    %dma_start3A_156 = arith.constant 1 : i32
    %dma_start3A_157 = arith.constant 0 : i32
    %dma_start3A_158 = arith.constant 0 : i32
    %dma_start3A_159 = tpu.memref_slice %arg9[%dma_start3A_156, %dma_start3A_157, %dma_start3A_158] : memref<3x128x32xf32, #tpu.memory_space<vmem>> -> memref<1x128x32xf32, #tpu.memory_space<vmem>>
    %dma_start3A_160 = tpu.memref_squeeze %dma_start3A_159 : memref<1x128x32xf32, #tpu.memory_space<vmem>> -> memref<128x32xf32, #tpu.memory_space<vmem>>
    %dma_start3A_161 = arith.constant 0 : i32
    %dma_start3A_162 = tpu.memref_slice %arg7[%dma_start3A_155, %dma_start3A_161] : memref<3x128xi32, #tpu.memory_space<vmem>> -> memref<1x128xi32, #tpu.memory_space<vmem>>
    %dma_start3A_163 = tpu.memref_squeeze %dma_start3A_162 : memref<1x128xi32, #tpu.memory_space<vmem>> -> memref<128xi32, #tpu.memory_space<vmem>>
    %dma_start3A_164 = arith.constant 0 : i32
    %dma_start3A_165 = arith.constant 0 : i32
    %dma_start3A_166 = tpu.memref_slice %arg11[%dma_start3A_164, %dma_start3A_165] : memref<10240x32xf32, #tpu.memory_space<vmem_shared>> -> memref<10240x32xf32, #tpu.memory_space<vmem_shared>>
    tpu.enqueue_indirect_dma source(%dma_start3A_166 : memref<10240x32xf32, #tpu.memory_space<vmem_shared>>) target(%dma_start3A_160 : memref<128x32xf32, #tpu.memory_space<vmem>>) offsets(%dma_start3A_163 : memref<128xi32, #tpu.memory_space<vmem>>) semaphore(%arg20 : memref<!tpu.dma_semaphore, #tpu.memory_space<semaphore_mem>>)
    %dma_wait3A_167 = arith.constant 1 : i32
    %dma_wait3A_168 = arith.constant 1 : i32
    %dma_wait3A_169 = arith.constant 0 : i32
    %dma_wait3A_170 = arith.constant 0 : i32
    %dma_wait3A_171 = tpu.memref_slice %arg9[%dma_wait3A_168, %dma_wait3A_169, %dma_wait3A_170] : memref<3x128x32xf32, #tpu.memory_space<vmem>> -> memref<1x128x32xf32, #tpu.memory_space<vmem>>
    %dma_wait3A_172 = tpu.memref_squeeze %dma_wait3A_171 : memref<1x128x32xf32, #tpu.memory_space<vmem>> -> memref<128x32xf32, #tpu.memory_space<vmem>>
    %dma_wait3A_173 = arith.constant 0 : i32
    %dma_wait3A_174 = tpu.memref_slice %arg7[%dma_wait3A_167, %dma_wait3A_173] : memref<3x128xi32, #tpu.memory_space<vmem>> -> memref<1x128xi32, #tpu.memory_space<vmem>>
    %dma_wait3A_175 = tpu.memref_squeeze %dma_wait3A_174 : memref<1x128xi32, #tpu.memory_space<vmem>> -> memref<128xi32, #tpu.memory_space<vmem>>
    %dma_wait3A_176 = arith.constant 0 : i32
    %dma_wait3A_177 = arith.constant 0 : i32
    %dma_wait3A_178 = tpu.memref_slice %arg11[%dma_wait3A_176, %dma_wait3A_177] : memref<10240x32xf32, #tpu.memory_space<vmem_shared>> -> memref<10240x32xf32, #tpu.memory_space<vmem_shared>>
    tpu.wait_indirect_dma semaphore(%arg20 : memref<!tpu.dma_semaphore, #tpu.memory_space<semaphore_mem>>) src(%dma_wait3A_178 : memref<10240x32xf32, #tpu.memory_space<vmem_shared>>) dst(%dma_wait3A_172 : memref<128x32xf32, #tpu.memory_space<vmem>>)
    %dma_start3A_179 = arith.constant 1 : i32
    %dma_start3A_180 = arith.constant 1 : i32
    %dma_start3A_181 = arith.constant 0 : i32
    %dma_start3A_182 = arith.constant 0 : i32
    %dma_start3A_183 = tpu.memref_slice %arg9[%dma_start3A_179, %dma_start3A_181, %dma_start3A_182] : memref<3x128x32xf32, #tpu.memory_space<vmem>> -> memref<1x128x32xf32, #tpu.memory_space<vmem>>
    %dma_start3A_184 = tpu.memref_squeeze %dma_start3A_183 : memref<1x128x32xf32, #tpu.memory_space<vmem>> -> memref<128x32xf32, #tpu.memory_space<vmem>>
    %dma_start3A_185 = arith.constant 0 : i32
    %dma_start3A_186 = tpu.memref_slice %arg8[%dma_start3A_180, %dma_start3A_185] : memref<3x128xi32, #tpu.memory_space<vmem>> -> memref<1x128xi32, #tpu.memory_space<vmem>>
    %dma_start3A_187 = tpu.memref_squeeze %dma_start3A_186 : memref<1x128xi32, #tpu.memory_space<vmem>> -> memref<128xi32, #tpu.memory_space<vmem>>
    %dma_start3A_188 = arith.constant 0 : i32
    %dma_start3A_189 = arith.constant 0 : i32
    %dma_start3A_190 = tpu.memref_slice %arg12[%dma_start3A_188, %dma_start3A_189] : memref<10240x32xf32, #tpu.memory_space<vmem_shared>> -> memref<10240x32xf32, #tpu.memory_space<vmem_shared>>
    tpu.enqueue_indirect_dma source(%dma_start3A_184 : memref<128x32xf32, #tpu.memory_space<vmem>>) target(%dma_start3A_190 : memref<10240x32xf32, #tpu.memory_space<vmem_shared>>) offsets(%dma_start3A_187 : memref<128xi32, #tpu.memory_space<vmem>>) semaphore(%arg23 : memref<!tpu.dma_semaphore, #tpu.memory_space<semaphore_mem>>) {add = true}
    %dma_wait3A_191 = arith.constant 0 : i32
    %dma_wait3A_192 = arith.constant 0 : i32
    %dma_wait3A_193 = arith.constant 0 : i32
    %dma_wait3A_194 = arith.constant 0 : i32
    %dma_wait3A_195 = tpu.memref_slice %arg9[%dma_wait3A_191, %dma_wait3A_193, %dma_wait3A_194] : memref<3x128x32xf32, #tpu.memory_space<vmem>> -> memref<1x128x32xf32, #tpu.memory_space<vmem>>
    %dma_wait3A_196 = tpu.memref_squeeze %dma_wait3A_195 : memref<1x128x32xf32, #tpu.memory_space<vmem>> -> memref<128x32xf32, #tpu.memory_space<vmem>>
    %dma_wait3A_197 = arith.constant 0 : i32
    %dma_wait3A_198 = tpu.memref_slice %arg8[%dma_wait3A_192, %dma_wait3A_197] : memref<3x128xi32, #tpu.memory_space<vmem>> -> memref<1x128xi32, #tpu.memory_space<vmem>>
    %dma_wait3A_199 = tpu.memref_squeeze %dma_wait3A_198 : memref<1x128xi32, #tpu.memory_space<vmem>> -> memref<128xi32, #tpu.memory_space<vmem>>
    %dma_wait3A_200 = arith.constant 0 : i32
    %dma_wait3A_201 = arith.constant 0 : i32
    %dma_wait3A_202 = tpu.memref_slice %arg12[%dma_wait3A_200, %dma_wait3A_201] : memref<10240x32xf32, #tpu.memory_space<vmem_shared>> -> memref<10240x32xf32, #tpu.memory_space<vmem_shared>>
    tpu.wait_indirect_dma semaphore(%arg22 : memref<!tpu.dma_semaphore, #tpu.memory_space<semaphore_mem>>) src(%dma_wait3A_196 : memref<128x32xf32, #tpu.memory_space<vmem>>) dst(%dma_wait3A_202 : memref<10240x32xf32, #tpu.memory_space<vmem_shared>>)
    %add3A_203 = arith.constant 384 : i32
    %add3A_204 = arith.addi %mul3A_17, %add3A_203 : i32
    %dma_start3A_205 = arith.constant 0 : i32
    %dma_start3A_206 = arith.constant 0 : i32
    %dma_start3A_207 = tpu.memref_slice %arg7[%dma_start3A_205, %dma_start3A_206] : memref<3x128xi32, #tpu.memory_space<vmem>> -> memref<1x128xi32, #tpu.memory_space<vmem>>
    %dma_start3A_208 = tpu.memref_squeeze %dma_start3A_207 : memref<1x128xi32, #tpu.memory_space<vmem>> -> memref<128xi32, #tpu.memory_space<vmem>>
    %dma_start3A_209 = tpu.memref_slice %arg4[%add3A_204] : memref<327680xi32, #tpu.memory_space<hbm>> -> memref<128xi32, #tpu.memory_space<hbm>>
    %dma_start3A_210 = arith.constant 0 : i32
    %dma_start3A_211 = tpu.memref_slice %arg7[%dma_start3A_205, %dma_start3A_210] : memref<3x128xi32, #tpu.memory_space<vmem>> -> memref<1x128xi32, #tpu.memory_space<vmem>>
    %dma_start3A_212 = tpu.memref_squeeze %dma_start3A_211 : memref<1x128xi32, #tpu.memory_space<vmem>> -> memref<128xi32, #tpu.memory_space<vmem>>
    %dma_start3A_213 = tpu.memref_slice %arg4[%add3A_204] : memref<327680xi32, #tpu.memory_space<hbm>> -> memref<128xi32, #tpu.memory_space<hbm>>
    tpu.enqueue_dma source(%dma_start3A_213 : memref<128xi32, #tpu.memory_space<hbm>>) target(%dma_start3A_212 : memref<128xi32, #tpu.memory_space<vmem>>) target_semaphore(%arg13 : memref<!tpu.dma_semaphore, #tpu.memory_space<semaphore_mem>>)
    %dma_start3A_214 = arith.constant 0 : i32
    %dma_start3A_215 = arith.constant 0 : i32
    %dma_start3A_216 = tpu.memref_slice %arg8[%dma_start3A_214, %dma_start3A_215] : memref<3x128xi32, #tpu.memory_space<vmem>> -> memref<1x128xi32, #tpu.memory_space<vmem>>
    %dma_start3A_217 = tpu.memref_squeeze %dma_start3A_216 : memref<1x128xi32, #tpu.memory_space<vmem>> -> memref<128xi32, #tpu.memory_space<vmem>>
    %dma_start3A_218 = tpu.memref_slice %arg5[%add3A_204] : memref<327680xi32, #tpu.memory_space<hbm>> -> memref<128xi32, #tpu.memory_space<hbm>>
    %dma_start3A_219 = arith.constant 0 : i32
    %dma_start3A_220 = tpu.memref_slice %arg8[%dma_start3A_214, %dma_start3A_219] : memref<3x128xi32, #tpu.memory_space<vmem>> -> memref<1x128xi32, #tpu.memory_space<vmem>>
    %dma_start3A_221 = tpu.memref_squeeze %dma_start3A_220 : memref<1x128xi32, #tpu.memory_space<vmem>> -> memref<128xi32, #tpu.memory_space<vmem>>
    %dma_start3A_222 = tpu.memref_slice %arg5[%add3A_204] : memref<327680xi32, #tpu.memory_space<hbm>> -> memref<128xi32, #tpu.memory_space<hbm>>
    tpu.enqueue_dma source(%dma_start3A_222 : memref<128xi32, #tpu.memory_space<hbm>>) target(%dma_start3A_221 : memref<128xi32, #tpu.memory_space<vmem>>) target_semaphore(%arg16 : memref<!tpu.dma_semaphore, #tpu.memory_space<semaphore_mem>>)
    %dma_wait3A_223 = arith.constant 2 : i32
    %dma_wait3A_224 = arith.constant 0 : i32
    %dma_wait3A_225 = tpu.memref_slice %arg7[%dma_wait3A_223, %dma_wait3A_224] : memref<3x128xi32, #tpu.memory_space<vmem>> -> memref<1x128xi32, #tpu.memory_space<vmem>>
    %dma_wait3A_226 = tpu.memref_squeeze %dma_wait3A_225 : memref<1x128xi32, #tpu.memory_space<vmem>> -> memref<128xi32, #tpu.memory_space<vmem>>
    %dma_wait3A_227 = arith.constant 0 : i32
    %dma_wait3A_228 = tpu.memref_slice %arg4[%dma_wait3A_227] : memref<327680xi32, #tpu.memory_space<hbm>> -> memref<128xi32, #tpu.memory_space<hbm>>
    %dma_wait3A_229 = arith.constant 0 : i32
    %dma_wait3A_230 = tpu.memref_slice %arg7[%dma_wait3A_223, %dma_wait3A_229] : memref<3x128xi32, #tpu.memory_space<vmem>> -> memref<1x128xi32, #tpu.memory_space<vmem>>
    %dma_wait3A_231 = tpu.memref_squeeze %dma_wait3A_230 : memref<1x128xi32, #tpu.memory_space<vmem>> -> memref<128xi32, #tpu.memory_space<vmem>>
    %dma_wait3A_232 = arith.constant 0 : i32
    %dma_wait3A_233 = tpu.memref_slice %arg4[%dma_wait3A_232] : memref<327680xi32, #tpu.memory_space<hbm>> -> memref<128xi32, #tpu.memory_space<hbm>>
    tpu.wait_dma2 semaphore(%arg15 : memref<!tpu.dma_semaphore, #tpu.memory_space<semaphore_mem>>) src(%dma_wait3A_233 : memref<128xi32, #tpu.memory_space<hbm>>) dst(%dma_wait3A_231 : memref<128xi32, #tpu.memory_space<vmem>>)
    %dma_wait3A_234 = arith.constant 2 : i32
    %dma_wait3A_235 = arith.constant 0 : i32
    %dma_wait3A_236 = tpu.memref_slice %arg8[%dma_wait3A_234, %dma_wait3A_235] : memref<3x128xi32, #tpu.memory_space<vmem>> -> memref<1x128xi32, #tpu.memory_space<vmem>>
    %dma_wait3A_237 = tpu.memref_squeeze %dma_wait3A_236 : memref<1x128xi32, #tpu.memory_space<vmem>> -> memref<128xi32, #tpu.memory_space<vmem>>
    %dma_wait3A_238 = arith.constant 0 : i32
    %dma_wait3A_239 = tpu.memref_slice %arg5[%dma_wait3A_238] : memref<327680xi32, #tpu.memory_space<hbm>> -> memref<128xi32, #tpu.memory_space<hbm>>
    %dma_wait3A_240 = arith.constant 0 : i32
    %dma_wait3A_241 = tpu.memref_slice %arg8[%dma_wait3A_234, %dma_wait3A_240] : memref<3x128xi32, #tpu.memory_space<vmem>> -> memref<1x128xi32, #tpu.memory_space<vmem>>
    %dma_wait3A_242 = tpu.memref_squeeze %dma_wait3A_241 : memref<1x128xi32, #tpu.memory_space<vmem>> -> memref<128xi32, #tpu.memory_space<vmem>>
    %dma_wait3A_243 = arith.constant 0 : i32
    %dma_wait3A_244 = tpu.memref_slice %arg5[%dma_wait3A_243] : memref<327680xi32, #tpu.memory_space<hbm>> -> memref<128xi32, #tpu.memory_space<hbm>>
    tpu.wait_dma2 semaphore(%arg18 : memref<!tpu.dma_semaphore, #tpu.memory_space<semaphore_mem>>) src(%dma_wait3A_244 : memref<128xi32, #tpu.memory_space<hbm>>) dst(%dma_wait3A_242 : memref<128xi32, #tpu.memory_space<vmem>>)
    %dma_start3A_245 = arith.constant 2 : i32
    %dma_start3A_246 = arith.constant 2 : i32
    %dma_start3A_247 = arith.constant 0 : i32
    %dma_start3A_248 = arith.constant 0 : i32
    %dma_start3A_249 = tpu.memref_slice %arg9[%dma_start3A_246, %dma_start3A_247, %dma_start3A_248] : memref<3x128x32xf32, #tpu.memory_space<vmem>> -> memref<1x128x32xf32, #tpu.memory_space<vmem>>
    %dma_start3A_250 = tpu.memref_squeeze %dma_start3A_249 : memref<1x128x32xf32, #tpu.memory_space<vmem>> -> memref<128x32xf32, #tpu.memory_space<vmem>>
    %dma_start3A_251 = arith.constant 0 : i32
    %dma_start3A_252 = tpu.memref_slice %arg7[%dma_start3A_245, %dma_start3A_251] : memref<3x128xi32, #tpu.memory_space<vmem>> -> memref<1x128xi32, #tpu.memory_space<vmem>>
    %dma_start3A_253 = tpu.memref_squeeze %dma_start3A_252 : memref<1x128xi32, #tpu.memory_space<vmem>> -> memref<128xi32, #tpu.memory_space<vmem>>
    %dma_start3A_254 = arith.constant 0 : i32
    %dma_start3A_255 = arith.constant 0 : i32
    %dma_start3A_256 = tpu.memref_slice %arg11[%dma_start3A_254, %dma_start3A_255] : memref<10240x32xf32, #tpu.memory_space<vmem_shared>> -> memref<10240x32xf32, #tpu.memory_space<vmem_shared>>
    tpu.enqueue_indirect_dma source(%dma_start3A_256 : memref<10240x32xf32, #tpu.memory_space<vmem_shared>>) target(%dma_start3A_250 : memref<128x32xf32, #tpu.memory_space<vmem>>) offsets(%dma_start3A_253 : memref<128xi32, #tpu.memory_space<vmem>>) semaphore(%arg21 : memref<!tpu.dma_semaphore, #tpu.memory_space<semaphore_mem>>)
    %scan3A_257 = arith.constant 0 : i32
    %scan3A_258 = arith.constant 52 : i32
    %scan3A_259 = arith.addi %scan3A_257, %scan3A_258 : i32
    %scan3A_260 = arith.constant 1 : i32
    scf.for %scan3A_385 = %scan3A_257 to %scan3A_259 step %scan3A_260  : i32 {
      %mul3A_386 = arith.constant 1 : i32
      %mul3A_387 = arith.muli %scan3A_385, %mul3A_386 : i32
      %add3A_388 = arith.constant 0 : i32
      %add3A_389 = arith.addi %add3A_388, %mul3A_387 : i32
      %mul3A_390 = arith.constant 3 : i32
      %mul3A_391 = arith.muli %add3A_389, %mul3A_390 : i32
      %add3A_392 = arith.constant 2 : i32
      %add3A_393 = arith.addi %add3A_392, %mul3A_391 : i32
      %dma_wait3A_394 = arith.constant 2 : i32
      %dma_wait3A_395 = arith.constant 2 : i32
      %dma_wait3A_396 = arith.constant 0 : i32
      %dma_wait3A_397 = arith.constant 0 : i32
      %dma_wait3A_398 = tpu.memref_slice %arg9[%dma_wait3A_395, %dma_wait3A_396, %dma_wait3A_397] : memref<3x128x32xf32, #tpu.memory_space<vmem>> -> memref<1x128x32xf32, #tpu.memory_space<vmem>>
      %dma_wait3A_399 = tpu.memref_squeeze %dma_wait3A_398 : memref<1x128x32xf32, #tpu.memory_space<vmem>> -> memref<128x32xf32, #tpu.memory_space<vmem>>
      %dma_wait3A_400 = arith.constant 0 : i32
      %dma_wait3A_401 = tpu.memref_slice %arg7[%dma_wait3A_394, %dma_wait3A_400] : memref<3x128xi32, #tpu.memory_space<vmem>> -> memref<1x128xi32, #tpu.memory_space<vmem>>
      %dma_wait3A_402 = tpu.memref_squeeze %dma_wait3A_401 : memref<1x128xi32, #tpu.memory_space<vmem>> -> memref<128xi32, #tpu.memory_space<vmem>>
      %dma_wait3A_403 = arith.constant 0 : i32
      %dma_wait3A_404 = arith.constant 0 : i32
      %dma_wait3A_405 = tpu.memref_slice %arg11[%dma_wait3A_403, %dma_wait3A_404] : memref<10240x32xf32, #tpu.memory_space<vmem_shared>> -> memref<10240x32xf32, #tpu.memory_space<vmem_shared>>
      tpu.wait_indirect_dma semaphore(%arg21 : memref<!tpu.dma_semaphore, #tpu.memory_space<semaphore_mem>>) src(%dma_wait3A_405 : memref<10240x32xf32, #tpu.memory_space<vmem_shared>>) dst(%dma_wait3A_399 : memref<128x32xf32, #tpu.memory_space<vmem>>)
      %dma_start3A_406 = arith.constant 2 : i32
      %dma_start3A_407 = arith.constant 2 : i32
      %dma_start3A_408 = arith.constant 0 : i32
      %dma_start3A_409 = arith.constant 0 : i32
      %dma_start3A_410 = tpu.memref_slice %arg9[%dma_start3A_406, %dma_start3A_408, %dma_start3A_409] : memref<3x128x32xf32, #tpu.memory_space<vmem>> -> memref<1x128x32xf32, #tpu.memory_space<vmem>>
      %dma_start3A_411 = tpu.memref_squeeze %dma_start3A_410 : memref<1x128x32xf32, #tpu.memory_space<vmem>> -> memref<128x32xf32, #tpu.memory_space<vmem>>
      %dma_start3A_412 = arith.constant 0 : i32
      %dma_start3A_413 = tpu.memref_slice %arg8[%dma_start3A_407, %dma_start3A_412] : memref<3x128xi32, #tpu.memory_space<vmem>> -> memref<1x128xi32, #tpu.memory_space<vmem>>
      %dma_start3A_414 = tpu.memref_squeeze %dma_start3A_413 : memref<1x128xi32, #tpu.memory_space<vmem>> -> memref<128xi32, #tpu.memory_space<vmem>>
      %dma_start3A_415 = arith.constant 0 : i32
      %dma_start3A_416 = arith.constant 0 : i32
      %dma_start3A_417 = tpu.memref_slice %arg12[%dma_start3A_415, %dma_start3A_416] : memref<10240x32xf32, #tpu.memory_space<vmem_shared>> -> memref<10240x32xf32, #tpu.memory_space<vmem_shared>>
      tpu.enqueue_indirect_dma source(%dma_start3A_411 : memref<128x32xf32, #tpu.memory_space<vmem>>) target(%dma_start3A_417 : memref<10240x32xf32, #tpu.memory_space<vmem_shared>>) offsets(%dma_start3A_414 : memref<128xi32, #tpu.memory_space<vmem>>) semaphore(%arg24 : memref<!tpu.dma_semaphore, #tpu.memory_space<semaphore_mem>>) {add = true}
      %dma_wait3A_418 = arith.constant 1 : i32
      %dma_wait3A_419 = arith.constant 1 : i32
      %dma_wait3A_420 = arith.constant 0 : i32
      %dma_wait3A_421 = arith.constant 0 : i32
      %dma_wait3A_422 = tpu.memref_slice %arg9[%dma_wait3A_418, %dma_wait3A_420, %dma_wait3A_421] : memref<3x128x32xf32, #tpu.memory_space<vmem>> -> memref<1x128x32xf32, #tpu.memory_space<vmem>>
      %dma_wait3A_423 = tpu.memref_squeeze %dma_wait3A_422 : memref<1x128x32xf32, #tpu.memory_space<vmem>> -> memref<128x32xf32, #tpu.memory_space<vmem>>
      %dma_wait3A_424 = arith.constant 0 : i32
      %dma_wait3A_425 = tpu.memref_slice %arg8[%dma_wait3A_419, %dma_wait3A_424] : memref<3x128xi32, #tpu.memory_space<vmem>> -> memref<1x128xi32, #tpu.memory_space<vmem>>
      %dma_wait3A_426 = tpu.memref_squeeze %dma_wait3A_425 : memref<1x128xi32, #tpu.memory_space<vmem>> -> memref<128xi32, #tpu.memory_space<vmem>>
      %dma_wait3A_427 = arith.constant 0 : i32
      %dma_wait3A_428 = arith.constant 0 : i32
      %dma_wait3A_429 = tpu.memref_slice %arg12[%dma_wait3A_427, %dma_wait3A_428] : memref<10240x32xf32, #tpu.memory_space<vmem_shared>> -> memref<10240x32xf32, #tpu.memory_space<vmem_shared>>
      tpu.wait_indirect_dma semaphore(%arg23 : memref<!tpu.dma_semaphore, #tpu.memory_space<semaphore_mem>>) src(%dma_wait3A_423 : memref<128x32xf32, #tpu.memory_space<vmem>>) dst(%dma_wait3A_429 : memref<10240x32xf32, #tpu.memory_space<vmem_shared>>)
      %add3A_430 = arith.constant 0 : i32
      %add3A_431 = arith.addi %add3A_393, %add3A_430 : i32
      %add3A_432 = arith.constant 2 : i32
      %add3A_433 = arith.addi %add3A_431, %add3A_432 : i32
      %mul3A_434 = arith.constant 128 : i32
      %mul3A_435 = arith.muli %add3A_433, %mul3A_434 : i32
      %add3A_436 = arith.addi %mul3A_17, %mul3A_435 : i32
      %dma_start3A_437 = arith.constant 1 : i32
      %dma_start3A_438 = arith.constant 0 : i32
      %dma_start3A_439 = tpu.memref_slice %arg7[%dma_start3A_437, %dma_start3A_438] : memref<3x128xi32, #tpu.memory_space<vmem>> -> memref<1x128xi32, #tpu.memory_space<vmem>>
      %dma_start3A_440 = tpu.memref_squeeze %dma_start3A_439 : memref<1x128xi32, #tpu.memory_space<vmem>> -> memref<128xi32, #tpu.memory_space<vmem>>
      %dma_start3A_441 = tpu.memref_slice %arg4[%add3A_436] : memref<327680xi32, #tpu.memory_space<hbm>> -> memref<128xi32, #tpu.memory_space<hbm>>
      %dma_start3A_442 = arith.constant 0 : i32
      %dma_start3A_443 = tpu.memref_slice %arg7[%dma_start3A_437, %dma_start3A_442] : memref<3x128xi32, #tpu.memory_space<vmem>> -> memref<1x128xi32, #tpu.memory_space<vmem>>
      %dma_start3A_444 = tpu.memref_squeeze %dma_start3A_443 : memref<1x128xi32, #tpu.memory_space<vmem>> -> memref<128xi32, #tpu.memory_space<vmem>>
      %dma_start3A_445 = tpu.memref_slice %arg4[%add3A_436] : memref<327680xi32, #tpu.memory_space<hbm>> -> memref<128xi32, #tpu.memory_space<hbm>>
      tpu.enqueue_dma source(%dma_start3A_445 : memref<128xi32, #tpu.memory_space<hbm>>) target(%dma_start3A_444 : memref<128xi32, #tpu.memory_space<vmem>>) target_semaphore(%arg14 : memref<!tpu.dma_semaphore, #tpu.memory_space<semaphore_mem>>)
      %dma_start3A_446 = arith.constant 1 : i32
      %dma_start3A_447 = arith.constant 0 : i32
      %dma_start3A_448 = tpu.memref_slice %arg8[%dma_start3A_446, %dma_start3A_447] : memref<3x128xi32, #tpu.memory_space<vmem>> -> memref<1x128xi32, #tpu.memory_space<vmem>>
      %dma_start3A_449 = tpu.memref_squeeze %dma_start3A_448 : memref<1x128xi32, #tpu.memory_space<vmem>> -> memref<128xi32, #tpu.memory_space<vmem>>
      %dma_start3A_450 = tpu.memref_slice %arg5[%add3A_436] : memref<327680xi32, #tpu.memory_space<hbm>> -> memref<128xi32, #tpu.memory_space<hbm>>
      %dma_start3A_451 = arith.constant 0 : i32
      %dma_start3A_452 = tpu.memref_slice %arg8[%dma_start3A_446, %dma_start3A_451] : memref<3x128xi32, #tpu.memory_space<vmem>> -> memref<1x128xi32, #tpu.memory_space<vmem>>
      %dma_start3A_453 = tpu.memref_squeeze %dma_start3A_452 : memref<1x128xi32, #tpu.memory_space<vmem>> -> memref<128xi32, #tpu.memory_space<vmem>>
      %dma_start3A_454 = tpu.memref_slice %arg5[%add3A_436] : memref<327680xi32, #tpu.memory_space<hbm>> -> memref<128xi32, #tpu.memory_space<hbm>>
      tpu.enqueue_dma source(%dma_start3A_454 : memref<128xi32, #tpu.memory_space<hbm>>) target(%dma_start3A_453 : memref<128xi32, #tpu.memory_space<vmem>>) target_semaphore(%arg17 : memref<!tpu.dma_semaphore, #tpu.memory_space<semaphore_mem>>)
      %dma_wait3A_455 = arith.constant 0 : i32
      %dma_wait3A_456 = arith.constant 0 : i32
      %dma_wait3A_457 = tpu.memref_slice %arg7[%dma_wait3A_455, %dma_wait3A_456] : memref<3x128xi32, #tpu.memory_space<vmem>> -> memref<1x128xi32, #tpu.memory_space<vmem>>
      %dma_wait3A_458 = tpu.memref_squeeze %dma_wait3A_457 : memref<1x128xi32, #tpu.memory_space<vmem>> -> memref<128xi32, #tpu.memory_space<vmem>>
      %dma_wait3A_459 = arith.constant 0 : i32
      %dma_wait3A_460 = tpu.memref_slice %arg4[%dma_wait3A_459] : memref<327680xi32, #tpu.memory_space<hbm>> -> memref<128xi32, #tpu.memory_space<hbm>>
      %dma_wait3A_461 = arith.constant 0 : i32
      %dma_wait3A_462 = tpu.memref_slice %arg7[%dma_wait3A_455, %dma_wait3A_461] : memref<3x128xi32, #tpu.memory_space<vmem>> -> memref<1x128xi32, #tpu.memory_space<vmem>>
      %dma_wait3A_463 = tpu.memref_squeeze %dma_wait3A_462 : memref<1x128xi32, #tpu.memory_space<vmem>> -> memref<128xi32, #tpu.memory_space<vmem>>
      %dma_wait3A_464 = arith.constant 0 : i32
      %dma_wait3A_465 = tpu.memref_slice %arg4[%dma_wait3A_464] : memref<327680xi32, #tpu.memory_space<hbm>> -> memref<128xi32, #tpu.memory_space<hbm>>
      tpu.wait_dma2 semaphore(%arg13 : memref<!tpu.dma_semaphore, #tpu.memory_space<semaphore_mem>>) src(%dma_wait3A_465 : memref<128xi32, #tpu.memory_space<hbm>>) dst(%dma_wait3A_463 : memref<128xi32, #tpu.memory_space<vmem>>)
      %dma_wait3A_466 = arith.constant 0 : i32
      %dma_wait3A_467 = arith.constant 0 : i32
      %dma_wait3A_468 = tpu.memref_slice %arg8[%dma_wait3A_466, %dma_wait3A_467] : memref<3x128xi32, #tpu.memory_space<vmem>> -> memref<1x128xi32, #tpu.memory_space<vmem>>
      %dma_wait3A_469 = tpu.memref_squeeze %dma_wait3A_468 : memref<1x128xi32, #tpu.memory_space<vmem>> -> memref<128xi32, #tpu.memory_space<vmem>>
      %dma_wait3A_470 = arith.constant 0 : i32
      %dma_wait3A_471 = tpu.memref_slice %arg5[%dma_wait3A_470] : memref<327680xi32, #tpu.memory_space<hbm>> -> memref<128xi32, #tpu.memory_space<hbm>>
      %dma_wait3A_472 = arith.constant 0 : i32
      %dma_wait3A_473 = tpu.memref_slice %arg8[%dma_wait3A_466, %dma_wait3A_472] : memref<3x128xi32, #tpu.memory_space<vmem>> -> memref<1x128xi32, #tpu.memory_space<vmem>>
      %dma_wait3A_474 = tpu.memref_squeeze %dma_wait3A_473 : memref<1x128xi32, #tpu.memory_space<vmem>> -> memref<128xi32, #tpu.memory_space<vmem>>
      %dma_wait3A_475 = arith.constant 0 : i32
      %dma_wait3A_476 = tpu.memref_slice %arg5[%dma_wait3A_475] : memref<327680xi32, #tpu.memory_space<hbm>> -> memref<128xi32, #tpu.memory_space<hbm>>
      tpu.wait_dma2 semaphore(%arg16 : memref<!tpu.dma_semaphore, #tpu.memory_space<semaphore_mem>>) src(%dma_wait3A_476 : memref<128xi32, #tpu.memory_space<hbm>>) dst(%dma_wait3A_474 : memref<128xi32, #tpu.memory_space<vmem>>)
      %dma_start3A_477 = arith.constant 0 : i32
      %dma_start3A_478 = arith.constant 0 : i32
      %dma_start3A_479 = arith.constant 0 : i32
      %dma_start3A_480 = arith.constant 0 : i32
      %dma_start3A_481 = tpu.memref_slice %arg9[%dma_start3A_478, %dma_start3A_479, %dma_start3A_480] : memref<3x128x32xf32, #tpu.memory_space<vmem>> -> memref<1x128x32xf32, #tpu.memory_space<vmem>>
      %dma_start3A_482 = tpu.memref_squeeze %dma_start3A_481 : memref<1x128x32xf32, #tpu.memory_space<vmem>> -> memref<128x32xf32, #tpu.memory_space<vmem>>
      %dma_start3A_483 = arith.constant 0 : i32
      %dma_start3A_484 = tpu.memref_slice %arg7[%dma_start3A_477, %dma_start3A_483] : memref<3x128xi32, #tpu.memory_space<vmem>> -> memref<1x128xi32, #tpu.memory_space<vmem>>
      %dma_start3A_485 = tpu.memref_squeeze %dma_start3A_484 : memref<1x128xi32, #tpu.memory_space<vmem>> -> memref<128xi32, #tpu.memory_space<vmem>>
      %dma_start3A_486 = arith.constant 0 : i32
      %dma_start3A_487 = arith.constant 0 : i32
      %dma_start3A_488 = tpu.memref_slice %arg11[%dma_start3A_486, %dma_start3A_487] : memref<10240x32xf32, #tpu.memory_space<vmem_shared>> -> memref<10240x32xf32, #tpu.memory_space<vmem_shared>>
      tpu.enqueue_indirect_dma source(%dma_start3A_488 : memref<10240x32xf32, #tpu.memory_space<vmem_shared>>) target(%dma_start3A_482 : memref<128x32xf32, #tpu.memory_space<vmem>>) offsets(%dma_start3A_485 : memref<128xi32, #tpu.memory_space<vmem>>) semaphore(%arg19 : memref<!tpu.dma_semaphore, #tpu.memory_space<semaphore_mem>>)
      %dma_wait3A_489 = arith.constant 0 : i32
      %dma_wait3A_490 = arith.constant 0 : i32
      %dma_wait3A_491 = arith.constant 0 : i32
      %dma_wait3A_492 = arith.constant 0 : i32
      %dma_wait3A_493 = tpu.memref_slice %arg9[%dma_wait3A_490, %dma_wait3A_491, %dma_wait3A_492] : memref<3x128x32xf32, #tpu.memory_space<vmem>> -> memref<1x128x32xf32, #tpu.memory_space<vmem>>
      %dma_wait3A_494 = tpu.memref_squeeze %dma_wait3A_493 : memref<1x128x32xf32, #tpu.memory_space<vmem>> -> memref<128x32xf32, #tpu.memory_space<vmem>>
      %dma_wait3A_495 = arith.constant 0 : i32
      %dma_wait3A_496 = tpu.memref_slice %arg7[%dma_wait3A_489, %dma_wait3A_495] : memref<3x128xi32, #tpu.memory_space<vmem>> -> memref<1x128xi32, #tpu.memory_space<vmem>>
      %dma_wait3A_497 = tpu.memref_squeeze %dma_wait3A_496 : memref<1x128xi32, #tpu.memory_space<vmem>> -> memref<128xi32, #tpu.memory_space<vmem>>
      %dma_wait3A_498 = arith.constant 0 : i32
      %dma_wait3A_499 = arith.constant 0 : i32
      %dma_wait3A_500 = tpu.memref_slice %arg11[%dma_wait3A_498, %dma_wait3A_499] : memref<10240x32xf32, #tpu.memory_space<vmem_shared>> -> memref<10240x32xf32, #tpu.memory_space<vmem_shared>>
      tpu.wait_indirect_dma semaphore(%arg19 : memref<!tpu.dma_semaphore, #tpu.memory_space<semaphore_mem>>) src(%dma_wait3A_500 : memref<10240x32xf32, #tpu.memory_space<vmem_shared>>) dst(%dma_wait3A_494 : memref<128x32xf32, #tpu.memory_space<vmem>>)
      %dma_start3A_501 = arith.constant 0 : i32
      %dma_start3A_502 = arith.constant 0 : i32
      %dma_start3A_503 = arith.constant 0 : i32
      %dma_start3A_504 = arith.constant 0 : i32
      %dma_start3A_505 = tpu.memref_slice %arg9[%dma_start3A_501, %dma_start3A_503, %dma_start3A_504] : memref<3x128x32xf32, #tpu.memory_space<vmem>> -> memref<1x128x32xf32, #tpu.memory_space<vmem>>
      %dma_start3A_506 = tpu.memref_squeeze %dma_start3A_505 : memref<1x128x32xf32, #tpu.memory_space<vmem>> -> memref<128x32xf32, #tpu.memory_space<vmem>>
      %dma_start3A_507 = arith.constant 0 : i32
      %dma_start3A_508 = tpu.memref_slice %arg8[%dma_start3A_502, %dma_start3A_507] : memref<3x128xi32, #tpu.memory_space<vmem>> -> memref<1x128xi32, #tpu.memory_space<vmem>>
      %dma_start3A_509 = tpu.memref_squeeze %dma_start3A_508 : memref<1x128xi32, #tpu.memory_space<vmem>> -> memref<128xi32, #tpu.memory_space<vmem>>
      %dma_start3A_510 = arith.constant 0 : i32
      %dma_start3A_511 = arith.constant 0 : i32
      %dma_start3A_512 = tpu.memref_slice %arg12[%dma_start3A_510, %dma_start3A_511] : memref<10240x32xf32, #tpu.memory_space<vmem_shared>> -> memref<10240x32xf32, #tpu.memory_space<vmem_shared>>
      tpu.enqueue_indirect_dma source(%dma_start3A_506 : memref<128x32xf32, #tpu.memory_space<vmem>>) target(%dma_start3A_512 : memref<10240x32xf32, #tpu.memory_space<vmem_shared>>) offsets(%dma_start3A_509 : memref<128xi32, #tpu.memory_space<vmem>>) semaphore(%arg22 : memref<!tpu.dma_semaphore, #tpu.memory_space<semaphore_mem>>) {add = true}
      %dma_wait3A_513 = arith.constant 2 : i32
      %dma_wait3A_514 = arith.constant 2 : i32
      %dma_wait3A_515 = arith.constant 0 : i32
      %dma_wait3A_516 = arith.constant 0 : i32
      %dma_wait3A_517 = tpu.memref_slice %arg9[%dma_wait3A_513, %dma_wait3A_515, %dma_wait3A_516] : memref<3x128x32xf32, #tpu.memory_space<vmem>> -> memref<1x128x32xf32, #tpu.memory_space<vmem>>
      %dma_wait3A_518 = tpu.memref_squeeze %dma_wait3A_517 : memref<1x128x32xf32, #tpu.memory_space<vmem>> -> memref<128x32xf32, #tpu.memory_space<vmem>>
      %dma_wait3A_519 = arith.constant 0 : i32
      %dma_wait3A_520 = tpu.memref_slice %arg8[%dma_wait3A_514, %dma_wait3A_519] : memref<3x128xi32, #tpu.memory_space<vmem>> -> memref<1x128xi32, #tpu.memory_space<vmem>>
      %dma_wait3A_521 = tpu.memref_squeeze %dma_wait3A_520 : memref<1x128xi32, #tpu.memory_space<vmem>> -> memref<128xi32, #tpu.memory_space<vmem>>
      %dma_wait3A_522 = arith.constant 0 : i32
      %dma_wait3A_523 = arith.constant 0 : i32
      %dma_wait3A_524 = tpu.memref_slice %arg12[%dma_wait3A_522, %dma_wait3A_523] : memref<10240x32xf32, #tpu.memory_space<vmem_shared>> -> memref<10240x32xf32, #tpu.memory_space<vmem_shared>>
      tpu.wait_indirect_dma semaphore(%arg24 : memref<!tpu.dma_semaphore, #tpu.memory_space<semaphore_mem>>) src(%dma_wait3A_518 : memref<128x32xf32, #tpu.memory_space<vmem>>) dst(%dma_wait3A_524 : memref<10240x32xf32, #tpu.memory_space<vmem_shared>>)
      %add3A_525 = arith.constant 1 : i32
      %add3A_526 = arith.addi %add3A_393, %add3A_525 : i32
      %add3A_527 = arith.constant 2 : i32
      %add3A_528 = arith.addi %add3A_526, %add3A_527 : i32
      %mul3A_529 = arith.constant 128 : i32
      %mul3A_530 = arith.muli %add3A_528, %mul3A_529 : i32
      %add3A_531 = arith.addi %mul3A_17, %mul3A_530 : i32
      %dma_start3A_532 = arith.constant 2 : i32
      %dma_start3A_533 = arith.constant 0 : i32
      %dma_start3A_534 = tpu.memref_slice %arg7[%dma_start3A_532, %dma_start3A_533] : memref<3x128xi32, #tpu.memory_space<vmem>> -> memref<1x128xi32, #tpu.memory_space<vmem>>
      %dma_start3A_535 = tpu.memref_squeeze %dma_start3A_534 : memref<1x128xi32, #tpu.memory_space<vmem>> -> memref<128xi32, #tpu.memory_space<vmem>>
      %dma_start3A_536 = tpu.memref_slice %arg4[%add3A_531] : memref<327680xi32, #tpu.memory_space<hbm>> -> memref<128xi32, #tpu.memory_space<hbm>>
      %dma_start3A_537 = arith.constant 0 : i32
      %dma_start3A_538 = tpu.memref_slice %arg7[%dma_start3A_532, %dma_start3A_537] : memref<3x128xi32, #tpu.memory_space<vmem>> -> memref<1x128xi32, #tpu.memory_space<vmem>>
      %dma_start3A_539 = tpu.memref_squeeze %dma_start3A_538 : memref<1x128xi32, #tpu.memory_space<vmem>> -> memref<128xi32, #tpu.memory_space<vmem>>
      %dma_start3A_540 = tpu.memref_slice %arg4[%add3A_531] : memref<327680xi32, #tpu.memory_space<hbm>> -> memref<128xi32, #tpu.memory_space<hbm>>
      tpu.enqueue_dma source(%dma_start3A_540 : memref<128xi32, #tpu.memory_space<hbm>>) target(%dma_start3A_539 : memref<128xi32, #tpu.memory_space<vmem>>) target_semaphore(%arg15 : memref<!tpu.dma_semaphore, #tpu.memory_space<semaphore_mem>>)
      %dma_start3A_541 = arith.constant 2 : i32
      %dma_start3A_542 = arith.constant 0 : i32
      %dma_start3A_543 = tpu.memref_slice %arg8[%dma_start3A_541, %dma_start3A_542] : memref<3x128xi32, #tpu.memory_space<vmem>> -> memref<1x128xi32, #tpu.memory_space<vmem>>
      %dma_start3A_544 = tpu.memref_squeeze %dma_start3A_543 : memref<1x128xi32, #tpu.memory_space<vmem>> -> memref<128xi32, #tpu.memory_space<vmem>>
      %dma_start3A_545 = tpu.memref_slice %arg5[%add3A_531] : memref<327680xi32, #tpu.memory_space<hbm>> -> memref<128xi32, #tpu.memory_space<hbm>>
      %dma_start3A_546 = arith.constant 0 : i32
      %dma_start3A_547 = tpu.memref_slice %arg8[%dma_start3A_541, %dma_start3A_546] : memref<3x128xi32, #tpu.memory_space<vmem>> -> memref<1x128xi32, #tpu.memory_space<vmem>>
      %dma_start3A_548 = tpu.memref_squeeze %dma_start3A_547 : memref<1x128xi32, #tpu.memory_space<vmem>> -> memref<128xi32, #tpu.memory_space<vmem>>
      %dma_start3A_549 = tpu.memref_slice %arg5[%add3A_531] : memref<327680xi32, #tpu.memory_space<hbm>> -> memref<128xi32, #tpu.memory_space<hbm>>
      tpu.enqueue_dma source(%dma_start3A_549 : memref<128xi32, #tpu.memory_space<hbm>>) target(%dma_start3A_548 : memref<128xi32, #tpu.memory_space<vmem>>) target_semaphore(%arg18 : memref<!tpu.dma_semaphore, #tpu.memory_space<semaphore_mem>>)
      %dma_wait3A_550 = arith.constant 1 : i32
      %dma_wait3A_551 = arith.constant 0 : i32
      %dma_wait3A_552 = tpu.memref_slice %arg7[%dma_wait3A_550, %dma_wait3A_551] : memref<3x128xi32, #tpu.memory_space<vmem>> -> memref<1x128xi32, #tpu.memory_space<vmem>>
      %dma_wait3A_553 = tpu.memref_squeeze %dma_wait3A_552 : memref<1x128xi32, #tpu.memory_space<vmem>> -> memref<128xi32, #tpu.memory_space<vmem>>
      %dma_wait3A_554 = arith.constant 0 : i32
      %dma_wait3A_555 = tpu.memref_slice %arg4[%dma_wait3A_554] : memref<327680xi32, #tpu.memory_space<hbm>> -> memref<128xi32, #tpu.memory_space<hbm>>
      %dma_wait3A_556 = arith.constant 0 : i32
      %dma_wait3A_557 = tpu.memref_slice %arg7[%dma_wait3A_550, %dma_wait3A_556] : memref<3x128xi32, #tpu.memory_space<vmem>> -> memref<1x128xi32, #tpu.memory_space<vmem>>
      %dma_wait3A_558 = tpu.memref_squeeze %dma_wait3A_557 : memref<1x128xi32, #tpu.memory_space<vmem>> -> memref<128xi32, #tpu.memory_space<vmem>>
      %dma_wait3A_559 = arith.constant 0 : i32
      %dma_wait3A_560 = tpu.memref_slice %arg4[%dma_wait3A_559] : memref<327680xi32, #tpu.memory_space<hbm>> -> memref<128xi32, #tpu.memory_space<hbm>>
      tpu.wait_dma2 semaphore(%arg14 : memref<!tpu.dma_semaphore, #tpu.memory_space<semaphore_mem>>) src(%dma_wait3A_560 : memref<128xi32, #tpu.memory_space<hbm>>) dst(%dma_wait3A_558 : memref<128xi32, #tpu.memory_space<vmem>>)
      %dma_wait3A_561 = arith.constant 1 : i32
      %dma_wait3A_562 = arith.constant 0 : i32
      %dma_wait3A_563 = tpu.memref_slice %arg8[%dma_wait3A_561, %dma_wait3A_562] : memref<3x128xi32, #tpu.memory_space<vmem>> -> memref<1x128xi32, #tpu.memory_space<vmem>>
      %dma_wait3A_564 = tpu.memref_squeeze %dma_wait3A_563 : memref<1x128xi32, #tpu.memory_space<vmem>> -> memref<128xi32, #tpu.memory_space<vmem>>
      %dma_wait3A_565 = arith.constant 0 : i32
      %dma_wait3A_566 = tpu.memref_slice %arg5[%dma_wait3A_565] : memref<327680xi32, #tpu.memory_space<hbm>> -> memref<128xi32, #tpu.memory_space<hbm>>
      %dma_wait3A_567 = arith.constant 0 : i32
      %dma_wait3A_568 = tpu.memref_slice %arg8[%dma_wait3A_561, %dma_wait3A_567] : memref<3x128xi32, #tpu.memory_space<vmem>> -> memref<1x128xi32, #tpu.memory_space<vmem>>
      %dma_wait3A_569 = tpu.memref_squeeze %dma_wait3A_568 : memref<1x128xi32, #tpu.memory_space<vmem>> -> memref<128xi32, #tpu.memory_space<vmem>>
      %dma_wait3A_570 = arith.constant 0 : i32
      %dma_wait3A_571 = tpu.memref_slice %arg5[%dma_wait3A_570] : memref<327680xi32, #tpu.memory_space<hbm>> -> memref<128xi32, #tpu.memory_space<hbm>>
      tpu.wait_dma2 semaphore(%arg17 : memref<!tpu.dma_semaphore, #tpu.memory_space<semaphore_mem>>) src(%dma_wait3A_571 : memref<128xi32, #tpu.memory_space<hbm>>) dst(%dma_wait3A_569 : memref<128xi32, #tpu.memory_space<vmem>>)
      %dma_start3A_572 = arith.constant 1 : i32
      %dma_start3A_573 = arith.constant 1 : i32
      %dma_start3A_574 = arith.constant 0 : i32
      %dma_start3A_575 = arith.constant 0 : i32
      %dma_start3A_576 = tpu.memref_slice %arg9[%dma_start3A_573, %dma_start3A_574, %dma_start3A_575] : memref<3x128x32xf32, #tpu.memory_space<vmem>> -> memref<1x128x32xf32, #tpu.memory_space<vmem>>
      %dma_start3A_577 = tpu.memref_squeeze %dma_start3A_576 : memref<1x128x32xf32, #tpu.memory_space<vmem>> -> memref<128x32xf32, #tpu.memory_space<vmem>>
      %dma_start3A_578 = arith.constant 0 : i32
      %dma_start3A_579 = tpu.memref_slice %arg7[%dma_start3A_572, %dma_start3A_578] : memref<3x128xi32, #tpu.memory_space<vmem>> -> memref<1x128xi32, #tpu.memory_space<vmem>>
      %dma_start3A_580 = tpu.memref_squeeze %dma_start3A_579 : memref<1x128xi32, #tpu.memory_space<vmem>> -> memref<128xi32, #tpu.memory_space<vmem>>
      %dma_start3A_581 = arith.constant 0 : i32
      %dma_start3A_582 = arith.constant 0 : i32
      %dma_start3A_583 = tpu.memref_slice %arg11[%dma_start3A_581, %dma_start3A_582] : memref<10240x32xf32, #tpu.memory_space<vmem_shared>> -> memref<10240x32xf32, #tpu.memory_space<vmem_shared>>
      tpu.enqueue_indirect_dma source(%dma_start3A_583 : memref<10240x32xf32, #tpu.memory_space<vmem_shared>>) target(%dma_start3A_577 : memref<128x32xf32, #tpu.memory_space<vmem>>) offsets(%dma_start3A_580 : memref<128xi32, #tpu.memory_space<vmem>>) semaphore(%arg20 : memref<!tpu.dma_semaphore, #tpu.memory_space<semaphore_mem>>)
      %dma_wait3A_584 = arith.constant 1 : i32
      %dma_wait3A_585 = arith.constant 1 : i32
      %dma_wait3A_586 = arith.constant 0 : i32
      %dma_wait3A_587 = arith.constant 0 : i32
      %dma_wait3A_588 = tpu.memref_slice %arg9[%dma_wait3A_585, %dma_wait3A_586, %dma_wait3A_587] : memref<3x128x32xf32, #tpu.memory_space<vmem>> -> memref<1x128x32xf32, #tpu.memory_space<vmem>>
      %dma_wait3A_589 = tpu.memref_squeeze %dma_wait3A_588 : memref<1x128x32xf32, #tpu.memory_space<vmem>> -> memref<128x32xf32, #tpu.memory_space<vmem>>
      %dma_wait3A_590 = arith.constant 0 : i32
      %dma_wait3A_591 = tpu.memref_slice %arg7[%dma_wait3A_584, %dma_wait3A_590] : memref<3x128xi32, #tpu.memory_space<vmem>> -> memref<1x128xi32, #tpu.memory_space<vmem>>
      %dma_wait3A_592 = tpu.memref_squeeze %dma_wait3A_591 : memref<1x128xi32, #tpu.memory_space<vmem>> -> memref<128xi32, #tpu.memory_space<vmem>>
      %dma_wait3A_593 = arith.constant 0 : i32
      %dma_wait3A_594 = arith.constant 0 : i32
      %dma_wait3A_595 = tpu.memref_slice %arg11[%dma_wait3A_593, %dma_wait3A_594] : memref<10240x32xf32, #tpu.memory_space<vmem_shared>> -> memref<10240x32xf32, #tpu.memory_space<vmem_shared>>
      tpu.wait_indirect_dma semaphore(%arg20 : memref<!tpu.dma_semaphore, #tpu.memory_space<semaphore_mem>>) src(%dma_wait3A_595 : memref<10240x32xf32, #tpu.memory_space<vmem_shared>>) dst(%dma_wait3A_589 : memref<128x32xf32, #tpu.memory_space<vmem>>)
      %dma_start3A_596 = arith.constant 1 : i32
      %dma_start3A_597 = arith.constant 1 : i32
      %dma_start3A_598 = arith.constant 0 : i32
      %dma_start3A_599 = arith.constant 0 : i32
      %dma_start3A_600 = tpu.memref_slice %arg9[%dma_start3A_596, %dma_start3A_598, %dma_start3A_599] : memref<3x128x32xf32, #tpu.memory_space<vmem>> -> memref<1x128x32xf32, #tpu.memory_space<vmem>>
      %dma_start3A_601 = tpu.memref_squeeze %dma_start3A_600 : memref<1x128x32xf32, #tpu.memory_space<vmem>> -> memref<128x32xf32, #tpu.memory_space<vmem>>
      %dma_start3A_602 = arith.constant 0 : i32
      %dma_start3A_603 = tpu.memref_slice %arg8[%dma_start3A_597, %dma_start3A_602] : memref<3x128xi32, #tpu.memory_space<vmem>> -> memref<1x128xi32, #tpu.memory_space<vmem>>
      %dma_start3A_604 = tpu.memref_squeeze %dma_start3A_603 : memref<1x128xi32, #tpu.memory_space<vmem>> -> memref<128xi32, #tpu.memory_space<vmem>>
      %dma_start3A_605 = arith.constant 0 : i32
      %dma_start3A_606 = arith.constant 0 : i32
      %dma_start3A_607 = tpu.memref_slice %arg12[%dma_start3A_605, %dma_start3A_606] : memref<10240x32xf32, #tpu.memory_space<vmem_shared>> -> memref<10240x32xf32, #tpu.memory_space<vmem_shared>>
      tpu.enqueue_indirect_dma source(%dma_start3A_601 : memref<128x32xf32, #tpu.memory_space<vmem>>) target(%dma_start3A_607 : memref<10240x32xf32, #tpu.memory_space<vmem_shared>>) offsets(%dma_start3A_604 : memref<128xi32, #tpu.memory_space<vmem>>) semaphore(%arg23 : memref<!tpu.dma_semaphore, #tpu.memory_space<semaphore_mem>>) {add = true}
      %dma_wait3A_608 = arith.constant 0 : i32
      %dma_wait3A_609 = arith.constant 0 : i32
      %dma_wait3A_610 = arith.constant 0 : i32
      %dma_wait3A_611 = arith.constant 0 : i32
      %dma_wait3A_612 = tpu.memref_slice %arg9[%dma_wait3A_608, %dma_wait3A_610, %dma_wait3A_611] : memref<3x128x32xf32, #tpu.memory_space<vmem>> -> memref<1x128x32xf32, #tpu.memory_space<vmem>>
      %dma_wait3A_613 = tpu.memref_squeeze %dma_wait3A_612 : memref<1x128x32xf32, #tpu.memory_space<vmem>> -> memref<128x32xf32, #tpu.memory_space<vmem>>
      %dma_wait3A_614 = arith.constant 0 : i32
      %dma_wait3A_615 = tpu.memref_slice %arg8[%dma_wait3A_609, %dma_wait3A_614] : memref<3x128xi32, #tpu.memory_space<vmem>> -> memref<1x128xi32, #tpu.memory_space<vmem>>
      %dma_wait3A_616 = tpu.memref_squeeze %dma_wait3A_615 : memref<1x128xi32, #tpu.memory_space<vmem>> -> memref<128xi32, #tpu.memory_space<vmem>>
      %dma_wait3A_617 = arith.constant 0 : i32
      %dma_wait3A_618 = arith.constant 0 : i32
      %dma_wait3A_619 = tpu.memref_slice %arg12[%dma_wait3A_617, %dma_wait3A_618] : memref<10240x32xf32, #tpu.memory_space<vmem_shared>> -> memref<10240x32xf32, #tpu.memory_space<vmem_shared>>
      tpu.wait_indirect_dma semaphore(%arg22 : memref<!tpu.dma_semaphore, #tpu.memory_space<semaphore_mem>>) src(%dma_wait3A_613 : memref<128x32xf32, #tpu.memory_space<vmem>>) dst(%dma_wait3A_619 : memref<10240x32xf32, #tpu.memory_space<vmem_shared>>)
      %add3A_620 = arith.constant 2 : i32
      %add3A_621 = arith.addi %add3A_393, %add3A_620 : i32
      %add3A_622 = arith.constant 2 : i32
      %add3A_623 = arith.addi %add3A_621, %add3A_622 : i32
      %mul3A_624 = arith.constant 128 : i32
      %mul3A_625 = arith.muli %add3A_623, %mul3A_624 : i32
      %add3A_626 = arith.addi %mul3A_17, %mul3A_625 : i32
      %dma_start3A_627 = arith.constant 0 : i32
      %dma_start3A_628 = arith.constant 0 : i32
      %dma_start3A_629 = tpu.memref_slice %arg7[%dma_start3A_627, %dma_start3A_628] : memref<3x128xi32, #tpu.memory_space<vmem>> -> memref<1x128xi32, #tpu.memory_space<vmem>>
      %dma_start3A_630 = tpu.memref_squeeze %dma_start3A_629 : memref<1x128xi32, #tpu.memory_space<vmem>> -> memref<128xi32, #tpu.memory_space<vmem>>
      %dma_start3A_631 = tpu.memref_slice %arg4[%add3A_626] : memref<327680xi32, #tpu.memory_space<hbm>> -> memref<128xi32, #tpu.memory_space<hbm>>
      %dma_start3A_632 = arith.constant 0 : i32
      %dma_start3A_633 = tpu.memref_slice %arg7[%dma_start3A_627, %dma_start3A_632] : memref<3x128xi32, #tpu.memory_space<vmem>> -> memref<1x128xi32, #tpu.memory_space<vmem>>
      %dma_start3A_634 = tpu.memref_squeeze %dma_start3A_633 : memref<1x128xi32, #tpu.memory_space<vmem>> -> memref<128xi32, #tpu.memory_space<vmem>>
      %dma_start3A_635 = tpu.memref_slice %arg4[%add3A_626] : memref<327680xi32, #tpu.memory_space<hbm>> -> memref<128xi32, #tpu.memory_space<hbm>>
      tpu.enqueue_dma source(%dma_start3A_635 : memref<128xi32, #tpu.memory_space<hbm>>) target(%dma_start3A_634 : memref<128xi32, #tpu.memory_space<vmem>>) target_semaphore(%arg13 : memref<!tpu.dma_semaphore, #tpu.memory_space<semaphore_mem>>)
      %dma_start3A_636 = arith.constant 0 : i32
      %dma_start3A_637 = arith.constant 0 : i32
      %dma_start3A_638 = tpu.memref_slice %arg8[%dma_start3A_636, %dma_start3A_637] : memref<3x128xi32, #tpu.memory_space<vmem>> -> memref<1x128xi32, #tpu.memory_space<vmem>>
      %dma_start3A_639 = tpu.memref_squeeze %dma_start3A_638 : memref<1x128xi32, #tpu.memory_space<vmem>> -> memref<128xi32, #tpu.memory_space<vmem>>
      %dma_start3A_640 = tpu.memref_slice %arg5[%add3A_626] : memref<327680xi32, #tpu.memory_space<hbm>> -> memref<128xi32, #tpu.memory_space<hbm>>
      %dma_start3A_641 = arith.constant 0 : i32
      %dma_start3A_642 = tpu.memref_slice %arg8[%dma_start3A_636, %dma_start3A_641] : memref<3x128xi32, #tpu.memory_space<vmem>> -> memref<1x128xi32, #tpu.memory_space<vmem>>
      %dma_start3A_643 = tpu.memref_squeeze %dma_start3A_642 : memref<1x128xi32, #tpu.memory_space<vmem>> -> memref<128xi32, #tpu.memory_space<vmem>>
      %dma_start3A_644 = tpu.memref_slice %arg5[%add3A_626] : memref<327680xi32, #tpu.memory_space<hbm>> -> memref<128xi32, #tpu.memory_space<hbm>>
      tpu.enqueue_dma source(%dma_start3A_644 : memref<128xi32, #tpu.memory_space<hbm>>) target(%dma_start3A_643 : memref<128xi32, #tpu.memory_space<vmem>>) target_semaphore(%arg16 : memref<!tpu.dma_semaphore, #tpu.memory_space<semaphore_mem>>)
      %dma_wait3A_645 = arith.constant 2 : i32
      %dma_wait3A_646 = arith.constant 0 : i32
      %dma_wait3A_647 = tpu.memref_slice %arg7[%dma_wait3A_645, %dma_wait3A_646] : memref<3x128xi32, #tpu.memory_space<vmem>> -> memref<1x128xi32, #tpu.memory_space<vmem>>
      %dma_wait3A_648 = tpu.memref_squeeze %dma_wait3A_647 : memref<1x128xi32, #tpu.memory_space<vmem>> -> memref<128xi32, #tpu.memory_space<vmem>>
      %dma_wait3A_649 = arith.constant 0 : i32
      %dma_wait3A_650 = tpu.memref_slice %arg4[%dma_wait3A_649] : memref<327680xi32, #tpu.memory_space<hbm>> -> memref<128xi32, #tpu.memory_space<hbm>>
      %dma_wait3A_651 = arith.constant 0 : i32
      %dma_wait3A_652 = tpu.memref_slice %arg7[%dma_wait3A_645, %dma_wait3A_651] : memref<3x128xi32, #tpu.memory_space<vmem>> -> memref<1x128xi32, #tpu.memory_space<vmem>>
      %dma_wait3A_653 = tpu.memref_squeeze %dma_wait3A_652 : memref<1x128xi32, #tpu.memory_space<vmem>> -> memref<128xi32, #tpu.memory_space<vmem>>
      %dma_wait3A_654 = arith.constant 0 : i32
      %dma_wait3A_655 = tpu.memref_slice %arg4[%dma_wait3A_654] : memref<327680xi32, #tpu.memory_space<hbm>> -> memref<128xi32, #tpu.memory_space<hbm>>
      tpu.wait_dma2 semaphore(%arg15 : memref<!tpu.dma_semaphore, #tpu.memory_space<semaphore_mem>>) src(%dma_wait3A_655 : memref<128xi32, #tpu.memory_space<hbm>>) dst(%dma_wait3A_653 : memref<128xi32, #tpu.memory_space<vmem>>)
      %dma_wait3A_656 = arith.constant 2 : i32
      %dma_wait3A_657 = arith.constant 0 : i32
      %dma_wait3A_658 = tpu.memref_slice %arg8[%dma_wait3A_656, %dma_wait3A_657] : memref<3x128xi32, #tpu.memory_space<vmem>> -> memref<1x128xi32, #tpu.memory_space<vmem>>
      %dma_wait3A_659 = tpu.memref_squeeze %dma_wait3A_658 : memref<1x128xi32, #tpu.memory_space<vmem>> -> memref<128xi32, #tpu.memory_space<vmem>>
      %dma_wait3A_660 = arith.constant 0 : i32
      %dma_wait3A_661 = tpu.memref_slice %arg5[%dma_wait3A_660] : memref<327680xi32, #tpu.memory_space<hbm>> -> memref<128xi32, #tpu.memory_space<hbm>>
      %dma_wait3A_662 = arith.constant 0 : i32
      %dma_wait3A_663 = tpu.memref_slice %arg8[%dma_wait3A_656, %dma_wait3A_662] : memref<3x128xi32, #tpu.memory_space<vmem>> -> memref<1x128xi32, #tpu.memory_space<vmem>>
      %dma_wait3A_664 = tpu.memref_squeeze %dma_wait3A_663 : memref<1x128xi32, #tpu.memory_space<vmem>> -> memref<128xi32, #tpu.memory_space<vmem>>
      %dma_wait3A_665 = arith.constant 0 : i32
      %dma_wait3A_666 = tpu.memref_slice %arg5[%dma_wait3A_665] : memref<327680xi32, #tpu.memory_space<hbm>> -> memref<128xi32, #tpu.memory_space<hbm>>
      tpu.wait_dma2 semaphore(%arg18 : memref<!tpu.dma_semaphore, #tpu.memory_space<semaphore_mem>>) src(%dma_wait3A_666 : memref<128xi32, #tpu.memory_space<hbm>>) dst(%dma_wait3A_664 : memref<128xi32, #tpu.memory_space<vmem>>)
      %dma_start3A_667 = arith.constant 2 : i32
      %dma_start3A_668 = arith.constant 2 : i32
      %dma_start3A_669 = arith.constant 0 : i32
      %dma_start3A_670 = arith.constant 0 : i32
      %dma_start3A_671 = tpu.memref_slice %arg9[%dma_start3A_668, %dma_start3A_669, %dma_start3A_670] : memref<3x128x32xf32, #tpu.memory_space<vmem>> -> memref<1x128x32xf32, #tpu.memory_space<vmem>>
      %dma_start3A_672 = tpu.memref_squeeze %dma_start3A_671 : memref<1x128x32xf32, #tpu.memory_space<vmem>> -> memref<128x32xf32, #tpu.memory_space<vmem>>
      %dma_start3A_673 = arith.constant 0 : i32
      %dma_start3A_674 = tpu.memref_slice %arg7[%dma_start3A_667, %dma_start3A_673] : memref<3x128xi32, #tpu.memory_space<vmem>> -> memref<1x128xi32, #tpu.memory_space<vmem>>
      %dma_start3A_675 = tpu.memref_squeeze %dma_start3A_674 : memref<1x128xi32, #tpu.memory_space<vmem>> -> memref<128xi32, #tpu.memory_space<vmem>>
      %dma_start3A_676 = arith.constant 0 : i32
      %dma_start3A_677 = arith.constant 0 : i32
      %dma_start3A_678 = tpu.memref_slice %arg11[%dma_start3A_676, %dma_start3A_677] : memref<10240x32xf32, #tpu.memory_space<vmem_shared>> -> memref<10240x32xf32, #tpu.memory_space<vmem_shared>>
      tpu.enqueue_indirect_dma source(%dma_start3A_678 : memref<10240x32xf32, #tpu.memory_space<vmem_shared>>) target(%dma_start3A_672 : memref<128x32xf32, #tpu.memory_space<vmem>>) offsets(%dma_start3A_675 : memref<128xi32, #tpu.memory_space<vmem>>) semaphore(%arg21 : memref<!tpu.dma_semaphore, #tpu.memory_space<semaphore_mem>>)
    }
    %scan3A_261 = arith.constant 52 : i32
    %dma_wait3A_262 = arith.constant 2 : i32
    %dma_wait3A_263 = arith.constant 2 : i32
    %dma_wait3A_264 = arith.constant 0 : i32
    %dma_wait3A_265 = arith.constant 0 : i32
    %dma_wait3A_266 = tpu.memref_slice %arg9[%dma_wait3A_263, %dma_wait3A_264, %dma_wait3A_265] : memref<3x128x32xf32, #tpu.memory_space<vmem>> -> memref<1x128x32xf32, #tpu.memory_space<vmem>>
    %dma_wait3A_267 = tpu.memref_squeeze %dma_wait3A_266 : memref<1x128x32xf32, #tpu.memory_space<vmem>> -> memref<128x32xf32, #tpu.memory_space<vmem>>
    %dma_wait3A_268 = arith.constant 0 : i32
    %dma_wait3A_269 = tpu.memref_slice %arg7[%dma_wait3A_262, %dma_wait3A_268] : memref<3x128xi32, #tpu.memory_space<vmem>> -> memref<1x128xi32, #tpu.memory_space<vmem>>
    %dma_wait3A_270 = tpu.memref_squeeze %dma_wait3A_269 : memref<1x128xi32, #tpu.memory_space<vmem>> -> memref<128xi32, #tpu.memory_space<vmem>>
    %dma_wait3A_271 = arith.constant 0 : i32
    %dma_wait3A_272 = arith.constant 0 : i32
    %dma_wait3A_273 = tpu.memref_slice %arg11[%dma_wait3A_271, %dma_wait3A_272] : memref<10240x32xf32, #tpu.memory_space<vmem_shared>> -> memref<10240x32xf32, #tpu.memory_space<vmem_shared>>
    tpu.wait_indirect_dma semaphore(%arg21 : memref<!tpu.dma_semaphore, #tpu.memory_space<semaphore_mem>>) src(%dma_wait3A_273 : memref<10240x32xf32, #tpu.memory_space<vmem_shared>>) dst(%dma_wait3A_267 : memref<128x32xf32, #tpu.memory_space<vmem>>)
    %dma_start3A_274 = arith.constant 2 : i32
    %dma_start3A_275 = arith.constant 2 : i32
    %dma_start3A_276 = arith.constant 0 : i32
    %dma_start3A_277 = arith.constant 0 : i32
    %dma_start3A_278 = tpu.memref_slice %arg9[%dma_start3A_274, %dma_start3A_276, %dma_start3A_277] : memref<3x128x32xf32, #tpu.memory_space<vmem>> -> memref<1x128x32xf32, #tpu.memory_space<vmem>>
    %dma_start3A_279 = tpu.memref_squeeze %dma_start3A_278 : memref<1x128x32xf32, #tpu.memory_space<vmem>> -> memref<128x32xf32, #tpu.memory_space<vmem>>
    %dma_start3A_280 = arith.constant 0 : i32
    %dma_start3A_281 = tpu.memref_slice %arg8[%dma_start3A_275, %dma_start3A_280] : memref<3x128xi32, #tpu.memory_space<vmem>> -> memref<1x128xi32, #tpu.memory_space<vmem>>
    %dma_start3A_282 = tpu.memref_squeeze %dma_start3A_281 : memref<1x128xi32, #tpu.memory_space<vmem>> -> memref<128xi32, #tpu.memory_space<vmem>>
    %dma_start3A_283 = arith.constant 0 : i32
    %dma_start3A_284 = arith.constant 0 : i32
    %dma_start3A_285 = tpu.memref_slice %arg12[%dma_start3A_283, %dma_start3A_284] : memref<10240x32xf32, #tpu.memory_space<vmem_shared>> -> memref<10240x32xf32, #tpu.memory_space<vmem_shared>>
    tpu.enqueue_indirect_dma source(%dma_start3A_279 : memref<128x32xf32, #tpu.memory_space<vmem>>) target(%dma_start3A_285 : memref<10240x32xf32, #tpu.memory_space<vmem_shared>>) offsets(%dma_start3A_282 : memref<128xi32, #tpu.memory_space<vmem>>) semaphore(%arg24 : memref<!tpu.dma_semaphore, #tpu.memory_space<semaphore_mem>>) {add = true}
    %dma_wait3A_286 = arith.constant 1 : i32
    %dma_wait3A_287 = arith.constant 1 : i32
    %dma_wait3A_288 = arith.constant 0 : i32
    %dma_wait3A_289 = arith.constant 0 : i32
    %dma_wait3A_290 = tpu.memref_slice %arg9[%dma_wait3A_286, %dma_wait3A_288, %dma_wait3A_289] : memref<3x128x32xf32, #tpu.memory_space<vmem>> -> memref<1x128x32xf32, #tpu.memory_space<vmem>>
    %dma_wait3A_291 = tpu.memref_squeeze %dma_wait3A_290 : memref<1x128x32xf32, #tpu.memory_space<vmem>> -> memref<128x32xf32, #tpu.memory_space<vmem>>
    %dma_wait3A_292 = arith.constant 0 : i32
    %dma_wait3A_293 = tpu.memref_slice %arg8[%dma_wait3A_287, %dma_wait3A_292] : memref<3x128xi32, #tpu.memory_space<vmem>> -> memref<1x128xi32, #tpu.memory_space<vmem>>
    %dma_wait3A_294 = tpu.memref_squeeze %dma_wait3A_293 : memref<1x128xi32, #tpu.memory_space<vmem>> -> memref<128xi32, #tpu.memory_space<vmem>>
    %dma_wait3A_295 = arith.constant 0 : i32
    %dma_wait3A_296 = arith.constant 0 : i32
    %dma_wait3A_297 = tpu.memref_slice %arg12[%dma_wait3A_295, %dma_wait3A_296] : memref<10240x32xf32, #tpu.memory_space<vmem_shared>> -> memref<10240x32xf32, #tpu.memory_space<vmem_shared>>
    tpu.wait_indirect_dma semaphore(%arg23 : memref<!tpu.dma_semaphore, #tpu.memory_space<semaphore_mem>>) src(%dma_wait3A_291 : memref<128x32xf32, #tpu.memory_space<vmem>>) dst(%dma_wait3A_297 : memref<10240x32xf32, #tpu.memory_space<vmem_shared>>)
    %dma_wait3A_298 = arith.constant 0 : i32
    %dma_wait3A_299 = arith.constant 0 : i32
    %dma_wait3A_300 = tpu.memref_slice %arg7[%dma_wait3A_298, %dma_wait3A_299] : memref<3x128xi32, #tpu.memory_space<vmem>> -> memref<1x128xi32, #tpu.memory_space<vmem>>
    %dma_wait3A_301 = tpu.memref_squeeze %dma_wait3A_300 : memref<1x128xi32, #tpu.memory_space<vmem>> -> memref<128xi32, #tpu.memory_space<vmem>>
    %dma_wait3A_302 = arith.constant 0 : i32
    %dma_wait3A_303 = tpu.memref_slice %arg4[%dma_wait3A_302] : memref<327680xi32, #tpu.memory_space<hbm>> -> memref<128xi32, #tpu.memory_space<hbm>>
    %dma_wait3A_304 = arith.constant 0 : i32
    %dma_wait3A_305 = tpu.memref_slice %arg7[%dma_wait3A_298, %dma_wait3A_304] : memref<3x128xi32, #tpu.memory_space<vmem>> -> memref<1x128xi32, #tpu.memory_space<vmem>>
    %dma_wait3A_306 = tpu.memref_squeeze %dma_wait3A_305 : memref<1x128xi32, #tpu.memory_space<vmem>> -> memref<128xi32, #tpu.memory_space<vmem>>
    %dma_wait3A_307 = arith.constant 0 : i32
    %dma_wait3A_308 = tpu.memref_slice %arg4[%dma_wait3A_307] : memref<327680xi32, #tpu.memory_space<hbm>> -> memref<128xi32, #tpu.memory_space<hbm>>
    tpu.wait_dma2 semaphore(%arg13 : memref<!tpu.dma_semaphore, #tpu.memory_space<semaphore_mem>>) src(%dma_wait3A_308 : memref<128xi32, #tpu.memory_space<hbm>>) dst(%dma_wait3A_306 : memref<128xi32, #tpu.memory_space<vmem>>)
    %dma_wait3A_309 = arith.constant 0 : i32
    %dma_wait3A_310 = arith.constant 0 : i32
    %dma_wait3A_311 = tpu.memref_slice %arg8[%dma_wait3A_309, %dma_wait3A_310] : memref<3x128xi32, #tpu.memory_space<vmem>> -> memref<1x128xi32, #tpu.memory_space<vmem>>
    %dma_wait3A_312 = tpu.memref_squeeze %dma_wait3A_311 : memref<1x128xi32, #tpu.memory_space<vmem>> -> memref<128xi32, #tpu.memory_space<vmem>>
    %dma_wait3A_313 = arith.constant 0 : i32
    %dma_wait3A_314 = tpu.memref_slice %arg5[%dma_wait3A_313] : memref<327680xi32, #tpu.memory_space<hbm>> -> memref<128xi32, #tpu.memory_space<hbm>>
    %dma_wait3A_315 = arith.constant 0 : i32
    %dma_wait3A_316 = tpu.memref_slice %arg8[%dma_wait3A_309, %dma_wait3A_315] : memref<3x128xi32, #tpu.memory_space<vmem>> -> memref<1x128xi32, #tpu.memory_space<vmem>>
    %dma_wait3A_317 = tpu.memref_squeeze %dma_wait3A_316 : memref<1x128xi32, #tpu.memory_space<vmem>> -> memref<128xi32, #tpu.memory_space<vmem>>
    %dma_wait3A_318 = arith.constant 0 : i32
    %dma_wait3A_319 = tpu.memref_slice %arg5[%dma_wait3A_318] : memref<327680xi32, #tpu.memory_space<hbm>> -> memref<128xi32, #tpu.memory_space<hbm>>
    tpu.wait_dma2 semaphore(%arg16 : memref<!tpu.dma_semaphore, #tpu.memory_space<semaphore_mem>>) src(%dma_wait3A_319 : memref<128xi32, #tpu.memory_space<hbm>>) dst(%dma_wait3A_317 : memref<128xi32, #tpu.memory_space<vmem>>)
    %dma_start3A_320 = arith.constant 0 : i32
    %dma_start3A_321 = arith.constant 0 : i32
    %dma_start3A_322 = arith.constant 0 : i32
    %dma_start3A_323 = arith.constant 0 : i32
    %dma_start3A_324 = tpu.memref_slice %arg9[%dma_start3A_321, %dma_start3A_322, %dma_start3A_323] : memref<3x128x32xf32, #tpu.memory_space<vmem>> -> memref<1x128x32xf32, #tpu.memory_space<vmem>>
    %dma_start3A_325 = tpu.memref_squeeze %dma_start3A_324 : memref<1x128x32xf32, #tpu.memory_space<vmem>> -> memref<128x32xf32, #tpu.memory_space<vmem>>
    %dma_start3A_326 = arith.constant 0 : i32
    %dma_start3A_327 = tpu.memref_slice %arg7[%dma_start3A_320, %dma_start3A_326] : memref<3x128xi32, #tpu.memory_space<vmem>> -> memref<1x128xi32, #tpu.memory_space<vmem>>
    %dma_start3A_328 = tpu.memref_squeeze %dma_start3A_327 : memref<1x128xi32, #tpu.memory_space<vmem>> -> memref<128xi32, #tpu.memory_space<vmem>>
    %dma_start3A_329 = arith.constant 0 : i32
    %dma_start3A_330 = arith.constant 0 : i32
    %dma_start3A_331 = tpu.memref_slice %arg11[%dma_start3A_329, %dma_start3A_330] : memref<10240x32xf32, #tpu.memory_space<vmem_shared>> -> memref<10240x32xf32, #tpu.memory_space<vmem_shared>>
    tpu.enqueue_indirect_dma source(%dma_start3A_331 : memref<10240x32xf32, #tpu.memory_space<vmem_shared>>) target(%dma_start3A_325 : memref<128x32xf32, #tpu.memory_space<vmem>>) offsets(%dma_start3A_328 : memref<128xi32, #tpu.memory_space<vmem>>) semaphore(%arg19 : memref<!tpu.dma_semaphore, #tpu.memory_space<semaphore_mem>>)
    %dma_wait3A_332 = arith.constant 0 : i32
    %dma_wait3A_333 = arith.constant 0 : i32
    %dma_wait3A_334 = arith.constant 0 : i32
    %dma_wait3A_335 = arith.constant 0 : i32
    %dma_wait3A_336 = tpu.memref_slice %arg9[%dma_wait3A_333, %dma_wait3A_334, %dma_wait3A_335] : memref<3x128x32xf32, #tpu.memory_space<vmem>> -> memref<1x128x32xf32, #tpu.memory_space<vmem>>
    %dma_wait3A_337 = tpu.memref_squeeze %dma_wait3A_336 : memref<1x128x32xf32, #tpu.memory_space<vmem>> -> memref<128x32xf32, #tpu.memory_space<vmem>>
    %dma_wait3A_338 = arith.constant 0 : i32
    %dma_wait3A_339 = tpu.memref_slice %arg7[%dma_wait3A_332, %dma_wait3A_338] : memref<3x128xi32, #tpu.memory_space<vmem>> -> memref<1x128xi32, #tpu.memory_space<vmem>>
    %dma_wait3A_340 = tpu.memref_squeeze %dma_wait3A_339 : memref<1x128xi32, #tpu.memory_space<vmem>> -> memref<128xi32, #tpu.memory_space<vmem>>
    %dma_wait3A_341 = arith.constant 0 : i32
    %dma_wait3A_342 = arith.constant 0 : i32
    %dma_wait3A_343 = tpu.memref_slice %arg11[%dma_wait3A_341, %dma_wait3A_342] : memref<10240x32xf32, #tpu.memory_space<vmem_shared>> -> memref<10240x32xf32, #tpu.memory_space<vmem_shared>>
    tpu.wait_indirect_dma semaphore(%arg19 : memref<!tpu.dma_semaphore, #tpu.memory_space<semaphore_mem>>) src(%dma_wait3A_343 : memref<10240x32xf32, #tpu.memory_space<vmem_shared>>) dst(%dma_wait3A_337 : memref<128x32xf32, #tpu.memory_space<vmem>>)
    %dma_start3A_344 = arith.constant 0 : i32
    %dma_start3A_345 = arith.constant 0 : i32
    %dma_start3A_346 = arith.constant 0 : i32
    %dma_start3A_347 = arith.constant 0 : i32
    %dma_start3A_348 = tpu.memref_slice %arg9[%dma_start3A_344, %dma_start3A_346, %dma_start3A_347] : memref<3x128x32xf32, #tpu.memory_space<vmem>> -> memref<1x128x32xf32, #tpu.memory_space<vmem>>
    %dma_start3A_349 = tpu.memref_squeeze %dma_start3A_348 : memref<1x128x32xf32, #tpu.memory_space<vmem>> -> memref<128x32xf32, #tpu.memory_space<vmem>>
    %dma_start3A_350 = arith.constant 0 : i32
    %dma_start3A_351 = tpu.memref_slice %arg8[%dma_start3A_345, %dma_start3A_350] : memref<3x128xi32, #tpu.memory_space<vmem>> -> memref<1x128xi32, #tpu.memory_space<vmem>>
    %dma_start3A_352 = tpu.memref_squeeze %dma_start3A_351 : memref<1x128xi32, #tpu.memory_space<vmem>> -> memref<128xi32, #tpu.memory_space<vmem>>
    %dma_start3A_353 = arith.constant 0 : i32
    %dma_start3A_354 = arith.constant 0 : i32
    %dma_start3A_355 = tpu.memref_slice %arg12[%dma_start3A_353, %dma_start3A_354] : memref<10240x32xf32, #tpu.memory_space<vmem_shared>> -> memref<10240x32xf32, #tpu.memory_space<vmem_shared>>
    tpu.enqueue_indirect_dma source(%dma_start3A_349 : memref<128x32xf32, #tpu.memory_space<vmem>>) target(%dma_start3A_355 : memref<10240x32xf32, #tpu.memory_space<vmem_shared>>) offsets(%dma_start3A_352 : memref<128xi32, #tpu.memory_space<vmem>>) semaphore(%arg22 : memref<!tpu.dma_semaphore, #tpu.memory_space<semaphore_mem>>) {add = true}
    %dma_wait3A_356 = arith.constant 2 : i32
    %dma_wait3A_357 = arith.constant 2 : i32
    %dma_wait3A_358 = arith.constant 0 : i32
    %dma_wait3A_359 = arith.constant 0 : i32
    %dma_wait3A_360 = tpu.memref_slice %arg9[%dma_wait3A_356, %dma_wait3A_358, %dma_wait3A_359] : memref<3x128x32xf32, #tpu.memory_space<vmem>> -> memref<1x128x32xf32, #tpu.memory_space<vmem>>
    %dma_wait3A_361 = tpu.memref_squeeze %dma_wait3A_360 : memref<1x128x32xf32, #tpu.memory_space<vmem>> -> memref<128x32xf32, #tpu.memory_space<vmem>>
    %dma_wait3A_362 = arith.constant 0 : i32
    %dma_wait3A_363 = tpu.memref_slice %arg8[%dma_wait3A_357, %dma_wait3A_362] : memref<3x128xi32, #tpu.memory_space<vmem>> -> memref<1x128xi32, #tpu.memory_space<vmem>>
    %dma_wait3A_364 = tpu.memref_squeeze %dma_wait3A_363 : memref<1x128xi32, #tpu.memory_space<vmem>> -> memref<128xi32, #tpu.memory_space<vmem>>
    %dma_wait3A_365 = arith.constant 0 : i32
    %dma_wait3A_366 = arith.constant 0 : i32
    %dma_wait3A_367 = tpu.memref_slice %arg12[%dma_wait3A_365, %dma_wait3A_366] : memref<10240x32xf32, #tpu.memory_space<vmem_shared>> -> memref<10240x32xf32, #tpu.memory_space<vmem_shared>>
    tpu.wait_indirect_dma semaphore(%arg24 : memref<!tpu.dma_semaphore, #tpu.memory_space<semaphore_mem>>) src(%dma_wait3A_361 : memref<128x32xf32, #tpu.memory_space<vmem>>) dst(%dma_wait3A_367 : memref<10240x32xf32, #tpu.memory_space<vmem_shared>>)
    %dma_wait3A_368 = arith.constant 0 : i32
    %dma_wait3A_369 = arith.constant 0 : i32
    %dma_wait3A_370 = arith.constant 0 : i32
    %dma_wait3A_371 = arith.constant 0 : i32
    %dma_wait3A_372 = tpu.memref_slice %arg9[%dma_wait3A_368, %dma_wait3A_370, %dma_wait3A_371] : memref<3x128x32xf32, #tpu.memory_space<vmem>> -> memref<1x128x32xf32, #tpu.memory_space<vmem>>
    %dma_wait3A_373 = tpu.memref_squeeze %dma_wait3A_372 : memref<1x128x32xf32, #tpu.memory_space<vmem>> -> memref<128x32xf32, #tpu.memory_space<vmem>>
    %dma_wait3A_374 = arith.constant 0 : i32
    %dma_wait3A_375 = tpu.memref_slice %arg8[%dma_wait3A_369, %dma_wait3A_374] : memref<3x128xi32, #tpu.memory_space<vmem>> -> memref<1x128xi32, #tpu.memory_space<vmem>>
    %dma_wait3A_376 = tpu.memref_squeeze %dma_wait3A_375 : memref<1x128xi32, #tpu.memory_space<vmem>> -> memref<128xi32, #tpu.memory_space<vmem>>
    %dma_wait3A_377 = arith.constant 0 : i32
    %dma_wait3A_378 = arith.constant 0 : i32
    %dma_wait3A_379 = tpu.memref_slice %arg12[%dma_wait3A_377, %dma_wait3A_378] : memref<10240x32xf32, #tpu.memory_space<vmem_shared>> -> memref<10240x32xf32, #tpu.memory_space<vmem_shared>>
    tpu.wait_indirect_dma semaphore(%arg22 : memref<!tpu.dma_semaphore, #tpu.memory_space<semaphore_mem>>) src(%dma_wait3A_373 : memref<128x32xf32, #tpu.memory_space<vmem>>) dst(%dma_wait3A_379 : memref<10240x32xf32, #tpu.memory_space<vmem_shared>>)
    %barrier3A_380 = arith.constant 0 : index
    tpu.barrier barrier_id(%barrier3A_380)
    %mul3A_381 = arith.constant 640 : i32
    %mul3A_382 = arith.muli %arg1, %mul3A_381 : i32
    %mul3A_383 = arith.constant 640 : i32
    %mul3A_384 = arith.muli %arg1, %mul3A_383 : i32
    "tpu.region"() ({
      %run_scoped3A = tpu.sem_alloc : memref<!tpu.dma_semaphore, #tpu.memory_space<semaphore_mem>>
      %dma_start3A_385 = arith.constant 0 : i32
      %dma_start3A_386 = tpu.memref_slice %arg6[%arg0, %mul3A_384, %dma_start3A_385] : memref<2x10240x32xf32, #tpu.memory_space<hbm>> -> memref<1x640x32xf32, #tpu.memory_space<hbm>>
      %dma_start3A_387 = tpu.memref_squeeze %dma_start3A_386 : memref<1x640x32xf32, #tpu.memory_space<hbm>> -> memref<640x32xf32, #tpu.memory_space<hbm>>
      %dma_start3A_388 = arith.constant 0 : i32
      %dma_start3A_389 = tpu.memref_slice %arg12[%mul3A_382, %dma_start3A_388] : memref<10240x32xf32, #tpu.memory_space<vmem_shared>> -> memref<640x32xf32, #tpu.memory_space<vmem_shared>>
      tpu.enqueue_dma source(%dma_start3A_389 : memref<640x32xf32, #tpu.memory_space<vmem_shared>>) target(%dma_start3A_387 : memref<640x32xf32, #tpu.memory_space<hbm>>) target_semaphore(%run_scoped3A : memref<!tpu.dma_semaphore, #tpu.memory_space<semaphore_mem>>)
      %dma_wait3A_390 = arith.constant 0 : i32
      %dma_wait3A_391 = tpu.memref_slice %arg6[%arg0, %mul3A_384, %dma_wait3A_390] : memref<2x10240x32xf32, #tpu.memory_space<hbm>> -> memref<1x640x32xf32, #tpu.memory_space<hbm>>
      %dma_wait3A_392 = tpu.memref_squeeze %dma_wait3A_391 : memref<1x640x32xf32, #tpu.memory_space<hbm>> -> memref<640x32xf32, #tpu.memory_space<hbm>>
      %dma_wait3A_393 = arith.constant 0 : i32
      %dma_wait3A_394 = tpu.memref_slice %arg12[%mul3A_382, %dma_wait3A_393] : memref<10240x32xf32, #tpu.memory_space<vmem_shared>> -> memref<640x32xf32, #tpu.memory_space<vmem_shared>>
      tpu.wait_dma2 semaphore(%run_scoped3A : memref<!tpu.dma_semaphore, #tpu.memory_space<semaphore_mem>>) src(%dma_wait3A_394 : memref<640x32xf32, #tpu.memory_space<vmem_shared>>) dst(%dma_wait3A_392 : memref<640x32xf32, #tpu.memory_space<hbm>>)
      tpu.yield
    }) : () -> ()
    return
  }
}

module attributes {stable_mosaic.version = 14 : i64} {
  func.func @_dis_y_body(%arg0: i32, %arg1: memref<640x1xf32, #tpu.memory_space<vmem>>, %arg2: memref<640x1xf32, #tpu.memory_space<vmem>>, %arg3: memref<640x128xf32, #tpu.memory_space<vmem>>, %arg4: memref<128x128xf32, #tpu.memory_space<vmem>>, %arg5: memref<640x1xf32, #tpu.memory_space<vmem>>, %arg6: memref<640x64xf32, #tpu.memory_space<vmem>>, %arg7: memref<640x64xf32, #tpu.memory_space<vmem>>) attributes {dimension_semantics = [#tpu.dimension_semantics<arbitrary>], iteration_bounds = array<i64: 16>, scalar_prefetch = 0 : i64, scratch_operands = 0 : i64, tpu.core_type = #tpu.core_type<tc>, window_params = [{transform_indices = @transform_0, window_bounds = array<i64: 640, 1>}, {transform_indices = @transform_1, window_bounds = array<i64: 640, 1>}, {transform_indices = @transform_2, window_bounds = array<i64: 640, 128>}, {pipeline_mode = #tpu.pipeline_mode<synchronous>, transform_indices = @transform_3, window_bounds = array<i64: 128, 128>}, {transform_indices = @transform_4, window_bounds = array<i64: 640, 1>}, {transform_indices = @transform_5, window_bounds = array<i64: 640, 64>}, {transform_indices = @transform_6, window_bounds = array<i64: 640, 64>}]} {
    %get3A = arith.constant 0 : index
    %get3A_0 = arith.constant 0 : index
    %get3A_1 = vector.load %arg1[%get3A, %get3A_0] : memref<640x1xf32, #tpu.memory_space<vmem>>, vector<640x1xf32>
    %get3A_2 = arith.constant 0 : index
    %get3A_3 = arith.constant 0 : index
    %get3A_4 = vector.load %arg2[%get3A_2, %get3A_3] : memref<640x1xf32, #tpu.memory_space<vmem>>, vector<640x1xf32>
    %add3A = arith.addf %get3A_1, %get3A_4 : vector<640x1xf32>
    %add3A_5 = arith.constant 1.000000e+00 : f32
    %add3A_6 = vector.broadcast %add3A_5 : f32 to vector<640x1xf32>
    %add3A_7 = arith.addf %add3A, %add3A_6 : vector<640x1xf32>
    %rsqrt3A = math.rsqrt %add3A_7 : vector<640x1xf32>
    %swap3A = arith.constant 0 : index
    %swap3A_8 = arith.constant 0 : index
    %swap3A_9 = vector.load %arg5[%swap3A, %swap3A_8] : memref<640x1xf32, #tpu.memory_space<vmem>>, vector<640x1xf32>
    tpu.vector_store %arg5[%swap3A, %swap3A_8], %rsqrt3A {strides = array<i32>} : memref<640x1xf32, #tpu.memory_space<vmem>>, vector<640x1xf32>,
    %get3A_10 = arith.constant 0 : index
    %get3A_11 = arith.constant 0 : index
    %get3A_12 = vector.load %arg3[%get3A_10, %get3A_11] : memref<640x128xf32, #tpu.memory_space<vmem>>, vector<640x128xf32>
    %get3A_13 = arith.constant 0 : index
    %get3A_14 = arith.constant 0 : index
    %get3A_15 = vector.load %arg4[%get3A_13, %get3A_14] : memref<128x128xf32, #tpu.memory_space<vmem>>, vector<128x128xf32>
    %dot_general3A = arith.constant dense<0.000000e+00> : vector<640x128xf32>
    %dot_general3A_16 = tpu.matmul %get3A_12, %get3A_15, %dot_general3A {dimension_numbers = #tpu.dot_dimension_numbers<[1], [0], [0], [1], [0, 0, 1, 1], [], []>, transpose_lhs_hint = false} : vector<640x128xf32>, vector<128x128xf32>, vector<640x128xf32> -> vector<640x128xf32>
    %mul3A = vector.broadcast %rsqrt3A : vector<640x1xf32> to vector<640x128xf32>
    %mul3A_17 = arith.mulf %mul3A, %dot_general3A_16 : vector<640x128xf32>
    %slice3A = vector.extract_strided_slice %mul3A_17 {offsets = [0, 0], sizes = [640, 64], strides = [1, 1]} : vector<640x128xf32> to vector<640x64xf32>
    %swap3A_18 = arith.constant 0 : index
    %swap3A_19 = arith.constant 0 : index
    %swap3A_20 = vector.load %arg6[%swap3A_18, %swap3A_19] : memref<640x64xf32, #tpu.memory_space<vmem>>, vector<640x64xf32>
    tpu.vector_store %arg6[%swap3A_18, %swap3A_19], %slice3A {strides = array<i32>} : memref<640x64xf32, #tpu.memory_space<vmem>>, vector<640x64xf32>,
    %slice3A_21 = vector.extract_strided_slice %mul3A_17 {offsets = [0, 64], sizes = [640, 64], strides = [1, 1]} : vector<640x128xf32> to vector<640x64xf32>
    %swap3A_22 = arith.constant 0 : index
    %swap3A_23 = arith.constant 0 : index
    %swap3A_24 = vector.load %arg7[%swap3A_22, %swap3A_23] : memref<640x64xf32, #tpu.memory_space<vmem>>, vector<640x64xf32>
    tpu.vector_store %arg7[%swap3A_22, %swap3A_23], %slice3A_21 {strides = array<i32>} : memref<640x64xf32, #tpu.memory_space<vmem>>, vector<640x64xf32>,
    return
  }
  func.func @transform_0(%arg0: i32) -> (i32, i32) {
    %c0_i32 = arith.constant 0 : i32
    %c0_i32_0 = arith.constant 0 : i32
    return %arg0, %c0_i32 : i32, i32
  }
  func.func @transform_1(%arg0: i32) -> (i32, i32) {
    %c0_i32 = arith.constant 0 : i32
    %c0_i32_0 = arith.constant 0 : i32
    return %arg0, %c0_i32 : i32, i32
  }
  func.func @transform_2(%arg0: i32) -> (i32, i32) {
    %c0_i32 = arith.constant 0 : i32
    %c0_i32_0 = arith.constant 0 : i32
    return %arg0, %c0_i32 : i32, i32
  }
  func.func @transform_3(%arg0: i32) -> (i32, i32) {
    %c0_i32 = arith.constant 0 : i32
    %c0_i32_0 = arith.constant 0 : i32
    %c0_i32_1 = arith.constant 0 : i32
    return %c0_i32, %c0_i32_0 : i32, i32
  }
  func.func @transform_4(%arg0: i32) -> (i32, i32) {
    %c0_i32 = arith.constant 0 : i32
    %c0_i32_0 = arith.constant 0 : i32
    return %arg0, %c0_i32 : i32, i32
  }
  func.func @transform_5(%arg0: i32) -> (i32, i32) {
    %c0_i32 = arith.constant 0 : i32
    %c0_i32_0 = arith.constant 0 : i32
    return %arg0, %c0_i32 : i32, i32
  }
  func.func @transform_6(%arg0: i32) -> (i32, i32) {
    %c0_i32 = arith.constant 0 : i32
    %c0_i32_0 = arith.constant 0 : i32
    return %arg0, %c0_i32 : i32, i32
  }
}

module attributes {stable_mosaic.version = 14 : i64} {
  func.func @_mid_body(%arg0: i32, %arg1: memref<640x64xf32, #tpu.memory_space<vmem>>, %arg2: memref<640x64xf32, #tpu.memory_space<vmem>>, %arg3: memref<640x64xf32, #tpu.memory_space<vmem>>, %arg4: memref<640x64xf32, #tpu.memory_space<vmem>>, %arg5: memref<640x1xf32, #tpu.memory_space<vmem>>, %arg6: memref<1x128xf32, #tpu.memory_space<vmem>>, %arg7: memref<128x64xf32, #tpu.memory_space<vmem>>, %arg8: memref<640x32xf32, #tpu.memory_space<vmem>>, %arg9: memref<640x32xf32, #tpu.memory_space<vmem>>) attributes {dimension_semantics = [#tpu.dimension_semantics<arbitrary>], iteration_bounds = array<i64: 16>, scalar_prefetch = 0 : i64, scratch_operands = 0 : i64, tpu.core_type = #tpu.core_type<tc>, window_params = [{transform_indices = @transform_0, window_bounds = array<i64: 640, 64>}, {transform_indices = @transform_1, window_bounds = array<i64: 640, 64>}, {transform_indices = @transform_2, window_bounds = array<i64: 640, 64>}, {transform_indices = @transform_3, window_bounds = array<i64: 640, 64>}, {transform_indices = @transform_4, window_bounds = array<i64: 640, 1>}, {pipeline_mode = #tpu.pipeline_mode<synchronous>, transform_indices = @transform_5, window_bounds = array<i64: 1, 128>}, {pipeline_mode = #tpu.pipeline_mode<synchronous>, transform_indices = @transform_6, window_bounds = array<i64: 128, 64>}, {transform_indices = @transform_7, window_bounds = array<i64: 640, 32>}, {transform_indices = @transform_8, window_bounds = array<i64: 640, 32>}]} {
    %get3A = arith.constant 0 : index
    %get3A_0 = arith.constant 0 : index
    %get3A_1 = vector.load %arg5[%get3A, %get3A_0] : memref<640x1xf32, #tpu.memory_space<vmem>>, vector<640x1xf32>
    %get3A_2 = arith.constant 0 : index
    %get3A_3 = arith.constant 0 : index
    %get3A_4 = vector.load %arg1[%get3A_2, %get3A_3] : memref<640x64xf32, #tpu.memory_space<vmem>>, vector<640x64xf32>
    %get3A_5 = arith.constant 0 : index
    %get3A_6 = arith.constant 0 : index
    %get3A_7 = vector.load %arg3[%get3A_5, %get3A_6] : memref<640x64xf32, #tpu.memory_space<vmem>>, vector<640x64xf32>
    %add3A = arith.addf %get3A_4, %get3A_7 : vector<640x64xf32>
    %get3A_8 = arith.constant 0 : index
    %get3A_9 = arith.constant 0 : index
    %get3A_10 = vector.load %arg2[%get3A_8, %get3A_9] : memref<640x64xf32, #tpu.memory_space<vmem>>, vector<640x64xf32>
    %get3A_11 = arith.constant 0 : index
    %get3A_12 = arith.constant 0 : index
    %get3A_13 = vector.load %arg4[%get3A_11, %get3A_12] : memref<640x64xf32, #tpu.memory_space<vmem>>, vector<640x64xf32>
    %add3A_14 = arith.addf %get3A_10, %get3A_13 : vector<640x64xf32>
    %concatenate3A = tpu.concatenate %add3A, %add3A_14 in 1 : vector<640x64xf32>, vector<640x64xf32> -> vector<640x128xf32>
    %mul3A = vector.broadcast %get3A_1 : vector<640x1xf32> to vector<640x128xf32>
    %mul3A_15 = arith.mulf %mul3A, %concatenate3A : vector<640x128xf32>
    %get3A_16 = arith.constant 0 : index
    %get3A_17 = arith.constant 0 : index
    %get3A_18 = vector.load %arg6[%get3A_16, %get3A_17] : memref<1x128xf32, #tpu.memory_space<vmem>>, vector<1x128xf32>
    %add3A_19 = vector.broadcast %get3A_18 : vector<1x128xf32> to vector<640x128xf32>
    %add3A_20 = arith.addf %mul3A_15, %add3A_19 : vector<640x128xf32>
    %max3A = arith.constant 0.000000e+00 : f32
    %max3A_21 = vector.broadcast %max3A : f32 to vector<640x128xf32>
    %max3A_22 = arith.maximumf %add3A_20, %max3A_21 : vector<640x128xf32>
    %get3A_23 = arith.constant 0 : index
    %get3A_24 = arith.constant 0 : index
    %get3A_25 = vector.load %arg5[%get3A_23, %get3A_24] : memref<640x1xf32, #tpu.memory_space<vmem>>, vector<640x1xf32>
    %get3A_26 = arith.constant 0 : index
    %get3A_27 = arith.constant 0 : index
    %get3A_28 = vector.load %arg7[%get3A_26, %get3A_27] : memref<128x64xf32, #tpu.memory_space<vmem>>, vector<128x64xf32>
    %dot_general3A = arith.constant dense<0.000000e+00> : vector<640x64xf32>
    %dot_general3A_29 = tpu.matmul %max3A_22, %get3A_28, %dot_general3A {dimension_numbers = #tpu.dot_dimension_numbers<[1], [0], [0], [1], [0, 0, 1, 1], [], []>, transpose_lhs_hint = false} : vector<640x128xf32>, vector<128x64xf32>, vector<640x64xf32> -> vector<640x64xf32>
    %mul3A_30 = vector.broadcast %get3A_25 : vector<640x1xf32> to vector<640x64xf32>
    %mul3A_31 = arith.mulf %mul3A_30, %dot_general3A_29 : vector<640x64xf32>
    %slice3A = vector.extract_strided_slice %mul3A_31 {offsets = [0, 0], sizes = [640, 32], strides = [1, 1]} : vector<640x64xf32> to vector<640x32xf32>
    %swap3A = arith.constant 0 : index
    %swap3A_32 = arith.constant 0 : index
    %swap3A_33 = vector.load %arg8[%swap3A, %swap3A_32] : memref<640x32xf32, #tpu.memory_space<vmem>>, vector<640x32xf32>
    tpu.vector_store %arg8[%swap3A, %swap3A_32], %slice3A {strides = array<i32>} : memref<640x32xf32, #tpu.memory_space<vmem>>, vector<640x32xf32>,
    %slice3A_34 = vector.extract_strided_slice %mul3A_31 {offsets = [0, 32], sizes = [640, 32], strides = [1, 1]} : vector<640x64xf32> to vector<640x32xf32>
    %swap3A_35 = arith.constant 0 : index
    %swap3A_36 = arith.constant 0 : index
    %swap3A_37 = vector.load %arg9[%swap3A_35, %swap3A_36] : memref<640x32xf32, #tpu.memory_space<vmem>>, vector<640x32xf32>
    tpu.vector_store %arg9[%swap3A_35, %swap3A_36], %slice3A_34 {strides = array<i32>} : memref<640x32xf32, #tpu.memory_space<vmem>>, vector<640x32xf32>,
    return
  }
  func.func @transform_0(%arg0: i32) -> (i32, i32) {
    %c0_i32 = arith.constant 0 : i32
    %c0_i32_0 = arith.constant 0 : i32
    return %arg0, %c0_i32 : i32, i32
  }
  func.func @transform_1(%arg0: i32) -> (i32, i32) {
    %c0_i32 = arith.constant 0 : i32
    %c0_i32_0 = arith.constant 0 : i32
    return %arg0, %c0_i32 : i32, i32
  }
  func.func @transform_2(%arg0: i32) -> (i32, i32) {
    %c0_i32 = arith.constant 0 : i32
    %c0_i32_0 = arith.constant 0 : i32
    return %arg0, %c0_i32 : i32, i32
  }
  func.func @transform_3(%arg0: i32) -> (i32, i32) {
    %c0_i32 = arith.constant 0 : i32
    %c0_i32_0 = arith.constant 0 : i32
    return %arg0, %c0_i32 : i32, i32
  }
  func.func @transform_4(%arg0: i32) -> (i32, i32) {
    %c0_i32 = arith.constant 0 : i32
    %c0_i32_0 = arith.constant 0 : i32
    return %arg0, %c0_i32 : i32, i32
  }
  func.func @transform_5(%arg0: i32) -> (i32, i32) {
    %c0_i32 = arith.constant 0 : i32
    %c0_i32_0 = arith.constant 0 : i32
    %c0_i32_1 = arith.constant 0 : i32
    return %c0_i32, %c0_i32_0 : i32, i32
  }
  func.func @transform_6(%arg0: i32) -> (i32, i32) {
    %c0_i32 = arith.constant 0 : i32
    %c0_i32_0 = arith.constant 0 : i32
    %c0_i32_1 = arith.constant 0 : i32
    return %c0_i32, %c0_i32_0 : i32, i32
  }
  func.func @transform_7(%arg0: i32) -> (i32, i32) {
    %c0_i32 = arith.constant 0 : i32
    %c0_i32_0 = arith.constant 0 : i32
    return %arg0, %c0_i32 : i32, i32
  }
  func.func @transform_8(%arg0: i32) -> (i32, i32) {
    %c0_i32 = arith.constant 0 : i32
    %c0_i32_0 = arith.constant 0 : i32
    return %arg0, %c0_i32 : i32, i32
  }
}

module attributes {stable_mosaic.version = 14 : i64} {
  func.func @_mid_body(%arg0: i32, %arg1: memref<640x32xf32, #tpu.memory_space<vmem>>, %arg2: memref<640x32xf32, #tpu.memory_space<vmem>>, %arg3: memref<640x32xf32, #tpu.memory_space<vmem>>, %arg4: memref<640x32xf32, #tpu.memory_space<vmem>>, %arg5: memref<640x1xf32, #tpu.memory_space<vmem>>, %arg6: memref<1x64xf32, #tpu.memory_space<vmem>>, %arg7: memref<64x64xf32, #tpu.memory_space<vmem>>, %arg8: memref<640x32xf32, #tpu.memory_space<vmem>>, %arg9: memref<640x32xf32, #tpu.memory_space<vmem>>) attributes {dimension_semantics = [#tpu.dimension_semantics<arbitrary>], iteration_bounds = array<i64: 16>, scalar_prefetch = 0 : i64, scratch_operands = 0 : i64, tpu.core_type = #tpu.core_type<tc>, window_params = [{transform_indices = @transform_0, window_bounds = array<i64: 640, 32>}, {transform_indices = @transform_1, window_bounds = array<i64: 640, 32>}, {transform_indices = @transform_2, window_bounds = array<i64: 640, 32>}, {transform_indices = @transform_3, window_bounds = array<i64: 640, 32>}, {transform_indices = @transform_4, window_bounds = array<i64: 640, 1>}, {pipeline_mode = #tpu.pipeline_mode<synchronous>, transform_indices = @transform_5, window_bounds = array<i64: 1, 64>}, {pipeline_mode = #tpu.pipeline_mode<synchronous>, transform_indices = @transform_6, window_bounds = array<i64: 64, 64>}, {transform_indices = @transform_7, window_bounds = array<i64: 640, 32>}, {transform_indices = @transform_8, window_bounds = array<i64: 640, 32>}]} {
    %get3A = arith.constant 0 : index
    %get3A_0 = arith.constant 0 : index
    %get3A_1 = vector.load %arg5[%get3A, %get3A_0] : memref<640x1xf32, #tpu.memory_space<vmem>>, vector<640x1xf32>
    %get3A_2 = arith.constant 0 : index
    %get3A_3 = arith.constant 0 : index
    %get3A_4 = vector.load %arg1[%get3A_2, %get3A_3] : memref<640x32xf32, #tpu.memory_space<vmem>>, vector<640x32xf32>
    %get3A_5 = arith.constant 0 : index
    %get3A_6 = arith.constant 0 : index
    %get3A_7 = vector.load %arg3[%get3A_5, %get3A_6] : memref<640x32xf32, #tpu.memory_space<vmem>>, vector<640x32xf32>
    %add3A = arith.addf %get3A_4, %get3A_7 : vector<640x32xf32>
    %get3A_8 = arith.constant 0 : index
    %get3A_9 = arith.constant 0 : index
    %get3A_10 = vector.load %arg2[%get3A_8, %get3A_9] : memref<640x32xf32, #tpu.memory_space<vmem>>, vector<640x32xf32>
    %get3A_11 = arith.constant 0 : index
    %get3A_12 = arith.constant 0 : index
    %get3A_13 = vector.load %arg4[%get3A_11, %get3A_12] : memref<640x32xf32, #tpu.memory_space<vmem>>, vector<640x32xf32>
    %add3A_14 = arith.addf %get3A_10, %get3A_13 : vector<640x32xf32>
    %concatenate3A = tpu.concatenate %add3A, %add3A_14 in 1 : vector<640x32xf32>, vector<640x32xf32> -> vector<640x64xf32>
    %mul3A = vector.broadcast %get3A_1 : vector<640x1xf32> to vector<640x64xf32>
    %mul3A_15 = arith.mulf %mul3A, %concatenate3A : vector<640x64xf32>
    %get3A_16 = arith.constant 0 : index
    %get3A_17 = arith.constant 0 : index
    %get3A_18 = vector.load %arg6[%get3A_16, %get3A_17] : memref<1x64xf32, #tpu.memory_space<vmem>>, vector<1x64xf32>
    %add3A_19 = vector.broadcast %get3A_18 : vector<1x64xf32> to vector<640x64xf32>
    %add3A_20 = arith.addf %mul3A_15, %add3A_19 : vector<640x64xf32>
    %max3A = arith.constant 0.000000e+00 : f32
    %max3A_21 = vector.broadcast %max3A : f32 to vector<640x64xf32>
    %max3A_22 = arith.maximumf %add3A_20, %max3A_21 : vector<640x64xf32>
    %get3A_23 = arith.constant 0 : index
    %get3A_24 = arith.constant 0 : index
    %get3A_25 = vector.load %arg5[%get3A_23, %get3A_24] : memref<640x1xf32, #tpu.memory_space<vmem>>, vector<640x1xf32>
    %get3A_26 = arith.constant 0 : index
    %get3A_27 = arith.constant 0 : index
    %get3A_28 = vector.load %arg7[%get3A_26, %get3A_27] : memref<64x64xf32, #tpu.memory_space<vmem>>, vector<64x64xf32>
    %dot_general3A = arith.constant dense<0.000000e+00> : vector<640x64xf32>
    %dot_general3A_29 = tpu.matmul %max3A_22, %get3A_28, %dot_general3A {dimension_numbers = #tpu.dot_dimension_numbers<[1], [0], [0], [1], [0, 0, 1, 1], [], []>, transpose_lhs_hint = false} : vector<640x64xf32>, vector<64x64xf32>, vector<640x64xf32> -> vector<640x64xf32>
    %mul3A_30 = vector.broadcast %get3A_25 : vector<640x1xf32> to vector<640x64xf32>
    %mul3A_31 = arith.mulf %mul3A_30, %dot_general3A_29 : vector<640x64xf32>
    %slice3A = vector.extract_strided_slice %mul3A_31 {offsets = [0, 0], sizes = [640, 32], strides = [1, 1]} : vector<640x64xf32> to vector<640x32xf32>
    %swap3A = arith.constant 0 : index
    %swap3A_32 = arith.constant 0 : index
    %swap3A_33 = vector.load %arg8[%swap3A, %swap3A_32] : memref<640x32xf32, #tpu.memory_space<vmem>>, vector<640x32xf32>
    tpu.vector_store %arg8[%swap3A, %swap3A_32], %slice3A {strides = array<i32>} : memref<640x32xf32, #tpu.memory_space<vmem>>, vector<640x32xf32>,
    %slice3A_34 = vector.extract_strided_slice %mul3A_31 {offsets = [0, 32], sizes = [640, 32], strides = [1, 1]} : vector<640x64xf32> to vector<640x32xf32>
    %swap3A_35 = arith.constant 0 : index
    %swap3A_36 = arith.constant 0 : index
    %swap3A_37 = vector.load %arg9[%swap3A_35, %swap3A_36] : memref<640x32xf32, #tpu.memory_space<vmem>>, vector<640x32xf32>
    tpu.vector_store %arg9[%swap3A_35, %swap3A_36], %slice3A_34 {strides = array<i32>} : memref<640x32xf32, #tpu.memory_space<vmem>>, vector<640x32xf32>,
    return
  }
  func.func @transform_0(%arg0: i32) -> (i32, i32) {
    %c0_i32 = arith.constant 0 : i32
    %c0_i32_0 = arith.constant 0 : i32
    return %arg0, %c0_i32 : i32, i32
  }
  func.func @transform_1(%arg0: i32) -> (i32, i32) {
    %c0_i32 = arith.constant 0 : i32
    %c0_i32_0 = arith.constant 0 : i32
    return %arg0, %c0_i32 : i32, i32
  }
  func.func @transform_2(%arg0: i32) -> (i32, i32) {
    %c0_i32 = arith.constant 0 : i32
    %c0_i32_0 = arith.constant 0 : i32
    return %arg0, %c0_i32 : i32, i32
  }
  func.func @transform_3(%arg0: i32) -> (i32, i32) {
    %c0_i32 = arith.constant 0 : i32
    %c0_i32_0 = arith.constant 0 : i32
    return %arg0, %c0_i32 : i32, i32
  }
  func.func @transform_4(%arg0: i32) -> (i32, i32) {
    %c0_i32 = arith.constant 0 : i32
    %c0_i32_0 = arith.constant 0 : i32
    return %arg0, %c0_i32 : i32, i32
  }
  func.func @transform_5(%arg0: i32) -> (i32, i32) {
    %c0_i32 = arith.constant 0 : i32
    %c0_i32_0 = arith.constant 0 : i32
    %c0_i32_1 = arith.constant 0 : i32
    return %c0_i32, %c0_i32_0 : i32, i32
  }
  func.func @transform_6(%arg0: i32) -> (i32, i32) {
    %c0_i32 = arith.constant 0 : i32
    %c0_i32_0 = arith.constant 0 : i32
    %c0_i32_1 = arith.constant 0 : i32
    return %c0_i32, %c0_i32_0 : i32, i32
  }
  func.func @transform_7(%arg0: i32) -> (i32, i32) {
    %c0_i32 = arith.constant 0 : i32
    %c0_i32_0 = arith.constant 0 : i32
    return %arg0, %c0_i32 : i32, i32
  }
  func.func @transform_8(%arg0: i32) -> (i32, i32) {
    %c0_i32 = arith.constant 0 : i32
    %c0_i32_0 = arith.constant 0 : i32
    return %arg0, %c0_i32 : i32, i32
  }
}

module attributes {stable_mosaic.version = 14 : i64} {
  func.func @_fin_body(%arg0: i32, %arg1: memref<640x32xf32, #tpu.memory_space<vmem>>, %arg2: memref<640x32xf32, #tpu.memory_space<vmem>>, %arg3: memref<640x32xf32, #tpu.memory_space<vmem>>, %arg4: memref<640x32xf32, #tpu.memory_space<vmem>>, %arg5: memref<640x1xf32, #tpu.memory_space<vmem>>, %arg6: memref<1x64xf32, #tpu.memory_space<vmem>>, %arg7: memref<640x64xf32, #tpu.memory_space<vmem>>) attributes {dimension_semantics = [#tpu.dimension_semantics<arbitrary>], iteration_bounds = array<i64: 16>, scalar_prefetch = 0 : i64, scratch_operands = 0 : i64, tpu.core_type = #tpu.core_type<tc>, window_params = [{transform_indices = @transform_0, window_bounds = array<i64: 640, 32>}, {transform_indices = @transform_1, window_bounds = array<i64: 640, 32>}, {transform_indices = @transform_2, window_bounds = array<i64: 640, 32>}, {transform_indices = @transform_3, window_bounds = array<i64: 640, 32>}, {transform_indices = @transform_4, window_bounds = array<i64: 640, 1>}, {pipeline_mode = #tpu.pipeline_mode<synchronous>, transform_indices = @transform_5, window_bounds = array<i64: 1, 64>}, {transform_indices = @transform_6, window_bounds = array<i64: 640, 64>}]} {
    %get3A = arith.constant 0 : index
    %get3A_0 = arith.constant 0 : index
    %get3A_1 = vector.load %arg5[%get3A, %get3A_0] : memref<640x1xf32, #tpu.memory_space<vmem>>, vector<640x1xf32>
    %get3A_2 = arith.constant 0 : index
    %get3A_3 = arith.constant 0 : index
    %get3A_4 = vector.load %arg1[%get3A_2, %get3A_3] : memref<640x32xf32, #tpu.memory_space<vmem>>, vector<640x32xf32>
    %get3A_5 = arith.constant 0 : index
    %get3A_6 = arith.constant 0 : index
    %get3A_7 = vector.load %arg3[%get3A_5, %get3A_6] : memref<640x32xf32, #tpu.memory_space<vmem>>, vector<640x32xf32>
    %add3A = arith.addf %get3A_4, %get3A_7 : vector<640x32xf32>
    %get3A_8 = arith.constant 0 : index
    %get3A_9 = arith.constant 0 : index
    %get3A_10 = vector.load %arg2[%get3A_8, %get3A_9] : memref<640x32xf32, #tpu.memory_space<vmem>>, vector<640x32xf32>
    %get3A_11 = arith.constant 0 : index
    %get3A_12 = arith.constant 0 : index
    %get3A_13 = vector.load %arg4[%get3A_11, %get3A_12] : memref<640x32xf32, #tpu.memory_space<vmem>>, vector<640x32xf32>
    %add3A_14 = arith.addf %get3A_10, %get3A_13 : vector<640x32xf32>
    %concatenate3A = tpu.concatenate %add3A, %add3A_14 in 1 : vector<640x32xf32>, vector<640x32xf32> -> vector<640x64xf32>
    %mul3A = vector.broadcast %get3A_1 : vector<640x1xf32> to vector<640x64xf32>
    %mul3A_15 = arith.mulf %mul3A, %concatenate3A : vector<640x64xf32>
    %get3A_16 = arith.constant 0 : index
    %get3A_17 = arith.constant 0 : index
    %get3A_18 = vector.load %arg6[%get3A_16, %get3A_17] : memref<1x64xf32, #tpu.memory_space<vmem>>, vector<1x64xf32>
    %add3A_19 = vector.broadcast %get3A_18 : vector<1x64xf32> to vector<640x64xf32>
    %add3A_20 = arith.addf %mul3A_15, %add3A_19 : vector<640x64xf32>
    %swap3A = arith.constant 0 : index
    %swap3A_21 = arith.constant 0 : index
    %swap3A_22 = vector.load %arg7[%swap3A, %swap3A_21] : memref<640x64xf32, #tpu.memory_space<vmem>>, vector<640x64xf32>
    tpu.vector_store %arg7[%swap3A, %swap3A_21], %add3A_20 {strides = array<i32>} : memref<640x64xf32, #tpu.memory_space<vmem>>, vector<640x64xf32>,
    return
  }
  func.func @transform_0(%arg0: i32) -> (i32, i32) {
    %c0_i32 = arith.constant 0 : i32
    %c0_i32_0 = arith.constant 0 : i32
    return %arg0, %c0_i32 : i32, i32
  }
  func.func @transform_1(%arg0: i32) -> (i32, i32) {
    %c0_i32 = arith.constant 0 : i32
    %c0_i32_0 = arith.constant 0 : i32
    return %arg0, %c0_i32 : i32, i32
  }
  func.func @transform_2(%arg0: i32) -> (i32, i32) {
    %c0_i32 = arith.constant 0 : i32
    %c0_i32_0 = arith.constant 0 : i32
    return %arg0, %c0_i32 : i32, i32
  }
  func.func @transform_3(%arg0: i32) -> (i32, i32) {
    %c0_i32 = arith.constant 0 : i32
    %c0_i32_0 = arith.constant 0 : i32
    return %arg0, %c0_i32 : i32, i32
  }
  func.func @transform_4(%arg0: i32) -> (i32, i32) {
    %c0_i32 = arith.constant 0 : i32
    %c0_i32_0 = arith.constant 0 : i32
    return %arg0, %c0_i32 : i32, i32
  }
  func.func @transform_5(%arg0: i32) -> (i32, i32) {
    %c0_i32 = arith.constant 0 : i32
    %c0_i32_0 = arith.constant 0 : i32
    %c0_i32_1 = arith.constant 0 : i32
    return %c0_i32, %c0_i32_0 : i32, i32
  }
  func.func @transform_6(%arg0: i32) -> (i32, i32) {
    %c0_i32 = arith.constant 0 : i32
    %c0_i32_0 = arith.constant 0 : i32
    return %arg0, %c0_i32 : i32, i32
  }
}

</mosaic_0001>

<sc_bundles>
// kernel: kernel.10.cloned.1.call-start
scs
__scs_entry_jumppad:
0x0: {  	(pc) =	sbr.rel $0x88, $3  }
0x1: {  	(tag) =	ssettag $0x0;
	lr =	simm.s32 $0x1  }
0x2: {  	[smem:$0x3F99] =	sst lr;
	_ =	strace $0xD0000000  }
0x3: {  	_ = 	snop  }
0x4: {  	_ = 	snop  }
0x5: {  	_ = 	snop  }
0x6: {  	_ = 	snop  }
0x7: {  	_ = 	snop  }
__scs_overlays_trampoline_lowered:
0x8: {  	[smem:$0x3FA8] =	sst s0  }
0x9: {  	[smem:$0x3FA9] =	sst s1  }
0xa: {  	[smem:$0x3FAA] =	sst s2  }
0xb: {  	[smem:$0x3FAB] =	sst s3  }
0xc: {  	[smem:$0x3FAC] =	sst s4  }
0xd: {  	[smem:$0x3FAD] =	sst s5  }
0xe: {  	[smem:$0x3FAE] =	sst s6  }
0xf: {  	[smem:$0x3FAF] =	sst s7  }
0x10: {  	[smem:$0x3FB0] =	sst s8  }
0x11: {  	[smem:$0x3FB1] =	sst s9;
	s0 =	simm.s32 @!p0 $0x0  }
0x12: {  	s1 =	sld [smem:$0x3F97];
	s0 =	simm.s32 @p0 $0x1  }
0x13: {  	[smem:$0x3FB2] =	sst s0;
	s0 =	simm.s32 @!p1 $0x0  }
0x14: {  	s2 =	sld [smem:$0x3F96];
	s0 =	simm.s32 @p1 $0x1  }
0x15: {  	[smem:$0x3FB3] =	sst s0;
	s0 =	simm.s32 @!p2 $0x0  }
0x16: {  	s3 =	sld [smem:$0x3FDB];
	s0 =	simm.s32 @p2 $0x1  }
0x17: {  	s4 =	simm.s32 $0x1BF5;
	[smem:$0x3FB5] =	sst s0  }
0x18: {  	s0 =	sld [smem:$0x3F98];
	_ =	swait.ge [sflag:s4], $0x0  }
0x19: {  	s7 =	sld [smem:$0x3F99]  }
0x1a: {  	s8 =	sadd.s32 $0xFFFFE003, lr  }
0x1b: {  	s9 =	sadd.s32 $0xFFFFFEF7, lr;
	s5 =	simm.s32 $0xFFFFFFFF;
	p2 =	slt.u32 s8, $0xFFFFF086  }
0x1c: {  	p1 =	slt.u32 s9, $0xF7A;
	s5 =	simm.s32 @!p2 $0x0  }
0x1d: {  	s5 =	simm.s32 @p1 $0x1;
	p0 =	seq.s32 s7, s2  }
0x1e: {  	s7 =	smul.u32 @!p0 $0xF7A, s2;
	p2 =	seq.s32 @!p0 s5, $0x0  }
0x1f: {  	s9 =	smul.u32 $0xF7A, s1;
	s8 =	simm.s32 @!p0 $0x1BF5;
	p2 =	por !p2, p0  }
0x20: {  	[sflag:s8] =	ssyncset.s32 @!p0 $0xFFFFF086;
	s6 =	sadd.s32 @!p0 s3, s7;
	s7 =	simm.s32 @!p0 $0x108  }
0x21: {  	s3 =	sadd.s32 s3, s9;
	s6 =	sadd.s32 @!p0 $0x88, s6;
	s7 =	simm.s32 @p2 $0x1082  }
0x22: {  	[simem:s7], [sflag:s8] =	dma.local @!p0 [hbm:s6], $0xF7A  }
0x23: {  	s9 =	sor.u32 $0xD0000000, s2;
	s6 =	simm.s32 $0x108;
	_ =	swait.ge @!p0 [sflag:s8], $0x0  }
0x24: {  	s3 =	sadd.s32 $0x88, s3;
	s6 =	simm.s32 @!p1 $0x1082;
	[sflag:s4] =	ssyncset.s32 $0xFFFFF086  }
0x25: {  	[simem:s6], [sflag:s4] =	dma.local [hbm:s3], $0xF7A  }
0x26: {  	[smem:$0x3F99] =	sst s1;
	(tag) =	ssettag s2;
	_ =	strace s9  }
0x27: {  	s1 =	sld [smem:$0x3FA9]  }
0x28: {  	s2 =	sld [smem:$0x3FAA]  }
0x29: {  	s4 =	sld [smem:$0x3FAC]  }
0x2a: {  	p0 =	seq.s32 s5, $0x0;
	s5 =	sld [smem:$0x3FAD]  }
0x2b: {  	s6 =	sld [smem:$0x3FAE]  }
0x2c: {  	s7 =	sld [smem:$0x3FAF]  }
0x2d: {  	s3 =	simm.s32 $0x108;
	s8 =	sld [smem:$0x3FB0]  }
0x2e: {  	s3 =	simm.s32 @!p0 $0x1082;
	s9 =	sld [smem:$0x3FB1]  }
0x2f: {  	lr =	sadd.s32 s0, s3;
	s0 =	sld [smem:$0x3FA8]  }
0x30: {  	s3 =	sld [smem:$0x3FAB]  }
0x31: {  	[smem:$0x3FB4] =	sst s10  }
0x32: {  	s10 =	sld [smem:$0x3FB2];
	_ =	sdelay $0x3  }
0x33: {  	p0 =	seq.s32 s10, $0x1;
	s10 =	sld [smem:$0x3FB4];
	_ =	sdelay $0x3  }
0x34: {  	[smem:$0x3FB4] =	sst s10  }
0x35: {  	s10 =	sld [smem:$0x3FB3];
	_ =	sdelay $0x3  }
0x36: {  	p1 =	seq.s32 s10, $0x1;
	s10 =	sld [smem:$0x3FB4];
	_ =	sdelay $0x3  }
0x37: {  	[smem:$0x3FB4] =	sst s10  }
0x38: {  	s10 =	sld [smem:$0x3FB5]  }
0x39: {  	_ = 	snop;
	(pc) =	sbr.ind lr, $3  }
0x3a: {  	_ = 	snop  }
0x3b: {  	_ = 	snop  }
0x3c: {  	p2 =	seq.s32 s10, $0x1;
	s10 =	sld [smem:$0x3FB4]  }
0x3d: {  	_ =	shalt  }
0x3e: {  	_ =	shalt  }
0x3f: {  	_ =	shalt  }
0x40: {  	_ =	shalt  }
0x41: {  	_ =	shalt  }
0x42: {  	_ =	shalt  }
0x43: {  	_ =	shalt  }
0x44: {  	_ =	shalt  }
0x45: {  	_ =	shalt  }
0x46: {  	_ =	shalt  }
0x47: {  	_ =	shalt  }
0x48: {  	_ =	shalt  }
0x49: {  	_ =	shalt  }
0x4a: {  	_ =	shalt  }
0x4b: {  	_ =	shalt  }
0x4c: {  	_ =	shalt  }
0x4d: {  	_ =	shalt  }
0x4e: {  	_ =	shalt  }
0x4f: {  	_ =	shalt  }
0x50: {  	_ =	shalt  }
0x51: {  	_ =	shalt  }
0x52: {  	_ =	shalt  }
0x53: {  	_ =	shalt  }
0x54: {  	_ =	shalt  }
0x55: {  	_ =	shalt  }
0x56: {  	_ =	shalt  }
0x57: {  	_ =	shalt  }
0x58: {  	_ =	shalt  }
0x59: {  	_ =	shalt  }
0x5a: {  	_ =	shalt  }
0x5b: {  	_ =	shalt  }
0x5c: {  	_ =	shalt  }
0x5d: {  	_ =	shalt  }
0x5e: {  	_ =	shalt  }
0x5f: {  	_ =	shalt  }
0x60: {  	_ =	shalt  }
0x61: {  	_ =	shalt  }
0x62: {  	_ =	shalt  }
0x63: {  	_ =	shalt  }
0x64: {  	_ =	shalt  }
0x65: {  	_ =	shalt  }
0x66: {  	_ =	shalt  }
0x67: {  	_ =	shalt  }
0x68: {  	_ =	shalt  }
0x69: {  	_ =	shalt  }
0x6a: {  	_ =	shalt  }
0x6b: {  	_ =	shalt  }
0x6c: {  	_ =	shalt  }
0x6d: {  	_ =	shalt  }
0x6e: {  	_ =	shalt  }
0x6f: {  	_ =	shalt  }
0x70: {  	_ =	shalt  }
0x71: {  	_ =	shalt  }
0x72: {  	_ =	shalt  }
0x73: {  	_ =	shalt  }
0x74: {  	_ =	shalt  }
0x75: {  	_ =	shalt  }
0x76: {  	_ =	shalt  }
0x77: {  	_ =	shalt  }
0x78: {  	_ =	shalt  }
0x79: {  	_ =	shalt  }
0x7a: {  	_ =	shalt  }
0x7b: {  	_ =	shalt  }
0x7c: {  	_ =	shalt  }
0x7d: {  	_ =	shalt  }
0x7e: {  	_ =	shalt  }
0x7f: {  	_ =	shalt  }
0x80: {  	_ =	shalt  }
0x81: {  	_ =	shalt  }
0x82: {  	_ =	shalt  }
0x83: {  	_ =	shalt  }
0x84: {  	_ =	shalt  }
0x85: {  	_ =	shalt  }
0x86: {  	_ =	shalt  }
0x87: {  	_ =	shalt  }
.Lfunc_end0:
.L_simem_size_0:
called_computation_lowered:
.L_overlay_start_0:
0x88: {  	s2 =	sld [smem:$0x3FD9]  }
0x89: {  	s3 =	sld [smem:$0x3FFE];
	_ =	sdelay $0x1  }
0x8a: {  	s1 =	srdreg.scid  }
0x8b: {  	s0 =	sand.u32 $0x1, s1  }
0x8c: {  	s17 =	sshll.u32 s0, $0xA;
	s2 =	sadd.s32 s3, s2  }
0x8d: {  	s2 =	sadd.s32 s2, s17  }
0x8e: {  	[smem:$0x3FC0] =	sst s2  }
0x8f: {  	_ = 	snop  }
0x90: {  	s2 =	sld [smem:$0x3FD0];
	(tm) =	ssettm $0x1  }
0x91: {  	s18 =	sld [smem:$0x3FFB];
	_ =	sdelay $0x3  }
0x92: {  	_ =	strace s18  }
0x93: {  	s3 =	sld [smem:$0x3FFC];
	_ =	sdelay $0x3  }
0x94: {  	_ =	strace s3  }
0x95: {  	s3 =	sld [smem:$0x3FFD];
	_ =	sdelay $0x3  }
0x96: {  	_ =	strace s3  }
0x97: {  	_ =	strace $0x8FFFFFFF  }
0x98: {  	s19 =	sld [smem:$0x3FDB];
	_ =	sdelay $0x1  }
0x99: {  	s4 =	simm.s32 $_scs_section_size  }
0x9a: {  	s5 =	simm.s32 $_size__tile_overlayer_lowered;
	s6 =	simm.s32 $_tile_overlayer_lowered  }
0x9b: {  	s22 =	simm.s32 $0x1BFF;
	s21 =	sshll.u32 s6, $0x1;
	s3 =	sadd.s32 s4, s19  }
0x9c: {  	s7 =	simm.s32 $0x0;
	s20 =	sshll.u32 s5, $0x1;
	s5 =	sadd.s32 s21, s3  }
0x9d: {  	[timem:s7], [sflag:s22] =	dma.local [hbm:s5], s20  }
0x9e: {  	_ =	swait.ge [sflag:s22], s20  }
0x9f: {  	s4 =	ssub.s32 $0x0, s20;
	[sflag:s22] =	ssyncset.done $0x0  }
0xa0: {  	[sflag:s22] =	ssyncadd.s32 s4;
	_ =	sdelay $0x1  }
0xa1: {  	s23 =	simm.s32 $0x1B8B  }
0xa2: {  	_ =	swait.ge [sflag:s23], $0x1  }
0xa3: {  	[sflag:s23] =	ssyncset.done $0x0  }
0xa4: {  	s25 =	simm.s32 $0x1B8E;
	s24 =	sld [smem:$0x3FFE];
	[sflag:s23] =	ssyncadd.s32 $0xFFFFFFFF  }
0xa5: {  	s26 =	simm.s32 $execute0_lowered;
	[smem:$0x3FD2] =	sst s25  }
0xa6: {  	s5 =	sshll.u32 s26, $0x1;
	_ =	strace $0x80000046;
	[dreg:$0x1] =	wrdreg $0xFFFFFFFF  }
0xa7: {  	s28 =	simm.s32 $_size_execute0_lowered;
	s3 =	sadd.s32 s3, s5;
	[dreg:$0x0] =	wrdreg $0x0  }
0xa8: {  	s5 =	sshll.u32 s28, $0x1;
	[dreg:$0x2] =	wrdreg s3  }
0xa9: {  	[dreg:$0x3] =	wrdreg s5  }
0xaa: {  	[dreg:$0x4] =	wrdreg $0xC0  }
0xab: {  	_ =	task [dreg:s7], $0x5FFFF  }
0xac: {  	[dreg:$0x1] =	wrdreg $0xFFFFFFFF  }
0xad: {  	[dreg:$0x0] =	wrdreg $0x60  }
0xae: {  	[dreg:$0x2] =	wrdreg s2  }
0xaf: {  	[dreg:$0x3] =	wrdreg s24  }
0xb0: {  	[dreg:$0x4] =	wrdreg $0xD000  }
0xb1: {  	[dreg:$0x5] =	wrdreg $0x9  }
0xb2: {  	_ =	task.clear_ibuf [dreg:s7], $0x6FFFF;
	_ =	strace $0x90000046  }
0xb3: {  	s29 =	simm.s32 $0x9;
	_ =	strace $0x80000048  }
0xb4: {  	_ =	swait.ge [sflag:s29], $0x1  }
0xb5: {  	[sflag:s29] =	ssyncadd.s32 $0xFFFFFFFF  }
0xb6: {  	_ =	strace $0x90000048  }
0xb7: {  	_ =	sfence  }
0xb8: {  	s30 =	sld [smem:$0x0];
	_ =	sdelay $0x2  }
0xb9: {  	s31 =	sshll.u32 s1, $0xD;
	s1 =	sshrl.u32 s1, $0x2  }
0xba: {  	s3 =	sand.u32 $0x4000, s31;
	s1 =	sadd.s32 s1, s30  }
0xbb: {  	s0 =	sor.u32 s3, s0;
	s1 =	sshll.u32 s1, $0x11  }
0xbc: {  	s0 =	sor.u32 s1, s0  }
0xbd: {  	s0 =	sadd.s32 $0x8F2B, s0  }
0xbe: {  	[sflag:s0] =	ssyncadd.remote.s32 $0x1  }
0xbf: {  	_ =	sfence.sel $0xFFFF  }
0xc0: {  	[dreg:$0x0] =	wrdreg $0xFFFFFFFF;
	(pc) =	sbr.abs _section_cstart, $3  }
0xc1: {  	[dreg:$0x1] =	wrdreg $0xFFFFFFFF  }
0xc2: {  	_ =	task.clear_ibuf [dreg:s7], $0x2FFFF;
	_ =	strace $0x9FFFFFFF  }
0xc3: {  	(tm) =	ssettm $0x7FFFFFFF  }
tec
execute0_lowered:
.L_overlay_start_1:
0x0: {  	(tag) =	ssettag $0x1  }
0x1: {  	s0 =	rddreg [dreg:$0x0]  }
0x2: {  	s4 =	rddreg [dreg:$0x1]  }
0x3: {  	s2 =	rddreg [dreg:$0x2]  }
0x4: {  	s1 =	srdreg.scid;
	s24 =	stileid.u32;
	s3 =	simm.s32 $0x0  }
0x5: {  	s20 =	simm.s32 $0x900;
	s21 =	simm.s32 $0x5;
	s22 =	simm.s32 $0x80  }
0x6: {  	s23 =	simm.s32 $0x1;
	s28 =	simm.s32 $0x2;
	s8 =	smul.u32 $0x2800, s24  }
0x7: {  	s29 =	simm.s32 $0x4;
	s30 =	simm.s32 $0x0;
	s9 =	smul.u32 $0xA000, s24  }
0x8: {  	s11 =	sand.u32 $0x1, s1;
	s6 =	sshll.u32 s24, $0x1;
	s16 =	smul.u32 $0x5000, s24  }
0x9: {  	[smem:$0x7FF] =	sst s3;
	s24 =	simm.s32 $0x100;
	s5 =	smul.u32 $0x28000, s11  }
0xa: {  	s6 =	sor.u32 s11, s6;
	s7 =	ssub.s32 $0x2, s11;
	s17 =	smul.u32 $0x2800, s11  }
0xb: {  	_ =	strace $0x80000047;
	s6 =	smul.u32 $0x2800, s6;
	s25 =	sshrl.u32 s7, $0x1  }
0xc: {  	s31 =	sshrl.u32 s9, $0x2;
	s5 =	sadd.s32 s8, s5;
	s12 =	ssub.s32 s7, s25  }
0xd: {  	s25 =	sadd.s32 s8, s2;
	s17 =	sadd.s32 s17, s16;
	s5 =	sshrl.u32 s5, $0x3  }
0xe: {  	s26 =	sshrl.u32 s6, $0x3;
	s8 =	smax.u32 s12, $0x1;
	s18 =	sor.u32 $0x180, s17  }
0xf: {  	s19 =	sor.u32 $0x100, s17;
	s25 =	sshrl.u32 s25, $0x3;
	s10 =	sadd.s32 s5, s4  }
0x10: {  	s4 =	sadd.s32 s0, s26;
	s5 =	sadd.s32 s31, s2;
	s18 =	sshrl.u32 s18, $0x3  }
0x11: {  	s19 =	sshrl.u32 s19, $0x3;
	s26 =	simm.s32 $0x3;
	s6 =	sadd.s32 $0x10, s4  }
0x12: {  	s7 =	sadd.s32 $0x3600, s10;
	s9 =	sadd.s32 $0x400, s5;
	s10 =	sadd.s32 $0x800, s5  }
0x13: {  	s11 =	sadd.s32 $0xC00, s5;
	s12 =	sadd.s32 $0x1000, s5;
	s13 =	sadd.s32 $0x1400, s5  }
0x14: {  	s14 =	sadd.s32 $0x1800, s5;
	s15 =	sadd.s32 $0x1C00, s5;
	s16 =	sadd.s32 $0x2000, s5  }
0x15: {  	v0 =	vimm.f32 $0.0e+00;
	v1 =	vimm.f32 $1.000000000e+00;
	s17 =	sadd.s32 $0x2400, s5;
	s18 =	sadd.s32 s18, s0;
	s19 =	sadd.s32 s19, s0  }
.LBB2_1:
0x16: {  	s0 =	simm.s32 $0x0  }
.LBB2_2:
0x17: {  	p0 =	sne.s32 s0, $0xFC0  }
.Ltmp0:
0x18: {  	_ = 	snop;
	(pc) =	sbr.rel @p0 .LBB2_2-.Ltmp0, $3  }
0x19: {  	_ =	sdelay $0x1  }
0x1a: {  	s31 =	sshra.s32 s0, $0x2  }
0x1b: {  	s0 =	sadd.s32 $0x40, s0;
	[tilespmem:s31+$0x900] =	vst v0  }
0x1c: {  	s31 =	simm.s32 $0x40;
	s0 =	simm.s32 $0x0  }
.LBB2_4:
0x1d: {  	p0 =	sne.s32 s31, $0x1FC0;
	[tilespmem:s0+$0x100] =	vst v1;
	s0 =	smov.u32 s31;
	s31 =	sadd.s32 $0x40, s31  }
.Ltmp1:
0x1e: {  	(pc) =	sbr.rel @p0 .LBB2_4-.Ltmp1, $2  }
0x1f: {  	_ =	sdelay $0x2  }
0x20: {  	s0 =	sshra.s32 s0, $0x2  }
0x21: {  	[tilespmem:s0+$0x100] =	vst v1  }
0x22: {  	[spmem:s5] =	stream.linear.scatter [tilespmem:s20], [sflag:$0x5], $0x400, $0x38;
	[tilespmem:$0x3500] =	vst v63  }
0x23: {  	_ =	swait.ge [sflag:s21], $0x400  }
0x24: {  	[sflag:s21] =	ssyncset.done $0x0  }
0x25: {  	[sflag:s21] =	ssyncadd.s32 $0xFFFFFC00  }
0x26: {  	[spmem:s9] =	stream.linear.scatter [tilespmem:s20], [sflag:$0x5], $0x400, $0x38;
	[tilespmem:$0x3500] =	vst v63  }
0x27: {  	_ =	swait.ge [sflag:s21], $0x400  }
0x28: {  	[sflag:s21] =	ssyncset.done $0x0  }
0x29: {  	[sflag:s21] =	ssyncadd.s32 $0xFFFFFC00  }
0x2a: {  	[spmem:s10] =	stream.linear.scatter [tilespmem:s20], [sflag:$0x5], $0x400, $0x38;
	[tilespmem:$0x3500] =	vst v63  }
0x2b: {  	_ =	swait.ge [sflag:s21], $0x400  }
0x2c: {  	[sflag:s21] =	ssyncset.done $0x0  }
0x2d: {  	[sflag:s21] =	ssyncadd.s32 $0xFFFFFC00  }
0x2e: {  	[spmem:s11] =	stream.linear.scatter [tilespmem:s20], [sflag:$0x5], $0x400, $0x38;
	[tilespmem:$0x3500] =	vst v63  }
0x2f: {  	_ =	swait.ge [sflag:s21], $0x400  }
0x30: {  	[sflag:s21] =	ssyncset.done $0x0  }
0x31: {  	[sflag:s21] =	ssyncadd.s32 $0xFFFFFC00  }
0x32: {  	[spmem:s12] =	stream.linear.scatter [tilespmem:s20], [sflag:$0x5], $0x400, $0x38;
	[tilespmem:$0x3500] =	vst v63  }
0x33: {  	_ =	swait.ge [sflag:s21], $0x400  }
0x34: {  	[sflag:s21] =	ssyncset.done $0x0  }
0x35: {  	[sflag:s21] =	ssyncadd.s32 $0xFFFFFC00  }
0x36: {  	[spmem:s13] =	stream.linear.scatter [tilespmem:s20], [sflag:$0x5], $0x400, $0x38;
	[tilespmem:$0x3500] =	vst v63  }
0x37: {  	_ =	swait.ge [sflag:s21], $0x400  }
0x38: {  	[sflag:s21] =	ssyncset.done $0x0  }
0x39: {  	[sflag:s21] =	ssyncadd.s32 $0xFFFFFC00  }
0x3a: {  	[spmem:s14] =	stream.linear.scatter [tilespmem:s20], [sflag:$0x5], $0x400, $0x38;
	[tilespmem:$0x3500] =	vst v63  }
0x3b: {  	_ =	swait.ge [sflag:s21], $0x400  }
0x3c: {  	[sflag:s21] =	ssyncset.done $0x0  }
0x3d: {  	[sflag:s21] =	ssyncadd.s32 $0xFFFFFC00  }
0x3e: {  	[spmem:s15] =	stream.linear.scatter [tilespmem:s20], [sflag:$0x5], $0x400, $0x38;
	[tilespmem:$0x3500] =	vst v63  }
0x3f: {  	_ =	swait.ge [sflag:s21], $0x400  }
0x40: {  	[sflag:s21] =	ssyncset.done $0x0  }
0x41: {  	[sflag:s21] =	ssyncadd.s32 $0xFFFFFC00  }
0x42: {  	[spmem:s16] =	stream.linear.scatter [tilespmem:s20], [sflag:$0x5], $0x400, $0x38;
	[tilespmem:$0x3500] =	vst v63  }
0x43: {  	_ =	swait.ge [sflag:s21], $0x400  }
0x44: {  	[sflag:s21] =	ssyncset.done $0x0  }
0x45: {  	[sflag:s21] =	ssyncadd.s32 $0xFFFFFC00  }
0x46: {  	[spmem:s17] =	stream.linear.scatter [tilespmem:s20], [sflag:$0x5], $0x400, $0x38;
	[tilespmem:$0x3500] =	vst v63  }
0x47: {  	_ =	swait.ge [sflag:s21], $0x400  }
0x48: {  	[sflag:s21] =	ssyncset.done $0x0  }
0x49: {  	[sflag:s21] =	ssyncadd.s32 $0xFFFFFC00  }
0x4a: {  	s1 =	simm.s32 $0x0;
	[bflag:$0x0] =	sbarrier.arrive $0xFFFF  }
0x4b: {  	[tilespmem:s1], [sflag:$0x1] =	stream.linear.gather [hbm4b:s4+s1], $0x80, $0x38;
	[tilespmem:$0x3500] =	vst v63  }
0x4c: {  	_ = 	snop  }
0x4d: {  	[tilespmem:s22], [sflag:$0x2] =	stream.linear.gather [hbm4b:s6+s1], $0x80, $0x38;
	[tilespmem:$0x3500] =	vst v63  }
0x4e: {  	_ =	swait.ge [sflag:s23], $0x80  }
0x4f: {  	[sflag:s23] =	ssyncset.done $0x0  }
0x50: {  	[sflag:s23] =	ssyncadd.s32 $0xFFFFFF80  }
0x51: {  	[spmem:s2] =	stream.indirect.scatter.add.f32 [tilespmem:s24], [sflag:$0x3], $0x10, s3, s22, $0xb8;
	[tilespmem:$0x3500] =	vst v63  }
0x52: {  	_ =	swait.ge [sflag:s26], $0x800  }
0x53: {  	[sflag:s26] =	ssyncset.done $0x0  }
0x54: {  	s1 =	sadd.s32 $0x0, s19;
	[sflag:s26] =	ssyncadd.s32 $0xFFFFF800  }
0x55: {  	[tilespmem:s3], [sflag:$0x1] =	stream.linear.gather [hbm4b:s1+s3], $0x80, $0x38;
	[tilespmem:$0x3500] =	vst v63  }
0x56: {  	_ =	swait.ge [sflag:s28], $0x80  }
0x57: {  	[sflag:s28] =	ssyncset.done $0x0  }
0x58: {  	[sflag:s28] =	ssyncadd.s32 $0xFFFFFF80  }
0x59: {  	[spmem:s2] =	stream.indirect.scatter.add.f32 [tilespmem:s24], [sflag:$0x4], $0x10, s22, s22, $0xb8;
	[tilespmem:$0x3500] =	vst v63  }
0x5a: {  	_ =	swait.ge [sflag:s29], $0x800  }
0x5b: {  	[sflag:s29] =	ssyncset.done $0x0  }
0x5c: {  	s31 =	simm.s32 $0x20;
	s0 =	sadd.s32 $0x0, s18;
	[sflag:s29] =	ssyncadd.s32 $0xFFFFF800  }
.LBB2_6:
0x5d: {  	[tilespmem:s22], [sflag:$0x2] =	stream.linear.gather [hbm4b:s0+s3], $0x80, $0x38;
	[tilespmem:$0x3500] =	vst v63  }
0x5e: {  	s0 =	smov.u32 s31  }
0x5f: {  	p0 =	sne.s32 s31, $0x4C0;
	s31 =	sadd.s32 $0x20, s31;
	_ =	swait.ge [sflag:s23], $0x80  }
0x60: {  	[sflag:s23] =	ssyncset.done $0x0  }
0x61: {  	[sflag:s23] =	ssyncadd.s32 $0xFFFFFF80  }
0x62: {  	[spmem:s2] =	stream.indirect.scatter.add.f32 [tilespmem:s24], [sflag:$0x3], $0x10, s3, s22, $0xb8;
	[tilespmem:$0x3500] =	vst v63  }
0x63: {  	_ =	swait.ge [sflag:s26], $0x800  }
0x64: {  	[sflag:s26] =	ssyncset.done $0x0  }
0x65: {  	s1 =	sadd.s32 s0, s19;
	[sflag:s26] =	ssyncadd.s32 $0xFFFFF800  }
0x66: {  	[tilespmem:s3], [sflag:$0x1] =	stream.linear.gather [hbm4b:s1+s3], $0x80, $0x38;
	[tilespmem:$0x3500] =	vst v63  }
0x67: {  	_ =	swait.ge [sflag:s28], $0x80  }
0x68: {  	[sflag:s28] =	ssyncset.done $0x0  }
.Ltmp2:
0x69: {  	[sflag:s28] =	ssyncadd.s32 $0xFFFFFF80;
	(pc) =	sbr.rel @p0 .LBB2_6-.Ltmp2, $4  }
0x6a: {  	[spmem:s2] =	stream.indirect.scatter.add.f32 [tilespmem:s24], [sflag:$0x4], $0x10, s22, s22, $0xb8;
	[tilespmem:$0x3500] =	vst v63  }
0x6b: {  	_ =	swait.ge [sflag:s29], $0x800  }
0x6c: {  	[sflag:s29] =	ssyncset.done $0x0  }
0x6d: {  	s0 =	sadd.s32 s0, s18;
	[sflag:s29] =	ssyncadd.s32 $0xFFFFF800  }
0x6e: {  	[tilespmem:s22], [sflag:$0x2] =	stream.linear.gather [hbm4b:s0+s3], $0x80, $0x38;
	[tilespmem:$0x3500] =	vst v63  }
0x6f: {  	_ =	swait.ge [sflag:s23], $0x80  }
0x70: {  	[sflag:s23] =	ssyncset.done $0x0  }
0x71: {  	[sflag:s23] =	ssyncadd.s32 $0xFFFFFF80  }
0x72: {  	[spmem:s2] =	stream.indirect.scatter.add.f32 [tilespmem:s24], [sflag:$0x3], $0x10, s3, s22, $0xb8;
	[tilespmem:$0x3500] =	vst v63  }
0x73: {  	_ =	swait.ge [sflag:s26], $0x800  }
0x74: {  	[sflag:s26] =	ssyncset.done $0x0  }
0x75: {  	[sflag:s26] =	ssyncadd.s32 $0xFFFFF800  }
0x76: {  	_ =	swait.ge [sflag:s28], $0x80  }
0x77: {  	[sflag:s28] =	ssyncset.done $0x0  }
0x78: {  	[sflag:s28] =	ssyncadd.s32 $0xFFFFFF80  }
0x79: {  	[spmem:s2] =	stream.indirect.scatter.add.f32 [tilespmem:s24], [sflag:$0x4], $0x10, s22, s22, $0xb8;
	[tilespmem:$0x3500] =	vst v63  }
0x7a: {  	_ =	swait.ge [sflag:s29], $0x800  }
0x7b: {  	s31 =	stileid.u32;
	s30 =	sadd.s32 $0x1, s30;
	[sflag:s29] =	ssyncset.done $0x0  }
0x7c: {  	s0 =	sshll.u32 s31, $0x6;
	p0 =	sne.s32 s30, s8;
	[sflag:s29] =	ssyncadd.s32 $0xFFFFF800  }
.Ltmp3:
0x7d: {  	s0 =	sor.u32 $0x1C05, s0;
	[bflag:$0x0] =	sbarrier.arrive $0xFFFF;
	(pc) =	sbr.rel @p0 .LBB2_1-.Ltmp3, $4  }
0x7e: {  	[hbm:s7], [sflag:s0] =	dma.local [spmem:s25], $0x500  }
0x7f: {  	_ =	swait.ge [sflag:s21], $0x500  }
0x80: {  	[sflag:s21] =	ssyncset.done $0x0  }
0x81: {  	[sflag:s21] =	ssyncadd.s32 $0xFFFFFB00  }
0x82: {  	_ =	sfence.sel $0x180000  }
0x83: {  	[bflag:$0x0] =	sbarrier.arrive $0xFFFF  }
0x84: {  	_ =	strace $0x90000047  }
0x85: {  	s0 =	stileid.u32;
	[bflag:$0x2] =	sbarrier.arrive $0xFFFF  }
0x86: {  	p0 =	sne.s32 s0, $0x0;
	s0 =	rddreg [dreg:$0x3]  }
0x87: {  	s0 =	sadd.s32 @!p0 $0x100000, s0  }
0x88: {  	[sflag:s0] =	ssyncadd.tile.s32 @!p0 $0x1;
	_ =	shalt  }
.Lfunc_end2:
_tile_overlayer_lowered:
.L_overlay_start_2:
0x89: {  	(tag) =	ssettag $0x2  }
0x8a: {  	s0 =	rddreg [dreg:$0x0];
	s2 =	stileid.u32  }
0x8b: {  	s1 =	rddreg [dreg:$0x1];
	p0 =	sne.s32 s2, $0x0  }
0x8c: {  	s3 =	rddreg [dreg:$0x2];
	[bflag:$0x3] =	sbarrier.arrive $0xFFFF;
	s2 =	simm.s32 @!p0 $0x1C05  }
0x8d: {  	[timem:s3], [sflag:s2] =	dma.local @!p0 [hbm:s0], s1  }
0x8e: {  	s0 =	simm.s32 @!p0 $0x5  }
0x8f: {  	_ =	swait.ge @!p0 [sflag:s0], s1  }
0x90: {  	s1 =	ssub.s32 @!p0 $0x0, s1;
	[sflag:s0] =	ssyncset.done @!p0 $0x0  }
0x91: {  	[sflag:s0] =	ssyncadd.s32 @!p0 s1  }
0x92: {  	[bflag:$0x3] =	sbarrier.arrive $0xFFFF  }
0x93: {  	_ =	shalt  }

// kernel: kernel.13.cloned.1.call-start
scs
__scs_entry_jumppad:
0x0: {  	(pc) =	sbr.rel $0x88, $3  }
0x1: {  	(tag) =	ssettag $0x0;
	lr =	simm.s32 $0x1  }
0x2: {  	[smem:$0x3F99] =	sst lr;
	_ =	strace $0xD0000000  }
0x3: {  	_ = 	snop  }
0x4: {  	_ = 	snop  }
0x5: {  	_ = 	snop  }
0x6: {  	_ = 	snop  }
0x7: {  	_ = 	snop  }
__scs_overlays_trampoline_lowered:
0x8: {  	[smem:$0x3FA8] =	sst s0  }
0x9: {  	[smem:$0x3FA9] =	sst s1  }
0xa: {  	[smem:$0x3FAA] =	sst s2  }
0xb: {  	[smem:$0x3FAB] =	sst s3  }
0xc: {  	[smem:$0x3FAC] =	sst s4  }
0xd: {  	[smem:$0x3FAD] =	sst s5  }
0xe: {  	[smem:$0x3FAE] =	sst s6  }
0xf: {  	[smem:$0x3FAF] =	sst s7  }
0x10: {  	[smem:$0x3FB0] =	sst s8  }
0x11: {  	[smem:$0x3FB1] =	sst s9;
	s0 =	simm.s32 @!p0 $0x0  }
0x12: {  	s1 =	sld [smem:$0x3F97];
	s0 =	simm.s32 @p0 $0x1  }
0x13: {  	[smem:$0x3FB2] =	sst s0;
	s0 =	simm.s32 @!p1 $0x0  }
0x14: {  	s2 =	sld [smem:$0x3F96];
	s0 =	simm.s32 @p1 $0x1  }
0x15: {  	[smem:$0x3FB3] =	sst s0;
	s0 =	simm.s32 @!p2 $0x0  }
0x16: {  	s3 =	sld [smem:$0x3FDB];
	s0 =	simm.s32 @p2 $0x1  }
0x17: {  	s4 =	simm.s32 $0x1BF5;
	[smem:$0x3FB5] =	sst s0  }
0x18: {  	s0 =	sld [smem:$0x3F98];
	_ =	swait.ge [sflag:s4], $0x0  }
0x19: {  	s7 =	sld [smem:$0x3F99]  }
0x1a: {  	s8 =	sadd.s32 $0xFFFFE003, lr  }
0x1b: {  	s9 =	sadd.s32 $0xFFFFFEF7, lr;
	s5 =	simm.s32 $0xFFFFFFFF;
	p2 =	slt.u32 s8, $0xFFFFF086  }
0x1c: {  	p1 =	slt.u32 s9, $0xF7A;
	s5 =	simm.s32 @!p2 $0x0  }
0x1d: {  	s5 =	simm.s32 @p1 $0x1;
	p0 =	seq.s32 s7, s2  }
0x1e: {  	s7 =	smul.u32 @!p0 $0xF7A, s2;
	p2 =	seq.s32 @!p0 s5, $0x0  }
0x1f: {  	s9 =	smul.u32 $0xF7A, s1;
	s8 =	simm.s32 @!p0 $0x1BF5;
	p2 =	por !p2, p0  }
0x20: {  	[sflag:s8] =	ssyncset.s32 @!p0 $0xFFFFF086;
	s6 =	sadd.s32 @!p0 s3, s7;
	s7 =	simm.s32 @!p0 $0x108  }
0x21: {  	s3 =	sadd.s32 s3, s9;
	s6 =	sadd.s32 @!p0 $0x88, s6;
	s7 =	simm.s32 @p2 $0x1082  }
0x22: {  	[simem:s7], [sflag:s8] =	dma.local @!p0 [hbm:s6], $0xF7A  }
0x23: {  	s9 =	sor.u32 $0xD0000000, s2;
	s6 =	simm.s32 $0x108;
	_ =	swait.ge @!p0 [sflag:s8], $0x0  }
0x24: {  	s3 =	sadd.s32 $0x88, s3;
	s6 =	simm.s32 @!p1 $0x1082;
	[sflag:s4] =	ssyncset.s32 $0xFFFFF086  }
0x25: {  	[simem:s6], [sflag:s4] =	dma.local [hbm:s3], $0xF7A  }
0x26: {  	[smem:$0x3F99] =	sst s1;
	(tag) =	ssettag s2;
	_ =	strace s9  }
0x27: {  	s1 =	sld [smem:$0x3FA9]  }
0x28: {  	s2 =	sld [smem:$0x3FAA]  }
0x29: {  	s4 =	sld [smem:$0x3FAC]  }
0x2a: {  	p0 =	seq.s32 s5, $0x0;
	s5 =	sld [smem:$0x3FAD]  }
0x2b: {  	s6 =	sld [smem:$0x3FAE]  }
0x2c: {  	s7 =	sld [smem:$0x3FAF]  }
0x2d: {  	s3 =	simm.s32 $0x108;
	s8 =	sld [smem:$0x3FB0]  }
0x2e: {  	s3 =	simm.s32 @!p0 $0x1082;
	s9 =	sld [smem:$0x3FB1]  }
0x2f: {  	lr =	sadd.s32 s0, s3;
	s0 =	sld [smem:$0x3FA8]  }
0x30: {  	s3 =	sld [smem:$0x3FAB]  }
0x31: {  	[smem:$0x3FB4] =	sst s10  }
0x32: {  	s10 =	sld [smem:$0x3FB2];
	_ =	sdelay $0x3  }
0x33: {  	p0 =	seq.s32 s10, $0x1;
	s10 =	sld [smem:$0x3FB4];
	_ =	sdelay $0x3  }
0x34: {  	[smem:$0x3FB4] =	sst s10  }
0x35: {  	s10 =	sld [smem:$0x3FB3];
	_ =	sdelay $0x3  }
0x36: {  	p1 =	seq.s32 s10, $0x1;
	s10 =	sld [smem:$0x3FB4];
	_ =	sdelay $0x3  }
0x37: {  	[smem:$0x3FB4] =	sst s10  }
0x38: {  	s10 =	sld [smem:$0x3FB5]  }
0x39: {  	_ = 	snop;
	(pc) =	sbr.ind lr, $3  }
0x3a: {  	_ = 	snop  }
0x3b: {  	_ = 	snop  }
0x3c: {  	p2 =	seq.s32 s10, $0x1;
	s10 =	sld [smem:$0x3FB4]  }
0x3d: {  	_ =	shalt  }
0x3e: {  	_ =	shalt  }
0x3f: {  	_ =	shalt  }
0x40: {  	_ =	shalt  }
0x41: {  	_ =	shalt  }
0x42: {  	_ =	shalt  }
0x43: {  	_ =	shalt  }
0x44: {  	_ =	shalt  }
0x45: {  	_ =	shalt  }
0x46: {  	_ =	shalt  }
0x47: {  	_ =	shalt  }
0x48: {  	_ =	shalt  }
0x49: {  	_ =	shalt  }
0x4a: {  	_ =	shalt  }
0x4b: {  	_ =	shalt  }
0x4c: {  	_ =	shalt  }
0x4d: {  	_ =	shalt  }
0x4e: {  	_ =	shalt  }
0x4f: {  	_ =	shalt  }
0x50: {  	_ =	shalt  }
0x51: {  	_ =	shalt  }
0x52: {  	_ =	shalt  }
0x53: {  	_ =	shalt  }
0x54: {  	_ =	shalt  }
0x55: {  	_ =	shalt  }
0x56: {  	_ =	shalt  }
0x57: {  	_ =	shalt  }
0x58: {  	_ =	shalt  }
0x59: {  	_ =	shalt  }
0x5a: {  	_ =	shalt  }
0x5b: {  	_ =	shalt  }
0x5c: {  	_ =	shalt  }
0x5d: {  	_ =	shalt  }
0x5e: {  	_ =	shalt  }
0x5f: {  	_ =	shalt  }
0x60: {  	_ =	shalt  }
0x61: {  	_ =	shalt  }
0x62: {  	_ =	shalt  }
0x63: {  	_ =	shalt  }
0x64: {  	_ =	shalt  }
0x65: {  	_ =	shalt  }
0x66: {  	_ =	shalt  }
0x67: {  	_ =	shalt  }
0x68: {  	_ =	shalt  }
0x69: {  	_ =	shalt  }
0x6a: {  	_ =	shalt  }
0x6b: {  	_ =	shalt  }
0x6c: {  	_ =	shalt  }
0x6d: {  	_ =	shalt  }
0x6e: {  	_ =	shalt  }
0x6f: {  	_ =	shalt  }
0x70: {  	_ =	shalt  }
0x71: {  	_ =	shalt  }
0x72: {  	_ =	shalt  }
0x73: {  	_ =	shalt  }
0x74: {  	_ =	shalt  }
0x75: {  	_ =	shalt  }
0x76: {  	_ =	shalt  }
0x77: {  	_ =	shalt  }
0x78: {  	_ =	shalt  }
0x79: {  	_ =	shalt  }
0x7a: {  	_ =	shalt  }
0x7b: {  	_ =	shalt  }
0x7c: {  	_ =	shalt  }
0x7d: {  	_ =	shalt  }
0x7e: {  	_ =	shalt  }
0x7f: {  	_ =	shalt  }
0x80: {  	_ =	shalt  }
0x81: {  	_ =	shalt  }
0x82: {  	_ =	shalt  }
0x83: {  	_ =	shalt  }
0x84: {  	_ =	shalt  }
0x85: {  	_ =	shalt  }
0x86: {  	_ =	shalt  }
0x87: {  	_ =	shalt  }
.Lfunc_end0:
.L_simem_size_0:
called_computation.1_lowered:
.L_overlay_start_0:
0x88: {  	s2 =	sld [smem:$0x3FD9]  }
0x89: {  	s3 =	sld [smem:$0x3FFE];
	_ =	sdelay $0x1  }
0x8a: {  	s1 =	srdreg.scid  }
0x8b: {  	s0 =	sand.u32 $0x1, s1  }
0x8c: {  	s17 =	sshll.u32 s0, $0xA;
	s2 =	sadd.s32 s3, s2  }
0x8d: {  	s2 =	sadd.s32 s2, s17  }
0x8e: {  	[smem:$0x3FC0] =	sst s2  }
0x8f: {  	_ = 	snop  }
0x90: {  	s2 =	sld [smem:$0x3FD0];
	(tm) =	ssettm $0x1  }
0x91: {  	s18 =	sld [smem:$0x3FFB];
	_ =	sdelay $0x3  }
0x92: {  	_ =	strace s18  }
0x93: {  	s3 =	sld [smem:$0x3FFC];
	_ =	sdelay $0x3  }
0x94: {  	_ =	strace s3  }
0x95: {  	s3 =	sld [smem:$0x3FFD];
	_ =	sdelay $0x3  }
0x96: {  	_ =	strace s3  }
0x97: {  	_ =	strace $0x8FFFFFFF  }
0x98: {  	s19 =	sld [smem:$0x3FDB];
	_ =	sdelay $0x1  }
0x99: {  	s4 =	simm.s32 $_scs_section_size  }
0x9a: {  	s5 =	simm.s32 $_size__tile_overlayer_lowered;
	s6 =	simm.s32 $_tile_overlayer_lowered  }
0x9b: {  	s22 =	simm.s32 $0x1BFF;
	s21 =	sshll.u32 s6, $0x1;
	s3 =	sadd.s32 s4, s19  }
0x9c: {  	s7 =	simm.s32 $0x0;
	s20 =	sshll.u32 s5, $0x1;
	s5 =	sadd.s32 s21, s3  }
0x9d: {  	[timem:s7], [sflag:s22] =	dma.local [hbm:s5], s20  }
0x9e: {  	_ =	swait.ge [sflag:s22], s20  }
0x9f: {  	s4 =	ssub.s32 $0x0, s20;
	[sflag:s22] =	ssyncset.done $0x0  }
0xa0: {  	[sflag:s22] =	ssyncadd.s32 s4;
	_ =	sdelay $0x1  }
0xa1: {  	s23 =	simm.s32 $0x1B8B  }
0xa2: {  	_ =	swait.ge [sflag:s23], $0x1  }
0xa3: {  	[sflag:s23] =	ssyncset.done $0x0  }
0xa4: {  	s25 =	simm.s32 $0x1B8E;
	s24 =	sld [smem:$0x3FFE];
	[sflag:s23] =	ssyncadd.s32 $0xFFFFFFFF  }
0xa5: {  	s26 =	simm.s32 $execute0_lowered;
	[smem:$0x3FD2] =	sst s25  }
0xa6: {  	s5 =	sshll.u32 s26, $0x1;
	_ =	strace $0x80000049;
	[dreg:$0x1] =	wrdreg $0xFFFFFFFF  }
0xa7: {  	s28 =	simm.s32 $_size_execute0_lowered;
	s3 =	sadd.s32 s3, s5;
	[dreg:$0x0] =	wrdreg $0x0  }
0xa8: {  	s5 =	sshll.u32 s28, $0x1;
	[dreg:$0x2] =	wrdreg s3  }
0xa9: {  	[dreg:$0x3] =	wrdreg s5  }
0xaa: {  	[dreg:$0x4] =	wrdreg $0xC0  }
0xab: {  	_ =	task [dreg:s7], $0x5FFFF  }
0xac: {  	[dreg:$0x1] =	wrdreg $0xFFFFFFFF  }
0xad: {  	[dreg:$0x0] =	wrdreg $0x60  }
0xae: {  	[dreg:$0x2] =	wrdreg s24  }
0xaf: {  	[dreg:$0x3] =	wrdreg s2  }
0xb0: {  	[dreg:$0x4] =	wrdreg $0x113000  }
0xb1: {  	[dreg:$0x5] =	wrdreg $0x73000  }
0xb2: {  	[dreg:$0x6] =	wrdreg $0x9  }
0xb3: {  	_ =	task.clear_ibuf [dreg:s7], $0x7FFFF;
	_ =	strace $0x90000049  }
0xb4: {  	s29 =	simm.s32 $0x9;
	_ =	strace $0x8000004B  }
0xb5: {  	_ =	swait.ge [sflag:s29], $0x1  }
0xb6: {  	[sflag:s29] =	ssyncadd.s32 $0xFFFFFFFF  }
0xb7: {  	_ =	strace $0x9000004B  }
0xb8: {  	_ =	sfence  }
0xb9: {  	s30 =	sld [smem:$0x0];
	_ =	sdelay $0x2  }
0xba: {  	s31 =	sshll.u32 s1, $0xD;
	s1 =	sshrl.u32 s1, $0x2  }
0xbb: {  	s3 =	sand.u32 $0x4000, s31;
	s1 =	sadd.s32 s1, s30  }
0xbc: {  	s0 =	sor.u32 s3, s0;
	s1 =	sshll.u32 s1, $0x11  }
0xbd: {  	s0 =	sor.u32 s1, s0  }
0xbe: {  	s0 =	sadd.s32 $0x8F2B, s0  }
0xbf: {  	[sflag:s0] =	ssyncadd.remote.s32 $0x1  }
0xc0: {  	_ =	sfence.sel $0xFFFF  }
0xc1: {  	[dreg:$0x0] =	wrdreg $0xFFFFFFFF;
	(pc) =	sbr.abs _section_cstart, $3  }
0xc2: {  	[dreg:$0x1] =	wrdreg $0xFFFFFFFF  }
0xc3: {  	_ =	task.clear_ibuf [dreg:s7], $0x2FFFF;
	_ =	strace $0x9FFFFFFF  }
0xc4: {  	(tm) =	ssettm $0x7FFFFFFF  }
0xc5: {  	_ =	shalt  }
tec
execute0_lowered:
.L_overlay_start_1:
0x0: {  	(tag) =	ssettag $0x1  }
0x1: {  	s0 =	rddreg [dreg:$0x0]  }
0x2: {  	s1 =	rddreg [dreg:$0x1];
	s3 =	srdreg.scid  }
0x3: {  	s14 =	stileid.u32;
	s2 =	rddreg [dreg:$0x2]  }
0x4: {  	s4 =	simm.s32 $0x0;
	s29 =	simm.s32 $0x6300;
	s7 =	smul.u32 $0xA000, s14  }
0x5: {  	s30 =	simm.s32 $0xD;
	s31 =	simm.s32 $0x180;
	s8 =	smul.u32 $0x28000, s14  }
0x6: {  	s6 =	sand.u32 $0x1, s3;
	s3 =	rddreg [dreg:$0x3];
	s12 =	smul.u32 $0x5000, s14  }
0x7: {  	[smem:$0x7FF] =	sst s4;
	s9 =	sadd.s32 $0x35600, s0;
	s5 =	smul.u32 $0xA0000, s6  }
0x8: {  	_ =	strace $0x8000004A;
	s21 =	ssub.s32 $0x2, s6;
	s12 =	sshrl.u32 s12, $0x3  }
0x9: {  	p0 =	seq.s32 s6, $0x1;
	s11 =	sshrl.u32 s21, $0x1;
	s13 =	sadd.s32 s9, s12  }
0xa: {  	s23 =	sadd.s32 s1, s12;
	s24 =	sor.u32 $0x10, s12;
	[dreg:$0x8] =	wrdreg s13  }
0xb: {  	s8 =	sshrl.u32 s8, $0x2;
	[dreg:$0x9] =	wrdreg s23;
	s15 =	sadd.s32 s9, s24  }
0xc: {  	s25 =	sor.u32 $0x20, s12;
	s13 =	sadd.s32 s1, s24;
	[dreg:$0xa] =	wrdreg s15  }
0xd: {  	s12 =	sor.u32 $0x30, s12;
	s26 =	sadd.s32 s9, s25;
	[dreg:$0xb] =	wrdreg s13  }
0xe: {  	s6 =	sadd.s32 s7, s3;
	s28 =	sadd.s32 s9, s12;
	[dreg:$0xc] =	wrdreg s26  }
0xf: {  	s22 =	sshrl.u32 s7, $0x3;
	s12 =	sadd.s32 s1, s12;
	[dreg:$0xe] =	wrdreg s28  }
0x10: {  	s5 =	sadd.s32 s7, s5;
	s24 =	sshrl.u32 s6, $0x3;
	[dreg:$0xf] =	wrdreg s12  }
0x11: {  	s11 =	ssub.s32 s21, s11;
	s13 =	sadd.s32 s1, s25;
	[dreg:$0x1a] =	wrdreg s24  }
0x12: {  	s7 =	sadd.s32 s7, s2;
	s12 =	smax.u32 s11, $0x1;
	[dreg:$0xd] =	wrdreg s13  }
0x13: {  	s5 =	sshrl.u32 s5, $0x3;
	s25 =	sshrl.u32 s7, $0x3;
	[dreg:$0x11] =	wrdreg s12  }
0x14: {  	s10 =	sadd.s32 s5, s0;
	s5 =	sadd.s32 s8, s2;
	[dreg:$0x1b] =	wrdreg s25  }
0x15: {  	s6 =	simm.s32 $0x1;
	s10 =	sadd.s32 $0xB7600, s10;
	[dreg:$0x7] =	wrdreg s5  }
0x16: {  	s15 =	smul.u32 $0xA00, s14;
	s13 =	sadd.s32 $0x1000, s5;
	[dreg:$0x10] =	wrdreg s10  }
0x17: {  	s7 =	simm.s32 $0x4;
	s16 =	sadd.s32 $0x2000, s5;
	[dreg:$0x12] =	wrdreg s13  }
0x18: {  	s8 =	simm.s32 $0x300;
	s17 =	sadd.s32 $0x3000, s5;
	[dreg:$0x13] =	wrdreg s16  }
0x19: {  	s11 =	simm.s32 $0x280;
	s18 =	sadd.s32 $0x4000, s5;
	[dreg:$0x14] =	wrdreg s17  }
0x1a: {  	s14 =	simm.s32 $0x2300;
	s20 =	sadd.s32 $0x5000, s5;
	[dreg:$0x16] =	wrdreg s18  }
0x1b: {  	s23 =	sadd.s32 $0x7000, s5;
	s26 =	sadd.s32 $0x8000, s5;
	[dreg:$0x17] =	wrdreg s20  }
0x1c: {  	s28 =	sadd.s32 $0x9000, s5;
	s12 =	simm.s32 $0x2;
	[dreg:$0x19] =	wrdreg s23  }
0x1d: {  	s10 =	simm.s32 $0x8F600;
	s19 =	sadd.s32 s15, s1;
	[dreg:$0x1c] =	wrdreg s26  }
0x1e: {  	s21 =	sadd.s32 s15, s9;
	[dreg:$0x1d] =	wrdreg s28;
	s1 =	simm.s32 $0x80  }
0x1f: {  	s9 =	simm.s32 $0x7;
	s13 =	simm.s32 $0x5;
	s15 =	simm.s32 $0x8  }
0x20: {  	s16 =	simm.s32 $0xA;
	s17 =	simm.s32 $0x3;
	s18 =	simm.s32 $0x6  }
0x21: {  	s20 =	simm.s32 $0x9;
	s10 =	simm.s32 @!p0 $0xA3600;
	[dreg:$0x5] =	wrdreg s19  }
0x22: {  	s23 =	simm.s32 $0x0;
	[dreg:$0x6] =	wrdreg s21;
	s0 =	sadd.s32 s10, s0  }
0x23: {  	s19 =	simm.s32 $0x4300;
	s21 =	simm.s32 $0xB;
	s0 =	sadd.s32 s0, s22  }
0x24: {  	s10 =	simm.s32 $0x100;
	s22 =	sadd.s32 $0x6000, s5;
	[dreg:$0x15] =	wrdreg s0  }
0x25: {  	v0 =	vimm.f32 $0.0e+00;
	[dreg:$0x18] =	wrdreg s22;
	s0 =	simm.s32 $0x200;
	s22 =	simm.s32 $0xC  }
.LBB2_1:
0x26: {  	s25 =	simm.s32 $0x100;
	s24 =	simm.s32 $0x0  }
.LBB2_2:
0x27: {  	p0 =	sne.s32 s25, $0x3F00;
	[tilespmem:s24+$0x6330] =	vst v0;
	s26 =	smov.u32 s25;
	s25 =	sadd.s32 $0x100, s25  }
.Ltmp0:
0x28: {  	[tilespmem:s24+$0x6320] =	vst v0;
	(pc) =	sbr.rel @p0 .LBB2_2-.Ltmp0, $3  }
0x29: {  	[tilespmem:s24+$0x6300] =	vst v0  }
0x2a: {  	[tilespmem:s24+$0x6310] =	vst v0;
	_ =	sdelay $0x1  }
0x2b: {  	s24 =	sshra.s32 s26, $0x2  }
0x2c: {  	[tilespmem:s24+$0x6330] =	vst v0  }
0x2d: {  	[tilespmem:s24+$0x6320] =	vst v0  }
0x2e: {  	[tilespmem:s24+$0x6300] =	vst v0  }
0x2f: {  	[tilespmem:s24+$0x6310] =	vst v0;
	s5 =	rddreg [dreg:$0x7]  }
0x30: {  	[spmem:s5] =	stream.linear.scatter [tilespmem:s29], [sflag:$0xD], $0x1000, $0x38;
	[tilespmem:$0x1B300] =	vst v63  }
0x31: {  	_ =	swait.ge [sflag:s30], $0x1000  }
0x32: {  	[sflag:s30] =	ssyncset.done $0x0  }
0x33: {  	s28 =	rddreg [dreg:$0x12];
	[sflag:s30] =	ssyncadd.s32 $0xFFFFF000  }
0x34: {  	[spmem:s28] =	stream.linear.scatter [tilespmem:s29], [sflag:$0xD], $0x1000, $0x38;
	[tilespmem:$0x1B300] =	vst v63  }
0x35: {  	_ =	swait.ge [sflag:s30], $0x1000  }
0x36: {  	[sflag:s30] =	ssyncset.done $0x0  }
0x37: {  	s24 =	rddreg [dreg:$0x13];
	[sflag:s30] =	ssyncadd.s32 $0xFFFFF000  }
0x38: {  	[spmem:s24] =	stream.linear.scatter [tilespmem:s29], [sflag:$0xD], $0x1000, $0x38;
	[tilespmem:$0x1B300] =	vst v63  }
0x39: {  	_ =	swait.ge [sflag:s30], $0x1000  }
0x3a: {  	[sflag:s30] =	ssyncset.done $0x0  }
0x3b: {  	s25 =	rddreg [dreg:$0x14];
	[sflag:s30] =	ssyncadd.s32 $0xFFFFF000  }
0x3c: {  	[spmem:s25] =	stream.linear.scatter [tilespmem:s29], [sflag:$0xD], $0x1000, $0x38;
	[tilespmem:$0x1B300] =	vst v63  }
0x3d: {  	_ =	swait.ge [sflag:s30], $0x1000  }
0x3e: {  	[sflag:s30] =	ssyncset.done $0x0  }
0x3f: {  	s26 =	rddreg [dreg:$0x16];
	[sflag:s30] =	ssyncadd.s32 $0xFFFFF000  }
0x40: {  	[spmem:s26] =	stream.linear.scatter [tilespmem:s29], [sflag:$0xD], $0x1000, $0x38;
	[tilespmem:$0x1B300] =	vst v63  }
0x41: {  	_ =	swait.ge [sflag:s30], $0x1000  }
0x42: {  	[sflag:s30] =	ssyncset.done $0x0  }
0x43: {  	s28 =	rddreg [dreg:$0x17];
	[sflag:s30] =	ssyncadd.s32 $0xFFFFF000  }
0x44: {  	[spmem:s28] =	stream.linear.scatter [tilespmem:s29], [sflag:$0xD], $0x1000, $0x38;
	[tilespmem:$0x1B300] =	vst v63  }
0x45: {  	_ =	swait.ge [sflag:s30], $0x1000  }
0x46: {  	[sflag:s30] =	ssyncset.done $0x0  }
0x47: {  	s24 =	rddreg [dreg:$0x18];
	[sflag:s30] =	ssyncadd.s32 $0xFFFFF000  }
0x48: {  	[spmem:s24] =	stream.linear.scatter [tilespmem:s29], [sflag:$0xD], $0x1000, $0x38;
	[tilespmem:$0x1B300] =	vst v63  }
0x49: {  	_ =	swait.ge [sflag:s30], $0x1000  }
0x4a: {  	[sflag:s30] =	ssyncset.done $0x0  }
0x4b: {  	s25 =	rddreg [dreg:$0x19];
	[sflag:s30] =	ssyncadd.s32 $0xFFFFF000  }
0x4c: {  	[spmem:s25] =	stream.linear.scatter [tilespmem:s29], [sflag:$0xD], $0x1000, $0x38;
	[tilespmem:$0x1B300] =	vst v63  }
0x4d: {  	_ =	swait.ge [sflag:s30], $0x1000  }
0x4e: {  	[sflag:s30] =	ssyncset.done $0x0  }
0x4f: {  	s26 =	rddreg [dreg:$0x1c];
	[sflag:s30] =	ssyncadd.s32 $0xFFFFF000  }
0x50: {  	[spmem:s26] =	stream.linear.scatter [tilespmem:s29], [sflag:$0xD], $0x1000, $0x38;
	[tilespmem:$0x1B300] =	vst v63  }
0x51: {  	s24 =	stileid.u32;
	_ =	swait.ge [sflag:s30], $0x1000  }
0x52: {  	s25 =	sshll.u32 s24, $0x6;
	[sflag:s30] =	ssyncset.done $0x0  }
0x53: {  	s25 =	sor.u32 $0x1C0D, s25;
	s28 =	rddreg [dreg:$0x1d];
	[sflag:s30] =	ssyncadd.s32 $0xFFFFF000  }
0x54: {  	[spmem:s28] =	stream.linear.scatter [tilespmem:s29], [sflag:$0xD], $0x1000, $0x38;
	[tilespmem:$0x1B300] =	vst v63  }
0x55: {  	_ =	swait.ge [sflag:s30], $0x1000;
	[dreg:$0x1e] =	wrdreg s25  }
0x56: {  	[sflag:s30] =	ssyncset.done $0x0;
	s26 =	rddreg [dreg:$0x15]  }
0x57: {  	s28 =	rddreg [dreg:$0x1a];
	[sflag:s30] =	ssyncadd.s32 $0xFFFFF000  }
0x58: {  	[spmem:s28], [sflag:s25] =	dma.local [hbm:s26], $0x1400  }
0x59: {  	_ =	swait.ge [sflag:s30], $0x1400  }
0x5a: {  	[sflag:s30] =	ssyncset.done $0x0  }
0x5b: {  	[sflag:s30] =	ssyncadd.s32 $0xFFFFEC00  }
0x5c: {  	[bflag:$0x0] =	sbarrier.arrive $0xFFFF  }
0x5d: {  	s25 =	simm.s32 $0x0;
	s26 =	rddreg [dreg:$0x8]  }
0x5e: {  	[tilespmem:s25], [sflag:$0x1] =	stream.linear.gather [hbm4b:s26+s25], $0x80, $0x38;
	[tilespmem:$0x1B300] =	vst v63  }
0x5f: {  	s28 =	rddreg [dreg:$0x9]  }
0x60: {  	[tilespmem:s31], [sflag:$0x4] =	stream.linear.gather [hbm4b:s28+s25], $0x80, $0x38;
	[tilespmem:$0x1B300] =	vst v63  }
0x61: {  	s24 =	rddreg [dreg:$0xa]  }
0x62: {  	[tilespmem:s1], [sflag:$0x2] =	stream.linear.gather [hbm4b:s24+s25], $0x80, $0x38;
	[tilespmem:$0x1B300] =	vst v63  }
0x63: {  	s26 =	rddreg [dreg:$0xb]  }
0x64: {  	[tilespmem:s0], [sflag:$0x5] =	stream.linear.gather [hbm4b:s26+s25], $0x80, $0x38;
	[tilespmem:$0x1B300] =	vst v63  }
0x65: {  	_ =	swait.ge [sflag:s6], $0x80  }
0x66: {  	[sflag:s6] =	ssyncset.done $0x0  }
0x67: {  	[sflag:s6] =	ssyncadd.s32 $0xFFFFFF80  }
0x68: {  	_ =	swait.ge [sflag:s7], $0x80  }
0x69: {  	[sflag:s7] =	ssyncset.done $0x0  }
0x6a: {  	[sflag:s7] =	ssyncadd.s32 $0xFFFFFF80  }
0x6b: {  	[tilespmem:s8], [sflag:$0x7] =	stream.indirect.gather [spmem:s3], $0x40, s25, s1, $0xb8;
	[tilespmem:$0x1B300] =	vst v63  }
0x6c: {  	_ =	swait.ge [sflag:s9], $0x2000  }
0x6d: {  	[sflag:s9] =	ssyncset.done $0x0  }
0x6e: {  	[sflag:s9] =	ssyncadd.s32 $0xFFFFE000  }
0x6f: {  	[spmem:s2] =	stream.indirect.scatter.add.f32 [tilespmem:s8], [sflag:$0xA], $0x40, s31, s1, $0xb8;
	[tilespmem:$0x1B300] =	vst v63  }
0x70: {  	s28 =	rddreg [dreg:$0xc]  }
0x71: {  	[tilespmem:s10], [sflag:$0x3] =	stream.linear.gather [hbm4b:s28+s25], $0x80, $0x38;
	[tilespmem:$0x1B300] =	vst v63  }
0x72: {  	s24 =	rddreg [dreg:$0xd]  }
0x73: {  	[tilespmem:s11], [sflag:$0x6] =	stream.linear.gather [hbm4b:s24+s25], $0x80, $0x38;
	[tilespmem:$0x1B300] =	vst v63  }
0x74: {  	_ =	swait.ge [sflag:s12], $0x80  }
0x75: {  	[sflag:s12] =	ssyncset.done $0x0  }
0x76: {  	[sflag:s12] =	ssyncadd.s32 $0xFFFFFF80  }
0x77: {  	_ =	swait.ge [sflag:s13], $0x80  }
0x78: {  	[sflag:s13] =	ssyncset.done $0x0  }
0x79: {  	[sflag:s13] =	ssyncadd.s32 $0xFFFFFF80  }
0x7a: {  	[tilespmem:s14], [sflag:$0x8] =	stream.indirect.gather [spmem:s3], $0x40, s1, s1, $0xb8;
	[tilespmem:$0x1B300] =	vst v63  }
0x7b: {  	_ =	swait.ge [sflag:s15], $0x2000  }
0x7c: {  	[sflag:s15] =	ssyncset.done $0x0  }
0x7d: {  	[sflag:s15] =	ssyncadd.s32 $0xFFFFE000  }
0x7e: {  	[spmem:s2] =	stream.indirect.scatter.add.f32 [tilespmem:s14], [sflag:$0xB], $0x40, s0, s1, $0xb8;
	[tilespmem:$0x1B300] =	vst v63  }
0x7f: {  	_ =	swait.ge [sflag:s16], $0x2000  }
0x80: {  	[sflag:s16] =	ssyncset.done $0x0  }
0x81: {  	s26 =	rddreg [dreg:$0xe];
	[sflag:s16] =	ssyncadd.s32 $0xFFFFE000  }
0x82: {  	[tilespmem:s25], [sflag:$0x1] =	stream.linear.gather [hbm4b:s26+s25], $0x80, $0x38;
	[tilespmem:$0x1B300] =	vst v63  }
0x83: {  	s28 =	rddreg [dreg:$0xf]  }
0x84: {  	[tilespmem:s31], [sflag:$0x4] =	stream.linear.gather [hbm4b:s28+s25], $0x80, $0x38;
	[tilespmem:$0x1B300] =	vst v63  }
0x85: {  	_ =	swait.ge [sflag:s17], $0x80  }
0x86: {  	[sflag:s17] =	ssyncset.done $0x0  }
0x87: {  	[sflag:s17] =	ssyncadd.s32 $0xFFFFFF80  }
0x88: {  	_ =	swait.ge [sflag:s18], $0x80  }
0x89: {  	[sflag:s18] =	ssyncset.done $0x0  }
0x8a: {  	[sflag:s18] =	ssyncadd.s32 $0xFFFFFF80  }
0x8b: {  	[tilespmem:s19], [sflag:$0x9] =	stream.indirect.gather [spmem:s3], $0x40, s10, s1, $0xb8;
	[tilespmem:$0x1B300] =	vst v63  }
0x8c: {  	_ =	swait.ge [sflag:s20], $0x2000  }
0x8d: {  	[sflag:s20] =	ssyncset.done $0x0  }
0x8e: {  	[sflag:s20] =	ssyncadd.s32 $0xFFFFE000  }
0x8f: {  	[spmem:s2] =	stream.indirect.scatter.add.f32 [tilespmem:s19], [sflag:$0xC], $0x40, s11, s1, $0xb8;
	[tilespmem:$0x1B300] =	vst v63  }
0x90: {  	_ =	swait.ge [sflag:s21], $0x2000  }
0x91: {  	s5 =	rddreg [dreg:$0x6]  }
0x92: {  	s26 =	rddreg [dreg:$0x5];
	[sflag:s21] =	ssyncset.done $0x0;
	s25 =	sadd.s32 $0x0, s5  }
0x93: {  	[sflag:s21] =	ssyncadd.s32 $0xFFFFE000;
	s26 =	sadd.s32 $0x0, s26;
	s28 =	sadd.s32 $0x40, s25  }
0x94: {  	[tilespmem:s1], [sflag:$0x2] =	stream.linear.gather [hbm4b:s28+s4], $0x80, $0x38;
	[tilespmem:$0x1B300] =	vst v63  }
0x95: {  	s24 =	sadd.s32 $0x40, s26  }
0x96: {  	[tilespmem:s0], [sflag:$0x5] =	stream.linear.gather [hbm4b:s24+s4], $0x80, $0x38;
	[tilespmem:$0x1B300] =	vst v63  }
0x97: {  	_ =	swait.ge [sflag:s6], $0x80  }
0x98: {  	[sflag:s6] =	ssyncset.done $0x0  }
0x99: {  	[sflag:s6] =	ssyncadd.s32 $0xFFFFFF80  }
0x9a: {  	_ =	swait.ge [sflag:s7], $0x80  }
0x9b: {  	[sflag:s7] =	ssyncset.done $0x0  }
0x9c: {  	[sflag:s7] =	ssyncadd.s32 $0xFFFFFF80  }
0x9d: {  	[tilespmem:s8], [sflag:$0x7] =	stream.indirect.gather [spmem:s3], $0x40, s4, s1, $0xb8;
	[tilespmem:$0x1B300] =	vst v63  }
0x9e: {  	_ =	swait.ge [sflag:s9], $0x2000  }
0x9f: {  	[sflag:s9] =	ssyncset.done $0x0  }
0xa0: {  	[sflag:s9] =	ssyncadd.s32 $0xFFFFE000  }
0xa1: {  	[spmem:s2] =	stream.indirect.scatter.add.f32 [tilespmem:s8], [sflag:$0xA], $0x40, s31, s1, $0xb8;
	[tilespmem:$0x1B300] =	vst v63  }
0xa2: {  	_ =	swait.ge [sflag:s22], $0x2000  }
0xa3: {  	[sflag:s22] =	ssyncset.done $0x0  }
0xa4: {  	s5 =	sadd.s32 $0x50, s25;
	[sflag:s22] =	ssyncadd.s32 $0xFFFFE000  }
0xa5: {  	[tilespmem:s10], [sflag:$0x3] =	stream.linear.gather [hbm4b:s5+s4], $0x80, $0x38;
	[tilespmem:$0x1B300] =	vst v63  }
0xa6: {  	s24 =	sadd.s32 $0x50, s26  }
0xa7: {  	[tilespmem:s11], [sflag:$0x6] =	stream.linear.gather [hbm4b:s24+s4], $0x80, $0x38;
	[tilespmem:$0x1B300] =	vst v63  }
0xa8: {  	_ =	swait.ge [sflag:s12], $0x80  }
0xa9: {  	[sflag:s12] =	ssyncset.done $0x0  }
0xaa: {  	[sflag:s12] =	ssyncadd.s32 $0xFFFFFF80  }
0xab: {  	_ =	swait.ge [sflag:s13], $0x80  }
0xac: {  	[sflag:s13] =	ssyncset.done $0x0  }
0xad: {  	[sflag:s13] =	ssyncadd.s32 $0xFFFFFF80  }
0xae: {  	[tilespmem:s14], [sflag:$0x8] =	stream.indirect.gather [spmem:s3], $0x40, s1, s1, $0xb8;
	[tilespmem:$0x1B300] =	vst v63  }
0xaf: {  	_ =	swait.ge [sflag:s15], $0x2000  }
0xb0: {  	[sflag:s15] =	ssyncset.done $0x0  }
0xb1: {  	[sflag:s15] =	ssyncadd.s32 $0xFFFFE000  }
0xb2: {  	[spmem:s2] =	stream.indirect.scatter.add.f32 [tilespmem:s14], [sflag:$0xB], $0x40, s0, s1, $0xb8;
	[tilespmem:$0x1B300] =	vst v63  }
0xb3: {  	_ =	swait.ge [sflag:s16], $0x2000  }
0xb4: {  	[sflag:s16] =	ssyncset.done $0x0  }
0xb5: {  	s25 =	sadd.s32 $0x60, s25;
	[sflag:s16] =	ssyncadd.s32 $0xFFFFE000  }
0xb6: {  	[tilespmem:s4], [sflag:$0x1] =	stream.linear.gather [hbm4b:s25+s4], $0x80, $0x38;
	[tilespmem:$0x1B300] =	vst v63  }
0xb7: {  	s28 =	sadd.s32 $0x60, s26  }
0xb8: {  	[tilespmem:s31], [sflag:$0x4] =	stream.linear.gather [hbm4b:s28+s4], $0x80, $0x38;
	[tilespmem:$0x1B300] =	vst v63  }
0xb9: {  	_ =	swait.ge [sflag:s17], $0x80  }
0xba: {  	[sflag:s17] =	ssyncset.done $0x0  }
0xbb: {  	[sflag:s17] =	ssyncadd.s32 $0xFFFFFF80  }
0xbc: {  	_ =	swait.ge [sflag:s18], $0x80  }
0xbd: {  	s25 =	simm.s32 $0x30;
	[sflag:s18] =	ssyncset.done $0x0  }
.LBB2_4:
0xbe: {  	[sflag:s18] =	ssyncadd.s32 $0xFFFFFF80  }
0xbf: {  	[tilespmem:s19], [sflag:$0x9] =	stream.indirect.gather [spmem:s3], $0x40, s10, s1, $0xb8;
	[tilespmem:$0x1B300] =	vst v63  }
0xc0: {  	_ =	swait.ge [sflag:s20], $0x2000  }
0xc1: {  	[sflag:s20] =	ssyncset.done $0x0  }
0xc2: {  	[sflag:s20] =	ssyncadd.s32 $0xFFFFE000  }
0xc3: {  	[spmem:s2] =	stream.indirect.scatter.add.f32 [tilespmem:s19], [sflag:$0xC], $0x40, s11, s1, $0xb8;
	[tilespmem:$0x1B300] =	vst v63  }
0xc4: {  	_ =	swait.ge [sflag:s21], $0x2000  }
0xc5: {  	s28 =	smov.u32 s25;
	s26 =	rddreg [dreg:$0x6]  }
0xc6: {  	s5 =	rddreg [dreg:$0x5];
	[sflag:s21] =	ssyncset.done $0x0;
	s26 =	sadd.s32 s28, s26  }
0xc7: {  	[sflag:s21] =	ssyncadd.s32 $0xFFFFE000;
	s28 =	sadd.s32 s28, s5;
	s24 =	sadd.s32 $0x40, s26  }
0xc8: {  	[tilespmem:s1], [sflag:$0x2] =	stream.linear.gather [hbm4b:s24+s4], $0x80, $0x38;
	[tilespmem:$0x1B300] =	vst v63  }
0xc9: {  	s5 =	sadd.s32 $0x40, s28  }
0xca: {  	[tilespmem:s0], [sflag:$0x5] =	stream.linear.gather [hbm4b:s5+s4], $0x80, $0x38;
	[tilespmem:$0x1B300] =	vst v63  }
0xcb: {  	_ =	swait.ge [sflag:s6], $0x80  }
0xcc: {  	[sflag:s6] =	ssyncset.done $0x0  }
0xcd: {  	[sflag:s6] =	ssyncadd.s32 $0xFFFFFF80  }
0xce: {  	_ =	swait.ge [sflag:s7], $0x80  }
0xcf: {  	[sflag:s7] =	ssyncset.done $0x0  }
0xd0: {  	[sflag:s7] =	ssyncadd.s32 $0xFFFFFF80  }
0xd1: {  	[tilespmem:s8], [sflag:$0x7] =	stream.indirect.gather [spmem:s3], $0x40, s4, s1, $0xb8;
	[tilespmem:$0x1B300] =	vst v63  }
0xd2: {  	_ =	swait.ge [sflag:s9], $0x2000  }
0xd3: {  	[sflag:s9] =	ssyncset.done $0x0  }
0xd4: {  	[sflag:s9] =	ssyncadd.s32 $0xFFFFE000  }
0xd5: {  	[spmem:s2] =	stream.indirect.scatter.add.f32 [tilespmem:s8], [sflag:$0xA], $0x40, s31, s1, $0xb8;
	[tilespmem:$0x1B300] =	vst v63  }
0xd6: {  	_ =	swait.ge [sflag:s22], $0x2000  }
0xd7: {  	[sflag:s22] =	ssyncset.done $0x0  }
0xd8: {  	s5 =	sadd.s32 $0x50, s26;
	[sflag:s22] =	ssyncadd.s32 $0xFFFFE000  }
0xd9: {  	[tilespmem:s10], [sflag:$0x3] =	stream.linear.gather [hbm4b:s5+s4], $0x80, $0x38;
	[tilespmem:$0x1B300] =	vst v63  }
0xda: {  	s24 =	sadd.s32 $0x50, s28  }
0xdb: {  	[tilespmem:s11], [sflag:$0x6] =	stream.linear.gather [hbm4b:s24+s4], $0x80, $0x38;
	[tilespmem:$0x1B300] =	vst v63  }
0xdc: {  	_ =	swait.ge [sflag:s12], $0x80  }
0xdd: {  	[sflag:s12] =	ssyncset.done $0x0  }
0xde: {  	[sflag:s12] =	ssyncadd.s32 $0xFFFFFF80  }
0xdf: {  	_ =	swait.ge [sflag:s13], $0x80  }
0xe0: {  	[sflag:s13] =	ssyncset.done $0x0  }
0xe1: {  	[sflag:s13] =	ssyncadd.s32 $0xFFFFFF80  }
0xe2: {  	[tilespmem:s14], [sflag:$0x8] =	stream.indirect.gather [spmem:s3], $0x40, s1, s1, $0xb8;
	[tilespmem:$0x1B300] =	vst v63  }
0xe3: {  	_ =	swait.ge [sflag:s15], $0x2000  }
0xe4: {  	[sflag:s15] =	ssyncset.done $0x0  }
0xe5: {  	[sflag:s15] =	ssyncadd.s32 $0xFFFFE000  }
0xe6: {  	[spmem:s2] =	stream.indirect.scatter.add.f32 [tilespmem:s14], [sflag:$0xB], $0x40, s0, s1, $0xb8;
	[tilespmem:$0x1B300] =	vst v63  }
0xe7: {  	_ =	swait.ge [sflag:s16], $0x2000  }
0xe8: {  	[sflag:s16] =	ssyncset.done $0x0  }
0xe9: {  	s26 =	sadd.s32 $0x60, s26;
	[sflag:s16] =	ssyncadd.s32 $0xFFFFE000  }
0xea: {  	[tilespmem:s4], [sflag:$0x1] =	stream.linear.gather [hbm4b:s26+s4], $0x80, $0x38;
	[tilespmem:$0x1B300] =	vst v63  }
0xeb: {  	p0 =	sne.s32 s25, $0x990;
	s28 =	sadd.s32 $0x60, s28  }
0xec: {  	[tilespmem:s31], [sflag:$0x4] =	stream.linear.gather [hbm4b:s28+s4], $0x80, $0x38;
	[tilespmem:$0x1B300] =	vst v63  }
.Ltmp1:
0xed: {  	_ =	swait.ge [sflag:s17], $0x80;
	(pc) =	sbr.rel @p0 .LBB2_4-.Ltmp1, $4  }
0xee: {  	[sflag:s17] =	ssyncset.done $0x0  }
0xef: {  	[sflag:s17] =	ssyncadd.s32 $0xFFFFFF80  }
0xf0: {  	_ =	swait.ge [sflag:s18], $0x80  }
0xf1: {  	s25 =	sadd.s32 $0x30, s25;
	[sflag:s18] =	ssyncset.done $0x0  }
0xf2: {  	[sflag:s18] =	ssyncadd.s32 $0xFFFFFF80  }
0xf3: {  	[tilespmem:s19], [sflag:$0x9] =	stream.indirect.gather [spmem:s3], $0x40, s10, s1, $0xb8;
	[tilespmem:$0x1B300] =	vst v63  }
0xf4: {  	_ =	swait.ge [sflag:s20], $0x2000  }
0xf5: {  	[sflag:s20] =	ssyncset.done $0x0  }
0xf6: {  	[sflag:s20] =	ssyncadd.s32 $0xFFFFE000  }
0xf7: {  	[spmem:s2] =	stream.indirect.scatter.add.f32 [tilespmem:s19], [sflag:$0xC], $0x40, s11, s1, $0xb8;
	[tilespmem:$0x1B300] =	vst v63  }
0xf8: {  	_ =	swait.ge [sflag:s21], $0x2000  }
0xf9: {  	[sflag:s21] =	ssyncset.done $0x0  }
0xfa: {  	[sflag:s21] =	ssyncadd.s32 $0xFFFFE000  }
0xfb: {  	_ =	swait.ge [sflag:s6], $0x80  }
0xfc: {  	[sflag:s6] =	ssyncset.done $0x0  }
0xfd: {  	[sflag:s6] =	ssyncadd.s32 $0xFFFFFF80  }
0xfe: {  	_ =	swait.ge [sflag:s7], $0x80  }
0xff: {  	[sflag:s7] =	ssyncset.done $0x0  }
0x100: {  	[sflag:s7] =	ssyncadd.s32 $0xFFFFFF80  }
0x101: {  	[tilespmem:s8], [sflag:$0x7] =	stream.indirect.gather [spmem:s3], $0x40, s4, s1, $0xb8;
	[tilespmem:$0x1B300] =	vst v63  }
0x102: {  	_ =	swait.ge [sflag:s9], $0x2000  }
0x103: {  	[sflag:s9] =	ssyncset.done $0x0  }
0x104: {  	[sflag:s9] =	ssyncadd.s32 $0xFFFFE000  }
0x105: {  	[spmem:s2] =	stream.indirect.scatter.add.f32 [tilespmem:s8], [sflag:$0xA], $0x40, s31, s1, $0xb8;
	[tilespmem:$0x1B300] =	vst v63  }
0x106: {  	_ =	swait.ge [sflag:s22], $0x2000  }
0x107: {  	[sflag:s22] =	ssyncset.done $0x0  }
0x108: {  	[sflag:s22] =	ssyncadd.s32 $0xFFFFE000  }
0x109: {  	_ =	swait.ge [sflag:s16], $0x2000  }
0x10a: {  	[sflag:s16] =	ssyncset.done $0x0  }
0x10b: {  	[sflag:s16] =	ssyncadd.s32 $0xFFFFE000  }
0x10c: {  	[bflag:$0x0] =	sbarrier.arrive $0xFFFF  }
0x10d: {  	s5 =	rddreg [dreg:$0x10]  }
0x10e: {  	s24 =	rddreg [dreg:$0x1b]  }
0x10f: {  	s25 =	rddreg [dreg:$0x1e]  }
0x110: {  	[hbm:s5], [sflag:s25] =	dma.local [spmem:s24], $0x1400  }
0x111: {  	_ =	swait.ge [sflag:s30], $0x1400  }
0x112: {  	s23 =	sadd.s32 $0x1, s23;
	s28 =	rddreg [dreg:$0x11]  }
0x113: {  	p0 =	sne.s32 s23, s28  }
.Ltmp2:
0x114: {  	_ = 	snop;
	(pc) =	sbr.rel @p0 .LBB2_1-.Ltmp2, $3  }
0x115: {  	_ =	sdelay $0x1  }
0x116: {  	[sflag:s30] =	ssyncset.done $0x0  }
0x117: {  	[sflag:s30] =	ssyncadd.s32 $0xFFFFEC00  }
0x118: {  	_ =	sfence.sel $0x180000  }
0x119: {  	[bflag:$0x0] =	sbarrier.arrive $0xFFFF  }
0x11a: {  	_ =	strace $0x9000004A  }
0x11b: {  	s0 =	stileid.u32;
	[bflag:$0x2] =	sbarrier.arrive $0xFFFF  }
0x11c: {  	p0 =	sne.s32 s0, $0x0;
	s0 =	rddreg [dreg:$0x4]  }
0x11d: {  	s0 =	sadd.s32 @!p0 $0x100000, s0  }
0x11e: {  	[sflag:s0] =	ssyncadd.tile.s32 @!p0 $0x1;
	_ =	shalt  }
.Lfunc_end2:
_tile_overlayer_lowered:
.L_overlay_start_2:
0x11f: {  	(tag) =	ssettag $0x2  }
0x120: {  	s0 =	rddreg [dreg:$0x0];
	s2 =	stileid.u32  }
0x121: {  	s1 =	rddreg [dreg:$0x1];
	p0 =	sne.s32 s2, $0x0  }
0x122: {  	s3 =	rddreg [dreg:$0x2];
	[bflag:$0x3] =	sbarrier.arrive $0xFFFF;
	s2 =	simm.s32 @!p0 $0x1C0D  }
0x123: {  	[timem:s3], [sflag:s2] =	dma.local @!p0 [hbm:s0], s1  }
0x124: {  	s0 =	simm.s32 @!p0 $0xD  }
0x125: {  	_ =	swait.ge @!p0 [sflag:s0], s1  }
0x126: {  	s1 =	ssub.s32 @!p0 $0x0, s1;
	[sflag:s0] =	ssyncset.done @!p0 $0x0  }
0x127: {  	[sflag:s0] =	ssyncadd.s32 @!p0 s1  }
0x128: {  	[bflag:$0x3] =	sbarrier.arrive $0xFFFF  }
0x129: {  	_ =	shalt  }

// kernel: kernel.16.cloned.1.call-start
scs
__scs_entry_jumppad:
0x0: {  	(pc) =	sbr.rel $0x88, $3  }
0x1: {  	(tag) =	ssettag $0x0;
	lr =	simm.s32 $0x1  }
0x2: {  	[smem:$0x3F99] =	sst lr;
	_ =	strace $0xD0000000  }
0x3: {  	_ = 	snop  }
0x4: {  	_ = 	snop  }
0x5: {  	_ = 	snop  }
0x6: {  	_ = 	snop  }
0x7: {  	_ = 	snop  }
__scs_overlays_trampoline_lowered:
0x8: {  	[smem:$0x3FA8] =	sst s0  }
0x9: {  	[smem:$0x3FA9] =	sst s1  }
0xa: {  	[smem:$0x3FAA] =	sst s2  }
0xb: {  	[smem:$0x3FAB] =	sst s3  }
0xc: {  	[smem:$0x3FAC] =	sst s4  }
0xd: {  	[smem:$0x3FAD] =	sst s5  }
0xe: {  	[smem:$0x3FAE] =	sst s6  }
0xf: {  	[smem:$0x3FAF] =	sst s7  }
0x10: {  	[smem:$0x3FB0] =	sst s8  }
0x11: {  	[smem:$0x3FB1] =	sst s9;
	s0 =	simm.s32 @!p0 $0x0  }
0x12: {  	s1 =	sld [smem:$0x3F97];
	s0 =	simm.s32 @p0 $0x1  }
0x13: {  	[smem:$0x3FB2] =	sst s0;
	s0 =	simm.s32 @!p1 $0x0  }
0x14: {  	s2 =	sld [smem:$0x3F96];
	s0 =	simm.s32 @p1 $0x1  }
0x15: {  	[smem:$0x3FB3] =	sst s0;
	s0 =	simm.s32 @!p2 $0x0  }
0x16: {  	s3 =	sld [smem:$0x3FDB];
	s0 =	simm.s32 @p2 $0x1  }
0x17: {  	s4 =	simm.s32 $0x1BF5;
	[smem:$0x3FB5] =	sst s0  }
0x18: {  	s0 =	sld [smem:$0x3F98];
	_ =	swait.ge [sflag:s4], $0x0  }
0x19: {  	s7 =	sld [smem:$0x3F99]  }
0x1a: {  	s8 =	sadd.s32 $0xFFFFE003, lr  }
0x1b: {  	s9 =	sadd.s32 $0xFFFFFEF7, lr;
	s5 =	simm.s32 $0xFFFFFFFF;
	p2 =	slt.u32 s8, $0xFFFFF086  }
0x1c: {  	p1 =	slt.u32 s9, $0xF7A;
	s5 =	simm.s32 @!p2 $0x0  }
0x1d: {  	s5 =	simm.s32 @p1 $0x1;
	p0 =	seq.s32 s7, s2  }
0x1e: {  	s7 =	smul.u32 @!p0 $0xF7A, s2;
	p2 =	seq.s32 @!p0 s5, $0x0  }
0x1f: {  	s9 =	smul.u32 $0xF7A, s1;
	s8 =	simm.s32 @!p0 $0x1BF5;
	p2 =	por !p2, p0  }
0x20: {  	[sflag:s8] =	ssyncset.s32 @!p0 $0xFFFFF086;
	s6 =	sadd.s32 @!p0 s3, s7;
	s7 =	simm.s32 @!p0 $0x108  }
0x21: {  	s3 =	sadd.s32 s3, s9;
	s6 =	sadd.s32 @!p0 $0x88, s6;
	s7 =	simm.s32 @p2 $0x1082  }
0x22: {  	[simem:s7], [sflag:s8] =	dma.local @!p0 [hbm:s6], $0xF7A  }
0x23: {  	s9 =	sor.u32 $0xD0000000, s2;
	s6 =	simm.s32 $0x108;
	_ =	swait.ge @!p0 [sflag:s8], $0x0  }
0x24: {  	s3 =	sadd.s32 $0x88, s3;
	s6 =	simm.s32 @!p1 $0x1082;
	[sflag:s4] =	ssyncset.s32 $0xFFFFF086  }
0x25: {  	[simem:s6], [sflag:s4] =	dma.local [hbm:s3], $0xF7A  }
0x26: {  	[smem:$0x3F99] =	sst s1;
	(tag) =	ssettag s2;
	_ =	strace s9  }
0x27: {  	s1 =	sld [smem:$0x3FA9]  }
0x28: {  	s2 =	sld [smem:$0x3FAA]  }
0x29: {  	s4 =	sld [smem:$0x3FAC]  }
0x2a: {  	p0 =	seq.s32 s5, $0x0;
	s5 =	sld [smem:$0x3FAD]  }
0x2b: {  	s6 =	sld [smem:$0x3FAE]  }
0x2c: {  	s7 =	sld [smem:$0x3FAF]  }
0x2d: {  	s3 =	simm.s32 $0x108;
	s8 =	sld [smem:$0x3FB0]  }
0x2e: {  	s3 =	simm.s32 @!p0 $0x1082;
	s9 =	sld [smem:$0x3FB1]  }
0x2f: {  	lr =	sadd.s32 s0, s3;
	s0 =	sld [smem:$0x3FA8]  }
0x30: {  	s3 =	sld [smem:$0x3FAB]  }
0x31: {  	[smem:$0x3FB4] =	sst s10  }
0x32: {  	s10 =	sld [smem:$0x3FB2];
	_ =	sdelay $0x3  }
0x33: {  	p0 =	seq.s32 s10, $0x1;
	s10 =	sld [smem:$0x3FB4];
	_ =	sdelay $0x3  }
0x34: {  	[smem:$0x3FB4] =	sst s10  }
0x35: {  	s10 =	sld [smem:$0x3FB3];
	_ =	sdelay $0x3  }
0x36: {  	p1 =	seq.s32 s10, $0x1;
	s10 =	sld [smem:$0x3FB4];
	_ =	sdelay $0x3  }
0x37: {  	[smem:$0x3FB4] =	sst s10  }
0x38: {  	s10 =	sld [smem:$0x3FB5]  }
0x39: {  	_ = 	snop;
	(pc) =	sbr.ind lr, $3  }
0x3a: {  	_ = 	snop  }
0x3b: {  	_ = 	snop  }
0x3c: {  	p2 =	seq.s32 s10, $0x1;
	s10 =	sld [smem:$0x3FB4]  }
0x3d: {  	_ =	shalt  }
0x3e: {  	_ =	shalt  }
0x3f: {  	_ =	shalt  }
0x40: {  	_ =	shalt  }
0x41: {  	_ =	shalt  }
0x42: {  	_ =	shalt  }
0x43: {  	_ =	shalt  }
0x44: {  	_ =	shalt  }
0x45: {  	_ =	shalt  }
0x46: {  	_ =	shalt  }
0x47: {  	_ =	shalt  }
0x48: {  	_ =	shalt  }
0x49: {  	_ =	shalt  }
0x4a: {  	_ =	shalt  }
0x4b: {  	_ =	shalt  }
0x4c: {  	_ =	shalt  }
0x4d: {  	_ =	shalt  }
0x4e: {  	_ =	shalt  }
0x4f: {  	_ =	shalt  }
0x50: {  	_ =	shalt  }
0x51: {  	_ =	shalt  }
0x52: {  	_ =	shalt  }
0x53: {  	_ =	shalt  }
0x54: {  	_ =	shalt  }
0x55: {  	_ =	shalt  }
0x56: {  	_ =	shalt  }
0x57: {  	_ =	shalt  }
0x58: {  	_ =	shalt  }
0x59: {  	_ =	shalt  }
0x5a: {  	_ =	shalt  }
0x5b: {  	_ =	shalt  }
0x5c: {  	_ =	shalt  }
0x5d: {  	_ =	shalt  }
0x5e: {  	_ =	shalt  }
0x5f: {  	_ =	shalt  }
0x60: {  	_ =	shalt  }
0x61: {  	_ =	shalt  }
0x62: {  	_ =	shalt  }
0x63: {  	_ =	shalt  }
0x64: {  	_ =	shalt  }
0x65: {  	_ =	shalt  }
0x66: {  	_ =	shalt  }
0x67: {  	_ =	shalt  }
0x68: {  	_ =	shalt  }
0x69: {  	_ =	shalt  }
0x6a: {  	_ =	shalt  }
0x6b: {  	_ =	shalt  }
0x6c: {  	_ =	shalt  }
0x6d: {  	_ =	shalt  }
0x6e: {  	_ =	shalt  }
0x6f: {  	_ =	shalt  }
0x70: {  	_ =	shalt  }
0x71: {  	_ =	shalt  }
0x72: {  	_ =	shalt  }
0x73: {  	_ =	shalt  }
0x74: {  	_ =	shalt  }
0x75: {  	_ =	shalt  }
0x76: {  	_ =	shalt  }
0x77: {  	_ =	shalt  }
0x78: {  	_ =	shalt  }
0x79: {  	_ =	shalt  }
0x7a: {  	_ =	shalt  }
0x7b: {  	_ =	shalt  }
0x7c: {  	_ =	shalt  }
0x7d: {  	_ =	shalt  }
0x7e: {  	_ =	shalt  }
0x7f: {  	_ =	shalt  }
0x80: {  	_ =	shalt  }
0x81: {  	_ =	shalt  }
0x82: {  	_ =	shalt  }
0x83: {  	_ =	shalt  }
0x84: {  	_ =	shalt  }
0x85: {  	_ =	shalt  }
0x86: {  	_ =	shalt  }
0x87: {  	_ =	shalt  }
.Lfunc_end0:
.L_simem_size_0:
called_computation.2_lowered:
.L_overlay_start_0:
0x88: {  	s2 =	sld [smem:$0x3FD9]  }
0x89: {  	s3 =	sld [smem:$0x3FFE];
	_ =	sdelay $0x1  }
0x8a: {  	s1 =	srdreg.scid  }
0x8b: {  	s0 =	sand.u32 $0x1, s1  }
0x8c: {  	s17 =	sshll.u32 s0, $0xA;
	s2 =	sadd.s32 s3, s2  }
0x8d: {  	s2 =	sadd.s32 s2, s17  }
0x8e: {  	[smem:$0x3FC0] =	sst s2  }
0x8f: {  	_ = 	snop  }
0x90: {  	s2 =	sld [smem:$0x3FD0];
	(tm) =	ssettm $0x1  }
0x91: {  	s18 =	sld [smem:$0x3FFB];
	_ =	sdelay $0x3  }
0x92: {  	_ =	strace s18  }
0x93: {  	s3 =	sld [smem:$0x3FFC];
	_ =	sdelay $0x3  }
0x94: {  	_ =	strace s3  }
0x95: {  	s3 =	sld [smem:$0x3FFD];
	_ =	sdelay $0x3  }
0x96: {  	_ =	strace s3  }
0x97: {  	_ =	strace $0x8FFFFFFF  }
0x98: {  	s19 =	sld [smem:$0x3FDB];
	_ =	sdelay $0x1  }
0x99: {  	s4 =	simm.s32 $_scs_section_size  }
0x9a: {  	s5 =	simm.s32 $_size__tile_overlayer_lowered;
	s6 =	simm.s32 $_tile_overlayer_lowered  }
0x9b: {  	s22 =	simm.s32 $0x1BFF;
	s21 =	sshll.u32 s6, $0x1;
	s3 =	sadd.s32 s4, s19  }
0x9c: {  	s7 =	simm.s32 $0x0;
	s20 =	sshll.u32 s5, $0x1;
	s5 =	sadd.s32 s21, s3  }
0x9d: {  	[timem:s7], [sflag:s22] =	dma.local [hbm:s5], s20  }
0x9e: {  	_ =	swait.ge [sflag:s22], s20  }
0x9f: {  	s4 =	ssub.s32 $0x0, s20;
	[sflag:s22] =	ssyncset.done $0x0  }
0xa0: {  	[sflag:s22] =	ssyncadd.s32 s4;
	_ =	sdelay $0x1  }
0xa1: {  	s23 =	simm.s32 $0x1B8B  }
0xa2: {  	_ =	swait.ge [sflag:s23], $0x1  }
0xa3: {  	[sflag:s23] =	ssyncset.done $0x0  }
0xa4: {  	s25 =	simm.s32 $0x1B8E;
	s24 =	sld [smem:$0x3FFE];
	[sflag:s23] =	ssyncadd.s32 $0xFFFFFFFF  }
0xa5: {  	s26 =	simm.s32 $execute0_lowered;
	[smem:$0x3FD2] =	sst s25  }
0xa6: {  	s5 =	sshll.u32 s26, $0x1;
	_ =	strace $0x8000004C;
	[dreg:$0x1] =	wrdreg $0xFFFFFFFF  }
0xa7: {  	s28 =	simm.s32 $_size_execute0_lowered;
	s3 =	sadd.s32 s3, s5;
	[dreg:$0x0] =	wrdreg $0x0  }
0xa8: {  	s5 =	sshll.u32 s28, $0x1;
	[dreg:$0x2] =	wrdreg s3  }
0xa9: {  	[dreg:$0x3] =	wrdreg s5  }
0xaa: {  	[dreg:$0x4] =	wrdreg $0xC0  }
0xab: {  	_ =	task [dreg:s7], $0x5FFFF  }
0xac: {  	[dreg:$0x1] =	wrdreg $0xFFFFFFFF  }
0xad: {  	[dreg:$0x0] =	wrdreg $0x60  }
0xae: {  	[dreg:$0x2] =	wrdreg s24  }
0xaf: {  	[dreg:$0x3] =	wrdreg s2  }
0xb0: {  	[dreg:$0x4] =	wrdreg $0x8B000  }
0xb1: {  	[dreg:$0x5] =	wrdreg $0x3B000  }
0xb2: {  	[dreg:$0x6] =	wrdreg $0x9  }
0xb3: {  	_ =	task.clear_ibuf [dreg:s7], $0x7FFFF;
	_ =	strace $0x9000004C  }
0xb4: {  	s29 =	simm.s32 $0x9;
	_ =	strace $0x8000004E  }
0xb5: {  	_ =	swait.ge [sflag:s29], $0x1  }
0xb6: {  	[sflag:s29] =	ssyncadd.s32 $0xFFFFFFFF  }
0xb7: {  	_ =	strace $0x9000004E  }
0xb8: {  	_ =	sfence  }
0xb9: {  	s30 =	sld [smem:$0x0];
	_ =	sdelay $0x2  }
0xba: {  	s31 =	sshll.u32 s1, $0xD;
	s1 =	sshrl.u32 s1, $0x2  }
0xbb: {  	s3 =	sand.u32 $0x4000, s31;
	s1 =	sadd.s32 s1, s30  }
0xbc: {  	s0 =	sor.u32 s3, s0;
	s1 =	sshll.u32 s1, $0x11  }
0xbd: {  	s0 =	sor.u32 s1, s0  }
0xbe: {  	s0 =	sadd.s32 $0x8F2B, s0  }
0xbf: {  	[sflag:s0] =	ssyncadd.remote.s32 $0x1  }
0xc0: {  	_ =	sfence.sel $0xFFFF  }
0xc1: {  	[dreg:$0x0] =	wrdreg $0xFFFFFFFF;
	(pc) =	sbr.abs _section_cstart, $3  }
0xc2: {  	[dreg:$0x1] =	wrdreg $0xFFFFFFFF  }
0xc3: {  	_ =	task.clear_ibuf [dreg:s7], $0x2FFFF;
	_ =	strace $0x9FFFFFFF  }
0xc4: {  	(tm) =	ssettm $0x7FFFFFFF  }
0xc5: {  	_ =	shalt  }
tec
execute0_lowered:
.L_overlay_start_1:
0x0: {  	(tag) =	ssettag $0x1  }
0x1: {  	s0 =	rddreg [dreg:$0x0]  }
0x2: {  	s1 =	rddreg [dreg:$0x1]  }
0x3: {  	s2 =	rddreg [dreg:$0x2]  }
0x4: {  	s3 =	rddreg [dreg:$0x3]  }
0x5: {  	s5 =	srdreg.scid;
	s13 =	stileid.u32  }
0x6: {  	s4 =	simm.s32 $0x0;
	s29 =	simm.s32 $0x3300;
	s7 =	smul.u32 $0x5000, s13  }
0x7: {  	s30 =	simm.s32 $0xD;
	s31 =	simm.s32 $0x180;
	s8 =	smul.u32 $0x14000, s13  }
0x8: {  	s6 =	sand.u32 $0x1, s5;
	[smem:$0x7FF] =	sst s4;
	s15 =	smul.u32 $0xA00, s13  }
0x9: {  	s9 =	sadd.s32 $0x35600, s0;
	s5 =	smul.u32 $0x50000, s6;
	_ =	strace $0x8000004D  }
0xa: {  	s10 =	ssub.s32 $0x2, s6;
	s20 =	sshrl.u32 s7, $0x3;
	s19 =	sadd.s32 s15, s1  }
0xb: {  	s11 =	sshrl.u32 s10, $0x1;
	s21 =	sadd.s32 s9, s20;
	[dreg:$0x5] =	wrdreg s19  }
0xc: {  	s22 =	sadd.s32 s1, s20;
	s23 =	sor.u32 $0x10, s20;
	[dreg:$0x8] =	wrdreg s21  }
0xd: {  	s10 =	ssub.s32 s10, s11;
	[dreg:$0x9] =	wrdreg s22;
	s14 =	sadd.s32 s9, s23  }
0xe: {  	s24 =	sor.u32 $0x20, s20;
	s11 =	sadd.s32 s1, s23;
	[dreg:$0xa] =	wrdreg s14  }
0xf: {  	s26 =	sor.u32 $0x30, s20;
	s25 =	sadd.s32 s9, s24;
	[dreg:$0xb] =	wrdreg s11  }
0x10: {  	p0 =	seq.s32 s6, $0x1;
	s28 =	sadd.s32 s9, s26;
	[dreg:$0xc] =	wrdreg s25  }
0x11: {  	s8 =	sshrl.u32 s8, $0x2;
	s10 =	smax.u32 s10, $0x1;
	[dreg:$0xe] =	wrdreg s28  }
0x12: {  	s6 =	sadd.s32 s7, s3;
	s21 =	sadd.s32 s15, s9;
	[dreg:$0x11] =	wrdreg s10  }
0x13: {  	s5 =	sadd.s32 s7, s5;
	s11 =	sadd.s32 s1, s24;
	[dreg:$0x6] =	wrdreg s21  }
0x14: {  	s7 =	sadd.s32 s7, s2;
	s24 =	sshrl.u32 s6, $0x3;
	[dreg:$0xd] =	wrdreg s11  }
0x15: {  	s5 =	sshrl.u32 s5, $0x3;
	s25 =	sshrl.u32 s7, $0x3;
	[dreg:$0x1a] =	wrdreg s24  }
0x16: {  	s12 =	sadd.s32 s5, s0;
	s5 =	sadd.s32 s8, s2;
	[dreg:$0x1b] =	wrdreg s25  }
0x17: {  	s13 =	simm.s32 $0x5;
	s11 =	sadd.s32 s1, s26;
	[dreg:$0x7] =	wrdreg s5  }
0x18: {  	s19 =	simm.s32 $0x2300;
	s12 =	sadd.s32 $0x99600, s12;
	[dreg:$0xf] =	wrdreg s11  }
0x19: {  	s9 =	simm.s32 $0x7;
	s14 =	sadd.s32 $0x800, s5;
	[dreg:$0x10] =	wrdreg s12  }
0x1a: {  	s15 =	simm.s32 $0x8;
	s16 =	sadd.s32 $0x1000, s5;
	[dreg:$0x12] =	wrdreg s14  }
0x1b: {  	s10 =	simm.s32 $0x2B600;
	s17 =	sadd.s32 $0x1800, s5;
	[dreg:$0x13] =	wrdreg s16  }
0x1c: {  	s6 =	simm.s32 $0x1;
	s18 =	sadd.s32 $0x2000, s5;
	[dreg:$0x14] =	wrdreg s17  }
0x1d: {  	s7 =	simm.s32 $0x4;
	s22 =	sadd.s32 $0x3000, s5;
	[dreg:$0x16] =	wrdreg s18  }
0x1e: {  	s8 =	simm.s32 $0x300;
	s23 =	sadd.s32 $0x3800, s5;
	[dreg:$0x18] =	wrdreg s22  }
0x1f: {  	s21 =	simm.s32 $0xB;
	s26 =	sadd.s32 $0x4000, s5;
	[dreg:$0x19] =	wrdreg s23  }
0x20: {  	s10 =	simm.s32 @!p0 $0x8F600;
	s28 =	sadd.s32 $0x4800, s5;
	[dreg:$0x1c] =	wrdreg s26  }
0x21: {  	s1 =	simm.s32 $0x200;
	s0 =	sadd.s32 s10, s0;
	[dreg:$0x1d] =	wrdreg s28  }
0x22: {  	s10 =	simm.s32 $0x100;
	s11 =	simm.s32 $0x280;
	s12 =	simm.s32 $0x2  }
0x23: {  	s14 =	simm.s32 $0x1300;
	s16 =	simm.s32 $0xA;
	s17 =	simm.s32 $0x3  }
0x24: {  	s18 =	simm.s32 $0x6;
	s22 =	simm.s32 $0xC;
	s0 =	sadd.s32 s0, s20  }
0x25: {  	s23 =	simm.s32 $0x0;
	s20 =	sadd.s32 $0x2800, s5;
	[dreg:$0x15] =	wrdreg s0  }
0x26: {  	v0 =	vimm.f32 $0.0e+00;
	[dreg:$0x17] =	wrdreg s20;
	s0 =	simm.s32 $0x80;
	s20 =	simm.s32 $0x9  }
.LBB2_1:
0x27: {  	s24 =	simm.s32 $0x80;
	s25 =	simm.s32 $0x0  }
.LBB2_2:
0x28: {  	p0 =	sne.s32 s24, $0x1F80;
	[tilespmem:s25+$0x3300] =	vst v0;
	s26 =	smov.u32 s24;
	s24 =	sadd.s32 $0x80, s24  }
.Ltmp0:
0x29: {  	[tilespmem:s25+$0x3310] =	vst v0;
	(pc) =	sbr.rel @p0 .LBB2_2-.Ltmp0, $2  }
0x2a: {  	_ =	sdelay $0x2  }
0x2b: {  	s25 =	sshra.s32 s26, $0x2  }
0x2c: {  	[tilespmem:s25+$0x3300] =	vst v0  }
0x2d: {  	[tilespmem:s25+$0x3310] =	vst v0;
	s5 =	rddreg [dreg:$0x7]  }
0x2e: {  	[spmem:s5] =	stream.linear.scatter [tilespmem:s29], [sflag:$0xD], $0x800, $0x38;
	[tilespmem:$0xDB00] =	vst v63  }
0x2f: {  	_ =	swait.ge [sflag:s30], $0x800  }
0x30: {  	[sflag:s30] =	ssyncset.done $0x0  }
0x31: {  	s26 =	rddreg [dreg:$0x12];
	[sflag:s30] =	ssyncadd.s32 $0xFFFFF800  }
0x32: {  	[spmem:s26] =	stream.linear.scatter [tilespmem:s29], [sflag:$0xD], $0x800, $0x38;
	[tilespmem:$0xDB00] =	vst v63  }
0x33: {  	_ =	swait.ge [sflag:s30], $0x800  }
0x34: {  	[sflag:s30] =	ssyncset.done $0x0  }
0x35: {  	s28 =	rddreg [dreg:$0x13];
	[sflag:s30] =	ssyncadd.s32 $0xFFFFF800  }
0x36: {  	[spmem:s28] =	stream.linear.scatter [tilespmem:s29], [sflag:$0xD], $0x800, $0x38;
	[tilespmem:$0xDB00] =	vst v63  }
0x37: {  	_ =	swait.ge [sflag:s30], $0x800  }
0x38: {  	[sflag:s30] =	ssyncset.done $0x0  }
0x39: {  	s24 =	rddreg [dreg:$0x14];
	[sflag:s30] =	ssyncadd.s32 $0xFFFFF800  }
0x3a: {  	[spmem:s24] =	stream.linear.scatter [tilespmem:s29], [sflag:$0xD], $0x800, $0x38;
	[tilespmem:$0xDB00] =	vst v63  }
0x3b: {  	_ =	swait.ge [sflag:s30], $0x800  }
0x3c: {  	[sflag:s30] =	ssyncset.done $0x0  }
0x3d: {  	s25 =	rddreg [dreg:$0x16];
	[sflag:s30] =	ssyncadd.s32 $0xFFFFF800  }
0x3e: {  	[spmem:s25] =	stream.linear.scatter [tilespmem:s29], [sflag:$0xD], $0x800, $0x38;
	[tilespmem:$0xDB00] =	vst v63  }
0x3f: {  	_ =	swait.ge [sflag:s30], $0x800  }
0x40: {  	[sflag:s30] =	ssyncset.done $0x0  }
0x41: {  	s26 =	rddreg [dreg:$0x17];
	[sflag:s30] =	ssyncadd.s32 $0xFFFFF800  }
0x42: {  	[spmem:s26] =	stream.linear.scatter [tilespmem:s29], [sflag:$0xD], $0x800, $0x38;
	[tilespmem:$0xDB00] =	vst v63  }
0x43: {  	_ =	swait.ge [sflag:s30], $0x800  }
0x44: {  	[sflag:s30] =	ssyncset.done $0x0  }
0x45: {  	s28 =	rddreg [dreg:$0x18];
	[sflag:s30] =	ssyncadd.s32 $0xFFFFF800  }
0x46: {  	[spmem:s28] =	stream.linear.scatter [tilespmem:s29], [sflag:$0xD], $0x800, $0x38;
	[tilespmem:$0xDB00] =	vst v63  }
0x47: {  	_ =	swait.ge [sflag:s30], $0x800  }
0x48: {  	[sflag:s30] =	ssyncset.done $0x0  }
0x49: {  	s24 =	rddreg [dreg:$0x19];
	[sflag:s30] =	ssyncadd.s32 $0xFFFFF800  }
0x4a: {  	[spmem:s24] =	stream.linear.scatter [tilespmem:s29], [sflag:$0xD], $0x800, $0x38;
	[tilespmem:$0xDB00] =	vst v63  }
0x4b: {  	_ =	swait.ge [sflag:s30], $0x800  }
0x4c: {  	[sflag:s30] =	ssyncset.done $0x0  }
0x4d: {  	s25 =	rddreg [dreg:$0x1c];
	[sflag:s30] =	ssyncadd.s32 $0xFFFFF800  }
0x4e: {  	[spmem:s25] =	stream.linear.scatter [tilespmem:s29], [sflag:$0xD], $0x800, $0x38;
	[tilespmem:$0xDB00] =	vst v63  }
0x4f: {  	s28 =	stileid.u32;
	_ =	swait.ge [sflag:s30], $0x800  }
0x50: {  	s24 =	sshll.u32 s28, $0x6;
	[sflag:s30] =	ssyncset.done $0x0  }
0x51: {  	s24 =	sor.u32 $0x1C0D, s24;
	s26 =	rddreg [dreg:$0x1d];
	[sflag:s30] =	ssyncadd.s32 $0xFFFFF800  }
0x52: {  	[spmem:s26] =	stream.linear.scatter [tilespmem:s29], [sflag:$0xD], $0x800, $0x38;
	[tilespmem:$0xDB00] =	vst v63  }
0x53: {  	_ =	swait.ge [sflag:s30], $0x800;
	[dreg:$0x1e] =	wrdreg s24  }
0x54: {  	[sflag:s30] =	ssyncset.done $0x0;
	s26 =	rddreg [dreg:$0x15]  }
0x55: {  	s28 =	rddreg [dreg:$0x1a];
	[sflag:s30] =	ssyncadd.s32 $0xFFFFF800  }
0x56: {  	[spmem:s28], [sflag:s24] =	dma.local [hbm:s26], $0xA00  }
0x57: {  	_ =	swait.ge [sflag:s30], $0xA00  }
0x58: {  	[sflag:s30] =	ssyncset.done $0x0  }
0x59: {  	[sflag:s30] =	ssyncadd.s32 $0xFFFFF600  }
0x5a: {  	[bflag:$0x0] =	sbarrier.arrive $0xFFFF  }
0x5b: {  	s25 =	simm.s32 $0x0;
	s26 =	rddreg [dreg:$0x8]  }
0x5c: {  	[tilespmem:s25], [sflag:$0x1] =	stream.linear.gather [hbm4b:s26+s25], $0x80, $0x38;
	[tilespmem:$0xDB00] =	vst v63  }
0x5d: {  	s28 =	rddreg [dreg:$0x9]  }
0x5e: {  	[tilespmem:s31], [sflag:$0x4] =	stream.linear.gather [hbm4b:s28+s25], $0x80, $0x38;
	[tilespmem:$0xDB00] =	vst v63  }
0x5f: {  	s24 =	rddreg [dreg:$0xa]  }
0x60: {  	[tilespmem:s0], [sflag:$0x2] =	stream.linear.gather [hbm4b:s24+s25], $0x80, $0x38;
	[tilespmem:$0xDB00] =	vst v63  }
0x61: {  	s26 =	rddreg [dreg:$0xb]  }
0x62: {  	[tilespmem:s1], [sflag:$0x5] =	stream.linear.gather [hbm4b:s26+s25], $0x80, $0x38;
	[tilespmem:$0xDB00] =	vst v63  }
0x63: {  	_ =	swait.ge [sflag:s6], $0x80  }
0x64: {  	[sflag:s6] =	ssyncset.done $0x0  }
0x65: {  	[sflag:s6] =	ssyncadd.s32 $0xFFFFFF80  }
0x66: {  	_ =	swait.ge [sflag:s7], $0x80  }
0x67: {  	[sflag:s7] =	ssyncset.done $0x0  }
0x68: {  	[sflag:s7] =	ssyncadd.s32 $0xFFFFFF80  }
0x69: {  	[tilespmem:s8], [sflag:$0x7] =	stream.indirect.gather [spmem:s3], $0x20, s25, s0, $0xb8;
	[tilespmem:$0xDB00] =	vst v63  }
0x6a: {  	_ =	swait.ge [sflag:s9], $0x1000  }
0x6b: {  	[sflag:s9] =	ssyncset.done $0x0  }
0x6c: {  	[sflag:s9] =	ssyncadd.s32 $0xFFFFF000  }
0x6d: {  	[spmem:s2] =	stream.indirect.scatter.add.f32 [tilespmem:s8], [sflag:$0xA], $0x20, s31, s0, $0xb8;
	[tilespmem:$0xDB00] =	vst v63  }
0x6e: {  	s28 =	rddreg [dreg:$0xc]  }
0x6f: {  	[tilespmem:s10], [sflag:$0x3] =	stream.linear.gather [hbm4b:s28+s25], $0x80, $0x38;
	[tilespmem:$0xDB00] =	vst v63  }
0x70: {  	s24 =	rddreg [dreg:$0xd]  }
0x71: {  	[tilespmem:s11], [sflag:$0x6] =	stream.linear.gather [hbm4b:s24+s25], $0x80, $0x38;
	[tilespmem:$0xDB00] =	vst v63  }
0x72: {  	_ =	swait.ge [sflag:s12], $0x80  }
0x73: {  	[sflag:s12] =	ssyncset.done $0x0  }
0x74: {  	[sflag:s12] =	ssyncadd.s32 $0xFFFFFF80  }
0x75: {  	_ =	swait.ge [sflag:s13], $0x80  }
0x76: {  	[sflag:s13] =	ssyncset.done $0x0  }
0x77: {  	[sflag:s13] =	ssyncadd.s32 $0xFFFFFF80  }
0x78: {  	[tilespmem:s14], [sflag:$0x8] =	stream.indirect.gather [spmem:s3], $0x20, s0, s0, $0xb8;
	[tilespmem:$0xDB00] =	vst v63  }
0x79: {  	_ =	swait.ge [sflag:s15], $0x1000  }
0x7a: {  	[sflag:s15] =	ssyncset.done $0x0  }
0x7b: {  	[sflag:s15] =	ssyncadd.s32 $0xFFFFF000  }
0x7c: {  	[spmem:s2] =	stream.indirect.scatter.add.f32 [tilespmem:s14], [sflag:$0xB], $0x20, s1, s0, $0xb8;
	[tilespmem:$0xDB00] =	vst v63  }
0x7d: {  	_ =	swait.ge [sflag:s16], $0x1000  }
0x7e: {  	[sflag:s16] =	ssyncset.done $0x0  }
0x7f: {  	s26 =	rddreg [dreg:$0xe];
	[sflag:s16] =	ssyncadd.s32 $0xFFFFF000  }
0x80: {  	[tilespmem:s25], [sflag:$0x1] =	stream.linear.gather [hbm4b:s26+s25], $0x80, $0x38;
	[tilespmem:$0xDB00] =	vst v63  }
0x81: {  	s28 =	rddreg [dreg:$0xf]  }
0x82: {  	[tilespmem:s31], [sflag:$0x4] =	stream.linear.gather [hbm4b:s28+s25], $0x80, $0x38;
	[tilespmem:$0xDB00] =	vst v63  }
0x83: {  	_ =	swait.ge [sflag:s17], $0x80  }
0x84: {  	[sflag:s17] =	ssyncset.done $0x0  }
0x85: {  	[sflag:s17] =	ssyncadd.s32 $0xFFFFFF80  }
0x86: {  	_ =	swait.ge [sflag:s18], $0x80  }
0x87: {  	[sflag:s18] =	ssyncset.done $0x0  }
0x88: {  	[sflag:s18] =	ssyncadd.s32 $0xFFFFFF80  }
0x89: {  	[tilespmem:s19], [sflag:$0x9] =	stream.indirect.gather [spmem:s3], $0x20, s10, s0, $0xb8;
	[tilespmem:$0xDB00] =	vst v63  }
0x8a: {  	_ =	swait.ge [sflag:s20], $0x1000  }
0x8b: {  	[sflag:s20] =	ssyncset.done $0x0  }
0x8c: {  	[sflag:s20] =	ssyncadd.s32 $0xFFFFF000  }
0x8d: {  	[spmem:s2] =	stream.indirect.scatter.add.f32 [tilespmem:s19], [sflag:$0xC], $0x20, s11, s0, $0xb8;
	[tilespmem:$0xDB00] =	vst v63  }
0x8e: {  	_ =	swait.ge [sflag:s21], $0x1000  }
0x8f: {  	s5 =	rddreg [dreg:$0x6]  }
0x90: {  	s26 =	rddreg [dreg:$0x5];
	[sflag:s21] =	ssyncset.done $0x0;
	s25 =	sadd.s32 $0x0, s5  }
0x91: {  	[sflag:s21] =	ssyncadd.s32 $0xFFFFF000;
	s26 =	sadd.s32 $0x0, s26;
	s28 =	sadd.s32 $0x40, s25  }
0x92: {  	[tilespmem:s0], [sflag:$0x2] =	stream.linear.gather [hbm4b:s28+s4], $0x80, $0x38;
	[tilespmem:$0xDB00] =	vst v63  }
0x93: {  	s24 =	sadd.s32 $0x40, s26  }
0x94: {  	[tilespmem:s1], [sflag:$0x5] =	stream.linear.gather [hbm4b:s24+s4], $0x80, $0x38;
	[tilespmem:$0xDB00] =	vst v63  }
0x95: {  	_ =	swait.ge [sflag:s6], $0x80  }
0x96: {  	[sflag:s6] =	ssyncset.done $0x0  }
0x97: {  	[sflag:s6] =	ssyncadd.s32 $0xFFFFFF80  }
0x98: {  	_ =	swait.ge [sflag:s7], $0x80  }
0x99: {  	[sflag:s7] =	ssyncset.done $0x0  }
0x9a: {  	[sflag:s7] =	ssyncadd.s32 $0xFFFFFF80  }
0x9b: {  	[tilespmem:s8], [sflag:$0x7] =	stream.indirect.gather [spmem:s3], $0x20, s4, s0, $0xb8;
	[tilespmem:$0xDB00] =	vst v63  }
0x9c: {  	_ =	swait.ge [sflag:s9], $0x1000  }
0x9d: {  	[sflag:s9] =	ssyncset.done $0x0  }
0x9e: {  	[sflag:s9] =	ssyncadd.s32 $0xFFFFF000  }
0x9f: {  	[spmem:s2] =	stream.indirect.scatter.add.f32 [tilespmem:s8], [sflag:$0xA], $0x20, s31, s0, $0xb8;
	[tilespmem:$0xDB00] =	vst v63  }
0xa0: {  	_ =	swait.ge [sflag:s22], $0x1000  }
0xa1: {  	[sflag:s22] =	ssyncset.done $0x0  }
0xa2: {  	s5 =	sadd.s32 $0x50, s25;
	[sflag:s22] =	ssyncadd.s32 $0xFFFFF000  }
0xa3: {  	[tilespmem:s10], [sflag:$0x3] =	stream.linear.gather [hbm4b:s5+s4], $0x80, $0x38;
	[tilespmem:$0xDB00] =	vst v63  }
0xa4: {  	s24 =	sadd.s32 $0x50, s26  }
0xa5: {  	[tilespmem:s11], [sflag:$0x6] =	stream.linear.gather [hbm4b:s24+s4], $0x80, $0x38;
	[tilespmem:$0xDB00] =	vst v63  }
0xa6: {  	_ =	swait.ge [sflag:s12], $0x80  }
0xa7: {  	[sflag:s12] =	ssyncset.done $0x0  }
0xa8: {  	[sflag:s12] =	ssyncadd.s32 $0xFFFFFF80  }
0xa9: {  	_ =	swait.ge [sflag:s13], $0x80  }
0xaa: {  	[sflag:s13] =	ssyncset.done $0x0  }
0xab: {  	[sflag:s13] =	ssyncadd.s32 $0xFFFFFF80  }
0xac: {  	[tilespmem:s14], [sflag:$0x8] =	stream.indirect.gather [spmem:s3], $0x20, s0, s0, $0xb8;
	[tilespmem:$0xDB00] =	vst v63  }
0xad: {  	_ =	swait.ge [sflag:s15], $0x1000  }
0xae: {  	[sflag:s15] =	ssyncset.done $0x0  }
0xaf: {  	[sflag:s15] =	ssyncadd.s32 $0xFFFFF000  }
0xb0: {  	[spmem:s2] =	stream.indirect.scatter.add.f32 [tilespmem:s14], [sflag:$0xB], $0x20, s1, s0, $0xb8;
	[tilespmem:$0xDB00] =	vst v63  }
0xb1: {  	_ =	swait.ge [sflag:s16], $0x1000  }
0xb2: {  	[sflag:s16] =	ssyncset.done $0x0  }
0xb3: {  	s25 =	sadd.s32 $0x60, s25;
	[sflag:s16] =	ssyncadd.s32 $0xFFFFF000  }
0xb4: {  	[tilespmem:s4], [sflag:$0x1] =	stream.linear.gather [hbm4b:s25+s4], $0x80, $0x38;
	[tilespmem:$0xDB00] =	vst v63  }
0xb5: {  	s28 =	sadd.s32 $0x60, s26  }
0xb6: {  	[tilespmem:s31], [sflag:$0x4] =	stream.linear.gather [hbm4b:s28+s4], $0x80, $0x38;
	[tilespmem:$0xDB00] =	vst v63  }
0xb7: {  	_ =	swait.ge [sflag:s17], $0x80  }
0xb8: {  	[sflag:s17] =	ssyncset.done $0x0  }
0xb9: {  	[sflag:s17] =	ssyncadd.s32 $0xFFFFFF80  }
0xba: {  	_ =	swait.ge [sflag:s18], $0x80  }
0xbb: {  	s25 =	simm.s32 $0x30;
	[sflag:s18] =	ssyncset.done $0x0  }
.LBB2_4:
0xbc: {  	[sflag:s18] =	ssyncadd.s32 $0xFFFFFF80  }
0xbd: {  	[tilespmem:s19], [sflag:$0x9] =	stream.indirect.gather [spmem:s3], $0x20, s10, s0, $0xb8;
	[tilespmem:$0xDB00] =	vst v63  }
0xbe: {  	_ =	swait.ge [sflag:s20], $0x1000  }
0xbf: {  	[sflag:s20] =	ssyncset.done $0x0  }
0xc0: {  	[sflag:s20] =	ssyncadd.s32 $0xFFFFF000  }
0xc1: {  	[spmem:s2] =	stream.indirect.scatter.add.f32 [tilespmem:s19], [sflag:$0xC], $0x20, s11, s0, $0xb8;
	[tilespmem:$0xDB00] =	vst v63  }
0xc2: {  	_ =	swait.ge [sflag:s21], $0x1000  }
0xc3: {  	s28 =	smov.u32 s25;
	s26 =	rddreg [dreg:$0x6]  }
0xc4: {  	s5 =	rddreg [dreg:$0x5];
	[sflag:s21] =	ssyncset.done $0x0;
	s26 =	sadd.s32 s28, s26  }
0xc5: {  	[sflag:s21] =	ssyncadd.s32 $0xFFFFF000;
	s28 =	sadd.s32 s28, s5;
	s24 =	sadd.s32 $0x40, s26  }
0xc6: {  	[tilespmem:s0], [sflag:$0x2] =	stream.linear.gather [hbm4b:s24+s4], $0x80, $0x38;
	[tilespmem:$0xDB00] =	vst v63  }
0xc7: {  	s5 =	sadd.s32 $0x40, s28  }
0xc8: {  	[tilespmem:s1], [sflag:$0x5] =	stream.linear.gather [hbm4b:s5+s4], $0x80, $0x38;
	[tilespmem:$0xDB00] =	vst v63  }
0xc9: {  	_ =	swait.ge [sflag:s6], $0x80  }
0xca: {  	[sflag:s6] =	ssyncset.done $0x0  }
0xcb: {  	[sflag:s6] =	ssyncadd.s32 $0xFFFFFF80  }
0xcc: {  	_ =	swait.ge [sflag:s7], $0x80  }
0xcd: {  	[sflag:s7] =	ssyncset.done $0x0  }
0xce: {  	[sflag:s7] =	ssyncadd.s32 $0xFFFFFF80  }
0xcf: {  	[tilespmem:s8], [sflag:$0x7] =	stream.indirect.gather [spmem:s3], $0x20, s4, s0, $0xb8;
	[tilespmem:$0xDB00] =	vst v63  }
0xd0: {  	_ =	swait.ge [sflag:s9], $0x1000  }
0xd1: {  	[sflag:s9] =	ssyncset.done $0x0  }
0xd2: {  	[sflag:s9] =	ssyncadd.s32 $0xFFFFF000  }
0xd3: {  	[spmem:s2] =	stream.indirect.scatter.add.f32 [tilespmem:s8], [sflag:$0xA], $0x20, s31, s0, $0xb8;
	[tilespmem:$0xDB00] =	vst v63  }
0xd4: {  	_ =	swait.ge [sflag:s22], $0x1000  }
0xd5: {  	[sflag:s22] =	ssyncset.done $0x0  }
0xd6: {  	s5 =	sadd.s32 $0x50, s26;
	[sflag:s22] =	ssyncadd.s32 $0xFFFFF000  }
0xd7: {  	[tilespmem:s10], [sflag:$0x3] =	stream.linear.gather [hbm4b:s5+s4], $0x80, $0x38;
	[tilespmem:$0xDB00] =	vst v63  }
0xd8: {  	s24 =	sadd.s32 $0x50, s28  }
0xd9: {  	[tilespmem:s11], [sflag:$0x6] =	stream.linear.gather [hbm4b:s24+s4], $0x80, $0x38;
	[tilespmem:$0xDB00] =	vst v63  }
0xda: {  	_ =	swait.ge [sflag:s12], $0x80  }
0xdb: {  	[sflag:s12] =	ssyncset.done $0x0  }
0xdc: {  	[sflag:s12] =	ssyncadd.s32 $0xFFFFFF80  }
0xdd: {  	_ =	swait.ge [sflag:s13], $0x80  }
0xde: {  	[sflag:s13] =	ssyncset.done $0x0  }
0xdf: {  	[sflag:s13] =	ssyncadd.s32 $0xFFFFFF80  }
0xe0: {  	[tilespmem:s14], [sflag:$0x8] =	stream.indirect.gather [spmem:s3], $0x20, s0, s0, $0xb8;
	[tilespmem:$0xDB00] =	vst v63  }
0xe1: {  	_ =	swait.ge [sflag:s15], $0x1000  }
0xe2: {  	[sflag:s15] =	ssyncset.done $0x0  }
0xe3: {  	[sflag:s15] =	ssyncadd.s32 $0xFFFFF000  }
0xe4: {  	[spmem:s2] =	stream.indirect.scatter.add.f32 [tilespmem:s14], [sflag:$0xB], $0x20, s1, s0, $0xb8;
	[tilespmem:$0xDB00] =	vst v63  }
0xe5: {  	_ =	swait.ge [sflag:s16], $0x1000  }
0xe6: {  	[sflag:s16] =	ssyncset.done $0x0  }
0xe7: {  	s26 =	sadd.s32 $0x60, s26;
	[sflag:s16] =	ssyncadd.s32 $0xFFFFF000  }
0xe8: {  	[tilespmem:s4], [sflag:$0x1] =	stream.linear.gather [hbm4b:s26+s4], $0x80, $0x38;
	[tilespmem:$0xDB00] =	vst v63  }
0xe9: {  	p0 =	sne.s32 s25, $0x990;
	s28 =	sadd.s32 $0x60, s28  }
0xea: {  	[tilespmem:s31], [sflag:$0x4] =	stream.linear.gather [hbm4b:s28+s4], $0x80, $0x38;
	[tilespmem:$0xDB00] =	vst v63  }
.Ltmp1:
0xeb: {  	_ =	swait.ge [sflag:s17], $0x80;
	(pc) =	sbr.rel @p0 .LBB2_4-.Ltmp1, $4  }
0xec: {  	[sflag:s17] =	ssyncset.done $0x0  }
0xed: {  	[sflag:s17] =	ssyncadd.s32 $0xFFFFFF80  }
0xee: {  	_ =	swait.ge [sflag:s18], $0x80  }
0xef: {  	s25 =	sadd.s32 $0x30, s25;
	[sflag:s18] =	ssyncset.done $0x0  }
0xf0: {  	[sflag:s18] =	ssyncadd.s32 $0xFFFFFF80  }
0xf1: {  	[tilespmem:s19], [sflag:$0x9] =	stream.indirect.gather [spmem:s3], $0x20, s10, s0, $0xb8;
	[tilespmem:$0xDB00] =	vst v63  }
0xf2: {  	_ =	swait.ge [sflag:s20], $0x1000  }
0xf3: {  	[sflag:s20] =	ssyncset.done $0x0  }
0xf4: {  	[sflag:s20] =	ssyncadd.s32 $0xFFFFF000  }
0xf5: {  	[spmem:s2] =	stream.indirect.scatter.add.f32 [tilespmem:s19], [sflag:$0xC], $0x20, s11, s0, $0xb8;
	[tilespmem:$0xDB00] =	vst v63  }
0xf6: {  	_ =	swait.ge [sflag:s21], $0x1000  }
0xf7: {  	[sflag:s21] =	ssyncset.done $0x0  }
0xf8: {  	[sflag:s21] =	ssyncadd.s32 $0xFFFFF000  }
0xf9: {  	_ =	swait.ge [sflag:s6], $0x80  }
0xfa: {  	[sflag:s6] =	ssyncset.done $0x0  }
0xfb: {  	[sflag:s6] =	ssyncadd.s32 $0xFFFFFF80  }
0xfc: {  	_ =	swait.ge [sflag:s7], $0x80  }
0xfd: {  	[sflag:s7] =	ssyncset.done $0x0  }
0xfe: {  	[sflag:s7] =	ssyncadd.s32 $0xFFFFFF80  }
0xff: {  	[tilespmem:s8], [sflag:$0x7] =	stream.indirect.gather [spmem:s3], $0x20, s4, s0, $0xb8;
	[tilespmem:$0xDB00] =	vst v63  }
0x100: {  	_ =	swait.ge [sflag:s9], $0x1000  }
0x101: {  	[sflag:s9] =	ssyncset.done $0x0  }
0x102: {  	[sflag:s9] =	ssyncadd.s32 $0xFFFFF000  }
0x103: {  	[spmem:s2] =	stream.indirect.scatter.add.f32 [tilespmem:s8], [sflag:$0xA], $0x20, s31, s0, $0xb8;
	[tilespmem:$0xDB00] =	vst v63  }
0x104: {  	_ =	swait.ge [sflag:s22], $0x1000  }
0x105: {  	[sflag:s22] =	ssyncset.done $0x0  }
0x106: {  	[sflag:s22] =	ssyncadd.s32 $0xFFFFF000  }
0x107: {  	_ =	swait.ge [sflag:s16], $0x1000  }
0x108: {  	[sflag:s16] =	ssyncset.done $0x0  }
0x109: {  	[sflag:s16] =	ssyncadd.s32 $0xFFFFF000  }
0x10a: {  	[bflag:$0x0] =	sbarrier.arrive $0xFFFF  }
0x10b: {  	s5 =	rddreg [dreg:$0x10]  }
0x10c: {  	s24 =	rddreg [dreg:$0x1b]  }
0x10d: {  	s25 =	rddreg [dreg:$0x1e]  }
0x10e: {  	[hbm:s5], [sflag:s25] =	dma.local [spmem:s24], $0xA00  }
0x10f: {  	_ =	swait.ge [sflag:s30], $0xA00  }
0x110: {  	s23 =	sadd.s32 $0x1, s23;
	s28 =	rddreg [dreg:$0x11]  }
0x111: {  	p0 =	sne.s32 s23, s28  }
.Ltmp2:
0x112: {  	_ = 	snop;
	(pc) =	sbr.rel @p0 .LBB2_1-.Ltmp2, $3  }
0x113: {  	_ =	sdelay $0x1  }
0x114: {  	[sflag:s30] =	ssyncset.done $0x0  }
0x115: {  	[sflag:s30] =	ssyncadd.s32 $0xFFFFF600  }
0x116: {  	_ =	sfence.sel $0x180000  }
0x117: {  	[bflag:$0x0] =	sbarrier.arrive $0xFFFF  }
0x118: {  	_ =	strace $0x9000004D  }
0x119: {  	s0 =	stileid.u32;
	[bflag:$0x2] =	sbarrier.arrive $0xFFFF  }
0x11a: {  	p0 =	sne.s32 s0, $0x0;
	s0 =	rddreg [dreg:$0x4]  }
0x11b: {  	s0 =	sadd.s32 @!p0 $0x100000, s0  }
0x11c: {  	[sflag:s0] =	ssyncadd.tile.s32 @!p0 $0x1;
	_ =	shalt  }
.Lfunc_end2:
_tile_overlayer_lowered:
.L_overlay_start_2:
0x11d: {  	(tag) =	ssettag $0x2  }
0x11e: {  	s0 =	rddreg [dreg:$0x0];
	s2 =	stileid.u32  }
0x11f: {  	s1 =	rddreg [dreg:$0x1];
	p0 =	sne.s32 s2, $0x0  }
0x120: {  	s3 =	rddreg [dreg:$0x2];
	[bflag:$0x3] =	sbarrier.arrive $0xFFFF;
	s2 =	simm.s32 @!p0 $0x1C0D  }
0x121: {  	[timem:s3], [sflag:s2] =	dma.local @!p0 [hbm:s0], s1  }
0x122: {  	s0 =	simm.s32 @!p0 $0xD  }
0x123: {  	_ =	swait.ge @!p0 [sflag:s0], s1  }
0x124: {  	s1 =	ssub.s32 @!p0 $0x0, s1;
	[sflag:s0] =	ssyncset.done @!p0 $0x0  }
0x125: {  	[sflag:s0] =	ssyncadd.s32 @!p0 s1  }
0x126: {  	[bflag:$0x3] =	sbarrier.arrive $0xFFFF  }
0x127: {  	_ =	shalt  }

// kernel: kernel.19.cloned.1.call-start
scs
__scs_entry_jumppad:
0x0: {  	(pc) =	sbr.rel $0x88, $3  }
0x1: {  	(tag) =	ssettag $0x0;
	lr =	simm.s32 $0x1  }
0x2: {  	[smem:$0x3F99] =	sst lr;
	_ =	strace $0xD0000000  }
0x3: {  	_ = 	snop  }
0x4: {  	_ = 	snop  }
0x5: {  	_ = 	snop  }
0x6: {  	_ = 	snop  }
0x7: {  	_ = 	snop  }
__scs_overlays_trampoline_lowered:
0x8: {  	[smem:$0x3FA8] =	sst s0  }
0x9: {  	[smem:$0x3FA9] =	sst s1  }
0xa: {  	[smem:$0x3FAA] =	sst s2  }
0xb: {  	[smem:$0x3FAB] =	sst s3  }
0xc: {  	[smem:$0x3FAC] =	sst s4  }
0xd: {  	[smem:$0x3FAD] =	sst s5  }
0xe: {  	[smem:$0x3FAE] =	sst s6  }
0xf: {  	[smem:$0x3FAF] =	sst s7  }
0x10: {  	[smem:$0x3FB0] =	sst s8  }
0x11: {  	[smem:$0x3FB1] =	sst s9;
	s0 =	simm.s32 @!p0 $0x0  }
0x12: {  	s1 =	sld [smem:$0x3F97];
	s0 =	simm.s32 @p0 $0x1  }
0x13: {  	[smem:$0x3FB2] =	sst s0;
	s0 =	simm.s32 @!p1 $0x0  }
0x14: {  	s2 =	sld [smem:$0x3F96];
	s0 =	simm.s32 @p1 $0x1  }
0x15: {  	[smem:$0x3FB3] =	sst s0;
	s0 =	simm.s32 @!p2 $0x0  }
0x16: {  	s3 =	sld [smem:$0x3FDB];
	s0 =	simm.s32 @p2 $0x1  }
0x17: {  	s4 =	simm.s32 $0x1BF5;
	[smem:$0x3FB5] =	sst s0  }
0x18: {  	s0 =	sld [smem:$0x3F98];
	_ =	swait.ge [sflag:s4], $0x0  }
0x19: {  	s7 =	sld [smem:$0x3F99]  }
0x1a: {  	s8 =	sadd.s32 $0xFFFFE003, lr  }
0x1b: {  	s9 =	sadd.s32 $0xFFFFFEF7, lr;
	s5 =	simm.s32 $0xFFFFFFFF;
	p2 =	slt.u32 s8, $0xFFFFF086  }
0x1c: {  	p1 =	slt.u32 s9, $0xF7A;
	s5 =	simm.s32 @!p2 $0x0  }
0x1d: {  	s5 =	simm.s32 @p1 $0x1;
	p0 =	seq.s32 s7, s2  }
0x1e: {  	s7 =	smul.u32 @!p0 $0xF7A, s2;
	p2 =	seq.s32 @!p0 s5, $0x0  }
0x1f: {  	s9 =	smul.u32 $0xF7A, s1;
	s8 =	simm.s32 @!p0 $0x1BF5;
	p2 =	por !p2, p0  }
0x20: {  	[sflag:s8] =	ssyncset.s32 @!p0 $0xFFFFF086;
	s6 =	sadd.s32 @!p0 s3, s7;
	s7 =	simm.s32 @!p0 $0x108  }
0x21: {  	s3 =	sadd.s32 s3, s9;
	s6 =	sadd.s32 @!p0 $0x88, s6;
	s7 =	simm.s32 @p2 $0x1082  }
0x22: {  	[simem:s7], [sflag:s8] =	dma.local @!p0 [hbm:s6], $0xF7A  }
0x23: {  	s9 =	sor.u32 $0xD0000000, s2;
	s6 =	simm.s32 $0x108;
	_ =	swait.ge @!p0 [sflag:s8], $0x0  }
0x24: {  	s3 =	sadd.s32 $0x88, s3;
	s6 =	simm.s32 @!p1 $0x1082;
	[sflag:s4] =	ssyncset.s32 $0xFFFFF086  }
0x25: {  	[simem:s6], [sflag:s4] =	dma.local [hbm:s3], $0xF7A  }
0x26: {  	[smem:$0x3F99] =	sst s1;
	(tag) =	ssettag s2;
	_ =	strace s9  }
0x27: {  	s1 =	sld [smem:$0x3FA9]  }
0x28: {  	s2 =	sld [smem:$0x3FAA]  }
0x29: {  	s4 =	sld [smem:$0x3FAC]  }
0x2a: {  	p0 =	seq.s32 s5, $0x0;
	s5 =	sld [smem:$0x3FAD]  }
0x2b: {  	s6 =	sld [smem:$0x3FAE]  }
0x2c: {  	s7 =	sld [smem:$0x3FAF]  }
0x2d: {  	s3 =	simm.s32 $0x108;
	s8 =	sld [smem:$0x3FB0]  }
0x2e: {  	s3 =	simm.s32 @!p0 $0x1082;
	s9 =	sld [smem:$0x3FB1]  }
0x2f: {  	lr =	sadd.s32 s0, s3;
	s0 =	sld [smem:$0x3FA8]  }
0x30: {  	s3 =	sld [smem:$0x3FAB]  }
0x31: {  	[smem:$0x3FB4] =	sst s10  }
0x32: {  	s10 =	sld [smem:$0x3FB2];
	_ =	sdelay $0x3  }
0x33: {  	p0 =	seq.s32 s10, $0x1;
	s10 =	sld [smem:$0x3FB4];
	_ =	sdelay $0x3  }
0x34: {  	[smem:$0x3FB4] =	sst s10  }
0x35: {  	s10 =	sld [smem:$0x3FB3];
	_ =	sdelay $0x3  }
0x36: {  	p1 =	seq.s32 s10, $0x1;
	s10 =	sld [smem:$0x3FB4];
	_ =	sdelay $0x3  }
0x37: {  	[smem:$0x3FB4] =	sst s10  }
0x38: {  	s10 =	sld [smem:$0x3FB5]  }
0x39: {  	_ = 	snop;
	(pc) =	sbr.ind lr, $3  }
0x3a: {  	_ = 	snop  }
0x3b: {  	_ = 	snop  }
0x3c: {  	p2 =	seq.s32 s10, $0x1;
	s10 =	sld [smem:$0x3FB4]  }
0x3d: {  	_ =	shalt  }
0x3e: {  	_ =	shalt  }
0x3f: {  	_ =	shalt  }
0x40: {  	_ =	shalt  }
0x41: {  	_ =	shalt  }
0x42: {  	_ =	shalt  }
0x43: {  	_ =	shalt  }
0x44: {  	_ =	shalt  }
0x45: {  	_ =	shalt  }
0x46: {  	_ =	shalt  }
0x47: {  	_ =	shalt  }
0x48: {  	_ =	shalt  }
0x49: {  	_ =	shalt  }
0x4a: {  	_ =	shalt  }
0x4b: {  	_ =	shalt  }
0x4c: {  	_ =	shalt  }
0x4d: {  	_ =	shalt  }
0x4e: {  	_ =	shalt  }
0x4f: {  	_ =	shalt  }
0x50: {  	_ =	shalt  }
0x51: {  	_ =	shalt  }
0x52: {  	_ =	shalt  }
0x53: {  	_ =	shalt  }
0x54: {  	_ =	shalt  }
0x55: {  	_ =	shalt  }
0x56: {  	_ =	shalt  }
0x57: {  	_ =	shalt  }
0x58: {  	_ =	shalt  }
0x59: {  	_ =	shalt  }
0x5a: {  	_ =	shalt  }
0x5b: {  	_ =	shalt  }
0x5c: {  	_ =	shalt  }
0x5d: {  	_ =	shalt  }
0x5e: {  	_ =	shalt  }
0x5f: {  	_ =	shalt  }
0x60: {  	_ =	shalt  }
0x61: {  	_ =	shalt  }
0x62: {  	_ =	shalt  }
0x63: {  	_ =	shalt  }
0x64: {  	_ =	shalt  }
0x65: {  	_ =	shalt  }
0x66: {  	_ =	shalt  }
0x67: {  	_ =	shalt  }
0x68: {  	_ =	shalt  }
0x69: {  	_ =	shalt  }
0x6a: {  	_ =	shalt  }
0x6b: {  	_ =	shalt  }
0x6c: {  	_ =	shalt  }
0x6d: {  	_ =	shalt  }
0x6e: {  	_ =	shalt  }
0x6f: {  	_ =	shalt  }
0x70: {  	_ =	shalt  }
0x71: {  	_ =	shalt  }
0x72: {  	_ =	shalt  }
0x73: {  	_ =	shalt  }
0x74: {  	_ =	shalt  }
0x75: {  	_ =	shalt  }
0x76: {  	_ =	shalt  }
0x77: {  	_ =	shalt  }
0x78: {  	_ =	shalt  }
0x79: {  	_ =	shalt  }
0x7a: {  	_ =	shalt  }
0x7b: {  	_ =	shalt  }
0x7c: {  	_ =	shalt  }
0x7d: {  	_ =	shalt  }
0x7e: {  	_ =	shalt  }
0x7f: {  	_ =	shalt  }
0x80: {  	_ =	shalt  }
0x81: {  	_ =	shalt  }
0x82: {  	_ =	shalt  }
0x83: {  	_ =	shalt  }
0x84: {  	_ =	shalt  }
0x85: {  	_ =	shalt  }
0x86: {  	_ =	shalt  }
0x87: {  	_ =	shalt  }
.Lfunc_end0:
.L_simem_size_0:
called_computation.3_lowered:
.L_overlay_start_0:
0x88: {  	s2 =	sld [smem:$0x3FD9]  }
0x89: {  	s3 =	sld [smem:$0x3FFE];
	_ =	sdelay $0x1  }
0x8a: {  	s1 =	srdreg.scid  }
0x8b: {  	s0 =	sand.u32 $0x1, s1  }
0x8c: {  	s17 =	sshll.u32 s0, $0xA;
	s2 =	sadd.s32 s3, s2  }
0x8d: {  	s2 =	sadd.s32 s2, s17  }
0x8e: {  	[smem:$0x3FC0] =	sst s2  }
0x8f: {  	_ = 	snop  }
0x90: {  	s2 =	sld [smem:$0x3FD0];
	(tm) =	ssettm $0x1  }
0x91: {  	s18 =	sld [smem:$0x3FFB];
	_ =	sdelay $0x3  }
0x92: {  	_ =	strace s18  }
0x93: {  	s3 =	sld [smem:$0x3FFC];
	_ =	sdelay $0x3  }
0x94: {  	_ =	strace s3  }
0x95: {  	s3 =	sld [smem:$0x3FFD];
	_ =	sdelay $0x3  }
0x96: {  	_ =	strace s3  }
0x97: {  	_ =	strace $0x8FFFFFFF  }
0x98: {  	s19 =	sld [smem:$0x3FDB];
	_ =	sdelay $0x1  }
0x99: {  	s4 =	simm.s32 $_scs_section_size  }
0x9a: {  	s5 =	simm.s32 $_size__tile_overlayer_lowered;
	s6 =	simm.s32 $_tile_overlayer_lowered  }
0x9b: {  	s22 =	simm.s32 $0x1BFF;
	s21 =	sshll.u32 s6, $0x1;
	s3 =	sadd.s32 s4, s19  }
0x9c: {  	s7 =	simm.s32 $0x0;
	s20 =	sshll.u32 s5, $0x1;
	s5 =	sadd.s32 s21, s3  }
0x9d: {  	[timem:s7], [sflag:s22] =	dma.local [hbm:s5], s20  }
0x9e: {  	_ =	swait.ge [sflag:s22], s20  }
0x9f: {  	s4 =	ssub.s32 $0x0, s20;
	[sflag:s22] =	ssyncset.done $0x0  }
0xa0: {  	[sflag:s22] =	ssyncadd.s32 s4;
	_ =	sdelay $0x1  }
0xa1: {  	s23 =	simm.s32 $0x1B8B  }
0xa2: {  	_ =	swait.ge [sflag:s23], $0x1  }
0xa3: {  	[sflag:s23] =	ssyncset.done $0x0  }
0xa4: {  	s25 =	simm.s32 $0x1B8E;
	s24 =	sld [smem:$0x3FFE];
	[sflag:s23] =	ssyncadd.s32 $0xFFFFFFFF  }
0xa5: {  	s26 =	simm.s32 $execute0_lowered;
	[smem:$0x3FD2] =	sst s25  }
0xa6: {  	s5 =	sshll.u32 s26, $0x1;
	_ =	strace $0x8000004F;
	[dreg:$0x1] =	wrdreg $0xFFFFFFFF  }
0xa7: {  	s28 =	simm.s32 $_size_execute0_lowered;
	s3 =	sadd.s32 s3, s5;
	[dreg:$0x0] =	wrdreg $0x0  }
0xa8: {  	s5 =	sshll.u32 s28, $0x1;
	[dreg:$0x2] =	wrdreg s3  }
0xa9: {  	[dreg:$0x3] =	wrdreg s5  }
0xaa: {  	[dreg:$0x4] =	wrdreg $0xC0  }
0xab: {  	_ =	task [dreg:s7], $0x5FFFF  }
0xac: {  	[dreg:$0x1] =	wrdreg $0xFFFFFFFF  }
0xad: {  	[dreg:$0x0] =	wrdreg $0x60  }
0xae: {  	[dreg:$0x2] =	wrdreg s24  }
0xaf: {  	[dreg:$0x3] =	wrdreg s2  }
0xb0: {  	[dreg:$0x4] =	wrdreg $0x8B000  }
0xb1: {  	[dreg:$0x5] =	wrdreg $0x3B000  }
0xb2: {  	[dreg:$0x6] =	wrdreg $0x9  }
0xb3: {  	_ =	task.clear_ibuf [dreg:s7], $0x7FFFF;
	_ =	strace $0x9000004F  }
0xb4: {  	s29 =	simm.s32 $0x9;
	_ =	strace $0x80000051  }
0xb5: {  	_ =	swait.ge [sflag:s29], $0x1  }
0xb6: {  	[sflag:s29] =	ssyncadd.s32 $0xFFFFFFFF  }
0xb7: {  	_ =	strace $0x90000051  }
0xb8: {  	_ =	sfence  }
0xb9: {  	s30 =	sld [smem:$0x0];
	_ =	sdelay $0x2  }
0xba: {  	s31 =	sshll.u32 s1, $0xD;
	s1 =	sshrl.u32 s1, $0x2  }
0xbb: {  	s3 =	sand.u32 $0x4000, s31;
	s1 =	sadd.s32 s1, s30  }
0xbc: {  	s0 =	sor.u32 s3, s0;
	s1 =	sshll.u32 s1, $0x11  }
0xbd: {  	s0 =	sor.u32 s1, s0  }
0xbe: {  	s0 =	sadd.s32 $0x8F2B, s0  }
0xbf: {  	[sflag:s0] =	ssyncadd.remote.s32 $0x1  }
0xc0: {  	_ =	sfence.sel $0xFFFF  }
0xc1: {  	[dreg:$0x0] =	wrdreg $0xFFFFFFFF;
	(pc) =	sbr.abs _section_cstart, $3  }
0xc2: {  	[dreg:$0x1] =	wrdreg $0xFFFFFFFF  }
0xc3: {  	_ =	task.clear_ibuf [dreg:s7], $0x2FFFF;
	_ =	strace $0x9FFFFFFF  }
0xc4: {  	(tm) =	ssettm $0x7FFFFFFF  }
0xc5: {  	_ =	shalt  }
tec
execute0_lowered:
.L_overlay_start_1:
0x0: {  	(tag) =	ssettag $0x1  }
0x1: {  	s0 =	rddreg [dreg:$0x0]  }
0x2: {  	s1 =	rddreg [dreg:$0x1]  }
0x3: {  	s2 =	rddreg [dreg:$0x2]  }
0x4: {  	s3 =	rddreg [dreg:$0x3]  }
0x5: {  	s5 =	srdreg.scid;
	s13 =	stileid.u32  }
0x6: {  	s4 =	simm.s32 $0x0;
	s29 =	simm.s32 $0x3300;
	s7 =	smul.u32 $0x5000, s13  }
0x7: {  	s30 =	simm.s32 $0xD;
	s31 =	simm.s32 $0x180;
	s8 =	smul.u32 $0x14000, s13  }
0x8: {  	s6 =	sand.u32 $0x1, s5;
	[smem:$0x7FF] =	sst s4;
	s15 =	smul.u32 $0xA00, s13  }
0x9: {  	s9 =	sadd.s32 $0x35600, s0;
	s5 =	smul.u32 $0x50000, s6;
	_ =	strace $0x80000050  }
0xa: {  	s10 =	ssub.s32 $0x2, s6;
	s20 =	sshrl.u32 s7, $0x3;
	s19 =	sadd.s32 s15, s1  }
0xb: {  	s11 =	sshrl.u32 s10, $0x1;
	s21 =	sadd.s32 s9, s20;
	[dreg:$0x5] =	wrdreg s19  }
0xc: {  	s22 =	sadd.s32 s1, s20;
	s23 =	sor.u32 $0x10, s20;
	[dreg:$0x8] =	wrdreg s21  }
0xd: {  	s10 =	ssub.s32 s10, s11;
	[dreg:$0x9] =	wrdreg s22;
	s14 =	sadd.s32 s9, s23  }
0xe: {  	s24 =	sor.u32 $0x20, s20;
	s11 =	sadd.s32 s1, s23;
	[dreg:$0xa] =	wrdreg s14  }
0xf: {  	s26 =	sor.u32 $0x30, s20;
	s25 =	sadd.s32 s9, s24;
	[dreg:$0xb] =	wrdreg s11  }
0x10: {  	p0 =	seq.s32 s6, $0x1;
	s28 =	sadd.s32 s9, s26;
	[dreg:$0xc] =	wrdreg s25  }
0x11: {  	s8 =	sshrl.u32 s8, $0x2;
	s10 =	smax.u32 s10, $0x1;
	[dreg:$0xe] =	wrdreg s28  }
0x12: {  	s6 =	sadd.s32 s7, s3;
	s21 =	sadd.s32 s15, s9;
	[dreg:$0x11] =	wrdreg s10  }
0x13: {  	s5 =	sadd.s32 s7, s5;
	s11 =	sadd.s32 s1, s24;
	[dreg:$0x6] =	wrdreg s21  }
0x14: {  	s7 =	sadd.s32 s7, s2;
	s24 =	sshrl.u32 s6, $0x3;
	[dreg:$0xd] =	wrdreg s11  }
0x15: {  	s5 =	sshrl.u32 s5, $0x3;
	s25 =	sshrl.u32 s7, $0x3;
	[dreg:$0x1a] =	wrdreg s24  }
0x16: {  	s12 =	sadd.s32 s5, s0;
	s5 =	sadd.s32 s8, s2;
	[dreg:$0x1b] =	wrdreg s25  }
0x17: {  	s13 =	simm.s32 $0x5;
	s11 =	sadd.s32 s1, s26;
	[dreg:$0x7] =	wrdreg s5  }
0x18: {  	s19 =	simm.s32 $0x2300;
	s12 =	sadd.s32 $0x71600, s12;
	[dreg:$0xf] =	wrdreg s11  }
0x19: {  	s9 =	simm.s32 $0x7;
	s14 =	sadd.s32 $0x800, s5;
	[dreg:$0x10] =	wrdreg s12  }
0x1a: {  	s15 =	simm.s32 $0x8;
	s16 =	sadd.s32 $0x1000, s5;
	[dreg:$0x12] =	wrdreg s14  }
0x1b: {  	s10 =	simm.s32 $0x2B600;
	s17 =	sadd.s32 $0x1800, s5;
	[dreg:$0x13] =	wrdreg s16  }
0x1c: {  	s6 =	simm.s32 $0x1;
	s18 =	sadd.s32 $0x2000, s5;
	[dreg:$0x14] =	wrdreg s17  }
0x1d: {  	s7 =	simm.s32 $0x4;
	s22 =	sadd.s32 $0x3000, s5;
	[dreg:$0x16] =	wrdreg s18  }
0x1e: {  	s8 =	simm.s32 $0x300;
	s23 =	sadd.s32 $0x3800, s5;
	[dreg:$0x18] =	wrdreg s22  }
0x1f: {  	s21 =	simm.s32 $0xB;
	s26 =	sadd.s32 $0x4000, s5;
	[dreg:$0x19] =	wrdreg s23  }
0x20: {  	s10 =	simm.s32 @!p0 $0x67600;
	s28 =	sadd.s32 $0x4800, s5;
	[dreg:$0x1c] =	wrdreg s26  }
0x21: {  	s1 =	simm.s32 $0x200;
	s0 =	sadd.s32 s10, s0;
	[dreg:$0x1d] =	wrdreg s28  }
0x22: {  	s10 =	simm.s32 $0x100;
	s11 =	simm.s32 $0x280;
	s12 =	simm.s32 $0x2  }
0x23: {  	s14 =	simm.s32 $0x1300;
	s16 =	simm.s32 $0xA;
	s17 =	simm.s32 $0x3  }
0x24: {  	s18 =	simm.s32 $0x6;
	s22 =	simm.s32 $0xC;
	s0 =	sadd.s32 s0, s20  }
0x25: {  	s23 =	simm.s32 $0x0;
	s20 =	sadd.s32 $0x2800, s5;
	[dreg:$0x15] =	wrdreg s0  }
0x26: {  	v0 =	vimm.f32 $0.0e+00;
	[dreg:$0x17] =	wrdreg s20;
	s0 =	simm.s32 $0x80;
	s20 =	simm.s32 $0x9  }
.LBB2_1:
0x27: {  	s24 =	simm.s32 $0x80;
	s25 =	simm.s32 $0x0  }
.LBB2_2:
0x28: {  	p0 =	sne.s32 s24, $0x1F80;
	[tilespmem:s25+$0x3300] =	vst v0;
	s26 =	smov.u32 s24;
	s24 =	sadd.s32 $0x80, s24  }
.Ltmp0:
0x29: {  	[tilespmem:s25+$0x3310] =	vst v0;
	(pc) =	sbr.rel @p0 .LBB2_2-.Ltmp0, $2  }
0x2a: {  	_ =	sdelay $0x2  }
0x2b: {  	s25 =	sshra.s32 s26, $0x2  }
0x2c: {  	[tilespmem:s25+$0x3300] =	vst v0  }
0x2d: {  	[tilespmem:s25+$0x3310] =	vst v0;
	s5 =	rddreg [dreg:$0x7]  }
0x2e: {  	[spmem:s5] =	stream.linear.scatter [tilespmem:s29], [sflag:$0xD], $0x800, $0x38;
	[tilespmem:$0xDB00] =	vst v63  }
0x2f: {  	_ =	swait.ge [sflag:s30], $0x800  }
0x30: {  	[sflag:s30] =	ssyncset.done $0x0  }
0x31: {  	s26 =	rddreg [dreg:$0x12];
	[sflag:s30] =	ssyncadd.s32 $0xFFFFF800  }
0x32: {  	[spmem:s26] =	stream.linear.scatter [tilespmem:s29], [sflag:$0xD], $0x800, $0x38;
	[tilespmem:$0xDB00] =	vst v63  }
0x33: {  	_ =	swait.ge [sflag:s30], $0x800  }
0x34: {  	[sflag:s30] =	ssyncset.done $0x0  }
0x35: {  	s28 =	rddreg [dreg:$0x13];
	[sflag:s30] =	ssyncadd.s32 $0xFFFFF800  }
0x36: {  	[spmem:s28] =	stream.linear.scatter [tilespmem:s29], [sflag:$0xD], $0x800, $0x38;
	[tilespmem:$0xDB00] =	vst v63  }
0x37: {  	_ =	swait.ge [sflag:s30], $0x800  }
0x38: {  	[sflag:s30] =	ssyncset.done $0x0  }
0x39: {  	s24 =	rddreg [dreg:$0x14];
	[sflag:s30] =	ssyncadd.s32 $0xFFFFF800  }
0x3a: {  	[spmem:s24] =	stream.linear.scatter [tilespmem:s29], [sflag:$0xD], $0x800, $0x38;
	[tilespmem:$0xDB00] =	vst v63  }
0x3b: {  	_ =	swait.ge [sflag:s30], $0x800  }
0x3c: {  	[sflag:s30] =	ssyncset.done $0x0  }
0x3d: {  	s25 =	rddreg [dreg:$0x16];
	[sflag:s30] =	ssyncadd.s32 $0xFFFFF800  }
0x3e: {  	[spmem:s25] =	stream.linear.scatter [tilespmem:s29], [sflag:$0xD], $0x800, $0x38;
	[tilespmem:$0xDB00] =	vst v63  }
0x3f: {  	_ =	swait.ge [sflag:s30], $0x800  }
0x40: {  	[sflag:s30] =	ssyncset.done $0x0  }
0x41: {  	s26 =	rddreg [dreg:$0x17];
	[sflag:s30] =	ssyncadd.s32 $0xFFFFF800  }
0x42: {  	[spmem:s26] =	stream.linear.scatter [tilespmem:s29], [sflag:$0xD], $0x800, $0x38;
	[tilespmem:$0xDB00] =	vst v63  }
0x43: {  	_ =	swait.ge [sflag:s30], $0x800  }
0x44: {  	[sflag:s30] =	ssyncset.done $0x0  }
0x45: {  	s28 =	rddreg [dreg:$0x18];
	[sflag:s30] =	ssyncadd.s32 $0xFFFFF800  }
0x46: {  	[spmem:s28] =	stream.linear.scatter [tilespmem:s29], [sflag:$0xD], $0x800, $0x38;
	[tilespmem:$0xDB00] =	vst v63  }
0x47: {  	_ =	swait.ge [sflag:s30], $0x800  }
0x48: {  	[sflag:s30] =	ssyncset.done $0x0  }
0x49: {  	s24 =	rddreg [dreg:$0x19];
	[sflag:s30] =	ssyncadd.s32 $0xFFFFF800  }
0x4a: {  	[spmem:s24] =	stream.linear.scatter [tilespmem:s29], [sflag:$0xD], $0x800, $0x38;
	[tilespmem:$0xDB00] =	vst v63  }
0x4b: {  	_ =	swait.ge [sflag:s30], $0x800  }
0x4c: {  	[sflag:s30] =	ssyncset.done $0x0  }
0x4d: {  	s25 =	rddreg [dreg:$0x1c];
	[sflag:s30] =	ssyncadd.s32 $0xFFFFF800  }
0x4e: {  	[spmem:s25] =	stream.linear.scatter [tilespmem:s29], [sflag:$0xD], $0x800, $0x38;
	[tilespmem:$0xDB00] =	vst v63  }
0x4f: {  	s28 =	stileid.u32;
	_ =	swait.ge [sflag:s30], $0x800  }
0x50: {  	s24 =	sshll.u32 s28, $0x6;
	[sflag:s30] =	ssyncset.done $0x0  }
0x51: {  	s24 =	sor.u32 $0x1C0D, s24;
	s26 =	rddreg [dreg:$0x1d];
	[sflag:s30] =	ssyncadd.s32 $0xFFFFF800  }
0x52: {  	[spmem:s26] =	stream.linear.scatter [tilespmem:s29], [sflag:$0xD], $0x800, $0x38;
	[tilespmem:$0xDB00] =	vst v63  }
0x53: {  	_ =	swait.ge [sflag:s30], $0x800;
	[dreg:$0x1e] =	wrdreg s24  }
0x54: {  	[sflag:s30] =	ssyncset.done $0x0;
	s26 =	rddreg [dreg:$0x15]  }
0x55: {  	s28 =	rddreg [dreg:$0x1a];
	[sflag:s30] =	ssyncadd.s32 $0xFFFFF800  }
0x56: {  	[spmem:s28], [sflag:s24] =	dma.local [hbm:s26], $0xA00  }
0x57: {  	_ =	swait.ge [sflag:s30], $0xA00  }
0x58: {  	[sflag:s30] =	ssyncset.done $0x0  }
0x59: {  	[sflag:s30] =	ssyncadd.s32 $0xFFFFF600  }
0x5a: {  	[bflag:$0x0] =	sbarrier.arrive $0xFFFF  }
0x5b: {  	s25 =	simm.s32 $0x0;
	s26 =	rddreg [dreg:$0x8]  }
0x5c: {  	[tilespmem:s25], [sflag:$0x1] =	stream.linear.gather [hbm4b:s26+s25], $0x80, $0x38;
	[tilespmem:$0xDB00] =	vst v63  }
0x5d: {  	s28 =	rddreg [dreg:$0x9]  }
0x5e: {  	[tilespmem:s31], [sflag:$0x4] =	stream.linear.gather [hbm4b:s28+s25], $0x80, $0x38;
	[tilespmem:$0xDB00] =	vst v63  }
0x5f: {  	s24 =	rddreg [dreg:$0xa]  }
0x60: {  	[tilespmem:s0], [sflag:$0x2] =	stream.linear.gather [hbm4b:s24+s25], $0x80, $0x38;
	[tilespmem:$0xDB00] =	vst v63  }
0x61: {  	s26 =	rddreg [dreg:$0xb]  }
0x62: {  	[tilespmem:s1], [sflag:$0x5] =	stream.linear.gather [hbm4b:s26+s25], $0x80, $0x38;
	[tilespmem:$0xDB00] =	vst v63  }
0x63: {  	_ =	swait.ge [sflag:s6], $0x80  }
0x64: {  	[sflag:s6] =	ssyncset.done $0x0  }
0x65: {  	[sflag:s6] =	ssyncadd.s32 $0xFFFFFF80  }
0x66: {  	_ =	swait.ge [sflag:s7], $0x80  }
0x67: {  	[sflag:s7] =	ssyncset.done $0x0  }
0x68: {  	[sflag:s7] =	ssyncadd.s32 $0xFFFFFF80  }
0x69: {  	[tilespmem:s8], [sflag:$0x7] =	stream.indirect.gather [spmem:s3], $0x20, s25, s0, $0xb8;
	[tilespmem:$0xDB00] =	vst v63  }
0x6a: {  	_ =	swait.ge [sflag:s9], $0x1000  }
0x6b: {  	[sflag:s9] =	ssyncset.done $0x0  }
0x6c: {  	[sflag:s9] =	ssyncadd.s32 $0xFFFFF000  }
0x6d: {  	[spmem:s2] =	stream.indirect.scatter.add.f32 [tilespmem:s8], [sflag:$0xA], $0x20, s31, s0, $0xb8;
	[tilespmem:$0xDB00] =	vst v63  }
0x6e: {  	s28 =	rddreg [dreg:$0xc]  }
0x6f: {  	[tilespmem:s10], [sflag:$0x3] =	stream.linear.gather [hbm4b:s28+s25], $0x80, $0x38;
	[tilespmem:$0xDB00] =	vst v63  }
0x70: {  	s24 =	rddreg [dreg:$0xd]  }
0x71: {  	[tilespmem:s11], [sflag:$0x6] =	stream.linear.gather [hbm4b:s24+s25], $0x80, $0x38;
	[tilespmem:$0xDB00] =	vst v63  }
0x72: {  	_ =	swait.ge [sflag:s12], $0x80  }
0x73: {  	[sflag:s12] =	ssyncset.done $0x0  }
0x74: {  	[sflag:s12] =	ssyncadd.s32 $0xFFFFFF80  }
0x75: {  	_ =	swait.ge [sflag:s13], $0x80  }
0x76: {  	[sflag:s13] =	ssyncset.done $0x0  }
0x77: {  	[sflag:s13] =	ssyncadd.s32 $0xFFFFFF80  }
0x78: {  	[tilespmem:s14], [sflag:$0x8] =	stream.indirect.gather [spmem:s3], $0x20, s0, s0, $0xb8;
	[tilespmem:$0xDB00] =	vst v63  }
0x79: {  	_ =	swait.ge [sflag:s15], $0x1000  }
0x7a: {  	[sflag:s15] =	ssyncset.done $0x0  }
0x7b: {  	[sflag:s15] =	ssyncadd.s32 $0xFFFFF000  }
0x7c: {  	[spmem:s2] =	stream.indirect.scatter.add.f32 [tilespmem:s14], [sflag:$0xB], $0x20, s1, s0, $0xb8;
	[tilespmem:$0xDB00] =	vst v63  }
0x7d: {  	_ =	swait.ge [sflag:s16], $0x1000  }
0x7e: {  	[sflag:s16] =	ssyncset.done $0x0  }
0x7f: {  	s26 =	rddreg [dreg:$0xe];
	[sflag:s16] =	ssyncadd.s32 $0xFFFFF000  }
0x80: {  	[tilespmem:s25], [sflag:$0x1] =	stream.linear.gather [hbm4b:s26+s25], $0x80, $0x38;
	[tilespmem:$0xDB00] =	vst v63  }
0x81: {  	s28 =	rddreg [dreg:$0xf]  }
0x82: {  	[tilespmem:s31], [sflag:$0x4] =	stream.linear.gather [hbm4b:s28+s25], $0x80, $0x38;
	[tilespmem:$0xDB00] =	vst v63  }
0x83: {  	_ =	swait.ge [sflag:s17], $0x80  }
0x84: {  	[sflag:s17] =	ssyncset.done $0x0  }
0x85: {  	[sflag:s17] =	ssyncadd.s32 $0xFFFFFF80  }
0x86: {  	_ =	swait.ge [sflag:s18], $0x80  }
0x87: {  	[sflag:s18] =	ssyncset.done $0x0  }
0x88: {  	[sflag:s18] =	ssyncadd.s32 $0xFFFFFF80  }
0x89: {  	[tilespmem:s19], [sflag:$0x9] =	stream.indirect.gather [spmem:s3], $0x20, s10, s0, $0xb8;
	[tilespmem:$0xDB00] =	vst v63  }
0x8a: {  	_ =	swait.ge [sflag:s20], $0x1000  }
0x8b: {  	[sflag:s20] =	ssyncset.done $0x0  }
0x8c: {  	[sflag:s20] =	ssyncadd.s32 $0xFFFFF000  }
0x8d: {  	[spmem:s2] =	stream.indirect.scatter.add.f32 [tilespmem:s19], [sflag:$0xC], $0x20, s11, s0, $0xb8;
	[tilespmem:$0xDB00] =	vst v63  }
0x8e: {  	_ =	swait.ge [sflag:s21], $0x1000  }
0x8f: {  	s5 =	rddreg [dreg:$0x6]  }
0x90: {  	s26 =	rddreg [dreg:$0x5];
	[sflag:s21] =	ssyncset.done $0x0;
	s25 =	sadd.s32 $0x0, s5  }
0x91: {  	[sflag:s21] =	ssyncadd.s32 $0xFFFFF000;
	s26 =	sadd.s32 $0x0, s26;
	s28 =	sadd.s32 $0x40, s25  }
0x92: {  	[tilespmem:s0], [sflag:$0x2] =	stream.linear.gather [hbm4b:s28+s4], $0x80, $0x38;
	[tilespmem:$0xDB00] =	vst v63  }
0x93: {  	s24 =	sadd.s32 $0x40, s26  }
0x94: {  	[tilespmem:s1], [sflag:$0x5] =	stream.linear.gather [hbm4b:s24+s4], $0x80, $0x38;
	[tilespmem:$0xDB00] =	vst v63  }
0x95: {  	_ =	swait.ge [sflag:s6], $0x80  }
0x96: {  	[sflag:s6] =	ssyncset.done $0x0  }
0x97: {  	[sflag:s6] =	ssyncadd.s32 $0xFFFFFF80  }
0x98: {  	_ =	swait.ge [sflag:s7], $0x80  }
0x99: {  	[sflag:s7] =	ssyncset.done $0x0  }
0x9a: {  	[sflag:s7] =	ssyncadd.s32 $0xFFFFFF80  }
0x9b: {  	[tilespmem:s8], [sflag:$0x7] =	stream.indirect.gather [spmem:s3], $0x20, s4, s0, $0xb8;
	[tilespmem:$0xDB00] =	vst v63  }
0x9c: {  	_ =	swait.ge [sflag:s9], $0x1000  }
0x9d: {  	[sflag:s9] =	ssyncset.done $0x0  }
0x9e: {  	[sflag:s9] =	ssyncadd.s32 $0xFFFFF000  }
0x9f: {  	[spmem:s2] =	stream.indirect.scatter.add.f32 [tilespmem:s8], [sflag:$0xA], $0x20, s31, s0, $0xb8;
	[tilespmem:$0xDB00] =	vst v63  }
0xa0: {  	_ =	swait.ge [sflag:s22], $0x1000  }
0xa1: {  	[sflag:s22] =	ssyncset.done $0x0  }
0xa2: {  	s5 =	sadd.s32 $0x50, s25;
	[sflag:s22] =	ssyncadd.s32 $0xFFFFF000  }
0xa3: {  	[tilespmem:s10], [sflag:$0x3] =	stream.linear.gather [hbm4b:s5+s4], $0x80, $0x38;
	[tilespmem:$0xDB00] =	vst v63  }
0xa4: {  	s24 =	sadd.s32 $0x50, s26  }
0xa5: {  	[tilespmem:s11], [sflag:$0x6] =	stream.linear.gather [hbm4b:s24+s4], $0x80, $0x38;
	[tilespmem:$0xDB00] =	vst v63  }
0xa6: {  	_ =	swait.ge [sflag:s12], $0x80  }
0xa7: {  	[sflag:s12] =	ssyncset.done $0x0  }
0xa8: {  	[sflag:s12] =	ssyncadd.s32 $0xFFFFFF80  }
0xa9: {  	_ =	swait.ge [sflag:s13], $0x80  }
0xaa: {  	[sflag:s13] =	ssyncset.done $0x0  }
0xab: {  	[sflag:s13] =	ssyncadd.s32 $0xFFFFFF80  }
0xac: {  	[tilespmem:s14], [sflag:$0x8] =	stream.indirect.gather [spmem:s3], $0x20, s0, s0, $0xb8;
	[tilespmem:$0xDB00] =	vst v63  }
0xad: {  	_ =	swait.ge [sflag:s15], $0x1000  }
0xae: {  	[sflag:s15] =	ssyncset.done $0x0  }
0xaf: {  	[sflag:s15] =	ssyncadd.s32 $0xFFFFF000  }
0xb0: {  	[spmem:s2] =	stream.indirect.scatter.add.f32 [tilespmem:s14], [sflag:$0xB], $0x20, s1, s0, $0xb8;
	[tilespmem:$0xDB00] =	vst v63  }
0xb1: {  	_ =	swait.ge [sflag:s16], $0x1000  }
0xb2: {  	[sflag:s16] =	ssyncset.done $0x0  }
0xb3: {  	s25 =	sadd.s32 $0x60, s25;
	[sflag:s16] =	ssyncadd.s32 $0xFFFFF000  }
0xb4: {  	[tilespmem:s4], [sflag:$0x1] =	stream.linear.gather [hbm4b:s25+s4], $0x80, $0x38;
	[tilespmem:$0xDB00] =	vst v63  }
0xb5: {  	s28 =	sadd.s32 $0x60, s26  }
0xb6: {  	[tilespmem:s31], [sflag:$0x4] =	stream.linear.gather [hbm4b:s28+s4], $0x80, $0x38;
	[tilespmem:$0xDB00] =	vst v63  }
0xb7: {  	_ =	swait.ge [sflag:s17], $0x80  }
0xb8: {  	[sflag:s17] =	ssyncset.done $0x0  }
0xb9: {  	[sflag:s17] =	ssyncadd.s32 $0xFFFFFF80  }
0xba: {  	_ =	swait.ge [sflag:s18], $0x80  }
0xbb: {  	s25 =	simm.s32 $0x30;
	[sflag:s18] =	ssyncset.done $0x0  }
.LBB2_4:
0xbc: {  	[sflag:s18] =	ssyncadd.s32 $0xFFFFFF80  }
0xbd: {  	[tilespmem:s19], [sflag:$0x9] =	stream.indirect.gather [spmem:s3], $0x20, s10, s0, $0xb8;
	[tilespmem:$0xDB00] =	vst v63  }
0xbe: {  	_ =	swait.ge [sflag:s20], $0x1000  }
0xbf: {  	[sflag:s20] =	ssyncset.done $0x0  }
0xc0: {  	[sflag:s20] =	ssyncadd.s32 $0xFFFFF000  }
0xc1: {  	[spmem:s2] =	stream.indirect.scatter.add.f32 [tilespmem:s19], [sflag:$0xC], $0x20, s11, s0, $0xb8;
	[tilespmem:$0xDB00] =	vst v63  }
0xc2: {  	_ =	swait.ge [sflag:s21], $0x1000  }
0xc3: {  	s28 =	smov.u32 s25;
	s26 =	rddreg [dreg:$0x6]  }
0xc4: {  	s5 =	rddreg [dreg:$0x5];
	[sflag:s21] =	ssyncset.done $0x0;
	s26 =	sadd.s32 s28, s26  }
0xc5: {  	[sflag:s21] =	ssyncadd.s32 $0xFFFFF000;
	s28 =	sadd.s32 s28, s5;
	s24 =	sadd.s32 $0x40, s26  }
0xc6: {  	[tilespmem:s0], [sflag:$0x2] =	stream.linear.gather [hbm4b:s24+s4], $0x80, $0x38;
	[tilespmem:$0xDB00] =	vst v63  }
0xc7: {  	s5 =	sadd.s32 $0x40, s28  }
0xc8: {  	[tilespmem:s1], [sflag:$0x5] =	stream.linear.gather [hbm4b:s5+s4], $0x80, $0x38;
	[tilespmem:$0xDB00] =	vst v63  }
0xc9: {  	_ =	swait.ge [sflag:s6], $0x80  }
0xca: {  	[sflag:s6] =	ssyncset.done $0x0  }
0xcb: {  	[sflag:s6] =	ssyncadd.s32 $0xFFFFFF80  }
0xcc: {  	_ =	swait.ge [sflag:s7], $0x80  }
0xcd: {  	[sflag:s7] =	ssyncset.done $0x0  }
0xce: {  	[sflag:s7] =	ssyncadd.s32 $0xFFFFFF80  }
0xcf: {  	[tilespmem:s8], [sflag:$0x7] =	stream.indirect.gather [spmem:s3], $0x20, s4, s0, $0xb8;
	[tilespmem:$0xDB00] =	vst v63  }
0xd0: {  	_ =	swait.ge [sflag:s9], $0x1000  }
0xd1: {  	[sflag:s9] =	ssyncset.done $0x0  }
0xd2: {  	[sflag:s9] =	ssyncadd.s32 $0xFFFFF000  }
0xd3: {  	[spmem:s2] =	stream.indirect.scatter.add.f32 [tilespmem:s8], [sflag:$0xA], $0x20, s31, s0, $0xb8;
	[tilespmem:$0xDB00] =	vst v63  }
0xd4: {  	_ =	swait.ge [sflag:s22], $0x1000  }
0xd5: {  	[sflag:s22] =	ssyncset.done $0x0  }
0xd6: {  	s5 =	sadd.s32 $0x50, s26;
	[sflag:s22] =	ssyncadd.s32 $0xFFFFF000  }
0xd7: {  	[tilespmem:s10], [sflag:$0x3] =	stream.linear.gather [hbm4b:s5+s4], $0x80, $0x38;
	[tilespmem:$0xDB00] =	vst v63  }
0xd8: {  	s24 =	sadd.s32 $0x50, s28  }
0xd9: {  	[tilespmem:s11], [sflag:$0x6] =	stream.linear.gather [hbm4b:s24+s4], $0x80, $0x38;
	[tilespmem:$0xDB00] =	vst v63  }
0xda: {  	_ =	swait.ge [sflag:s12], $0x80  }
0xdb: {  	[sflag:s12] =	ssyncset.done $0x0  }
0xdc: {  	[sflag:s12] =	ssyncadd.s32 $0xFFFFFF80  }
0xdd: {  	_ =	swait.ge [sflag:s13], $0x80  }
0xde: {  	[sflag:s13] =	ssyncset.done $0x0  }
0xdf: {  	[sflag:s13] =	ssyncadd.s32 $0xFFFFFF80  }
0xe0: {  	[tilespmem:s14], [sflag:$0x8] =	stream.indirect.gather [spmem:s3], $0x20, s0, s0, $0xb8;
	[tilespmem:$0xDB00] =	vst v63  }
0xe1: {  	_ =	swait.ge [sflag:s15], $0x1000  }
0xe2: {  	[sflag:s15] =	ssyncset.done $0x0  }
0xe3: {  	[sflag:s15] =	ssyncadd.s32 $0xFFFFF000  }
0xe4: {  	[spmem:s2] =	stream.indirect.scatter.add.f32 [tilespmem:s14], [sflag:$0xB], $0x20, s1, s0, $0xb8;
	[tilespmem:$0xDB00] =	vst v63  }
0xe5: {  	_ =	swait.ge [sflag:s16], $0x1000  }
0xe6: {  	[sflag:s16] =	ssyncset.done $0x0  }
0xe7: {  	s26 =	sadd.s32 $0x60, s26;
	[sflag:s16] =	ssyncadd.s32 $0xFFFFF000  }
0xe8: {  	[tilespmem:s4], [sflag:$0x1] =	stream.linear.gather [hbm4b:s26+s4], $0x80, $0x38;
	[tilespmem:$0xDB00] =	vst v63  }
0xe9: {  	p0 =	sne.s32 s25, $0x990;
	s28 =	sadd.s32 $0x60, s28  }
0xea: {  	[tilespmem:s31], [sflag:$0x4] =	stream.linear.gather [hbm4b:s28+s4], $0x80, $0x38;
	[tilespmem:$0xDB00] =	vst v63  }
.Ltmp1:
0xeb: {  	_ =	swait.ge [sflag:s17], $0x80;
	(pc) =	sbr.rel @p0 .LBB2_4-.Ltmp1, $4  }
0xec: {  	[sflag:s17] =	ssyncset.done $0x0  }
0xed: {  	[sflag:s17] =	ssyncadd.s32 $0xFFFFFF80  }
0xee: {  	_ =	swait.ge [sflag:s18], $0x80  }
0xef: {  	s25 =	sadd.s32 $0x30, s25;
	[sflag:s18] =	ssyncset.done $0x0  }
0xf0: {  	[sflag:s18] =	ssyncadd.s32 $0xFFFFFF80  }
0xf1: {  	[tilespmem:s19], [sflag:$0x9] =	stream.indirect.gather [spmem:s3], $0x20, s10, s0, $0xb8;
	[tilespmem:$0xDB00] =	vst v63  }
0xf2: {  	_ =	swait.ge [sflag:s20], $0x1000  }
0xf3: {  	[sflag:s20] =	ssyncset.done $0x0  }
0xf4: {  	[sflag:s20] =	ssyncadd.s32 $0xFFFFF000  }
0xf5: {  	[spmem:s2] =	stream.indirect.scatter.add.f32 [tilespmem:s19], [sflag:$0xC], $0x20, s11, s0, $0xb8;
	[tilespmem:$0xDB00] =	vst v63  }
0xf6: {  	_ =	swait.ge [sflag:s21], $0x1000  }
0xf7: {  	[sflag:s21] =	ssyncset.done $0x0  }
0xf8: {  	[sflag:s21] =	ssyncadd.s32 $0xFFFFF000  }
0xf9: {  	_ =	swait.ge [sflag:s6], $0x80  }
0xfa: {  	[sflag:s6] =	ssyncset.done $0x0  }
0xfb: {  	[sflag:s6] =	ssyncadd.s32 $0xFFFFFF80  }
0xfc: {  	_ =	swait.ge [sflag:s7], $0x80  }
0xfd: {  	[sflag:s7] =	ssyncset.done $0x0  }
0xfe: {  	[sflag:s7] =	ssyncadd.s32 $0xFFFFFF80  }
0xff: {  	[tilespmem:s8], [sflag:$0x7] =	stream.indirect.gather [spmem:s3], $0x20, s4, s0, $0xb8;
	[tilespmem:$0xDB00] =	vst v63  }
0x100: {  	_ =	swait.ge [sflag:s9], $0x1000  }
0x101: {  	[sflag:s9] =	ssyncset.done $0x0  }
0x102: {  	[sflag:s9] =	ssyncadd.s32 $0xFFFFF000  }
0x103: {  	[spmem:s2] =	stream.indirect.scatter.add.f32 [tilespmem:s8], [sflag:$0xA], $0x20, s31, s0, $0xb8;
	[tilespmem:$0xDB00] =	vst v63  }
0x104: {  	_ =	swait.ge [sflag:s22], $0x1000  }
0x105: {  	[sflag:s22] =	ssyncset.done $0x0  }
0x106: {  	[sflag:s22] =	ssyncadd.s32 $0xFFFFF000  }
0x107: {  	_ =	swait.ge [sflag:s16], $0x1000  }
0x108: {  	[sflag:s16] =	ssyncset.done $0x0  }
0x109: {  	[sflag:s16] =	ssyncadd.s32 $0xFFFFF000  }
0x10a: {  	[bflag:$0x0] =	sbarrier.arrive $0xFFFF  }
0x10b: {  	s5 =	rddreg [dreg:$0x10]  }
0x10c: {  	s24 =	rddreg [dreg:$0x1b]  }
0x10d: {  	s25 =	rddreg [dreg:$0x1e]  }
0x10e: {  	[hbm:s5], [sflag:s25] =	dma.local [spmem:s24], $0xA00  }
0x10f: {  	_ =	swait.ge [sflag:s30], $0xA00  }
0x110: {  	s23 =	sadd.s32 $0x1, s23;
	s28 =	rddreg [dreg:$0x11]  }
0x111: {  	p0 =	sne.s32 s23, s28  }
.Ltmp2:
0x112: {  	_ = 	snop;
	(pc) =	sbr.rel @p0 .LBB2_1-.Ltmp2, $3  }
0x113: {  	_ =	sdelay $0x1  }
0x114: {  	[sflag:s30] =	ssyncset.done $0x0  }
0x115: {  	[sflag:s30] =	ssyncadd.s32 $0xFFFFF600  }
0x116: {  	_ =	sfence.sel $0x180000  }
0x117: {  	[bflag:$0x0] =	sbarrier.arrive $0xFFFF  }
0x118: {  	_ =	strace $0x90000050  }
0x119: {  	s0 =	stileid.u32;
	[bflag:$0x2] =	sbarrier.arrive $0xFFFF  }
0x11a: {  	p0 =	sne.s32 s0, $0x0;
	s0 =	rddreg [dreg:$0x4]  }
0x11b: {  	s0 =	sadd.s32 @!p0 $0x100000, s0  }
0x11c: {  	[sflag:s0] =	ssyncadd.tile.s32 @!p0 $0x1;
	_ =	shalt  }
.Lfunc_end2:
_tile_overlayer_lowered:
.L_overlay_start_2:
0x11d: {  	(tag) =	ssettag $0x2  }
0x11e: {  	s0 =	rddreg [dreg:$0x0];
	s2 =	stileid.u32  }
0x11f: {  	s1 =	rddreg [dreg:$0x1];
	p0 =	sne.s32 s2, $0x0  }
0x120: {  	s3 =	rddreg [dreg:$0x2];
	[bflag:$0x3] =	sbarrier.arrive $0xFFFF;
	s2 =	simm.s32 @!p0 $0x1C0D  }
0x121: {  	[timem:s3], [sflag:s2] =	dma.local @!p0 [hbm:s0], s1  }
0x122: {  	s0 =	simm.s32 @!p0 $0xD  }
0x123: {  	_ =	swait.ge @!p0 [sflag:s0], s1  }
0x124: {  	s1 =	ssub.s32 @!p0 $0x0, s1;
	[sflag:s0] =	ssyncset.done @!p0 $0x0  }
0x125: {  	[sflag:s0] =	ssyncadd.s32 @!p0 s1  }
0x126: {  	[bflag:$0x3] =	sbarrier.arrive $0xFFFF  }
0x127: {  	_ =	shalt  }

</sc_bundles>
